<compile_context>
chip_gen: v7x
topology: tpu7x:2x2x1
jax: 0.10.2.dev20260603
libtpu: 0.0.44.dev20260713+nightly
codegen_flags: <defaults>
</compile_context>

<pallas_src>
import functools

import jax
import jax.numpy as jnp
from jax import lax
from jax.experimental import pallas as pl
from jax.experimental.pallas import tpu as pltpu
from jax.experimental.pallas import tpu_sc as plsc

E = 8
D = 1024
FF = 2048
S = 2048
LANES = 128
T = 256
NT = 24
NP = NT * T
NB = S // LANES
NW = 32
TPW = S // NW


def _plan_body(x_ref, gw_ref, eb_ref, d0_ref, d1_ref, w0_ref, w1_ref,
               eid_ref):
    f32 = jnp.float32
    logits = lax.dot_general(x_ref[...], gw_ref[...], (((1,), (1,)), ((), ())),
                             preferred_element_type=f32)
    scores = jax.nn.sigmoid(logits)
    lane = lax.broadcasted_iota(jnp.int32, (S, LANES), 1)
    valid = lane < E
    neg = f32(-1e30)
    swb = jnp.where(valid, scores + eb_ref[...], neg)
    m1 = jnp.max(swb, axis=1, keepdims=True)
    i1 = jnp.min(jnp.where(swb == m1, lane, LANES), axis=1, keepdims=True)
    sel1 = lane == i1
    s1 = jnp.sum(jnp.where(sel1, scores, 0.0), axis=1, keepdims=True)
    swb2 = jnp.where(sel1, neg, swb)
    m2 = jnp.max(swb2, axis=1, keepdims=True)
    i2 = jnp.min(jnp.where(swb2 == m2, lane, LANES), axis=1, keepdims=True)
    sel2 = lane == i2
    s2 = jnp.sum(jnp.where(sel2, scores, 0.0), axis=1, keepdims=True)
    denom = s1 + s2 + 1e-20
    w0_ref[...] = jnp.broadcast_to(s1 / denom, (S, LANES))
    w1_ref[...] = jnp.broadcast_to(s2 / denom, (S, LANES))

    oh1 = sel1.astype(f32)
    oh2 = sel2.astype(f32)
    cnt1 = jnp.sum(oh1, axis=0, keepdims=True)
    cnt2 = jnp.sum(oh2, axis=0, keepdims=True)
    cnt = cnt1 + cnt2
    ntile = jnp.floor((cnt + (T - 1)) * (1.0 / T))
    r_ii = lax.broadcasted_iota(jnp.int32, (LANES, LANES), 0)
    c_ii = lax.broadcasted_iota(jnp.int32, (LANES, LANES), 1)
    lower = (r_ii > c_ii).astype(f32)
    upper = (r_ii < c_ii).astype(f32)
    diag = r_ii == c_ii
    off = T * lax.dot_general(ntile, upper, (((1,), (0,)), ((), ())),
                              preferred_element_type=f32)

    run1 = jnp.zeros((1, LANES), f32)
    run2 = jnp.zeros((1, LANES), f32)
    for b in range(NB):
        sl = slice(b * LANES, (b + 1) * LANES)
        a1 = oh1[sl]
        a2 = oh2[sl]
        rank1 = lax.dot_general(lower, a1, (((1,), (0,)), ((), ())),
                                preferred_element_type=f32) + run1
        rank2 = lax.dot_general(lower, a2, (((1,), (0,)), ((), ())),
                                preferred_element_type=f32) + run2 + cnt1
        run1 = run1 + jnp.sum(a1, axis=0, keepdims=True)
        run2 = run2 + jnp.sum(a2, axis=0, keepdims=True)
        d0b = jnp.sum(jnp.where(sel1[sl], off + rank1, 0.0), axis=1,
                      keepdims=True)
        d1b = jnp.sum(jnp.where(sel2[sl], off + rank2, 0.0), axis=1,
                      keepdims=True)
        d0_ref[b:b + 1, :] = jnp.sum(
            jnp.where(diag, jnp.broadcast_to(d0b, (LANES, LANES)), 0.0),
            axis=0, keepdims=True).astype(jnp.int32)
        d1_ref[b:b + 1, :] = jnp.sum(
            jnp.where(diag, jnp.broadcast_to(d1b, (LANES, LANES)), 0.0),
            axis=0, keepdims=True).astype(jnp.int32)

    offb = jnp.broadcast_to(off, (LANES, LANES))
    off_col = jnp.sum(jnp.where(diag, offb, 0.0), axis=1,
                      keepdims=True)
    ge = ((off_col <= (c_ii * T).astype(f32)) & (r_ii < E)).astype(jnp.int32)
    eid_ref[...] = jnp.sum(ge, axis=0, keepdims=True) - 1


def _ffn_body(meta_ref, xs_ref, wg_any, wu_any, wd_any, ws_ref, ys_ref,
              wgb, wub, wdb, sems):
    t = pl.program_id(0)
    par = meta_ref[0, t]
    first = meta_ref[1, t]
    nxte = meta_ref[2, t]
    pref = meta_ref[3, t]
    ecur = meta_ref[4, t]

    def _copies(e, slot):
        return (
            pltpu.make_async_copy(wg_any.at[e], wgb.at[slot], sems.at[slot]),
            pltpu.make_async_copy(wu_any.at[e], wub.at[slot], sems.at[slot]),
            pltpu.make_async_copy(wd_any.at[e], wdb.at[slot], sems.at[slot]),
        )

    @pl.when(t == 0)
    def _prime():
        for c in _copies(ecur, par):
            c.start()

    @pl.when(first == 1)
    def _wait():
        for c in _copies(ecur, par):
            c.wait()

    @pl.when(pref == 1)
    def _prefetch():
        for c in _copies(nxte, 1 - par):
            c.start()

    xbf = xs_ref[...].astype(jnp.bfloat16)
    g = lax.dot_general(xbf, wgb[par].astype(jnp.bfloat16),
                        (((1,), (1,)), ((), ())),
                        preferred_element_type=jnp.float32)
    u = lax.dot_general(xbf, wub[par].astype(jnp.bfloat16),
                        (((1,), (1,)), ((), ())),
                        preferred_element_type=jnp.float32)
    h = (g * jax.nn.sigmoid(g) * u).astype(jnp.bfloat16)
    y = lax.dot_general(h, wdb[par].astype(jnp.bfloat16),
                        (((1,), (1,)), ((), ())),
                        preferred_element_type=jnp.float32)
    ys_ref[...] = y * ws_ref[:, :1]


def _plan(x2, gwp, ebp):
    return pl.pallas_call(
        _plan_body,
        out_shape=(
            jax.ShapeDtypeStruct((NB, LANES), jnp.int32),
            jax.ShapeDtypeStruct((NB, LANES), jnp.int32),
            jax.ShapeDtypeStruct((S, LANES), jnp.float32),
            jax.ShapeDtypeStruct((S, LANES), jnp.float32),
            jax.ShapeDtypeStruct((1, LANES), jnp.int32),
        ),
        compiler_params=pltpu.CompilerParams(vmem_limit_bytes=100 * 1024 * 1024),
    )(x2, gwp, ebp)


def _ffn(meta, xs, Wg, Wu, Wd, wslot):
    grid_spec = pltpu.PrefetchScalarGridSpec(
        num_scalar_prefetch=1,
        grid=(NT,),
        in_specs=[
            pl.BlockSpec((T, D), lambda t, m: (t, 0)),
            pl.BlockSpec(memory_space=pl.ANY),
            pl.BlockSpec(memory_space=pl.ANY),
            pl.BlockSpec(memory_space=pl.ANY),
            pl.BlockSpec((T, LANES), lambda t, m: (t, 0)),
        ],
        out_specs=pl.BlockSpec((T, D), lambda t, m: (t, 0)),
        scratch_shapes=[
            pltpu.VMEM((2, FF, D), jnp.float32),
            pltpu.VMEM((2, FF, D), jnp.float32),
            pltpu.VMEM((2, D, FF), jnp.float32),
            pltpu.SemaphoreType.DMA((2,)),
        ],
    )
    return pl.pallas_call(
        _ffn_body,
        grid_spec=grid_spec,
        out_shape=jax.ShapeDtypeStruct((NP, D), jnp.float32),
        compiler_params=pltpu.CompilerParams(
            dimension_semantics=("arbitrary",),
            vmem_limit_bytes=100 * 1024 * 1024,
        ),
    )(meta, xs, Wg, Wu, Wd, wslot)


def _dispatch(x2, d0, d1, w0f, w1f):
    mesh = plsc.VectorSubcoreMesh(core_axis_name="c", subcore_axis_name="s")

    @functools.partial(
        pl.kernel, mesh=mesh,
        out_type=(
            jax.ShapeDtypeStruct((NP, D), jnp.float32),
            jax.ShapeDtypeStruct((NP, LANES), jnp.float32),
        ),
        scratch_types=[
            pltpu.VMEM((TPW, D), jnp.float32),
            pltpu.VMEM((TPW, LANES), jnp.float32),
            pltpu.VMEM((TPW, LANES), jnp.float32),
            pltpu.VMEM((TPW,), jnp.int32),
            pltpu.VMEM((TPW,), jnp.int32),
            pltpu.SemaphoreType.DMA,
        ],
    )
    def scatter(x_hbm, d0_hbm, d1_hbm, w0_hbm, w1_hbm, xs_hbm, ws_hbm,
                xbuf, wbuf0, wbuf1, idx0, idx1, sem):
        wid = lax.axis_index("s") * 2 + lax.axis_index("c")
        base = wid * TPW
        pltpu.sync_copy(x_hbm.at[pl.ds(base, TPW)], xbuf)
        pltpu.sync_copy(d0_hbm.at[pl.ds(base, TPW)], idx0)
        pltpu.sync_copy(d1_hbm.at[pl.ds(base, TPW)], idx1)
        pltpu.sync_copy(w0_hbm.at[pl.ds(base, TPW)], wbuf0)
        pltpu.sync_copy(w1_hbm.at[pl.ds(base, TPW)], wbuf1)
        c1 = pltpu.async_copy(xbuf, xs_hbm.at[idx0], sem)
        c2 = pltpu.async_copy(xbuf, xs_hbm.at[idx1], sem)
        c3 = pltpu.async_copy(wbuf0, ws_hbm.at[idx0], sem)
        c4 = pltpu.async_copy(wbuf1, ws_hbm.at[idx1], sem)
        c1.wait()
        c2.wait()
        c3.wait()
        c4.wait()

    return scatter(x2, d0, d1, w0f, w1f)


def _combine(ys, d0, d1):
    mesh = plsc.VectorSubcoreMesh(core_axis_name="c", subcore_axis_name="s")
    HC = TPW // 2

    @functools.partial(
        pl.kernel, mesh=mesh,
        out_type=jax.ShapeDtypeStruct((S, D), jnp.float32),
        scratch_types=[
            pltpu.VMEM((HC, D), jnp.float32),
            pltpu.VMEM((HC, D), jnp.float32),
            pltpu.VMEM((HC,), jnp.int32),
            pltpu.VMEM((HC,), jnp.int32),
            pltpu.SemaphoreType.DMA,
        ],
    )
    def gather_add(ys_hbm, d0_hbm, d1_hbm, out_hbm, buf0, buf1, idx0, idx1,
                   sem):
        wid = lax.axis_index("s") * 2 + lax.axis_index("c")
        for half in range(2):
            base = wid * TPW + half * HC
            pltpu.sync_copy(d0_hbm.at[pl.ds(base, HC)], idx0)
            pltpu.sync_copy(d1_hbm.at[pl.ds(base, HC)], idx1)
            c1 = pltpu.async_copy(ys_hbm.at[idx0], buf0, sem)
            c2 = pltpu.async_copy(ys_hbm.at[idx1], buf1, sem)
            c1.wait()
            c2.wait()

            def row_add(r, carry):
                for cc in range(D // 16):
                    v = buf0[r, pl.ds(cc * 16, 16)] + buf1[r, pl.ds(cc * 16, 16)]
                    buf0[r, pl.ds(cc * 16, 16)] = v
                return carry

            lax.fori_loop(0, HC, row_add, 0)
            pltpu.sync_copy(buf0, out_hbm.at[pl.ds(base, HC)])

    return gather_add(ys, d0, d1)


@jax.jit
def kernel(x, gate_w, e_bias, Wg, Wu, Wd):
    b, s, d = x.shape
    x2 = x.reshape(s, d)
    gwp = jnp.zeros((LANES, D), jnp.float32).at[:E].set(gate_w)
    ebp = jnp.zeros((1, LANES), jnp.float32).at[0, :E].set(e_bias)

    d0s, d1s, w0f, w1f, eidr = _plan(x2, gwp, ebp)
    d0 = d0s.reshape(S)
    d1 = d1s.reshape(S)
    eid = eidr[0, :NT]

    idxs = jnp.arange(NT, dtype=jnp.int32)
    prev = jnp.concatenate([jnp.full((1,), -1, jnp.int32), eid[:-1]])
    first = (eid != prev).astype(jnp.int32)
    par = (jnp.cumsum(first) - 1) & 1
    fidx = jnp.where(first == 1, idxs, NT + 1)
    nxt = lax.cummin(fidx[::-1])[::-1]
    nxt = jnp.concatenate([nxt[1:], jnp.full((1,), NT + 1, jnp.int32)])
    pref = ((first == 1) & (nxt < NT)).astype(jnp.int32)
    nxte = eid[jnp.clip(nxt, 0, NT - 1)]
    meta = jnp.stack([par, first, nxte, pref, eid]).astype(jnp.int32)

    xs, wslot = _dispatch(x2, d0, d1, w0f, w1f)
    ys = _ffn(meta, xs, Wg, Wu, Wd, wslot)
    out = _combine(ys, d0, d1)
    return out.reshape(b, s, d)

# --- scband reference (transcript-rebuilt; emitter-appended) ---
"""Pipeline reference for scband-mini-max-mo-elayer-reference-10840497455872 (READ-ONLY COPY).

The authoritative reference and input builder live on the scoring server;
editing this copy changes nothing except your own understanding.
"""

import jax, jax.numpy as jnp
import numpy as np

E = 8
TOP_K = 2
D = 1024
FF = 2048
B = 1
S = 2048
RSF = 1.0


def setup_inputs(seed: int = 0) -> dict:
    key = jax.random.key(seed)
    ks = jax.random.split(key, 6)
    x = jax.random.normal(ks[0], (B, S, D), dtype=jnp.float32)
    gate_w = jax.random.normal(ks[1], (E, D), dtype=jnp.float32) * 0.02
    e_bias = jnp.zeros((E,), dtype=jnp.float32)
    Wg = jax.random.normal(ks[2], (E, FF, D), dtype=jnp.float32) * 0.02
    Wu = jax.random.normal(ks[3], (E, FF, D), dtype=jnp.float32) * 0.02
    Wd = jax.random.normal(ks[4], (E, D, FF), dtype=jnp.float32) * 0.02
    return {"x": x, "gate_w": gate_w, "e_bias": e_bias, "Wg": Wg, "Wu": Wu, "Wd": Wd}


def reference(x, gate_w, e_bias, Wg, Wu, Wd):
    b, s, d = x.shape
    # router
    logits = jnp.einsum('bsd,ed->bse', x, gate_w)
    scores = jax.nn.sigmoid(logits)
    scores_with_bias = scores + e_bias
    _, topk_idx = jax.lax.top_k(scores_with_bias, TOP_K)
    topk_scores = jnp.take_along_axis(scores, topk_idx, axis=-1)
    scores_sum = topk_scores.sum(axis=-1, keepdims=True) + 1e-20
    topk_weights = topk_scores / scores_sum * RSF
    # combine weights per expert: [b, s, E]
    combine = (jax.nn.one_hot(topk_idx, E, dtype=x.dtype) * topk_weights[..., None]).sum(axis=-2)
    xf = x.reshape(b * s, d)
    cf = combine.reshape(b * s, E)
    out = jnp.zeros_like(xf)
    for e in range(E):
        g = xf @ Wg[e].T
        u = xf @ Wu[e].T
        h = jax.nn.silu(g) * u
        y = h @ Wd[e].T
        out = out + cf[:, e:e + 1] * y
    return out.reshape(b, s, d)

if __name__ == "__main__":
    import jax
    _d = setup_inputs()
    print(jax.jit(kernel)(*tuple(_d.values())))

</pallas_src>

<mosaic_0001>
#map = affine_map<(d0, d1) -> (0, 0)>
#map1 = affine_map<(d0, d1) -> (0)>
module attributes {stable_mosaic.version = 14 : i64} {
  func.func @gather_add(%arg0: i32, %arg1: i32, %arg2: memref<6144x1024xf32, #tpu.memory_space<hbm>>, %arg3: memref<2048xi32, #tpu.memory_space<hbm>>, %arg4: memref<2048xi32, #tpu.memory_space<hbm>>, %arg5: memref<2048x1024xf32, #tpu.memory_space<hbm>>, %arg6: memref<32x1024xf32, #tpu.memory_space<vmem>>, %arg7: memref<32x1024xf32, #tpu.memory_space<vmem>>, %arg8: memref<32xi32, #tpu.memory_space<vmem>>, %arg9: memref<32xi32, #tpu.memory_space<vmem>>, %arg10: memref<!tpu.dma_semaphore, #tpu.memory_space<semaphore_mem>>) attributes {dimension_semantics = [#tpu.dimension_semantics<core_parallel>, #tpu.dimension_semantics<subcore_parallel>], iteration_bounds = array<i64: 2, 16>, scalar_prefetch = 0 : i64, scratch_operands = 5 : i64, tpu.core_type = #tpu.core_type<sc_vector_subcore>, window_params = [{transform_indices = #map}, {transform_indices = #map1}, {transform_indices = #map1}, {transform_indices = #map}]} {
    %mul3A = arith.constant 2 : i32
    %mul3A_0 = arith.muli %arg1, %mul3A : i32
    %add3A = arith.addi %mul3A_0, %arg0 : i32
    %mul3A_1 = arith.constant 64 : i32
    %mul3A_2 = arith.muli %add3A, %mul3A_1 : i32
    %add3A_3 = arith.constant 0 : i32
    %add3A_4 = arith.addi %mul3A_2, %add3A_3 : i32
    "tpu.region"() ({
      %run_scoped3A = tpu.sem_alloc : memref<!tpu.dma_semaphore, #tpu.memory_space<semaphore_mem>>
      %dma_start3A_42 = tpu.memref_slice %arg3[%add3A_4] : memref<2048xi32, #tpu.memory_space<hbm>> -> memref<32xi32, #tpu.memory_space<hbm>>
      %dma_start3A_43 = tpu.memref_slice %arg3[%add3A_4] : memref<2048xi32, #tpu.memory_space<hbm>> -> memref<32xi32, #tpu.memory_space<hbm>>
      tpu.enqueue_dma source(%dma_start3A_43 : memref<32xi32, #tpu.memory_space<hbm>>) target(%arg8 : memref<32xi32, #tpu.memory_space<vmem>>) target_semaphore(%run_scoped3A : memref<!tpu.dma_semaphore, #tpu.memory_space<semaphore_mem>>)
      %dma_wait3A_44 = tpu.memref_slice %arg3[%add3A_4] : memref<2048xi32, #tpu.memory_space<hbm>> -> memref<32xi32, #tpu.memory_space<hbm>>
      %dma_wait3A_45 = tpu.memref_slice %arg3[%add3A_4] : memref<2048xi32, #tpu.memory_space<hbm>> -> memref<32xi32, #tpu.memory_space<hbm>>
      tpu.wait_dma2 semaphore(%run_scoped3A : memref<!tpu.dma_semaphore, #tpu.memory_space<semaphore_mem>>) src(%dma_wait3A_45 : memref<32xi32, #tpu.memory_space<hbm>>) dst(%arg8 : memref<32xi32, #tpu.memory_space<vmem>>)
      tpu.yield
    }) : () -> ()
    "tpu.region"() ({
      %run_scoped3A = tpu.sem_alloc : memref<!tpu.dma_semaphore, #tpu.memory_space<semaphore_mem>>
      %dma_start3A_42 = tpu.memref_slice %arg4[%add3A_4] : memref<2048xi32, #tpu.memory_space<hbm>> -> memref<32xi32, #tpu.memory_space<hbm>>
      %dma_start3A_43 = tpu.memref_slice %arg4[%add3A_4] : memref<2048xi32, #tpu.memory_space<hbm>> -> memref<32xi32, #tpu.memory_space<hbm>>
      tpu.enqueue_dma source(%dma_start3A_43 : memref<32xi32, #tpu.memory_space<hbm>>) target(%arg9 : memref<32xi32, #tpu.memory_space<vmem>>) target_semaphore(%run_scoped3A : memref<!tpu.dma_semaphore, #tpu.memory_space<semaphore_mem>>)
      %dma_wait3A_44 = tpu.memref_slice %arg4[%add3A_4] : memref<2048xi32, #tpu.memory_space<hbm>> -> memref<32xi32, #tpu.memory_space<hbm>>
      %dma_wait3A_45 = tpu.memref_slice %arg4[%add3A_4] : memref<2048xi32, #tpu.memory_space<hbm>> -> memref<32xi32, #tpu.memory_space<hbm>>
      tpu.wait_dma2 semaphore(%run_scoped3A : memref<!tpu.dma_semaphore, #tpu.memory_space<semaphore_mem>>) src(%dma_wait3A_45 : memref<32xi32, #tpu.memory_space<hbm>>) dst(%arg9 : memref<32xi32, #tpu.memory_space<vmem>>)
      tpu.yield
    }) : () -> ()
    %dma_start3A = arith.constant 0 : i32
    %dma_start3A_5 = arith.constant 0 : i32
    %dma_start3A_6 = tpu.memref_slice %arg2[%dma_start3A, %dma_start3A_5] : memref<6144x1024xf32, #tpu.memory_space<hbm>> -> memref<6144x1024xf32, #tpu.memory_space<hbm>>
    tpu.enqueue_indirect_dma source(%dma_start3A_6 : memref<6144x1024xf32, #tpu.memory_space<hbm>>) target(%arg6 : memref<32x1024xf32, #tpu.memory_space<vmem>>) offsets(%arg8 : memref<32xi32, #tpu.memory_space<vmem>>) semaphore(%arg10 : memref<!tpu.dma_semaphore, #tpu.memory_space<semaphore_mem>>)
    %dma_start3A_7 = arith.constant 0 : i32
    %dma_start3A_8 = arith.constant 0 : i32
    %dma_start3A_9 = tpu.memref_slice %arg2[%dma_start3A_7, %dma_start3A_8] : memref<6144x1024xf32, #tpu.memory_space<hbm>> -> memref<6144x1024xf32, #tpu.memory_space<hbm>>
    tpu.enqueue_indirect_dma source(%dma_start3A_9 : memref<6144x1024xf32, #tpu.memory_space<hbm>>) target(%arg7 : memref<32x1024xf32, #tpu.memory_space<vmem>>) offsets(%arg9 : memref<32xi32, #tpu.memory_space<vmem>>) semaphore(%arg10 : memref<!tpu.dma_semaphore, #tpu.memory_space<semaphore_mem>>)
    %dma_wait3A = arith.constant 0 : i32
    %dma_wait3A_10 = arith.constant 0 : i32
    %dma_wait3A_11 = tpu.memref_slice %arg2[%dma_wait3A, %dma_wait3A_10] : memref<6144x1024xf32, #tpu.memory_space<hbm>> -> memref<6144x1024xf32, #tpu.memory_space<hbm>>
    tpu.wait_indirect_dma semaphore(%arg10 : memref<!tpu.dma_semaphore, #tpu.memory_space<semaphore_mem>>) src(%dma_wait3A_11 : memref<6144x1024xf32, #tpu.memory_space<hbm>>) dst(%arg6 : memref<32x1024xf32, #tpu.memory_space<vmem>>)
    %dma_wait3A_12 = arith.constant 0 : i32
    %dma_wait3A_13 = arith.constant 0 : i32
    %dma_wait3A_14 = tpu.memref_slice %arg2[%dma_wait3A_12, %dma_wait3A_13] : memref<6144x1024xf32, #tpu.memory_space<hbm>> -> memref<6144x1024xf32, #tpu.memory_space<hbm>>
    tpu.wait_indirect_dma semaphore(%arg10 : memref<!tpu.dma_semaphore, #tpu.memory_space<semaphore_mem>>) src(%dma_wait3A_14 : memref<6144x1024xf32, #tpu.memory_space<hbm>>) dst(%arg7 : memref<32x1024xf32, #tpu.memory_space<vmem>>)
    %scan3A = arith.constant 0 : i32
    %scan3A_15 = arith.constant 0 : i32
    %scan3A_16 = arith.constant 32 : i32
    %scan3A_17 = arith.addi %scan3A_15, %scan3A_16 : i32
    %scan3A_18 = arith.constant 1 : i32
    scf.for %scan3A_42 = %scan3A_15 to %scan3A_17 step %scan3A_18  : i32 {
      %get3A = arith.index_cast %scan3A_42 : i32 to index
      %get3A_43 = arith.constant 0 : index
      %get3A_44 = tpu.vector_load %arg6[%get3A, %get3A_43] {strides = array<i32>} : memref<32x1024xf32, #tpu.memory_space<vmem>>, vector<1x16xf32>,
      %get3A_45 = vector.shape_cast %get3A_44 : vector<1x16xf32> to vector<16xf32>
      %get3A_46 = arith.index_cast %scan3A_42 : i32 to index
      %get3A_47 = arith.constant 0 : index
      %get3A_48 = tpu.vector_load %arg7[%get3A_46, %get3A_47] {strides = array<i32>} : memref<32x1024xf32, #tpu.memory_space<vmem>>, vector<1x16xf32>,
      %get3A_49 = vector.shape_cast %get3A_48 : vector<1x16xf32> to vector<16xf32>
      %add3A_50 = arith.addf %get3A_45, %get3A_49 : vector<16xf32>
      %swap3A = arith.index_cast %scan3A_42 : i32 to index
      %swap3A_51 = arith.constant 0 : index
      %swap3A_52 = tpu.vector_load %arg6[%swap3A, %swap3A_51] {strides = array<i32>} : memref<32x1024xf32, #tpu.memory_space<vmem>>, vector<1x16xf32>,
      %swap3A_53 = vector.shape_cast %swap3A_52 : vector<1x16xf32> to vector<16xf32>
      %swap3A_54 = vector.shape_cast %add3A_50 : vector<16xf32> to vector<1x16xf32>
      tpu.vector_store %arg6[%swap3A, %swap3A_51], %swap3A_54 {strides = array<i32>} : memref<32x1024xf32, #tpu.memory_space<vmem>>, vector<1x16xf32>,
      %get3A_55 = arith.index_cast %scan3A_42 : i32 to index
      %get3A_56 = arith.constant 16 : index
      %get3A_57 = tpu.vector_load %arg6[%get3A_55, %get3A_56] {strides = array<i32>} : memref<32x1024xf32, #tpu.memory_space<vmem>>, vector<1x16xf32>,
      %get3A_58 = vector.shape_cast %get3A_57 : vector<1x16xf32> to vector<16xf32>
      %get3A_59 = arith.index_cast %scan3A_42 : i32 to index
      %get3A_60 = arith.constant 16 : index
      %get3A_61 = tpu.vector_load %arg7[%get3A_59, %get3A_60] {strides = array<i32>} : memref<32x1024xf32, #tpu.memory_space<vmem>>, vector<1x16xf32>,
      %get3A_62 = vector.shape_cast %get3A_61 : vector<1x16xf32> to vector<16xf32>
      %add3A_63 = arith.addf %get3A_58, %get3A_62 : vector<16xf32>
      %swap3A_64 = arith.index_cast %scan3A_42 : i32 to index
      %swap3A_65 = arith.constant 16 : index
      %swap3A_66 = tpu.vector_load %arg6[%swap3A_64, %swap3A_65] {strides = array<i32>} : memref<32x1024xf32, #tpu.memory_space<vmem>>, vector<1x16xf32>,
      %swap3A_67 = vector.shape_cast %swap3A_66 : vector<1x16xf32> to vector<16xf32>
      %swap3A_68 = vector.shape_cast %add3A_63 : vector<16xf32> to vector<1x16xf32>
      tpu.vector_store %arg6[%swap3A_64, %swap3A_65], %swap3A_68 {strides = array<i32>} : memref<32x1024xf32, #tpu.memory_space<vmem>>, vector<1x16xf32>,
      %get3A_69 = arith.index_cast %scan3A_42 : i32 to index
      %get3A_70 = arith.constant 32 : index
      %get3A_71 = tpu.vector_load %arg6[%get3A_69, %get3A_70] {strides = array<i32>} : memref<32x1024xf32, #tpu.memory_space<vmem>>, vector<1x16xf32>,
      %get3A_72 = vector.shape_cast %get3A_71 : vector<1x16xf32> to vector<16xf32>
      %get3A_73 = arith.index_cast %scan3A_42 : i32 to index
      %get3A_74 = arith.constant 32 : index
      %get3A_75 = tpu.vector_load %arg7[%get3A_73, %get3A_74] {strides = array<i32>} : memref<32x1024xf32, #tpu.memory_space<vmem>>, vector<1x16xf32>,
      %get3A_76 = vector.shape_cast %get3A_75 : vector<1x16xf32> to vector<16xf32>
      %add3A_77 = arith.addf %get3A_72, %get3A_76 : vector<16xf32>
      %swap3A_78 = arith.index_cast %scan3A_42 : i32 to index
      %swap3A_79 = arith.constant 32 : index
      %swap3A_80 = tpu.vector_load %arg6[%swap3A_78, %swap3A_79] {strides = array<i32>} : memref<32x1024xf32, #tpu.memory_space<vmem>>, vector<1x16xf32>,
      %swap3A_81 = vector.shape_cast %swap3A_80 : vector<1x16xf32> to vector<16xf32>
      %swap3A_82 = vector.shape_cast %add3A_77 : vector<16xf32> to vector<1x16xf32>
      tpu.vector_store %arg6[%swap3A_78, %swap3A_79], %swap3A_82 {strides = array<i32>} : memref<32x1024xf32, #tpu.memory_space<vmem>>, vector<1x16xf32>,
      %get3A_83 = arith.index_cast %scan3A_42 : i32 to index
      %get3A_84 = arith.constant 48 : index
      %get3A_85 = tpu.vector_load %arg6[%get3A_83, %get3A_84] {strides = array<i32>} : memref<32x1024xf32, #tpu.memory_space<vmem>>, vector<1x16xf32>,
      %get3A_86 = vector.shape_cast %get3A_85 : vector<1x16xf32> to vector<16xf32>
      %get3A_87 = arith.index_cast %scan3A_42 : i32 to index
      %get3A_88 = arith.constant 48 : index
      %get3A_89 = tpu.vector_load %arg7[%get3A_87, %get3A_88] {strides = array<i32>} : memref<32x1024xf32, #tpu.memory_space<vmem>>, vector<1x16xf32>,
      %get3A_90 = vector.shape_cast %get3A_89 : vector<1x16xf32> to vector<16xf32>
      %add3A_91 = arith.addf %get3A_86, %get3A_90 : vector<16xf32>
      %swap3A_92 = arith.index_cast %scan3A_42 : i32 to index
      %swap3A_93 = arith.constant 48 : index
      %swap3A_94 = tpu.vector_load %arg6[%swap3A_92, %swap3A_93] {strides = array<i32>} : memref<32x1024xf32, #tpu.memory_space<vmem>>, vector<1x16xf32>,
      %swap3A_95 = vector.shape_cast %swap3A_94 : vector<1x16xf32> to vector<16xf32>
      %swap3A_96 = vector.shape_cast %add3A_91 : vector<16xf32> to vector<1x16xf32>
      tpu.vector_store %arg6[%swap3A_92, %swap3A_93], %swap3A_96 {strides = array<i32>} : memref<32x1024xf32, #tpu.memory_space<vmem>>, vector<1x16xf32>,
      %get3A_97 = arith.index_cast %scan3A_42 : i32 to index
      %get3A_98 = arith.constant 64 : index
      %get3A_99 = tpu.vector_load %arg6[%get3A_97, %get3A_98] {strides = array<i32>} : memref<32x1024xf32, #tpu.memory_space<vmem>>, vector<1x16xf32>,
      %get3A_100 = vector.shape_cast %get3A_99 : vector<1x16xf32> to vector<16xf32>
      %get3A_101 = arith.index_cast %scan3A_42 : i32 to index
      %get3A_102 = arith.constant 64 : index
      %get3A_103 = tpu.vector_load %arg7[%get3A_101, %get3A_102] {strides = array<i32>} : memref<32x1024xf32, #tpu.memory_space<vmem>>, vector<1x16xf32>,
      %get3A_104 = vector.shape_cast %get3A_103 : vector<1x16xf32> to vector<16xf32>
      %add3A_105 = arith.addf %get3A_100, %get3A_104 : vector<16xf32>
      %swap3A_106 = arith.index_cast %scan3A_42 : i32 to index
      %swap3A_107 = arith.constant 64 : index
      %swap3A_108 = tpu.vector_load %arg6[%swap3A_106, %swap3A_107] {strides = array<i32>} : memref<32x1024xf32, #tpu.memory_space<vmem>>, vector<1x16xf32>,
      %swap3A_109 = vector.shape_cast %swap3A_108 : vector<1x16xf32> to vector<16xf32>
      %swap3A_110 = vector.shape_cast %add3A_105 : vector<16xf32> to vector<1x16xf32>
      tpu.vector_store %arg6[%swap3A_106, %swap3A_107], %swap3A_110 {strides = array<i32>} : memref<32x1024xf32, #tpu.memory_space<vmem>>, vector<1x16xf32>,
      %get3A_111 = arith.index_cast %scan3A_42 : i32 to index
      %get3A_112 = arith.constant 80 : index
      %get3A_113 = tpu.vector_load %arg6[%get3A_111, %get3A_112] {strides = array<i32>} : memref<32x1024xf32, #tpu.memory_space<vmem>>, vector<1x16xf32>,
      %get3A_114 = vector.shape_cast %get3A_113 : vector<1x16xf32> to vector<16xf32>
      %get3A_115 = arith.index_cast %scan3A_42 : i32 to index
      %get3A_116 = arith.constant 80 : index
      %get3A_117 = tpu.vector_load %arg7[%get3A_115, %get3A_116] {strides = array<i32>} : memref<32x1024xf32, #tpu.memory_space<vmem>>, vector<1x16xf32>,
      %get3A_118 = vector.shape_cast %get3A_117 : vector<1x16xf32> to vector<16xf32>
      %add3A_119 = arith.addf %get3A_114, %get3A_118 : vector<16xf32>
      %swap3A_120 = arith.index_cast %scan3A_42 : i32 to index
      %swap3A_121 = arith.constant 80 : index
      %swap3A_122 = tpu.vector_load %arg6[%swap3A_120, %swap3A_121] {strides = array<i32>} : memref<32x1024xf32, #tpu.memory_space<vmem>>, vector<1x16xf32>,
      %swap3A_123 = vector.shape_cast %swap3A_122 : vector<1x16xf32> to vector<16xf32>
      %swap3A_124 = vector.shape_cast %add3A_119 : vector<16xf32> to vector<1x16xf32>
      tpu.vector_store %arg6[%swap3A_120, %swap3A_121], %swap3A_124 {strides = array<i32>} : memref<32x1024xf32, #tpu.memory_space<vmem>>, vector<1x16xf32>,
      %get3A_125 = arith.index_cast %scan3A_42 : i32 to index
      %get3A_126 = arith.constant 96 : index
      %get3A_127 = tpu.vector_load %arg6[%get3A_125, %get3A_126] {strides = array<i32>} : memref<32x1024xf32, #tpu.memory_space<vmem>>, vector<1x16xf32>,
      %get3A_128 = vector.shape_cast %get3A_127 : vector<1x16xf32> to vector<16xf32>
      %get3A_129 = arith.index_cast %scan3A_42 : i32 to index
      %get3A_130 = arith.constant 96 : index
      %get3A_131 = tpu.vector_load %arg7[%get3A_129, %get3A_130] {strides = array<i32>} : memref<32x1024xf32, #tpu.memory_space<vmem>>, vector<1x16xf32>,
      %get3A_132 = vector.shape_cast %get3A_131 : vector<1x16xf32> to vector<16xf32>
      %add3A_133 = arith.addf %get3A_128, %get3A_132 : vector<16xf32>
      %swap3A_134 = arith.index_cast %scan3A_42 : i32 to index
      %swap3A_135 = arith.constant 96 : index
      %swap3A_136 = tpu.vector_load %arg6[%swap3A_134, %swap3A_135] {strides = array<i32>} : memref<32x1024xf32, #tpu.memory_space<vmem>>, vector<1x16xf32>,
      %swap3A_137 = vector.shape_cast %swap3A_136 : vector<1x16xf32> to vector<16xf32>
      %swap3A_138 = vector.shape_cast %add3A_133 : vector<16xf32> to vector<1x16xf32>
      tpu.vector_store %arg6[%swap3A_134, %swap3A_135], %swap3A_138 {strides = array<i32>} : memref<32x1024xf32, #tpu.memory_space<vmem>>, vector<1x16xf32>,
      %get3A_139 = arith.index_cast %scan3A_42 : i32 to index
      %get3A_140 = arith.constant 112 : index
      %get3A_141 = tpu.vector_load %arg6[%get3A_139, %get3A_140] {strides = array<i32>} : memref<32x1024xf32, #tpu.memory_space<vmem>>, vector<1x16xf32>,
      %get3A_142 = vector.shape_cast %get3A_141 : vector<1x16xf32> to vector<16xf32>
      %get3A_143 = arith.index_cast %scan3A_42 : i32 to index
      %get3A_144 = arith.constant 112 : index
      %get3A_145 = tpu.vector_load %arg7[%get3A_143, %get3A_144] {strides = array<i32>} : memref<32x1024xf32, #tpu.memory_space<vmem>>, vector<1x16xf32>,
      %get3A_146 = vector.shape_cast %get3A_145 : vector<1x16xf32> to vector<16xf32>
      %add3A_147 = arith.addf %get3A_142, %get3A_146 : vector<16xf32>
      %swap3A_148 = arith.index_cast %scan3A_42 : i32 to index
      %swap3A_149 = arith.constant 112 : index
      %swap3A_150 = tpu.vector_load %arg6[%swap3A_148, %swap3A_149] {strides = array<i32>} : memref<32x1024xf32, #tpu.memory_space<vmem>>, vector<1x16xf32>,
      %swap3A_151 = vector.shape_cast %swap3A_150 : vector<1x16xf32> to vector<16xf32>
      %swap3A_152 = vector.shape_cast %add3A_147 : vector<16xf32> to vector<1x16xf32>
      tpu.vector_store %arg6[%swap3A_148, %swap3A_149], %swap3A_152 {strides = array<i32>} : memref<32x1024xf32, #tpu.memory_space<vmem>>, vector<1x16xf32>,
      %get3A_153 = arith.index_cast %scan3A_42 : i32 to index
      %get3A_154 = arith.constant 128 : index
      %get3A_155 = tpu.vector_load %arg6[%get3A_153, %get3A_154] {strides = array<i32>} : memref<32x1024xf32, #tpu.memory_space<vmem>>, vector<1x16xf32>,
      %get3A_156 = vector.shape_cast %get3A_155 : vector<1x16xf32> to vector<16xf32>
      %get3A_157 = arith.index_cast %scan3A_42 : i32 to index
      %get3A_158 = arith.constant 128 : index
      %get3A_159 = tpu.vector_load %arg7[%get3A_157, %get3A_158] {strides = array<i32>} : memref<32x1024xf32, #tpu.memory_space<vmem>>, vector<1x16xf32>,
      %get3A_160 = vector.shape_cast %get3A_159 : vector<1x16xf32> to vector<16xf32>
      %add3A_161 = arith.addf %get3A_156, %get3A_160 : vector<16xf32>
      %swap3A_162 = arith.index_cast %scan3A_42 : i32 to index
      %swap3A_163 = arith.constant 128 : index
      %swap3A_164 = tpu.vector_load %arg6[%swap3A_162, %swap3A_163] {strides = array<i32>} : memref<32x1024xf32, #tpu.memory_space<vmem>>, vector<1x16xf32>,
      %swap3A_165 = vector.shape_cast %swap3A_164 : vector<1x16xf32> to vector<16xf32>
      %swap3A_166 = vector.shape_cast %add3A_161 : vector<16xf32> to vector<1x16xf32>
      tpu.vector_store %arg6[%swap3A_162, %swap3A_163], %swap3A_166 {strides = array<i32>} : memref<32x1024xf32, #tpu.memory_space<vmem>>, vector<1x16xf32>,
      %get3A_167 = arith.index_cast %scan3A_42 : i32 to index
      %get3A_168 = arith.constant 144 : index
      %get3A_169 = tpu.vector_load %arg6[%get3A_167, %get3A_168] {strides = array<i32>} : memref<32x1024xf32, #tpu.memory_space<vmem>>, vector<1x16xf32>,
      %get3A_170 = vector.shape_cast %get3A_169 : vector<1x16xf32> to vector<16xf32>
      %get3A_171 = arith.index_cast %scan3A_42 : i32 to index
      %get3A_172 = arith.constant 144 : index
      %get3A_173 = tpu.vector_load %arg7[%get3A_171, %get3A_172] {strides = array<i32>} : memref<32x1024xf32, #tpu.memory_space<vmem>>, vector<1x16xf32>,
      %get3A_174 = vector.shape_cast %get3A_173 : vector<1x16xf32> to vector<16xf32>
      %add3A_175 = arith.addf %get3A_170, %get3A_174 : vector<16xf32>
      %swap3A_176 = arith.index_cast %scan3A_42 : i32 to index
      %swap3A_177 = arith.constant 144 : index
      %swap3A_178 = tpu.vector_load %arg6[%swap3A_176, %swap3A_177] {strides = array<i32>} : memref<32x1024xf32, #tpu.memory_space<vmem>>, vector<1x16xf32>,
      %swap3A_179 = vector.shape_cast %swap3A_178 : vector<1x16xf32> to vector<16xf32>
      %swap3A_180 = vector.shape_cast %add3A_175 : vector<16xf32> to vector<1x16xf32>
      tpu.vector_store %arg6[%swap3A_176, %swap3A_177], %swap3A_180 {strides = array<i32>} : memref<32x1024xf32, #tpu.memory_space<vmem>>, vector<1x16xf32>,
      %get3A_181 = arith.index_cast %scan3A_42 : i32 to index
      %get3A_182 = arith.constant 160 : index
      %get3A_183 = tpu.vector_load %arg6[%get3A_181, %get3A_182] {strides = array<i32>} : memref<32x1024xf32, #tpu.memory_space<vmem>>, vector<1x16xf32>,
      %get3A_184 = vector.shape_cast %get3A_183 : vector<1x16xf32> to vector<16xf32>
      %get3A_185 = arith.index_cast %scan3A_42 : i32 to index
      %get3A_186 = arith.constant 160 : index
      %get3A_187 = tpu.vector_load %arg7[%get3A_185, %get3A_186] {strides = array<i32>} : memref<32x1024xf32, #tpu.memory_space<vmem>>, vector<1x16xf32>,
      %get3A_188 = vector.shape_cast %get3A_187 : vector<1x16xf32> to vector<16xf32>
      %add3A_189 = arith.addf %get3A_184, %get3A_188 : vector<16xf32>
      %swap3A_190 = arith.index_cast %scan3A_42 : i32 to index
      %swap3A_191 = arith.constant 160 : index
      %swap3A_192 = tpu.vector_load %arg6[%swap3A_190, %swap3A_191] {strides = array<i32>} : memref<32x1024xf32, #tpu.memory_space<vmem>>, vector<1x16xf32>,
      %swap3A_193 = vector.shape_cast %swap3A_192 : vector<1x16xf32> to vector<16xf32>
      %swap3A_194 = vector.shape_cast %add3A_189 : vector<16xf32> to vector<1x16xf32>
      tpu.vector_store %arg6[%swap3A_190, %swap3A_191], %swap3A_194 {strides = array<i32>} : memref<32x1024xf32, #tpu.memory_space<vmem>>, vector<1x16xf32>,
      %get3A_195 = arith.index_cast %scan3A_42 : i32 to index
      %get3A_196 = arith.constant 176 : index
      %get3A_197 = tpu.vector_load %arg6[%get3A_195, %get3A_196] {strides = array<i32>} : memref<32x1024xf32, #tpu.memory_space<vmem>>, vector<1x16xf32>,
      %get3A_198 = vector.shape_cast %get3A_197 : vector<1x16xf32> to vector<16xf32>
      %get3A_199 = arith.index_cast %scan3A_42 : i32 to index
      %get3A_200 = arith.constant 176 : index
      %get3A_201 = tpu.vector_load %arg7[%get3A_199, %get3A_200] {strides = array<i32>} : memref<32x1024xf32, #tpu.memory_space<vmem>>, vector<1x16xf32>,
      %get3A_202 = vector.shape_cast %get3A_201 : vector<1x16xf32> to vector<16xf32>
      %add3A_203 = arith.addf %get3A_198, %get3A_202 : vector<16xf32>
      %swap3A_204 = arith.index_cast %scan3A_42 : i32 to index
      %swap3A_205 = arith.constant 176 : index
      %swap3A_206 = tpu.vector_load %arg6[%swap3A_204, %swap3A_205] {strides = array<i32>} : memref<32x1024xf32, #tpu.memory_space<vmem>>, vector<1x16xf32>,
      %swap3A_207 = vector.shape_cast %swap3A_206 : vector<1x16xf32> to vector<16xf32>
      %swap3A_208 = vector.shape_cast %add3A_203 : vector<16xf32> to vector<1x16xf32>
      tpu.vector_store %arg6[%swap3A_204, %swap3A_205], %swap3A_208 {strides = array<i32>} : memref<32x1024xf32, #tpu.memory_space<vmem>>, vector<1x16xf32>,
      %get3A_209 = arith.index_cast %scan3A_42 : i32 to index
      %get3A_210 = arith.constant 192 : index
      %get3A_211 = tpu.vector_load %arg6[%get3A_209, %get3A_210] {strides = array<i32>} : memref<32x1024xf32, #tpu.memory_space<vmem>>, vector<1x16xf32>,
      %get3A_212 = vector.shape_cast %get3A_211 : vector<1x16xf32> to vector<16xf32>
      %get3A_213 = arith.index_cast %scan3A_42 : i32 to index
      %get3A_214 = arith.constant 192 : index
      %get3A_215 = tpu.vector_load %arg7[%get3A_213, %get3A_214] {strides = array<i32>} : memref<32x1024xf32, #tpu.memory_space<vmem>>, vector<1x16xf32>,
      %get3A_216 = vector.shape_cast %get3A_215 : vector<1x16xf32> to vector<16xf32>
      %add3A_217 = arith.addf %get3A_212, %get3A_216 : vector<16xf32>
      %swap3A_218 = arith.index_cast %scan3A_42 : i32 to index
      %swap3A_219 = arith.constant 192 : index
      %swap3A_220 = tpu.vector_load %arg6[%swap3A_218, %swap3A_219] {strides = array<i32>} : memref<32x1024xf32, #tpu.memory_space<vmem>>, vector<1x16xf32>,
      %swap3A_221 = vector.shape_cast %swap3A_220 : vector<1x16xf32> to vector<16xf32>
      %swap3A_222 = vector.shape_cast %add3A_217 : vector<16xf32> to vector<1x16xf32>
      tpu.vector_store %arg6[%swap3A_218, %swap3A_219], %swap3A_222 {strides = array<i32>} : memref<32x1024xf32, #tpu.memory_space<vmem>>, vector<1x16xf32>,
      %get3A_223 = arith.index_cast %scan3A_42 : i32 to index
      %get3A_224 = arith.constant 208 : index
      %get3A_225 = tpu.vector_load %arg6[%get3A_223, %get3A_224] {strides = array<i32>} : memref<32x1024xf32, #tpu.memory_space<vmem>>, vector<1x16xf32>,
      %get3A_226 = vector.shape_cast %get3A_225 : vector<1x16xf32> to vector<16xf32>
      %get3A_227 = arith.index_cast %scan3A_42 : i32 to index
      %get3A_228 = arith.constant 208 : index
      %get3A_229 = tpu.vector_load %arg7[%get3A_227, %get3A_228] {strides = array<i32>} : memref<32x1024xf32, #tpu.memory_space<vmem>>, vector<1x16xf32>,
      %get3A_230 = vector.shape_cast %get3A_229 : vector<1x16xf32> to vector<16xf32>
      %add3A_231 = arith.addf %get3A_226, %get3A_230 : vector<16xf32>
      %swap3A_232 = arith.index_cast %scan3A_42 : i32 to index
      %swap3A_233 = arith.constant 208 : index
      %swap3A_234 = tpu.vector_load %arg6[%swap3A_232, %swap3A_233] {strides = array<i32>} : memref<32x1024xf32, #tpu.memory_space<vmem>>, vector<1x16xf32>,
      %swap3A_235 = vector.shape_cast %swap3A_234 : vector<1x16xf32> to vector<16xf32>
      %swap3A_236 = vector.shape_cast %add3A_231 : vector<16xf32> to vector<1x16xf32>
      tpu.vector_store %arg6[%swap3A_232, %swap3A_233], %swap3A_236 {strides = array<i32>} : memref<32x1024xf32, #tpu.memory_space<vmem>>, vector<1x16xf32>,
      %get3A_237 = arith.index_cast %scan3A_42 : i32 to index
      %get3A_238 = arith.constant 224 : index
      %get3A_239 = tpu.vector_load %arg6[%get3A_237, %get3A_238] {strides = array<i32>} : memref<32x1024xf32, #tpu.memory_space<vmem>>, vector<1x16xf32>,
      %get3A_240 = vector.shape_cast %get3A_239 : vector<1x16xf32> to vector<16xf32>
      %get3A_241 = arith.index_cast %scan3A_42 : i32 to index
      %get3A_242 = arith.constant 224 : index
      %get3A_243 = tpu.vector_load %arg7[%get3A_241, %get3A_242] {strides = array<i32>} : memref<32x1024xf32, #tpu.memory_space<vmem>>, vector<1x16xf32>,
      %get3A_244 = vector.shape_cast %get3A_243 : vector<1x16xf32> to vector<16xf32>
      %add3A_245 = arith.addf %get3A_240, %get3A_244 : vector<16xf32>
      %swap3A_246 = arith.index_cast %scan3A_42 : i32 to index
      %swap3A_247 = arith.constant 224 : index
      %swap3A_248 = tpu.vector_load %arg6[%swap3A_246, %swap3A_247] {strides = array<i32>} : memref<32x1024xf32, #tpu.memory_space<vmem>>, vector<1x16xf32>,
      %swap3A_249 = vector.shape_cast %swap3A_248 : vector<1x16xf32> to vector<16xf32>
      %swap3A_250 = vector.shape_cast %add3A_245 : vector<16xf32> to vector<1x16xf32>
      tpu.vector_store %arg6[%swap3A_246, %swap3A_247], %swap3A_250 {strides = array<i32>} : memref<32x1024xf32, #tpu.memory_space<vmem>>, vector<1x16xf32>,
      %get3A_251 = arith.index_cast %scan3A_42 : i32 to index
      %get3A_252 = arith.constant 240 : index
      %get3A_253 = tpu.vector_load %arg6[%get3A_251, %get3A_252] {strides = array<i32>} : memref<32x1024xf32, #tpu.memory_space<vmem>>, vector<1x16xf32>,
      %get3A_254 = vector.shape_cast %get3A_253 : vector<1x16xf32> to vector<16xf32>
      %get3A_255 = arith.index_cast %scan3A_42 : i32 to index
      %get3A_256 = arith.constant 240 : index
      %get3A_257 = tpu.vector_load %arg7[%get3A_255, %get3A_256] {strides = array<i32>} : memref<32x1024xf32, #tpu.memory_space<vmem>>, vector<1x16xf32>,
      %get3A_258 = vector.shape_cast %get3A_257 : vector<1x16xf32> to vector<16xf32>
      %add3A_259 = arith.addf %get3A_254, %get3A_258 : vector<16xf32>
      %swap3A_260 = arith.index_cast %scan3A_42 : i32 to index
      %swap3A_261 = arith.constant 240 : index
      %swap3A_262 = tpu.vector_load %arg6[%swap3A_260, %swap3A_261] {strides = array<i32>} : memref<32x1024xf32, #tpu.memory_space<vmem>>, vector<1x16xf32>,
      %swap3A_263 = vector.shape_cast %swap3A_262 : vector<1x16xf32> to vector<16xf32>
      %swap3A_264 = vector.shape_cast %add3A_259 : vector<16xf32> to vector<1x16xf32>
      tpu.vector_store %arg6[%swap3A_260, %swap3A_261], %swap3A_264 {strides = array<i32>} : memref<32x1024xf32, #tpu.memory_space<vmem>>, vector<1x16xf32>,
      %get3A_265 = arith.index_cast %scan3A_42 : i32 to index
      %get3A_266 = arith.constant 256 : index
      %get3A_267 = tpu.vector_load %arg6[%get3A_265, %get3A_266] {strides = array<i32>} : memref<32x1024xf32, #tpu.memory_space<vmem>>, vector<1x16xf32>,
      %get3A_268 = vector.shape_cast %get3A_267 : vector<1x16xf32> to vector<16xf32>
      %get3A_269 = arith.index_cast %scan3A_42 : i32 to index
      %get3A_270 = arith.constant 256 : index
      %get3A_271 = tpu.vector_load %arg7[%get3A_269, %get3A_270] {strides = array<i32>} : memref<32x1024xf32, #tpu.memory_space<vmem>>, vector<1x16xf32>,
      %get3A_272 = vector.shape_cast %get3A_271 : vector<1x16xf32> to vector<16xf32>
      %add3A_273 = arith.addf %get3A_268, %get3A_272 : vector<16xf32>
      %swap3A_274 = arith.index_cast %scan3A_42 : i32 to index
      %swap3A_275 = arith.constant 256 : index
      %swap3A_276 = tpu.vector_load %arg6[%swap3A_274, %swap3A_275] {strides = array<i32>} : memref<32x1024xf32, #tpu.memory_space<vmem>>, vector<1x16xf32>,
      %swap3A_277 = vector.shape_cast %swap3A_276 : vector<1x16xf32> to vector<16xf32>
      %swap3A_278 = vector.shape_cast %add3A_273 : vector<16xf32> to vector<1x16xf32>
      tpu.vector_store %arg6[%swap3A_274, %swap3A_275], %swap3A_278 {strides = array<i32>} : memref<32x1024xf32, #tpu.memory_space<vmem>>, vector<1x16xf32>,
      %get3A_279 = arith.index_cast %scan3A_42 : i32 to index
      %get3A_280 = arith.constant 272 : index
      %get3A_281 = tpu.vector_load %arg6[%get3A_279, %get3A_280] {strides = array<i32>} : memref<32x1024xf32, #tpu.memory_space<vmem>>, vector<1x16xf32>,
      %get3A_282 = vector.shape_cast %get3A_281 : vector<1x16xf32> to vector<16xf32>
      %get3A_283 = arith.index_cast %scan3A_42 : i32 to index
      %get3A_284 = arith.constant 272 : index
      %get3A_285 = tpu.vector_load %arg7[%get3A_283, %get3A_284] {strides = array<i32>} : memref<32x1024xf32, #tpu.memory_space<vmem>>, vector<1x16xf32>,
      %get3A_286 = vector.shape_cast %get3A_285 : vector<1x16xf32> to vector<16xf32>
      %add3A_287 = arith.addf %get3A_282, %get3A_286 : vector<16xf32>
      %swap3A_288 = arith.index_cast %scan3A_42 : i32 to index
      %swap3A_289 = arith.constant 272 : index
      %swap3A_290 = tpu.vector_load %arg6[%swap3A_288, %swap3A_289] {strides = array<i32>} : memref<32x1024xf32, #tpu.memory_space<vmem>>, vector<1x16xf32>,
      %swap3A_291 = vector.shape_cast %swap3A_290 : vector<1x16xf32> to vector<16xf32>
      %swap3A_292 = vector.shape_cast %add3A_287 : vector<16xf32> to vector<1x16xf32>
      tpu.vector_store %arg6[%swap3A_288, %swap3A_289], %swap3A_292 {strides = array<i32>} : memref<32x1024xf32, #tpu.memory_space<vmem>>, vector<1x16xf32>,
      %get3A_293 = arith.index_cast %scan3A_42 : i32 to index
      %get3A_294 = arith.constant 288 : index
      %get3A_295 = tpu.vector_load %arg6[%get3A_293, %get3A_294] {strides = array<i32>} : memref<32x1024xf32, #tpu.memory_space<vmem>>, vector<1x16xf32>,
      %get3A_296 = vector.shape_cast %get3A_295 : vector<1x16xf32> to vector<16xf32>
      %get3A_297 = arith.index_cast %scan3A_42 : i32 to index
      %get3A_298 = arith.constant 288 : index
      %get3A_299 = tpu.vector_load %arg7[%get3A_297, %get3A_298] {strides = array<i32>} : memref<32x1024xf32, #tpu.memory_space<vmem>>, vector<1x16xf32>,
      %get3A_300 = vector.shape_cast %get3A_299 : vector<1x16xf32> to vector<16xf32>
      %add3A_301 = arith.addf %get3A_296, %get3A_300 : vector<16xf32>
      %swap3A_302 = arith.index_cast %scan3A_42 : i32 to index
      %swap3A_303 = arith.constant 288 : index
      %swap3A_304 = tpu.vector_load %arg6[%swap3A_302, %swap3A_303] {strides = array<i32>} : memref<32x1024xf32, #tpu.memory_space<vmem>>, vector<1x16xf32>,
      %swap3A_305 = vector.shape_cast %swap3A_304 : vector<1x16xf32> to vector<16xf32>
      %swap3A_306 = vector.shape_cast %add3A_301 : vector<16xf32> to vector<1x16xf32>
      tpu.vector_store %arg6[%swap3A_302, %swap3A_303], %swap3A_306 {strides = array<i32>} : memref<32x1024xf32, #tpu.memory_space<vmem>>, vector<1x16xf32>,
      %get3A_307 = arith.index_cast %scan3A_42 : i32 to index
      %get3A_308 = arith.constant 304 : index
      %get3A_309 = tpu.vector_load %arg6[%get3A_307, %get3A_308] {strides = array<i32>} : memref<32x1024xf32, #tpu.memory_space<vmem>>, vector<1x16xf32>,
      %get3A_310 = vector.shape_cast %get3A_309 : vector<1x16xf32> to vector<16xf32>
      %get3A_311 = arith.index_cast %scan3A_42 : i32 to index
      %get3A_312 = arith.constant 304 : index
      %get3A_313 = tpu.vector_load %arg7[%get3A_311, %get3A_312] {strides = array<i32>} : memref<32x1024xf32, #tpu.memory_space<vmem>>, vector<1x16xf32>,
      %get3A_314 = vector.shape_cast %get3A_313 : vector<1x16xf32> to vector<16xf32>
      %add3A_315 = arith.addf %get3A_310, %get3A_314 : vector<16xf32>
      %swap3A_316 = arith.index_cast %scan3A_42 : i32 to index
      %swap3A_317 = arith.constant 304 : index
      %swap3A_318 = tpu.vector_load %arg6[%swap3A_316, %swap3A_317] {strides = array<i32>} : memref<32x1024xf32, #tpu.memory_space<vmem>>, vector<1x16xf32>,
      %swap3A_319 = vector.shape_cast %swap3A_318 : vector<1x16xf32> to vector<16xf32>
      %swap3A_320 = vector.shape_cast %add3A_315 : vector<16xf32> to vector<1x16xf32>
      tpu.vector_store %arg6[%swap3A_316, %swap3A_317], %swap3A_320 {strides = array<i32>} : memref<32x1024xf32, #tpu.memory_space<vmem>>, vector<1x16xf32>,
      %get3A_321 = arith.index_cast %scan3A_42 : i32 to index
      %get3A_322 = arith.constant 320 : index
      %get3A_323 = tpu.vector_load %arg6[%get3A_321, %get3A_322] {strides = array<i32>} : memref<32x1024xf32, #tpu.memory_space<vmem>>, vector<1x16xf32>,
      %get3A_324 = vector.shape_cast %get3A_323 : vector<1x16xf32> to vector<16xf32>
      %get3A_325 = arith.index_cast %scan3A_42 : i32 to index
      %get3A_326 = arith.constant 320 : index
      %get3A_327 = tpu.vector_load %arg7[%get3A_325, %get3A_326] {strides = array<i32>} : memref<32x1024xf32, #tpu.memory_space<vmem>>, vector<1x16xf32>,
      %get3A_328 = vector.shape_cast %get3A_327 : vector<1x16xf32> to vector<16xf32>
      %add3A_329 = arith.addf %get3A_324, %get3A_328 : vector<16xf32>
      %swap3A_330 = arith.index_cast %scan3A_42 : i32 to index
      %swap3A_331 = arith.constant 320 : index
      %swap3A_332 = tpu.vector_load %arg6[%swap3A_330, %swap3A_331] {strides = array<i32>} : memref<32x1024xf32, #tpu.memory_space<vmem>>, vector<1x16xf32>,
      %swap3A_333 = vector.shape_cast %swap3A_332 : vector<1x16xf32> to vector<16xf32>
      %swap3A_334 = vector.shape_cast %add3A_329 : vector<16xf32> to vector<1x16xf32>
      tpu.vector_store %arg6[%swap3A_330, %swap3A_331], %swap3A_334 {strides = array<i32>} : memref<32x1024xf32, #tpu.memory_space<vmem>>, vector<1x16xf32>,
      %get3A_335 = arith.index_cast %scan3A_42 : i32 to index
      %get3A_336 = arith.constant 336 : index
      %get3A_337 = tpu.vector_load %arg6[%get3A_335, %get3A_336] {strides = array<i32>} : memref<32x1024xf32, #tpu.memory_space<vmem>>, vector<1x16xf32>,
      %get3A_338 = vector.shape_cast %get3A_337 : vector<1x16xf32> to vector<16xf32>
      %get3A_339 = arith.index_cast %scan3A_42 : i32 to index
      %get3A_340 = arith.constant 336 : index
      %get3A_341 = tpu.vector_load %arg7[%get3A_339, %get3A_340] {strides = array<i32>} : memref<32x1024xf32, #tpu.memory_space<vmem>>, vector<1x16xf32>,
      %get3A_342 = vector.shape_cast %get3A_341 : vector<1x16xf32> to vector<16xf32>
      %add3A_343 = arith.addf %get3A_338, %get3A_342 : vector<16xf32>
      %swap3A_344 = arith.index_cast %scan3A_42 : i32 to index
      %swap3A_345 = arith.constant 336 : index
      %swap3A_346 = tpu.vector_load %arg6[%swap3A_344, %swap3A_345] {strides = array<i32>} : memref<32x1024xf32, #tpu.memory_space<vmem>>, vector<1x16xf32>,
      %swap3A_347 = vector.shape_cast %swap3A_346 : vector<1x16xf32> to vector<16xf32>
      %swap3A_348 = vector.shape_cast %add3A_343 : vector<16xf32> to vector<1x16xf32>
      tpu.vector_store %arg6[%swap3A_344, %swap3A_345], %swap3A_348 {strides = array<i32>} : memref<32x1024xf32, #tpu.memory_space<vmem>>, vector<1x16xf32>,
      %get3A_349 = arith.index_cast %scan3A_42 : i32 to index
      %get3A_350 = arith.constant 352 : index
      %get3A_351 = tpu.vector_load %arg6[%get3A_349, %get3A_350] {strides = array<i32>} : memref<32x1024xf32, #tpu.memory_space<vmem>>, vector<1x16xf32>,
      %get3A_352 = vector.shape_cast %get3A_351 : vector<1x16xf32> to vector<16xf32>
      %get3A_353 = arith.index_cast %scan3A_42 : i32 to index
      %get3A_354 = arith.constant 352 : index
      %get3A_355 = tpu.vector_load %arg7[%get3A_353, %get3A_354] {strides = array<i32>} : memref<32x1024xf32, #tpu.memory_space<vmem>>, vector<1x16xf32>,
      %get3A_356 = vector.shape_cast %get3A_355 : vector<1x16xf32> to vector<16xf32>
      %add3A_357 = arith.addf %get3A_352, %get3A_356 : vector<16xf32>
      %swap3A_358 = arith.index_cast %scan3A_42 : i32 to index
      %swap3A_359 = arith.constant 352 : index
      %swap3A_360 = tpu.vector_load %arg6[%swap3A_358, %swap3A_359] {strides = array<i32>} : memref<32x1024xf32, #tpu.memory_space<vmem>>, vector<1x16xf32>,
      %swap3A_361 = vector.shape_cast %swap3A_360 : vector<1x16xf32> to vector<16xf32>
      %swap3A_362 = vector.shape_cast %add3A_357 : vector<16xf32> to vector<1x16xf32>
      tpu.vector_store %arg6[%swap3A_358, %swap3A_359], %swap3A_362 {strides = array<i32>} : memref<32x1024xf32, #tpu.memory_space<vmem>>, vector<1x16xf32>,
      %get3A_363 = arith.index_cast %scan3A_42 : i32 to index
      %get3A_364 = arith.constant 368 : index
      %get3A_365 = tpu.vector_load %arg6[%get3A_363, %get3A_364] {strides = array<i32>} : memref<32x1024xf32, #tpu.memory_space<vmem>>, vector<1x16xf32>,
      %get3A_366 = vector.shape_cast %get3A_365 : vector<1x16xf32> to vector<16xf32>
      %get3A_367 = arith.index_cast %scan3A_42 : i32 to index
      %get3A_368 = arith.constant 368 : index
      %get3A_369 = tpu.vector_load %arg7[%get3A_367, %get3A_368] {strides = array<i32>} : memref<32x1024xf32, #tpu.memory_space<vmem>>, vector<1x16xf32>,
      %get3A_370 = vector.shape_cast %get3A_369 : vector<1x16xf32> to vector<16xf32>
      %add3A_371 = arith.addf %get3A_366, %get3A_370 : vector<16xf32>
      %swap3A_372 = arith.index_cast %scan3A_42 : i32 to index
      %swap3A_373 = arith.constant 368 : index
      %swap3A_374 = tpu.vector_load %arg6[%swap3A_372, %swap3A_373] {strides = array<i32>} : memref<32x1024xf32, #tpu.memory_space<vmem>>, vector<1x16xf32>,
      %swap3A_375 = vector.shape_cast %swap3A_374 : vector<1x16xf32> to vector<16xf32>
      %swap3A_376 = vector.shape_cast %add3A_371 : vector<16xf32> to vector<1x16xf32>
      tpu.vector_store %arg6[%swap3A_372, %swap3A_373], %swap3A_376 {strides = array<i32>} : memref<32x1024xf32, #tpu.memory_space<vmem>>, vector<1x16xf32>,
      %get3A_377 = arith.index_cast %scan3A_42 : i32 to index
      %get3A_378 = arith.constant 384 : index
      %get3A_379 = tpu.vector_load %arg6[%get3A_377, %get3A_378] {strides = array<i32>} : memref<32x1024xf32, #tpu.memory_space<vmem>>, vector<1x16xf32>,
      %get3A_380 = vector.shape_cast %get3A_379 : vector<1x16xf32> to vector<16xf32>
      %get3A_381 = arith.index_cast %scan3A_42 : i32 to index
      %get3A_382 = arith.constant 384 : index
      %get3A_383 = tpu.vector_load %arg7[%get3A_381, %get3A_382] {strides = array<i32>} : memref<32x1024xf32, #tpu.memory_space<vmem>>, vector<1x16xf32>,
      %get3A_384 = vector.shape_cast %get3A_383 : vector<1x16xf32> to vector<16xf32>
      %add3A_385 = arith.addf %get3A_380, %get3A_384 : vector<16xf32>
      %swap3A_386 = arith.index_cast %scan3A_42 : i32 to index
      %swap3A_387 = arith.constant 384 : index
      %swap3A_388 = tpu.vector_load %arg6[%swap3A_386, %swap3A_387] {strides = array<i32>} : memref<32x1024xf32, #tpu.memory_space<vmem>>, vector<1x16xf32>,
      %swap3A_389 = vector.shape_cast %swap3A_388 : vector<1x16xf32> to vector<16xf32>
      %swap3A_390 = vector.shape_cast %add3A_385 : vector<16xf32> to vector<1x16xf32>
      tpu.vector_store %arg6[%swap3A_386, %swap3A_387], %swap3A_390 {strides = array<i32>} : memref<32x1024xf32, #tpu.memory_space<vmem>>, vector<1x16xf32>,
      %get3A_391 = arith.index_cast %scan3A_42 : i32 to index
      %get3A_392 = arith.constant 400 : index
      %get3A_393 = tpu.vector_load %arg6[%get3A_391, %get3A_392] {strides = array<i32>} : memref<32x1024xf32, #tpu.memory_space<vmem>>, vector<1x16xf32>,
      %get3A_394 = vector.shape_cast %get3A_393 : vector<1x16xf32> to vector<16xf32>
      %get3A_395 = arith.index_cast %scan3A_42 : i32 to index
      %get3A_396 = arith.constant 400 : index
      %get3A_397 = tpu.vector_load %arg7[%get3A_395, %get3A_396] {strides = array<i32>} : memref<32x1024xf32, #tpu.memory_space<vmem>>, vector<1x16xf32>,
      %get3A_398 = vector.shape_cast %get3A_397 : vector<1x16xf32> to vector<16xf32>
      %add3A_399 = arith.addf %get3A_394, %get3A_398 : vector<16xf32>
      %swap3A_400 = arith.index_cast %scan3A_42 : i32 to index
      %swap3A_401 = arith.constant 400 : index
      %swap3A_402 = tpu.vector_load %arg6[%swap3A_400, %swap3A_401] {strides = array<i32>} : memref<32x1024xf32, #tpu.memory_space<vmem>>, vector<1x16xf32>,
      %swap3A_403 = vector.shape_cast %swap3A_402 : vector<1x16xf32> to vector<16xf32>
      %swap3A_404 = vector.shape_cast %add3A_399 : vector<16xf32> to vector<1x16xf32>
      tpu.vector_store %arg6[%swap3A_400, %swap3A_401], %swap3A_404 {strides = array<i32>} : memref<32x1024xf32, #tpu.memory_space<vmem>>, vector<1x16xf32>,
      %get3A_405 = arith.index_cast %scan3A_42 : i32 to index
      %get3A_406 = arith.constant 416 : index
      %get3A_407 = tpu.vector_load %arg6[%get3A_405, %get3A_406] {strides = array<i32>} : memref<32x1024xf32, #tpu.memory_space<vmem>>, vector<1x16xf32>,
      %get3A_408 = vector.shape_cast %get3A_407 : vector<1x16xf32> to vector<16xf32>
      %get3A_409 = arith.index_cast %scan3A_42 : i32 to index
      %get3A_410 = arith.constant 416 : index
      %get3A_411 = tpu.vector_load %arg7[%get3A_409, %get3A_410] {strides = array<i32>} : memref<32x1024xf32, #tpu.memory_space<vmem>>, vector<1x16xf32>,
      %get3A_412 = vector.shape_cast %get3A_411 : vector<1x16xf32> to vector<16xf32>
      %add3A_413 = arith.addf %get3A_408, %get3A_412 : vector<16xf32>
      %swap3A_414 = arith.index_cast %scan3A_42 : i32 to index
      %swap3A_415 = arith.constant 416 : index
      %swap3A_416 = tpu.vector_load %arg6[%swap3A_414, %swap3A_415] {strides = array<i32>} : memref<32x1024xf32, #tpu.memory_space<vmem>>, vector<1x16xf32>,
      %swap3A_417 = vector.shape_cast %swap3A_416 : vector<1x16xf32> to vector<16xf32>
      %swap3A_418 = vector.shape_cast %add3A_413 : vector<16xf32> to vector<1x16xf32>
      tpu.vector_store %arg6[%swap3A_414, %swap3A_415], %swap3A_418 {strides = array<i32>} : memref<32x1024xf32, #tpu.memory_space<vmem>>, vector<1x16xf32>,
      %get3A_419 = arith.index_cast %scan3A_42 : i32 to index
      %get3A_420 = arith.constant 432 : index
      %get3A_421 = tpu.vector_load %arg6[%get3A_419, %get3A_420] {strides = array<i32>} : memref<32x1024xf32, #tpu.memory_space<vmem>>, vector<1x16xf32>,
      %get3A_422 = vector.shape_cast %get3A_421 : vector<1x16xf32> to vector<16xf32>
      %get3A_423 = arith.index_cast %scan3A_42 : i32 to index
      %get3A_424 = arith.constant 432 : index
      %get3A_425 = tpu.vector_load %arg7[%get3A_423, %get3A_424] {strides = array<i32>} : memref<32x1024xf32, #tpu.memory_space<vmem>>, vector<1x16xf32>,
      %get3A_426 = vector.shape_cast %get3A_425 : vector<1x16xf32> to vector<16xf32>
      %add3A_427 = arith.addf %get3A_422, %get3A_426 : vector<16xf32>
      %swap3A_428 = arith.index_cast %scan3A_42 : i32 to index
      %swap3A_429 = arith.constant 432 : index
      %swap3A_430 = tpu.vector_load %arg6[%swap3A_428, %swap3A_429] {strides = array<i32>} : memref<32x1024xf32, #tpu.memory_space<vmem>>, vector<1x16xf32>,
      %swap3A_431 = vector.shape_cast %swap3A_430 : vector<1x16xf32> to vector<16xf32>
      %swap3A_432 = vector.shape_cast %add3A_427 : vector<16xf32> to vector<1x16xf32>
      tpu.vector_store %arg6[%swap3A_428, %swap3A_429], %swap3A_432 {strides = array<i32>} : memref<32x1024xf32, #tpu.memory_space<vmem>>, vector<1x16xf32>,
      %get3A_433 = arith.index_cast %scan3A_42 : i32 to index
      %get3A_434 = arith.constant 448 : index
      %get3A_435 = tpu.vector_load %arg6[%get3A_433, %get3A_434] {strides = array<i32>} : memref<32x1024xf32, #tpu.memory_space<vmem>>, vector<1x16xf32>,
      %get3A_436 = vector.shape_cast %get3A_435 : vector<1x16xf32> to vector<16xf32>
      %get3A_437 = arith.index_cast %scan3A_42 : i32 to index
      %get3A_438 = arith.constant 448 : index
      %get3A_439 = tpu.vector_load %arg7[%get3A_437, %get3A_438] {strides = array<i32>} : memref<32x1024xf32, #tpu.memory_space<vmem>>, vector<1x16xf32>,
      %get3A_440 = vector.shape_cast %get3A_439 : vector<1x16xf32> to vector<16xf32>
      %add3A_441 = arith.addf %get3A_436, %get3A_440 : vector<16xf32>
      %swap3A_442 = arith.index_cast %scan3A_42 : i32 to index
      %swap3A_443 = arith.constant 448 : index
      %swap3A_444 = tpu.vector_load %arg6[%swap3A_442, %swap3A_443] {strides = array<i32>} : memref<32x1024xf32, #tpu.memory_space<vmem>>, vector<1x16xf32>,
      %swap3A_445 = vector.shape_cast %swap3A_444 : vector<1x16xf32> to vector<16xf32>
      %swap3A_446 = vector.shape_cast %add3A_441 : vector<16xf32> to vector<1x16xf32>
      tpu.vector_store %arg6[%swap3A_442, %swap3A_443], %swap3A_446 {strides = array<i32>} : memref<32x1024xf32, #tpu.memory_space<vmem>>, vector<1x16xf32>,
      %get3A_447 = arith.index_cast %scan3A_42 : i32 to index
      %get3A_448 = arith.constant 464 : index
      %get3A_449 = tpu.vector_load %arg6[%get3A_447, %get3A_448] {strides = array<i32>} : memref<32x1024xf32, #tpu.memory_space<vmem>>, vector<1x16xf32>,
      %get3A_450 = vector.shape_cast %get3A_449 : vector<1x16xf32> to vector<16xf32>
      %get3A_451 = arith.index_cast %scan3A_42 : i32 to index
      %get3A_452 = arith.constant 464 : index
      %get3A_453 = tpu.vector_load %arg7[%get3A_451, %get3A_452] {strides = array<i32>} : memref<32x1024xf32, #tpu.memory_space<vmem>>, vector<1x16xf32>,
      %get3A_454 = vector.shape_cast %get3A_453 : vector<1x16xf32> to vector<16xf32>
      %add3A_455 = arith.addf %get3A_450, %get3A_454 : vector<16xf32>
      %swap3A_456 = arith.index_cast %scan3A_42 : i32 to index
      %swap3A_457 = arith.constant 464 : index
      %swap3A_458 = tpu.vector_load %arg6[%swap3A_456, %swap3A_457] {strides = array<i32>} : memref<32x1024xf32, #tpu.memory_space<vmem>>, vector<1x16xf32>,
      %swap3A_459 = vector.shape_cast %swap3A_458 : vector<1x16xf32> to vector<16xf32>
      %swap3A_460 = vector.shape_cast %add3A_455 : vector<16xf32> to vector<1x16xf32>
      tpu.vector_store %arg6[%swap3A_456, %swap3A_457], %swap3A_460 {strides = array<i32>} : memref<32x1024xf32, #tpu.memory_space<vmem>>, vector<1x16xf32>,
      %get3A_461 = arith.index_cast %scan3A_42 : i32 to index
      %get3A_462 = arith.constant 480 : index
      %get3A_463 = tpu.vector_load %arg6[%get3A_461, %get3A_462] {strides = array<i32>} : memref<32x1024xf32, #tpu.memory_space<vmem>>, vector<1x16xf32>,
      %get3A_464 = vector.shape_cast %get3A_463 : vector<1x16xf32> to vector<16xf32>
      %get3A_465 = arith.index_cast %scan3A_42 : i32 to index
      %get3A_466 = arith.constant 480 : index
      %get3A_467 = tpu.vector_load %arg7[%get3A_465, %get3A_466] {strides = array<i32>} : memref<32x1024xf32, #tpu.memory_space<vmem>>, vector<1x16xf32>,
      %get3A_468 = vector.shape_cast %get3A_467 : vector<1x16xf32> to vector<16xf32>
      %add3A_469 = arith.addf %get3A_464, %get3A_468 : vector<16xf32>
      %swap3A_470 = arith.index_cast %scan3A_42 : i32 to index
      %swap3A_471 = arith.constant 480 : index
      %swap3A_472 = tpu.vector_load %arg6[%swap3A_470, %swap3A_471] {strides = array<i32>} : memref<32x1024xf32, #tpu.memory_space<vmem>>, vector<1x16xf32>,
      %swap3A_473 = vector.shape_cast %swap3A_472 : vector<1x16xf32> to vector<16xf32>
      %swap3A_474 = vector.shape_cast %add3A_469 : vector<16xf32> to vector<1x16xf32>
      tpu.vector_store %arg6[%swap3A_470, %swap3A_471], %swap3A_474 {strides = array<i32>} : memref<32x1024xf32, #tpu.memory_space<vmem>>, vector<1x16xf32>,
      %get3A_475 = arith.index_cast %scan3A_42 : i32 to index
      %get3A_476 = arith.constant 496 : index
      %get3A_477 = tpu.vector_load %arg6[%get3A_475, %get3A_476] {strides = array<i32>} : memref<32x1024xf32, #tpu.memory_space<vmem>>, vector<1x16xf32>,
      %get3A_478 = vector.shape_cast %get3A_477 : vector<1x16xf32> to vector<16xf32>
      %get3A_479 = arith.index_cast %scan3A_42 : i32 to index
      %get3A_480 = arith.constant 496 : index
      %get3A_481 = tpu.vector_load %arg7[%get3A_479, %get3A_480] {strides = array<i32>} : memref<32x1024xf32, #tpu.memory_space<vmem>>, vector<1x16xf32>,
      %get3A_482 = vector.shape_cast %get3A_481 : vector<1x16xf32> to vector<16xf32>
      %add3A_483 = arith.addf %get3A_478, %get3A_482 : vector<16xf32>
      %swap3A_484 = arith.index_cast %scan3A_42 : i32 to index
      %swap3A_485 = arith.constant 496 : index
      %swap3A_486 = tpu.vector_load %arg6[%swap3A_484, %swap3A_485] {strides = array<i32>} : memref<32x1024xf32, #tpu.memory_space<vmem>>, vector<1x16xf32>,
      %swap3A_487 = vector.shape_cast %swap3A_486 : vector<1x16xf32> to vector<16xf32>
      %swap3A_488 = vector.shape_cast %add3A_483 : vector<16xf32> to vector<1x16xf32>
      tpu.vector_store %arg6[%swap3A_484, %swap3A_485], %swap3A_488 {strides = array<i32>} : memref<32x1024xf32, #tpu.memory_space<vmem>>, vector<1x16xf32>,
      %get3A_489 = arith.index_cast %scan3A_42 : i32 to index
      %get3A_490 = arith.constant 512 : index
      %get3A_491 = tpu.vector_load %arg6[%get3A_489, %get3A_490] {strides = array<i32>} : memref<32x1024xf32, #tpu.memory_space<vmem>>, vector<1x16xf32>,
      %get3A_492 = vector.shape_cast %get3A_491 : vector<1x16xf32> to vector<16xf32>
      %get3A_493 = arith.index_cast %scan3A_42 : i32 to index
      %get3A_494 = arith.constant 512 : index
      %get3A_495 = tpu.vector_load %arg7[%get3A_493, %get3A_494] {strides = array<i32>} : memref<32x1024xf32, #tpu.memory_space<vmem>>, vector<1x16xf32>,
      %get3A_496 = vector.shape_cast %get3A_495 : vector<1x16xf32> to vector<16xf32>
      %add3A_497 = arith.addf %get3A_492, %get3A_496 : vector<16xf32>
      %swap3A_498 = arith.index_cast %scan3A_42 : i32 to index
      %swap3A_499 = arith.constant 512 : index
      %swap3A_500 = tpu.vector_load %arg6[%swap3A_498, %swap3A_499] {strides = array<i32>} : memref<32x1024xf32, #tpu.memory_space<vmem>>, vector<1x16xf32>,
      %swap3A_501 = vector.shape_cast %swap3A_500 : vector<1x16xf32> to vector<16xf32>
      %swap3A_502 = vector.shape_cast %add3A_497 : vector<16xf32> to vector<1x16xf32>
      tpu.vector_store %arg6[%swap3A_498, %swap3A_499], %swap3A_502 {strides = array<i32>} : memref<32x1024xf32, #tpu.memory_space<vmem>>, vector<1x16xf32>,
      %get3A_503 = arith.index_cast %scan3A_42 : i32 to index
      %get3A_504 = arith.constant 528 : index
      %get3A_505 = tpu.vector_load %arg6[%get3A_503, %get3A_504] {strides = array<i32>} : memref<32x1024xf32, #tpu.memory_space<vmem>>, vector<1x16xf32>,
      %get3A_506 = vector.shape_cast %get3A_505 : vector<1x16xf32> to vector<16xf32>
      %get3A_507 = arith.index_cast %scan3A_42 : i32 to index
      %get3A_508 = arith.constant 528 : index
      %get3A_509 = tpu.vector_load %arg7[%get3A_507, %get3A_508] {strides = array<i32>} : memref<32x1024xf32, #tpu.memory_space<vmem>>, vector<1x16xf32>,
      %get3A_510 = vector.shape_cast %get3A_509 : vector<1x16xf32> to vector<16xf32>
      %add3A_511 = arith.addf %get3A_506, %get3A_510 : vector<16xf32>
      %swap3A_512 = arith.index_cast %scan3A_42 : i32 to index
      %swap3A_513 = arith.constant 528 : index
      %swap3A_514 = tpu.vector_load %arg6[%swap3A_512, %swap3A_513] {strides = array<i32>} : memref<32x1024xf32, #tpu.memory_space<vmem>>, vector<1x16xf32>,
      %swap3A_515 = vector.shape_cast %swap3A_514 : vector<1x16xf32> to vector<16xf32>
      %swap3A_516 = vector.shape_cast %add3A_511 : vector<16xf32> to vector<1x16xf32>
      tpu.vector_store %arg6[%swap3A_512, %swap3A_513], %swap3A_516 {strides = array<i32>} : memref<32x1024xf32, #tpu.memory_space<vmem>>, vector<1x16xf32>,
      %get3A_517 = arith.index_cast %scan3A_42 : i32 to index
      %get3A_518 = arith.constant 544 : index
      %get3A_519 = tpu.vector_load %arg6[%get3A_517, %get3A_518] {strides = array<i32>} : memref<32x1024xf32, #tpu.memory_space<vmem>>, vector<1x16xf32>,
      %get3A_520 = vector.shape_cast %get3A_519 : vector<1x16xf32> to vector<16xf32>
      %get3A_521 = arith.index_cast %scan3A_42 : i32 to index
      %get3A_522 = arith.constant 544 : index
      %get3A_523 = tpu.vector_load %arg7[%get3A_521, %get3A_522] {strides = array<i32>} : memref<32x1024xf32, #tpu.memory_space<vmem>>, vector<1x16xf32>,
      %get3A_524 = vector.shape_cast %get3A_523 : vector<1x16xf32> to vector<16xf32>
      %add3A_525 = arith.addf %get3A_520, %get3A_524 : vector<16xf32>
      %swap3A_526 = arith.index_cast %scan3A_42 : i32 to index
      %swap3A_527 = arith.constant 544 : index
      %swap3A_528 = tpu.vector_load %arg6[%swap3A_526, %swap3A_527] {strides = array<i32>} : memref<32x1024xf32, #tpu.memory_space<vmem>>, vector<1x16xf32>,
      %swap3A_529 = vector.shape_cast %swap3A_528 : vector<1x16xf32> to vector<16xf32>
      %swap3A_530 = vector.shape_cast %add3A_525 : vector<16xf32> to vector<1x16xf32>
      tpu.vector_store %arg6[%swap3A_526, %swap3A_527], %swap3A_530 {strides = array<i32>} : memref<32x1024xf32, #tpu.memory_space<vmem>>, vector<1x16xf32>,
      %get3A_531 = arith.index_cast %scan3A_42 : i32 to index
      %get3A_532 = arith.constant 560 : index
      %get3A_533 = tpu.vector_load %arg6[%get3A_531, %get3A_532] {strides = array<i32>} : memref<32x1024xf32, #tpu.memory_space<vmem>>, vector<1x16xf32>,
      %get3A_534 = vector.shape_cast %get3A_533 : vector<1x16xf32> to vector<16xf32>
      %get3A_535 = arith.index_cast %scan3A_42 : i32 to index
      %get3A_536 = arith.constant 560 : index
      %get3A_537 = tpu.vector_load %arg7[%get3A_535, %get3A_536] {strides = array<i32>} : memref<32x1024xf32, #tpu.memory_space<vmem>>, vector<1x16xf32>,
      %get3A_538 = vector.shape_cast %get3A_537 : vector<1x16xf32> to vector<16xf32>
      %add3A_539 = arith.addf %get3A_534, %get3A_538 : vector<16xf32>
      %swap3A_540 = arith.index_cast %scan3A_42 : i32 to index
      %swap3A_541 = arith.constant 560 : index
      %swap3A_542 = tpu.vector_load %arg6[%swap3A_540, %swap3A_541] {strides = array<i32>} : memref<32x1024xf32, #tpu.memory_space<vmem>>, vector<1x16xf32>,
      %swap3A_543 = vector.shape_cast %swap3A_542 : vector<1x16xf32> to vector<16xf32>
      %swap3A_544 = vector.shape_cast %add3A_539 : vector<16xf32> to vector<1x16xf32>
      tpu.vector_store %arg6[%swap3A_540, %swap3A_541], %swap3A_544 {strides = array<i32>} : memref<32x1024xf32, #tpu.memory_space<vmem>>, vector<1x16xf32>,
      %get3A_545 = arith.index_cast %scan3A_42 : i32 to index
      %get3A_546 = arith.constant 576 : index
      %get3A_547 = tpu.vector_load %arg6[%get3A_545, %get3A_546] {strides = array<i32>} : memref<32x1024xf32, #tpu.memory_space<vmem>>, vector<1x16xf32>,
      %get3A_548 = vector.shape_cast %get3A_547 : vector<1x16xf32> to vector<16xf32>
      %get3A_549 = arith.index_cast %scan3A_42 : i32 to index
      %get3A_550 = arith.constant 576 : index
      %get3A_551 = tpu.vector_load %arg7[%get3A_549, %get3A_550] {strides = array<i32>} : memref<32x1024xf32, #tpu.memory_space<vmem>>, vector<1x16xf32>,
      %get3A_552 = vector.shape_cast %get3A_551 : vector<1x16xf32> to vector<16xf32>
      %add3A_553 = arith.addf %get3A_548, %get3A_552 : vector<16xf32>
      %swap3A_554 = arith.index_cast %scan3A_42 : i32 to index
      %swap3A_555 = arith.constant 576 : index
      %swap3A_556 = tpu.vector_load %arg6[%swap3A_554, %swap3A_555] {strides = array<i32>} : memref<32x1024xf32, #tpu.memory_space<vmem>>, vector<1x16xf32>,
      %swap3A_557 = vector.shape_cast %swap3A_556 : vector<1x16xf32> to vector<16xf32>
      %swap3A_558 = vector.shape_cast %add3A_553 : vector<16xf32> to vector<1x16xf32>
      tpu.vector_store %arg6[%swap3A_554, %swap3A_555], %swap3A_558 {strides = array<i32>} : memref<32x1024xf32, #tpu.memory_space<vmem>>, vector<1x16xf32>,
      %get3A_559 = arith.index_cast %scan3A_42 : i32 to index
      %get3A_560 = arith.constant 592 : index
      %get3A_561 = tpu.vector_load %arg6[%get3A_559, %get3A_560] {strides = array<i32>} : memref<32x1024xf32, #tpu.memory_space<vmem>>, vector<1x16xf32>,
      %get3A_562 = vector.shape_cast %get3A_561 : vector<1x16xf32> to vector<16xf32>
      %get3A_563 = arith.index_cast %scan3A_42 : i32 to index
      %get3A_564 = arith.constant 592 : index
      %get3A_565 = tpu.vector_load %arg7[%get3A_563, %get3A_564] {strides = array<i32>} : memref<32x1024xf32, #tpu.memory_space<vmem>>, vector<1x16xf32>,
      %get3A_566 = vector.shape_cast %get3A_565 : vector<1x16xf32> to vector<16xf32>
      %add3A_567 = arith.addf %get3A_562, %get3A_566 : vector<16xf32>
      %swap3A_568 = arith.index_cast %scan3A_42 : i32 to index
      %swap3A_569 = arith.constant 592 : index
      %swap3A_570 = tpu.vector_load %arg6[%swap3A_568, %swap3A_569] {strides = array<i32>} : memref<32x1024xf32, #tpu.memory_space<vmem>>, vector<1x16xf32>,
      %swap3A_571 = vector.shape_cast %swap3A_570 : vector<1x16xf32> to vector<16xf32>
      %swap3A_572 = vector.shape_cast %add3A_567 : vector<16xf32> to vector<1x16xf32>
      tpu.vector_store %arg6[%swap3A_568, %swap3A_569], %swap3A_572 {strides = array<i32>} : memref<32x1024xf32, #tpu.memory_space<vmem>>, vector<1x16xf32>,
      %get3A_573 = arith.index_cast %scan3A_42 : i32 to index
      %get3A_574 = arith.constant 608 : index
      %get3A_575 = tpu.vector_load %arg6[%get3A_573, %get3A_574] {strides = array<i32>} : memref<32x1024xf32, #tpu.memory_space<vmem>>, vector<1x16xf32>,
      %get3A_576 = vector.shape_cast %get3A_575 : vector<1x16xf32> to vector<16xf32>
      %get3A_577 = arith.index_cast %scan3A_42 : i32 to index
      %get3A_578 = arith.constant 608 : index
      %get3A_579 = tpu.vector_load %arg7[%get3A_577, %get3A_578] {strides = array<i32>} : memref<32x1024xf32, #tpu.memory_space<vmem>>, vector<1x16xf32>,
      %get3A_580 = vector.shape_cast %get3A_579 : vector<1x16xf32> to vector<16xf32>
      %add3A_581 = arith.addf %get3A_576, %get3A_580 : vector<16xf32>
      %swap3A_582 = arith.index_cast %scan3A_42 : i32 to index
      %swap3A_583 = arith.constant 608 : index
      %swap3A_584 = tpu.vector_load %arg6[%swap3A_582, %swap3A_583] {strides = array<i32>} : memref<32x1024xf32, #tpu.memory_space<vmem>>, vector<1x16xf32>,
      %swap3A_585 = vector.shape_cast %swap3A_584 : vector<1x16xf32> to vector<16xf32>
      %swap3A_586 = vector.shape_cast %add3A_581 : vector<16xf32> to vector<1x16xf32>
      tpu.vector_store %arg6[%swap3A_582, %swap3A_583], %swap3A_586 {strides = array<i32>} : memref<32x1024xf32, #tpu.memory_space<vmem>>, vector<1x16xf32>,
      %get3A_587 = arith.index_cast %scan3A_42 : i32 to index
      %get3A_588 = arith.constant 624 : index
      %get3A_589 = tpu.vector_load %arg6[%get3A_587, %get3A_588] {strides = array<i32>} : memref<32x1024xf32, #tpu.memory_space<vmem>>, vector<1x16xf32>,
      %get3A_590 = vector.shape_cast %get3A_589 : vector<1x16xf32> to vector<16xf32>
      %get3A_591 = arith.index_cast %scan3A_42 : i32 to index
      %get3A_592 = arith.constant 624 : index
      %get3A_593 = tpu.vector_load %arg7[%get3A_591, %get3A_592] {strides = array<i32>} : memref<32x1024xf32, #tpu.memory_space<vmem>>, vector<1x16xf32>,
      %get3A_594 = vector.shape_cast %get3A_593 : vector<1x16xf32> to vector<16xf32>
      %add3A_595 = arith.addf %get3A_590, %get3A_594 : vector<16xf32>
      %swap3A_596 = arith.index_cast %scan3A_42 : i32 to index
      %swap3A_597 = arith.constant 624 : index
      %swap3A_598 = tpu.vector_load %arg6[%swap3A_596, %swap3A_597] {strides = array<i32>} : memref<32x1024xf32, #tpu.memory_space<vmem>>, vector<1x16xf32>,
      %swap3A_599 = vector.shape_cast %swap3A_598 : vector<1x16xf32> to vector<16xf32>
      %swap3A_600 = vector.shape_cast %add3A_595 : vector<16xf32> to vector<1x16xf32>
      tpu.vector_store %arg6[%swap3A_596, %swap3A_597], %swap3A_600 {strides = array<i32>} : memref<32x1024xf32, #tpu.memory_space<vmem>>, vector<1x16xf32>,
      %get3A_601 = arith.index_cast %scan3A_42 : i32 to index
      %get3A_602 = arith.constant 640 : index
      %get3A_603 = tpu.vector_load %arg6[%get3A_601, %get3A_602] {strides = array<i32>} : memref<32x1024xf32, #tpu.memory_space<vmem>>, vector<1x16xf32>,
      %get3A_604 = vector.shape_cast %get3A_603 : vector<1x16xf32> to vector<16xf32>
      %get3A_605 = arith.index_cast %scan3A_42 : i32 to index
      %get3A_606 = arith.constant 640 : index
      %get3A_607 = tpu.vector_load %arg7[%get3A_605, %get3A_606] {strides = array<i32>} : memref<32x1024xf32, #tpu.memory_space<vmem>>, vector<1x16xf32>,
      %get3A_608 = vector.shape_cast %get3A_607 : vector<1x16xf32> to vector<16xf32>
      %add3A_609 = arith.addf %get3A_604, %get3A_608 : vector<16xf32>
      %swap3A_610 = arith.index_cast %scan3A_42 : i32 to index
      %swap3A_611 = arith.constant 640 : index
      %swap3A_612 = tpu.vector_load %arg6[%swap3A_610, %swap3A_611] {strides = array<i32>} : memref<32x1024xf32, #tpu.memory_space<vmem>>, vector<1x16xf32>,
      %swap3A_613 = vector.shape_cast %swap3A_612 : vector<1x16xf32> to vector<16xf32>
      %swap3A_614 = vector.shape_cast %add3A_609 : vector<16xf32> to vector<1x16xf32>
      tpu.vector_store %arg6[%swap3A_610, %swap3A_611], %swap3A_614 {strides = array<i32>} : memref<32x1024xf32, #tpu.memory_space<vmem>>, vector<1x16xf32>,
      %get3A_615 = arith.index_cast %scan3A_42 : i32 to index
      %get3A_616 = arith.constant 656 : index
      %get3A_617 = tpu.vector_load %arg6[%get3A_615, %get3A_616] {strides = array<i32>} : memref<32x1024xf32, #tpu.memory_space<vmem>>, vector<1x16xf32>,
      %get3A_618 = vector.shape_cast %get3A_617 : vector<1x16xf32> to vector<16xf32>
      %get3A_619 = arith.index_cast %scan3A_42 : i32 to index
      %get3A_620 = arith.constant 656 : index
      %get3A_621 = tpu.vector_load %arg7[%get3A_619, %get3A_620] {strides = array<i32>} : memref<32x1024xf32, #tpu.memory_space<vmem>>, vector<1x16xf32>,
      %get3A_622 = vector.shape_cast %get3A_621 : vector<1x16xf32> to vector<16xf32>
      %add3A_623 = arith.addf %get3A_618, %get3A_622 : vector<16xf32>
      %swap3A_624 = arith.index_cast %scan3A_42 : i32 to index
      %swap3A_625 = arith.constant 656 : index
      %swap3A_626 = tpu.vector_load %arg6[%swap3A_624, %swap3A_625] {strides = array<i32>} : memref<32x1024xf32, #tpu.memory_space<vmem>>, vector<1x16xf32>,
      %swap3A_627 = vector.shape_cast %swap3A_626 : vector<1x16xf32> to vector<16xf32>
      %swap3A_628 = vector.shape_cast %add3A_623 : vector<16xf32> to vector<1x16xf32>
      tpu.vector_store %arg6[%swap3A_624, %swap3A_625], %swap3A_628 {strides = array<i32>} : memref<32x1024xf32, #tpu.memory_space<vmem>>, vector<1x16xf32>,
      %get3A_629 = arith.index_cast %scan3A_42 : i32 to index
      %get3A_630 = arith.constant 672 : index
      %get3A_631 = tpu.vector_load %arg6[%get3A_629, %get3A_630] {strides = array<i32>} : memref<32x1024xf32, #tpu.memory_space<vmem>>, vector<1x16xf32>,
      %get3A_632 = vector.shape_cast %get3A_631 : vector<1x16xf32> to vector<16xf32>
      %get3A_633 = arith.index_cast %scan3A_42 : i32 to index
      %get3A_634 = arith.constant 672 : index
      %get3A_635 = tpu.vector_load %arg7[%get3A_633, %get3A_634] {strides = array<i32>} : memref<32x1024xf32, #tpu.memory_space<vmem>>, vector<1x16xf32>,
      %get3A_636 = vector.shape_cast %get3A_635 : vector<1x16xf32> to vector<16xf32>
      %add3A_637 = arith.addf %get3A_632, %get3A_636 : vector<16xf32>
      %swap3A_638 = arith.index_cast %scan3A_42 : i32 to index
      %swap3A_639 = arith.constant 672 : index
      %swap3A_640 = tpu.vector_load %arg6[%swap3A_638, %swap3A_639] {strides = array<i32>} : memref<32x1024xf32, #tpu.memory_space<vmem>>, vector<1x16xf32>,
      %swap3A_641 = vector.shape_cast %swap3A_640 : vector<1x16xf32> to vector<16xf32>
      %swap3A_642 = vector.shape_cast %add3A_637 : vector<16xf32> to vector<1x16xf32>
      tpu.vector_store %arg6[%swap3A_638, %swap3A_639], %swap3A_642 {strides = array<i32>} : memref<32x1024xf32, #tpu.memory_space<vmem>>, vector<1x16xf32>,
      %get3A_643 = arith.index_cast %scan3A_42 : i32 to index
      %get3A_644 = arith.constant 688 : index
      %get3A_645 = tpu.vector_load %arg6[%get3A_643, %get3A_644] {strides = array<i32>} : memref<32x1024xf32, #tpu.memory_space<vmem>>, vector<1x16xf32>,
      %get3A_646 = vector.shape_cast %get3A_645 : vector<1x16xf32> to vector<16xf32>
      %get3A_647 = arith.index_cast %scan3A_42 : i32 to index
      %get3A_648 = arith.constant 688 : index
      %get3A_649 = tpu.vector_load %arg7[%get3A_647, %get3A_648] {strides = array<i32>} : memref<32x1024xf32, #tpu.memory_space<vmem>>, vector<1x16xf32>,
      %get3A_650 = vector.shape_cast %get3A_649 : vector<1x16xf32> to vector<16xf32>
      %add3A_651 = arith.addf %get3A_646, %get3A_650 : vector<16xf32>
      %swap3A_652 = arith.index_cast %scan3A_42 : i32 to index
      %swap3A_653 = arith.constant 688 : index
      %swap3A_654 = tpu.vector_load %arg6[%swap3A_652, %swap3A_653] {strides = array<i32>} : memref<32x1024xf32, #tpu.memory_space<vmem>>, vector<1x16xf32>,
      %swap3A_655 = vector.shape_cast %swap3A_654 : vector<1x16xf32> to vector<16xf32>
      %swap3A_656 = vector.shape_cast %add3A_651 : vector<16xf32> to vector<1x16xf32>
      tpu.vector_store %arg6[%swap3A_652, %swap3A_653], %swap3A_656 {strides = array<i32>} : memref<32x1024xf32, #tpu.memory_space<vmem>>, vector<1x16xf32>,
      %get3A_657 = arith.index_cast %scan3A_42 : i32 to index
      %get3A_658 = arith.constant 704 : index
      %get3A_659 = tpu.vector_load %arg6[%get3A_657, %get3A_658] {strides = array<i32>} : memref<32x1024xf32, #tpu.memory_space<vmem>>, vector<1x16xf32>,
      %get3A_660 = vector.shape_cast %get3A_659 : vector<1x16xf32> to vector<16xf32>
      %get3A_661 = arith.index_cast %scan3A_42 : i32 to index
      %get3A_662 = arith.constant 704 : index
      %get3A_663 = tpu.vector_load %arg7[%get3A_661, %get3A_662] {strides = array<i32>} : memref<32x1024xf32, #tpu.memory_space<vmem>>, vector<1x16xf32>,
      %get3A_664 = vector.shape_cast %get3A_663 : vector<1x16xf32> to vector<16xf32>
      %add3A_665 = arith.addf %get3A_660, %get3A_664 : vector<16xf32>
      %swap3A_666 = arith.index_cast %scan3A_42 : i32 to index
      %swap3A_667 = arith.constant 704 : index
      %swap3A_668 = tpu.vector_load %arg6[%swap3A_666, %swap3A_667] {strides = array<i32>} : memref<32x1024xf32, #tpu.memory_space<vmem>>, vector<1x16xf32>,
      %swap3A_669 = vector.shape_cast %swap3A_668 : vector<1x16xf32> to vector<16xf32>
      %swap3A_670 = vector.shape_cast %add3A_665 : vector<16xf32> to vector<1x16xf32>
      tpu.vector_store %arg6[%swap3A_666, %swap3A_667], %swap3A_670 {strides = array<i32>} : memref<32x1024xf32, #tpu.memory_space<vmem>>, vector<1x16xf32>,
      %get3A_671 = arith.index_cast %scan3A_42 : i32 to index
      %get3A_672 = arith.constant 720 : index
      %get3A_673 = tpu.vector_load %arg6[%get3A_671, %get3A_672] {strides = array<i32>} : memref<32x1024xf32, #tpu.memory_space<vmem>>, vector<1x16xf32>,
      %get3A_674 = vector.shape_cast %get3A_673 : vector<1x16xf32> to vector<16xf32>
      %get3A_675 = arith.index_cast %scan3A_42 : i32 to index
      %get3A_676 = arith.constant 720 : index
      %get3A_677 = tpu.vector_load %arg7[%get3A_675, %get3A_676] {strides = array<i32>} : memref<32x1024xf32, #tpu.memory_space<vmem>>, vector<1x16xf32>,
      %get3A_678 = vector.shape_cast %get3A_677 : vector<1x16xf32> to vector<16xf32>
      %add3A_679 = arith.addf %get3A_674, %get3A_678 : vector<16xf32>
      %swap3A_680 = arith.index_cast %scan3A_42 : i32 to index
      %swap3A_681 = arith.constant 720 : index
      %swap3A_682 = tpu.vector_load %arg6[%swap3A_680, %swap3A_681] {strides = array<i32>} : memref<32x1024xf32, #tpu.memory_space<vmem>>, vector<1x16xf32>,
      %swap3A_683 = vector.shape_cast %swap3A_682 : vector<1x16xf32> to vector<16xf32>
      %swap3A_684 = vector.shape_cast %add3A_679 : vector<16xf32> to vector<1x16xf32>
      tpu.vector_store %arg6[%swap3A_680, %swap3A_681], %swap3A_684 {strides = array<i32>} : memref<32x1024xf32, #tpu.memory_space<vmem>>, vector<1x16xf32>,
      %get3A_685 = arith.index_cast %scan3A_42 : i32 to index
      %get3A_686 = arith.constant 736 : index
      %get3A_687 = tpu.vector_load %arg6[%get3A_685, %get3A_686] {strides = array<i32>} : memref<32x1024xf32, #tpu.memory_space<vmem>>, vector<1x16xf32>,
      %get3A_688 = vector.shape_cast %get3A_687 : vector<1x16xf32> to vector<16xf32>
      %get3A_689 = arith.index_cast %scan3A_42 : i32 to index
      %get3A_690 = arith.constant 736 : index
      %get3A_691 = tpu.vector_load %arg7[%get3A_689, %get3A_690] {strides = array<i32>} : memref<32x1024xf32, #tpu.memory_space<vmem>>, vector<1x16xf32>,
      %get3A_692 = vector.shape_cast %get3A_691 : vector<1x16xf32> to vector<16xf32>
      %add3A_693 = arith.addf %get3A_688, %get3A_692 : vector<16xf32>
      %swap3A_694 = arith.index_cast %scan3A_42 : i32 to index
      %swap3A_695 = arith.constant 736 : index
      %swap3A_696 = tpu.vector_load %arg6[%swap3A_694, %swap3A_695] {strides = array<i32>} : memref<32x1024xf32, #tpu.memory_space<vmem>>, vector<1x16xf32>,
      %swap3A_697 = vector.shape_cast %swap3A_696 : vector<1x16xf32> to vector<16xf32>
      %swap3A_698 = vector.shape_cast %add3A_693 : vector<16xf32> to vector<1x16xf32>
      tpu.vector_store %arg6[%swap3A_694, %swap3A_695], %swap3A_698 {strides = array<i32>} : memref<32x1024xf32, #tpu.memory_space<vmem>>, vector<1x16xf32>,
      %get3A_699 = arith.index_cast %scan3A_42 : i32 to index
      %get3A_700 = arith.constant 752 : index
      %get3A_701 = tpu.vector_load %arg6[%get3A_699, %get3A_700] {strides = array<i32>} : memref<32x1024xf32, #tpu.memory_space<vmem>>, vector<1x16xf32>,
      %get3A_702 = vector.shape_cast %get3A_701 : vector<1x16xf32> to vector<16xf32>
      %get3A_703 = arith.index_cast %scan3A_42 : i32 to index
      %get3A_704 = arith.constant 752 : index
      %get3A_705 = tpu.vector_load %arg7[%get3A_703, %get3A_704] {strides = array<i32>} : memref<32x1024xf32, #tpu.memory_space<vmem>>, vector<1x16xf32>,
      %get3A_706 = vector.shape_cast %get3A_705 : vector<1x16xf32> to vector<16xf32>
      %add3A_707 = arith.addf %get3A_702, %get3A_706 : vector<16xf32>
      %swap3A_708 = arith.index_cast %scan3A_42 : i32 to index
      %swap3A_709 = arith.constant 752 : index
      %swap3A_710 = tpu.vector_load %arg6[%swap3A_708, %swap3A_709] {strides = array<i32>} : memref<32x1024xf32, #tpu.memory_space<vmem>>, vector<1x16xf32>,
      %swap3A_711 = vector.shape_cast %swap3A_710 : vector<1x16xf32> to vector<16xf32>
      %swap3A_712 = vector.shape_cast %add3A_707 : vector<16xf32> to vector<1x16xf32>
      tpu.vector_store %arg6[%swap3A_708, %swap3A_709], %swap3A_712 {strides = array<i32>} : memref<32x1024xf32, #tpu.memory_space<vmem>>, vector<1x16xf32>,
      %get3A_713 = arith.index_cast %scan3A_42 : i32 to index
      %get3A_714 = arith.constant 768 : index
      %get3A_715 = tpu.vector_load %arg6[%get3A_713, %get3A_714] {strides = array<i32>} : memref<32x1024xf32, #tpu.memory_space<vmem>>, vector<1x16xf32>,
      %get3A_716 = vector.shape_cast %get3A_715 : vector<1x16xf32> to vector<16xf32>
      %get3A_717 = arith.index_cast %scan3A_42 : i32 to index
      %get3A_718 = arith.constant 768 : index
      %get3A_719 = tpu.vector_load %arg7[%get3A_717, %get3A_718] {strides = array<i32>} : memref<32x1024xf32, #tpu.memory_space<vmem>>, vector<1x16xf32>,
      %get3A_720 = vector.shape_cast %get3A_719 : vector<1x16xf32> to vector<16xf32>
      %add3A_721 = arith.addf %get3A_716, %get3A_720 : vector<16xf32>
      %swap3A_722 = arith.index_cast %scan3A_42 : i32 to index
      %swap3A_723 = arith.constant 768 : index
      %swap3A_724 = tpu.vector_load %arg6[%swap3A_722, %swap3A_723] {strides = array<i32>} : memref<32x1024xf32, #tpu.memory_space<vmem>>, vector<1x16xf32>,
      %swap3A_725 = vector.shape_cast %swap3A_724 : vector<1x16xf32> to vector<16xf32>
      %swap3A_726 = vector.shape_cast %add3A_721 : vector<16xf32> to vector<1x16xf32>
      tpu.vector_store %arg6[%swap3A_722, %swap3A_723], %swap3A_726 {strides = array<i32>} : memref<32x1024xf32, #tpu.memory_space<vmem>>, vector<1x16xf32>,
      %get3A_727 = arith.index_cast %scan3A_42 : i32 to index
      %get3A_728 = arith.constant 784 : index
      %get3A_729 = tpu.vector_load %arg6[%get3A_727, %get3A_728] {strides = array<i32>} : memref<32x1024xf32, #tpu.memory_space<vmem>>, vector<1x16xf32>,
      %get3A_730 = vector.shape_cast %get3A_729 : vector<1x16xf32> to vector<16xf32>
      %get3A_731 = arith.index_cast %scan3A_42 : i32 to index
      %get3A_732 = arith.constant 784 : index
      %get3A_733 = tpu.vector_load %arg7[%get3A_731, %get3A_732] {strides = array<i32>} : memref<32x1024xf32, #tpu.memory_space<vmem>>, vector<1x16xf32>,
      %get3A_734 = vector.shape_cast %get3A_733 : vector<1x16xf32> to vector<16xf32>
      %add3A_735 = arith.addf %get3A_730, %get3A_734 : vector<16xf32>
      %swap3A_736 = arith.index_cast %scan3A_42 : i32 to index
      %swap3A_737 = arith.constant 784 : index
      %swap3A_738 = tpu.vector_load %arg6[%swap3A_736, %swap3A_737] {strides = array<i32>} : memref<32x1024xf32, #tpu.memory_space<vmem>>, vector<1x16xf32>,
      %swap3A_739 = vector.shape_cast %swap3A_738 : vector<1x16xf32> to vector<16xf32>
      %swap3A_740 = vector.shape_cast %add3A_735 : vector<16xf32> to vector<1x16xf32>
      tpu.vector_store %arg6[%swap3A_736, %swap3A_737], %swap3A_740 {strides = array<i32>} : memref<32x1024xf32, #tpu.memory_space<vmem>>, vector<1x16xf32>,
      %get3A_741 = arith.index_cast %scan3A_42 : i32 to index
      %get3A_742 = arith.constant 800 : index
      %get3A_743 = tpu.vector_load %arg6[%get3A_741, %get3A_742] {strides = array<i32>} : memref<32x1024xf32, #tpu.memory_space<vmem>>, vector<1x16xf32>,
      %get3A_744 = vector.shape_cast %get3A_743 : vector<1x16xf32> to vector<16xf32>
      %get3A_745 = arith.index_cast %scan3A_42 : i32 to index
      %get3A_746 = arith.constant 800 : index
      %get3A_747 = tpu.vector_load %arg7[%get3A_745, %get3A_746] {strides = array<i32>} : memref<32x1024xf32, #tpu.memory_space<vmem>>, vector<1x16xf32>,
      %get3A_748 = vector.shape_cast %get3A_747 : vector<1x16xf32> to vector<16xf32>
      %add3A_749 = arith.addf %get3A_744, %get3A_748 : vector<16xf32>
      %swap3A_750 = arith.index_cast %scan3A_42 : i32 to index
      %swap3A_751 = arith.constant 800 : index
      %swap3A_752 = tpu.vector_load %arg6[%swap3A_750, %swap3A_751] {strides = array<i32>} : memref<32x1024xf32, #tpu.memory_space<vmem>>, vector<1x16xf32>,
      %swap3A_753 = vector.shape_cast %swap3A_752 : vector<1x16xf32> to vector<16xf32>
      %swap3A_754 = vector.shape_cast %add3A_749 : vector<16xf32> to vector<1x16xf32>
      tpu.vector_store %arg6[%swap3A_750, %swap3A_751], %swap3A_754 {strides = array<i32>} : memref<32x1024xf32, #tpu.memory_space<vmem>>, vector<1x16xf32>,
      %get3A_755 = arith.index_cast %scan3A_42 : i32 to index
      %get3A_756 = arith.constant 816 : index
      %get3A_757 = tpu.vector_load %arg6[%get3A_755, %get3A_756] {strides = array<i32>} : memref<32x1024xf32, #tpu.memory_space<vmem>>, vector<1x16xf32>,
      %get3A_758 = vector.shape_cast %get3A_757 : vector<1x16xf32> to vector<16xf32>
      %get3A_759 = arith.index_cast %scan3A_42 : i32 to index
      %get3A_760 = arith.constant 816 : index
      %get3A_761 = tpu.vector_load %arg7[%get3A_759, %get3A_760] {strides = array<i32>} : memref<32x1024xf32, #tpu.memory_space<vmem>>, vector<1x16xf32>,
      %get3A_762 = vector.shape_cast %get3A_761 : vector<1x16xf32> to vector<16xf32>
      %add3A_763 = arith.addf %get3A_758, %get3A_762 : vector<16xf32>
      %swap3A_764 = arith.index_cast %scan3A_42 : i32 to index
      %swap3A_765 = arith.constant 816 : index
      %swap3A_766 = tpu.vector_load %arg6[%swap3A_764, %swap3A_765] {strides = array<i32>} : memref<32x1024xf32, #tpu.memory_space<vmem>>, vector<1x16xf32>,
      %swap3A_767 = vector.shape_cast %swap3A_766 : vector<1x16xf32> to vector<16xf32>
      %swap3A_768 = vector.shape_cast %add3A_763 : vector<16xf32> to vector<1x16xf32>
      tpu.vector_store %arg6[%swap3A_764, %swap3A_765], %swap3A_768 {strides = array<i32>} : memref<32x1024xf32, #tpu.memory_space<vmem>>, vector<1x16xf32>,
      %get3A_769 = arith.index_cast %scan3A_42 : i32 to index
      %get3A_770 = arith.constant 832 : index
      %get3A_771 = tpu.vector_load %arg6[%get3A_769, %get3A_770] {strides = array<i32>} : memref<32x1024xf32, #tpu.memory_space<vmem>>, vector<1x16xf32>,
      %get3A_772 = vector.shape_cast %get3A_771 : vector<1x16xf32> to vector<16xf32>
      %get3A_773 = arith.index_cast %scan3A_42 : i32 to index
      %get3A_774 = arith.constant 832 : index
      %get3A_775 = tpu.vector_load %arg7[%get3A_773, %get3A_774] {strides = array<i32>} : memref<32x1024xf32, #tpu.memory_space<vmem>>, vector<1x16xf32>,
      %get3A_776 = vector.shape_cast %get3A_775 : vector<1x16xf32> to vector<16xf32>
      %add3A_777 = arith.addf %get3A_772, %get3A_776 : vector<16xf32>
      %swap3A_778 = arith.index_cast %scan3A_42 : i32 to index
      %swap3A_779 = arith.constant 832 : index
      %swap3A_780 = tpu.vector_load %arg6[%swap3A_778, %swap3A_779] {strides = array<i32>} : memref<32x1024xf32, #tpu.memory_space<vmem>>, vector<1x16xf32>,
      %swap3A_781 = vector.shape_cast %swap3A_780 : vector<1x16xf32> to vector<16xf32>
      %swap3A_782 = vector.shape_cast %add3A_777 : vector<16xf32> to vector<1x16xf32>
      tpu.vector_store %arg6[%swap3A_778, %swap3A_779], %swap3A_782 {strides = array<i32>} : memref<32x1024xf32, #tpu.memory_space<vmem>>, vector<1x16xf32>,
      %get3A_783 = arith.index_cast %scan3A_42 : i32 to index
      %get3A_784 = arith.constant 848 : index
      %get3A_785 = tpu.vector_load %arg6[%get3A_783, %get3A_784] {strides = array<i32>} : memref<32x1024xf32, #tpu.memory_space<vmem>>, vector<1x16xf32>,
      %get3A_786 = vector.shape_cast %get3A_785 : vector<1x16xf32> to vector<16xf32>
      %get3A_787 = arith.index_cast %scan3A_42 : i32 to index
      %get3A_788 = arith.constant 848 : index
      %get3A_789 = tpu.vector_load %arg7[%get3A_787, %get3A_788] {strides = array<i32>} : memref<32x1024xf32, #tpu.memory_space<vmem>>, vector<1x16xf32>,
      %get3A_790 = vector.shape_cast %get3A_789 : vector<1x16xf32> to vector<16xf32>
      %add3A_791 = arith.addf %get3A_786, %get3A_790 : vector<16xf32>
      %swap3A_792 = arith.index_cast %scan3A_42 : i32 to index
      %swap3A_793 = arith.constant 848 : index
      %swap3A_794 = tpu.vector_load %arg6[%swap3A_792, %swap3A_793] {strides = array<i32>} : memref<32x1024xf32, #tpu.memory_space<vmem>>, vector<1x16xf32>,
      %swap3A_795 = vector.shape_cast %swap3A_794 : vector<1x16xf32> to vector<16xf32>
      %swap3A_796 = vector.shape_cast %add3A_791 : vector<16xf32> to vector<1x16xf32>
      tpu.vector_store %arg6[%swap3A_792, %swap3A_793], %swap3A_796 {strides = array<i32>} : memref<32x1024xf32, #tpu.memory_space<vmem>>, vector<1x16xf32>,
      %get3A_797 = arith.index_cast %scan3A_42 : i32 to index
      %get3A_798 = arith.constant 864 : index
      %get3A_799 = tpu.vector_load %arg6[%get3A_797, %get3A_798] {strides = array<i32>} : memref<32x1024xf32, #tpu.memory_space<vmem>>, vector<1x16xf32>,
      %get3A_800 = vector.shape_cast %get3A_799 : vector<1x16xf32> to vector<16xf32>
      %get3A_801 = arith.index_cast %scan3A_42 : i32 to index
      %get3A_802 = arith.constant 864 : index
      %get3A_803 = tpu.vector_load %arg7[%get3A_801, %get3A_802] {strides = array<i32>} : memref<32x1024xf32, #tpu.memory_space<vmem>>, vector<1x16xf32>,
      %get3A_804 = vector.shape_cast %get3A_803 : vector<1x16xf32> to vector<16xf32>
      %add3A_805 = arith.addf %get3A_800, %get3A_804 : vector<16xf32>
      %swap3A_806 = arith.index_cast %scan3A_42 : i32 to index
      %swap3A_807 = arith.constant 864 : index
      %swap3A_808 = tpu.vector_load %arg6[%swap3A_806, %swap3A_807] {strides = array<i32>} : memref<32x1024xf32, #tpu.memory_space<vmem>>, vector<1x16xf32>,
      %swap3A_809 = vector.shape_cast %swap3A_808 : vector<1x16xf32> to vector<16xf32>
      %swap3A_810 = vector.shape_cast %add3A_805 : vector<16xf32> to vector<1x16xf32>
      tpu.vector_store %arg6[%swap3A_806, %swap3A_807], %swap3A_810 {strides = array<i32>} : memref<32x1024xf32, #tpu.memory_space<vmem>>, vector<1x16xf32>,
      %get3A_811 = arith.index_cast %scan3A_42 : i32 to index
      %get3A_812 = arith.constant 880 : index
      %get3A_813 = tpu.vector_load %arg6[%get3A_811, %get3A_812] {strides = array<i32>} : memref<32x1024xf32, #tpu.memory_space<vmem>>, vector<1x16xf32>,
      %get3A_814 = vector.shape_cast %get3A_813 : vector<1x16xf32> to vector<16xf32>
      %get3A_815 = arith.index_cast %scan3A_42 : i32 to index
      %get3A_816 = arith.constant 880 : index
      %get3A_817 = tpu.vector_load %arg7[%get3A_815, %get3A_816] {strides = array<i32>} : memref<32x1024xf32, #tpu.memory_space<vmem>>, vector<1x16xf32>,
      %get3A_818 = vector.shape_cast %get3A_817 : vector<1x16xf32> to vector<16xf32>
      %add3A_819 = arith.addf %get3A_814, %get3A_818 : vector<16xf32>
      %swap3A_820 = arith.index_cast %scan3A_42 : i32 to index
      %swap3A_821 = arith.constant 880 : index
      %swap3A_822 = tpu.vector_load %arg6[%swap3A_820, %swap3A_821] {strides = array<i32>} : memref<32x1024xf32, #tpu.memory_space<vmem>>, vector<1x16xf32>,
      %swap3A_823 = vector.shape_cast %swap3A_822 : vector<1x16xf32> to vector<16xf32>
      %swap3A_824 = vector.shape_cast %add3A_819 : vector<16xf32> to vector<1x16xf32>
      tpu.vector_store %arg6[%swap3A_820, %swap3A_821], %swap3A_824 {strides = array<i32>} : memref<32x1024xf32, #tpu.memory_space<vmem>>, vector<1x16xf32>,
      %get3A_825 = arith.index_cast %scan3A_42 : i32 to index
      %get3A_826 = arith.constant 896 : index
      %get3A_827 = tpu.vector_load %arg6[%get3A_825, %get3A_826] {strides = array<i32>} : memref<32x1024xf32, #tpu.memory_space<vmem>>, vector<1x16xf32>,
      %get3A_828 = vector.shape_cast %get3A_827 : vector<1x16xf32> to vector<16xf32>
      %get3A_829 = arith.index_cast %scan3A_42 : i32 to index
      %get3A_830 = arith.constant 896 : index
      %get3A_831 = tpu.vector_load %arg7[%get3A_829, %get3A_830] {strides = array<i32>} : memref<32x1024xf32, #tpu.memory_space<vmem>>, vector<1x16xf32>,
      %get3A_832 = vector.shape_cast %get3A_831 : vector<1x16xf32> to vector<16xf32>
      %add3A_833 = arith.addf %get3A_828, %get3A_832 : vector<16xf32>
      %swap3A_834 = arith.index_cast %scan3A_42 : i32 to index
      %swap3A_835 = arith.constant 896 : index
      %swap3A_836 = tpu.vector_load %arg6[%swap3A_834, %swap3A_835] {strides = array<i32>} : memref<32x1024xf32, #tpu.memory_space<vmem>>, vector<1x16xf32>,
      %swap3A_837 = vector.shape_cast %swap3A_836 : vector<1x16xf32> to vector<16xf32>
      %swap3A_838 = vector.shape_cast %add3A_833 : vector<16xf32> to vector<1x16xf32>
      tpu.vector_store %arg6[%swap3A_834, %swap3A_835], %swap3A_838 {strides = array<i32>} : memref<32x1024xf32, #tpu.memory_space<vmem>>, vector<1x16xf32>,
      %get3A_839 = arith.index_cast %scan3A_42 : i32 to index
      %get3A_840 = arith.constant 912 : index
      %get3A_841 = tpu.vector_load %arg6[%get3A_839, %get3A_840] {strides = array<i32>} : memref<32x1024xf32, #tpu.memory_space<vmem>>, vector<1x16xf32>,
      %get3A_842 = vector.shape_cast %get3A_841 : vector<1x16xf32> to vector<16xf32>
      %get3A_843 = arith.index_cast %scan3A_42 : i32 to index
      %get3A_844 = arith.constant 912 : index
      %get3A_845 = tpu.vector_load %arg7[%get3A_843, %get3A_844] {strides = array<i32>} : memref<32x1024xf32, #tpu.memory_space<vmem>>, vector<1x16xf32>,
      %get3A_846 = vector.shape_cast %get3A_845 : vector<1x16xf32> to vector<16xf32>
      %add3A_847 = arith.addf %get3A_842, %get3A_846 : vector<16xf32>
      %swap3A_848 = arith.index_cast %scan3A_42 : i32 to index
      %swap3A_849 = arith.constant 912 : index
      %swap3A_850 = tpu.vector_load %arg6[%swap3A_848, %swap3A_849] {strides = array<i32>} : memref<32x1024xf32, #tpu.memory_space<vmem>>, vector<1x16xf32>,
      %swap3A_851 = vector.shape_cast %swap3A_850 : vector<1x16xf32> to vector<16xf32>
      %swap3A_852 = vector.shape_cast %add3A_847 : vector<16xf32> to vector<1x16xf32>
      tpu.vector_store %arg6[%swap3A_848, %swap3A_849], %swap3A_852 {strides = array<i32>} : memref<32x1024xf32, #tpu.memory_space<vmem>>, vector<1x16xf32>,
      %get3A_853 = arith.index_cast %scan3A_42 : i32 to index
      %get3A_854 = arith.constant 928 : index
      %get3A_855 = tpu.vector_load %arg6[%get3A_853, %get3A_854] {strides = array<i32>} : memref<32x1024xf32, #tpu.memory_space<vmem>>, vector<1x16xf32>,
      %get3A_856 = vector.shape_cast %get3A_855 : vector<1x16xf32> to vector<16xf32>
      %get3A_857 = arith.index_cast %scan3A_42 : i32 to index
      %get3A_858 = arith.constant 928 : index
      %get3A_859 = tpu.vector_load %arg7[%get3A_857, %get3A_858] {strides = array<i32>} : memref<32x1024xf32, #tpu.memory_space<vmem>>, vector<1x16xf32>,
      %get3A_860 = vector.shape_cast %get3A_859 : vector<1x16xf32> to vector<16xf32>
      %add3A_861 = arith.addf %get3A_856, %get3A_860 : vector<16xf32>
      %swap3A_862 = arith.index_cast %scan3A_42 : i32 to index
      %swap3A_863 = arith.constant 928 : index
      %swap3A_864 = tpu.vector_load %arg6[%swap3A_862, %swap3A_863] {strides = array<i32>} : memref<32x1024xf32, #tpu.memory_space<vmem>>, vector<1x16xf32>,
      %swap3A_865 = vector.shape_cast %swap3A_864 : vector<1x16xf32> to vector<16xf32>
      %swap3A_866 = vector.shape_cast %add3A_861 : vector<16xf32> to vector<1x16xf32>
      tpu.vector_store %arg6[%swap3A_862, %swap3A_863], %swap3A_866 {strides = array<i32>} : memref<32x1024xf32, #tpu.memory_space<vmem>>, vector<1x16xf32>,
      %get3A_867 = arith.index_cast %scan3A_42 : i32 to index
      %get3A_868 = arith.constant 944 : index
      %get3A_869 = tpu.vector_load %arg6[%get3A_867, %get3A_868] {strides = array<i32>} : memref<32x1024xf32, #tpu.memory_space<vmem>>, vector<1x16xf32>,
      %get3A_870 = vector.shape_cast %get3A_869 : vector<1x16xf32> to vector<16xf32>
      %get3A_871 = arith.index_cast %scan3A_42 : i32 to index
      %get3A_872 = arith.constant 944 : index
      %get3A_873 = tpu.vector_load %arg7[%get3A_871, %get3A_872] {strides = array<i32>} : memref<32x1024xf32, #tpu.memory_space<vmem>>, vector<1x16xf32>,
      %get3A_874 = vector.shape_cast %get3A_873 : vector<1x16xf32> to vector<16xf32>
      %add3A_875 = arith.addf %get3A_870, %get3A_874 : vector<16xf32>
      %swap3A_876 = arith.index_cast %scan3A_42 : i32 to index
      %swap3A_877 = arith.constant 944 : index
      %swap3A_878 = tpu.vector_load %arg6[%swap3A_876, %swap3A_877] {strides = array<i32>} : memref<32x1024xf32, #tpu.memory_space<vmem>>, vector<1x16xf32>,
      %swap3A_879 = vector.shape_cast %swap3A_878 : vector<1x16xf32> to vector<16xf32>
      %swap3A_880 = vector.shape_cast %add3A_875 : vector<16xf32> to vector<1x16xf32>
      tpu.vector_store %arg6[%swap3A_876, %swap3A_877], %swap3A_880 {strides = array<i32>} : memref<32x1024xf32, #tpu.memory_space<vmem>>, vector<1x16xf32>,
      %get3A_881 = arith.index_cast %scan3A_42 : i32 to index
      %get3A_882 = arith.constant 960 : index
      %get3A_883 = tpu.vector_load %arg6[%get3A_881, %get3A_882] {strides = array<i32>} : memref<32x1024xf32, #tpu.memory_space<vmem>>, vector<1x16xf32>,
      %get3A_884 = vector.shape_cast %get3A_883 : vector<1x16xf32> to vector<16xf32>
      %get3A_885 = arith.index_cast %scan3A_42 : i32 to index
      %get3A_886 = arith.constant 960 : index
      %get3A_887 = tpu.vector_load %arg7[%get3A_885, %get3A_886] {strides = array<i32>} : memref<32x1024xf32, #tpu.memory_space<vmem>>, vector<1x16xf32>,
      %get3A_888 = vector.shape_cast %get3A_887 : vector<1x16xf32> to vector<16xf32>
      %add3A_889 = arith.addf %get3A_884, %get3A_888 : vector<16xf32>
      %swap3A_890 = arith.index_cast %scan3A_42 : i32 to index
      %swap3A_891 = arith.constant 960 : index
      %swap3A_892 = tpu.vector_load %arg6[%swap3A_890, %swap3A_891] {strides = array<i32>} : memref<32x1024xf32, #tpu.memory_space<vmem>>, vector<1x16xf32>,
      %swap3A_893 = vector.shape_cast %swap3A_892 : vector<1x16xf32> to vector<16xf32>
      %swap3A_894 = vector.shape_cast %add3A_889 : vector<16xf32> to vector<1x16xf32>
      tpu.vector_store %arg6[%swap3A_890, %swap3A_891], %swap3A_894 {strides = array<i32>} : memref<32x1024xf32, #tpu.memory_space<vmem>>, vector<1x16xf32>,
      %get3A_895 = arith.index_cast %scan3A_42 : i32 to index
      %get3A_896 = arith.constant 976 : index
      %get3A_897 = tpu.vector_load %arg6[%get3A_895, %get3A_896] {strides = array<i32>} : memref<32x1024xf32, #tpu.memory_space<vmem>>, vector<1x16xf32>,
      %get3A_898 = vector.shape_cast %get3A_897 : vector<1x16xf32> to vector<16xf32>
      %get3A_899 = arith.index_cast %scan3A_42 : i32 to index
      %get3A_900 = arith.constant 976 : index
      %get3A_901 = tpu.vector_load %arg7[%get3A_899, %get3A_900] {strides = array<i32>} : memref<32x1024xf32, #tpu.memory_space<vmem>>, vector<1x16xf32>,
      %get3A_902 = vector.shape_cast %get3A_901 : vector<1x16xf32> to vector<16xf32>
      %add3A_903 = arith.addf %get3A_898, %get3A_902 : vector<16xf32>
      %swap3A_904 = arith.index_cast %scan3A_42 : i32 to index
      %swap3A_905 = arith.constant 976 : index
      %swap3A_906 = tpu.vector_load %arg6[%swap3A_904, %swap3A_905] {strides = array<i32>} : memref<32x1024xf32, #tpu.memory_space<vmem>>, vector<1x16xf32>,
      %swap3A_907 = vector.shape_cast %swap3A_906 : vector<1x16xf32> to vector<16xf32>
      %swap3A_908 = vector.shape_cast %add3A_903 : vector<16xf32> to vector<1x16xf32>
      tpu.vector_store %arg6[%swap3A_904, %swap3A_905], %swap3A_908 {strides = array<i32>} : memref<32x1024xf32, #tpu.memory_space<vmem>>, vector<1x16xf32>,
      %get3A_909 = arith.index_cast %scan3A_42 : i32 to index
      %get3A_910 = arith.constant 992 : index
      %get3A_911 = tpu.vector_load %arg6[%get3A_909, %get3A_910] {strides = array<i32>} : memref<32x1024xf32, #tpu.memory_space<vmem>>, vector<1x16xf32>,
      %get3A_912 = vector.shape_cast %get3A_911 : vector<1x16xf32> to vector<16xf32>
      %get3A_913 = arith.index_cast %scan3A_42 : i32 to index
      %get3A_914 = arith.constant 992 : index
      %get3A_915 = tpu.vector_load %arg7[%get3A_913, %get3A_914] {strides = array<i32>} : memref<32x1024xf32, #tpu.memory_space<vmem>>, vector<1x16xf32>,
      %get3A_916 = vector.shape_cast %get3A_915 : vector<1x16xf32> to vector<16xf32>
      %add3A_917 = arith.addf %get3A_912, %get3A_916 : vector<16xf32>
      %swap3A_918 = arith.index_cast %scan3A_42 : i32 to index
      %swap3A_919 = arith.constant 992 : index
      %swap3A_920 = tpu.vector_load %arg6[%swap3A_918, %swap3A_919] {strides = array<i32>} : memref<32x1024xf32, #tpu.memory_space<vmem>>, vector<1x16xf32>,
      %swap3A_921 = vector.shape_cast %swap3A_920 : vector<1x16xf32> to vector<16xf32>
      %swap3A_922 = vector.shape_cast %add3A_917 : vector<16xf32> to vector<1x16xf32>
      tpu.vector_store %arg6[%swap3A_918, %swap3A_919], %swap3A_922 {strides = array<i32>} : memref<32x1024xf32, #tpu.memory_space<vmem>>, vector<1x16xf32>,
      %get3A_923 = arith.index_cast %scan3A_42 : i32 to index
      %get3A_924 = arith.constant 1008 : index
      %get3A_925 = tpu.vector_load %arg6[%get3A_923, %get3A_924] {strides = array<i32>} : memref<32x1024xf32, #tpu.memory_space<vmem>>, vector<1x16xf32>,
      %get3A_926 = vector.shape_cast %get3A_925 : vector<1x16xf32> to vector<16xf32>
      %get3A_927 = arith.index_cast %scan3A_42 : i32 to index
      %get3A_928 = arith.constant 1008 : index
      %get3A_929 = tpu.vector_load %arg7[%get3A_927, %get3A_928] {strides = array<i32>} : memref<32x1024xf32, #tpu.memory_space<vmem>>, vector<1x16xf32>,
      %get3A_930 = vector.shape_cast %get3A_929 : vector<1x16xf32> to vector<16xf32>
      %add3A_931 = arith.addf %get3A_926, %get3A_930 : vector<16xf32>
      %swap3A_932 = arith.index_cast %scan3A_42 : i32 to index
      %swap3A_933 = arith.constant 1008 : index
      %swap3A_934 = tpu.vector_load %arg6[%swap3A_932, %swap3A_933] {strides = array<i32>} : memref<32x1024xf32, #tpu.memory_space<vmem>>, vector<1x16xf32>,
      %swap3A_935 = vector.shape_cast %swap3A_934 : vector<1x16xf32> to vector<16xf32>
      %swap3A_936 = vector.shape_cast %add3A_931 : vector<16xf32> to vector<1x16xf32>
      tpu.vector_store %arg6[%swap3A_932, %swap3A_933], %swap3A_936 {strides = array<i32>} : memref<32x1024xf32, #tpu.memory_space<vmem>>, vector<1x16xf32>,
    }
    %scan3A_19 = arith.constant 32 : i32
    "tpu.region"() ({
      %run_scoped3A = tpu.sem_alloc : memref<!tpu.dma_semaphore, #tpu.memory_space<semaphore_mem>>
      %dma_start3A_42 = arith.constant 0 : i32
      %dma_start3A_43 = tpu.memref_slice %arg5[%add3A_4, %dma_start3A_42] : memref<2048x1024xf32, #tpu.memory_space<hbm>> -> memref<32x1024xf32, #tpu.memory_space<hbm>>
      %dma_start3A_44 = arith.constant 0 : i32
      %dma_start3A_45 = tpu.memref_slice %arg5[%add3A_4, %dma_start3A_44] : memref<2048x1024xf32, #tpu.memory_space<hbm>> -> memref<32x1024xf32, #tpu.memory_space<hbm>>
      tpu.enqueue_dma source(%arg6 : memref<32x1024xf32, #tpu.memory_space<vmem>>) target(%dma_start3A_45 : memref<32x1024xf32, #tpu.memory_space<hbm>>) target_semaphore(%run_scoped3A : memref<!tpu.dma_semaphore, #tpu.memory_space<semaphore_mem>>)
      %dma_wait3A_46 = arith.constant 0 : i32
      %dma_wait3A_47 = tpu.memref_slice %arg5[%add3A_4, %dma_wait3A_46] : memref<2048x1024xf32, #tpu.memory_space<hbm>> -> memref<32x1024xf32, #tpu.memory_space<hbm>>
      %dma_wait3A_48 = arith.constant 0 : i32
      %dma_wait3A_49 = tpu.memref_slice %arg5[%add3A_4, %dma_wait3A_48] : memref<2048x1024xf32, #tpu.memory_space<hbm>> -> memref<32x1024xf32, #tpu.memory_space<hbm>>
      tpu.wait_dma2 semaphore(%run_scoped3A : memref<!tpu.dma_semaphore, #tpu.memory_space<semaphore_mem>>) src(%arg6 : memref<32x1024xf32, #tpu.memory_space<vmem>>) dst(%dma_wait3A_49 : memref<32x1024xf32, #tpu.memory_space<hbm>>)
      tpu.yield
    }) : () -> ()
    %mul3A_20 = arith.constant 64 : i32
    %mul3A_21 = arith.muli %add3A, %mul3A_20 : i32
    %add3A_22 = arith.constant 32 : i32
    %add3A_23 = arith.addi %mul3A_21, %add3A_22 : i32
    "tpu.region"() ({
      %run_scoped3A = tpu.sem_alloc : memref<!tpu.dma_semaphore, #tpu.memory_space<semaphore_mem>>
      %dma_start3A_42 = tpu.memref_slice %arg3[%add3A_23] : memref<2048xi32, #tpu.memory_space<hbm>> -> memref<32xi32, #tpu.memory_space<hbm>>
      %dma_start3A_43 = tpu.memref_slice %arg3[%add3A_23] : memref<2048xi32, #tpu.memory_space<hbm>> -> memref<32xi32, #tpu.memory_space<hbm>>
      tpu.enqueue_dma source(%dma_start3A_43 : memref<32xi32, #tpu.memory_space<hbm>>) target(%arg8 : memref<32xi32, #tpu.memory_space<vmem>>) target_semaphore(%run_scoped3A : memref<!tpu.dma_semaphore, #tpu.memory_space<semaphore_mem>>)
      %dma_wait3A_44 = tpu.memref_slice %arg3[%add3A_23] : memref<2048xi32, #tpu.memory_space<hbm>> -> memref<32xi32, #tpu.memory_space<hbm>>
      %dma_wait3A_45 = tpu.memref_slice %arg3[%add3A_23] : memref<2048xi32, #tpu.memory_space<hbm>> -> memref<32xi32, #tpu.memory_space<hbm>>
      tpu.wait_dma2 semaphore(%run_scoped3A : memref<!tpu.dma_semaphore, #tpu.memory_space<semaphore_mem>>) src(%dma_wait3A_45 : memref<32xi32, #tpu.memory_space<hbm>>) dst(%arg8 : memref<32xi32, #tpu.memory_space<vmem>>)
      tpu.yield
    }) : () -> ()
    "tpu.region"() ({
      %run_scoped3A = tpu.sem_alloc : memref<!tpu.dma_semaphore, #tpu.memory_space<semaphore_mem>>
      %dma_start3A_42 = tpu.memref_slice %arg4[%add3A_23] : memref<2048xi32, #tpu.memory_space<hbm>> -> memref<32xi32, #tpu.memory_space<hbm>>
      %dma_start3A_43 = tpu.memref_slice %arg4[%add3A_23] : memref<2048xi32, #tpu.memory_space<hbm>> -> memref<32xi32, #tpu.memory_space<hbm>>
      tpu.enqueue_dma source(%dma_start3A_43 : memref<32xi32, #tpu.memory_space<hbm>>) target(%arg9 : memref<32xi32, #tpu.memory_space<vmem>>) target_semaphore(%run_scoped3A : memref<!tpu.dma_semaphore, #tpu.memory_space<semaphore_mem>>)
      %dma_wait3A_44 = tpu.memref_slice %arg4[%add3A_23] : memref<2048xi32, #tpu.memory_space<hbm>> -> memref<32xi32, #tpu.memory_space<hbm>>
      %dma_wait3A_45 = tpu.memref_slice %arg4[%add3A_23] : memref<2048xi32, #tpu.memory_space<hbm>> -> memref<32xi32, #tpu.memory_space<hbm>>
      tpu.wait_dma2 semaphore(%run_scoped3A : memref<!tpu.dma_semaphore, #tpu.memory_space<semaphore_mem>>) src(%dma_wait3A_45 : memref<32xi32, #tpu.memory_space<hbm>>) dst(%arg9 : memref<32xi32, #tpu.memory_space<vmem>>)
      tpu.yield
    }) : () -> ()
    %dma_start3A_24 = arith.constant 0 : i32
    %dma_start3A_25 = arith.constant 0 : i32
    %dma_start3A_26 = tpu.memref_slice %arg2[%dma_start3A_24, %dma_start3A_25] : memref<6144x1024xf32, #tpu.memory_space<hbm>> -> memref<6144x1024xf32, #tpu.memory_space<hbm>>
    tpu.enqueue_indirect_dma source(%dma_start3A_26 : memref<6144x1024xf32, #tpu.memory_space<hbm>>) target(%arg6 : memref<32x1024xf32, #tpu.memory_space<vmem>>) offsets(%arg8 : memref<32xi32, #tpu.memory_space<vmem>>) semaphore(%arg10 : memref<!tpu.dma_semaphore, #tpu.memory_space<semaphore_mem>>)
    %dma_start3A_27 = arith.constant 0 : i32
    %dma_start3A_28 = arith.constant 0 : i32
    %dma_start3A_29 = tpu.memref_slice %arg2[%dma_start3A_27, %dma_start3A_28] : memref<6144x1024xf32, #tpu.memory_space<hbm>> -> memref<6144x1024xf32, #tpu.memory_space<hbm>>
    tpu.enqueue_indirect_dma source(%dma_start3A_29 : memref<6144x1024xf32, #tpu.memory_space<hbm>>) target(%arg7 : memref<32x1024xf32, #tpu.memory_space<vmem>>) offsets(%arg9 : memref<32xi32, #tpu.memory_space<vmem>>) semaphore(%arg10 : memref<!tpu.dma_semaphore, #tpu.memory_space<semaphore_mem>>)
    %dma_wait3A_30 = arith.constant 0 : i32
    %dma_wait3A_31 = arith.constant 0 : i32
    %dma_wait3A_32 = tpu.memref_slice %arg2[%dma_wait3A_30, %dma_wait3A_31] : memref<6144x1024xf32, #tpu.memory_space<hbm>> -> memref<6144x1024xf32, #tpu.memory_space<hbm>>
    tpu.wait_indirect_dma semaphore(%arg10 : memref<!tpu.dma_semaphore, #tpu.memory_space<semaphore_mem>>) src(%dma_wait3A_32 : memref<6144x1024xf32, #tpu.memory_space<hbm>>) dst(%arg6 : memref<32x1024xf32, #tpu.memory_space<vmem>>)
    %dma_wait3A_33 = arith.constant 0 : i32
    %dma_wait3A_34 = arith.constant 0 : i32
    %dma_wait3A_35 = tpu.memref_slice %arg2[%dma_wait3A_33, %dma_wait3A_34] : memref<6144x1024xf32, #tpu.memory_space<hbm>> -> memref<6144x1024xf32, #tpu.memory_space<hbm>>
    tpu.wait_indirect_dma semaphore(%arg10 : memref<!tpu.dma_semaphore, #tpu.memory_space<semaphore_mem>>) src(%dma_wait3A_35 : memref<6144x1024xf32, #tpu.memory_space<hbm>>) dst(%arg7 : memref<32x1024xf32, #tpu.memory_space<vmem>>)
    %scan3A_36 = arith.constant 0 : i32
    %scan3A_37 = arith.constant 0 : i32
    %scan3A_38 = arith.constant 32 : i32
    %scan3A_39 = arith.addi %scan3A_37, %scan3A_38 : i32
    %scan3A_40 = arith.constant 1 : i32
    scf.for %scan3A_42 = %scan3A_37 to %scan3A_39 step %scan3A_40  : i32 {
      %get3A = arith.index_cast %scan3A_42 : i32 to index
      %get3A_43 = arith.constant 0 : index
      %get3A_44 = tpu.vector_load %arg6[%get3A, %get3A_43] {strides = array<i32>} : memref<32x1024xf32, #tpu.memory_space<vmem>>, vector<1x16xf32>,
      %get3A_45 = vector.shape_cast %get3A_44 : vector<1x16xf32> to vector<16xf32>
      %get3A_46 = arith.index_cast %scan3A_42 : i32 to index
      %get3A_47 = arith.constant 0 : index
      %get3A_48 = tpu.vector_load %arg7[%get3A_46, %get3A_47] {strides = array<i32>} : memref<32x1024xf32, #tpu.memory_space<vmem>>, vector<1x16xf32>,
      %get3A_49 = vector.shape_cast %get3A_48 : vector<1x16xf32> to vector<16xf32>
      %add3A_50 = arith.addf %get3A_45, %get3A_49 : vector<16xf32>
      %swap3A = arith.index_cast %scan3A_42 : i32 to index
      %swap3A_51 = arith.constant 0 : index
      %swap3A_52 = tpu.vector_load %arg6[%swap3A, %swap3A_51] {strides = array<i32>} : memref<32x1024xf32, #tpu.memory_space<vmem>>, vector<1x16xf32>,
      %swap3A_53 = vector.shape_cast %swap3A_52 : vector<1x16xf32> to vector<16xf32>
      %swap3A_54 = vector.shape_cast %add3A_50 : vector<16xf32> to vector<1x16xf32>
      tpu.vector_store %arg6[%swap3A, %swap3A_51], %swap3A_54 {strides = array<i32>} : memref<32x1024xf32, #tpu.memory_space<vmem>>, vector<1x16xf32>,
      %get3A_55 = arith.index_cast %scan3A_42 : i32 to index
      %get3A_56 = arith.constant 16 : index
      %get3A_57 = tpu.vector_load %arg6[%get3A_55, %get3A_56] {strides = array<i32>} : memref<32x1024xf32, #tpu.memory_space<vmem>>, vector<1x16xf32>,
      %get3A_58 = vector.shape_cast %get3A_57 : vector<1x16xf32> to vector<16xf32>
      %get3A_59 = arith.index_cast %scan3A_42 : i32 to index
      %get3A_60 = arith.constant 16 : index
      %get3A_61 = tpu.vector_load %arg7[%get3A_59, %get3A_60] {strides = array<i32>} : memref<32x1024xf32, #tpu.memory_space<vmem>>, vector<1x16xf32>,
      %get3A_62 = vector.shape_cast %get3A_61 : vector<1x16xf32> to vector<16xf32>
      %add3A_63 = arith.addf %get3A_58, %get3A_62 : vector<16xf32>
      %swap3A_64 = arith.index_cast %scan3A_42 : i32 to index
      %swap3A_65 = arith.constant 16 : index
      %swap3A_66 = tpu.vector_load %arg6[%swap3A_64, %swap3A_65] {strides = array<i32>} : memref<32x1024xf32, #tpu.memory_space<vmem>>, vector<1x16xf32>,
      %swap3A_67 = vector.shape_cast %swap3A_66 : vector<1x16xf32> to vector<16xf32>
      %swap3A_68 = vector.shape_cast %add3A_63 : vector<16xf32> to vector<1x16xf32>
      tpu.vector_store %arg6[%swap3A_64, %swap3A_65], %swap3A_68 {strides = array<i32>} : memref<32x1024xf32, #tpu.memory_space<vmem>>, vector<1x16xf32>,
      %get3A_69 = arith.index_cast %scan3A_42 : i32 to index
      %get3A_70 = arith.constant 32 : index
      %get3A_71 = tpu.vector_load %arg6[%get3A_69, %get3A_70] {strides = array<i32>} : memref<32x1024xf32, #tpu.memory_space<vmem>>, vector<1x16xf32>,
      %get3A_72 = vector.shape_cast %get3A_71 : vector<1x16xf32> to vector<16xf32>
      %get3A_73 = arith.index_cast %scan3A_42 : i32 to index
      %get3A_74 = arith.constant 32 : index
      %get3A_75 = tpu.vector_load %arg7[%get3A_73, %get3A_74] {strides = array<i32>} : memref<32x1024xf32, #tpu.memory_space<vmem>>, vector<1x16xf32>,
      %get3A_76 = vector.shape_cast %get3A_75 : vector<1x16xf32> to vector<16xf32>
      %add3A_77 = arith.addf %get3A_72, %get3A_76 : vector<16xf32>
      %swap3A_78 = arith.index_cast %scan3A_42 : i32 to index
      %swap3A_79 = arith.constant 32 : index
      %swap3A_80 = tpu.vector_load %arg6[%swap3A_78, %swap3A_79] {strides = array<i32>} : memref<32x1024xf32, #tpu.memory_space<vmem>>, vector<1x16xf32>,
      %swap3A_81 = vector.shape_cast %swap3A_80 : vector<1x16xf32> to vector<16xf32>
      %swap3A_82 = vector.shape_cast %add3A_77 : vector<16xf32> to vector<1x16xf32>
      tpu.vector_store %arg6[%swap3A_78, %swap3A_79], %swap3A_82 {strides = array<i32>} : memref<32x1024xf32, #tpu.memory_space<vmem>>, vector<1x16xf32>,
      %get3A_83 = arith.index_cast %scan3A_42 : i32 to index
      %get3A_84 = arith.constant 48 : index
      %get3A_85 = tpu.vector_load %arg6[%get3A_83, %get3A_84] {strides = array<i32>} : memref<32x1024xf32, #tpu.memory_space<vmem>>, vector<1x16xf32>,
      %get3A_86 = vector.shape_cast %get3A_85 : vector<1x16xf32> to vector<16xf32>
      %get3A_87 = arith.index_cast %scan3A_42 : i32 to index
      %get3A_88 = arith.constant 48 : index
      %get3A_89 = tpu.vector_load %arg7[%get3A_87, %get3A_88] {strides = array<i32>} : memref<32x1024xf32, #tpu.memory_space<vmem>>, vector<1x16xf32>,
      %get3A_90 = vector.shape_cast %get3A_89 : vector<1x16xf32> to vector<16xf32>
      %add3A_91 = arith.addf %get3A_86, %get3A_90 : vector<16xf32>
      %swap3A_92 = arith.index_cast %scan3A_42 : i32 to index
      %swap3A_93 = arith.constant 48 : index
      %swap3A_94 = tpu.vector_load %arg6[%swap3A_92, %swap3A_93] {strides = array<i32>} : memref<32x1024xf32, #tpu.memory_space<vmem>>, vector<1x16xf32>,
      %swap3A_95 = vector.shape_cast %swap3A_94 : vector<1x16xf32> to vector<16xf32>
      %swap3A_96 = vector.shape_cast %add3A_91 : vector<16xf32> to vector<1x16xf32>
      tpu.vector_store %arg6[%swap3A_92, %swap3A_93], %swap3A_96 {strides = array<i32>} : memref<32x1024xf32, #tpu.memory_space<vmem>>, vector<1x16xf32>,
      %get3A_97 = arith.index_cast %scan3A_42 : i32 to index
      %get3A_98 = arith.constant 64 : index
      %get3A_99 = tpu.vector_load %arg6[%get3A_97, %get3A_98] {strides = array<i32>} : memref<32x1024xf32, #tpu.memory_space<vmem>>, vector<1x16xf32>,
      %get3A_100 = vector.shape_cast %get3A_99 : vector<1x16xf32> to vector<16xf32>
      %get3A_101 = arith.index_cast %scan3A_42 : i32 to index
      %get3A_102 = arith.constant 64 : index
      %get3A_103 = tpu.vector_load %arg7[%get3A_101, %get3A_102] {strides = array<i32>} : memref<32x1024xf32, #tpu.memory_space<vmem>>, vector<1x16xf32>,
      %get3A_104 = vector.shape_cast %get3A_103 : vector<1x16xf32> to vector<16xf32>
      %add3A_105 = arith.addf %get3A_100, %get3A_104 : vector<16xf32>
      %swap3A_106 = arith.index_cast %scan3A_42 : i32 to index
      %swap3A_107 = arith.constant 64 : index
      %swap3A_108 = tpu.vector_load %arg6[%swap3A_106, %swap3A_107] {strides = array<i32>} : memref<32x1024xf32, #tpu.memory_space<vmem>>, vector<1x16xf32>,
      %swap3A_109 = vector.shape_cast %swap3A_108 : vector<1x16xf32> to vector<16xf32>
      %swap3A_110 = vector.shape_cast %add3A_105 : vector<16xf32> to vector<1x16xf32>
      tpu.vector_store %arg6[%swap3A_106, %swap3A_107], %swap3A_110 {strides = array<i32>} : memref<32x1024xf32, #tpu.memory_space<vmem>>, vector<1x16xf32>,
      %get3A_111 = arith.index_cast %scan3A_42 : i32 to index
      %get3A_112 = arith.constant 80 : index
      %get3A_113 = tpu.vector_load %arg6[%get3A_111, %get3A_112] {strides = array<i32>} : memref<32x1024xf32, #tpu.memory_space<vmem>>, vector<1x16xf32>,
      %get3A_114 = vector.shape_cast %get3A_113 : vector<1x16xf32> to vector<16xf32>
      %get3A_115 = arith.index_cast %scan3A_42 : i32 to index
      %get3A_116 = arith.constant 80 : index
      %get3A_117 = tpu.vector_load %arg7[%get3A_115, %get3A_116] {strides = array<i32>} : memref<32x1024xf32, #tpu.memory_space<vmem>>, vector<1x16xf32>,
      %get3A_118 = vector.shape_cast %get3A_117 : vector<1x16xf32> to vector<16xf32>
      %add3A_119 = arith.addf %get3A_114, %get3A_118 : vector<16xf32>
      %swap3A_120 = arith.index_cast %scan3A_42 : i32 to index
      %swap3A_121 = arith.constant 80 : index
      %swap3A_122 = tpu.vector_load %arg6[%swap3A_120, %swap3A_121] {strides = array<i32>} : memref<32x1024xf32, #tpu.memory_space<vmem>>, vector<1x16xf32>,
      %swap3A_123 = vector.shape_cast %swap3A_122 : vector<1x16xf32> to vector<16xf32>
      %swap3A_124 = vector.shape_cast %add3A_119 : vector<16xf32> to vector<1x16xf32>
      tpu.vector_store %arg6[%swap3A_120, %swap3A_121], %swap3A_124 {strides = array<i32>} : memref<32x1024xf32, #tpu.memory_space<vmem>>, vector<1x16xf32>,
      %get3A_125 = arith.index_cast %scan3A_42 : i32 to index
      %get3A_126 = arith.constant 96 : index
      %get3A_127 = tpu.vector_load %arg6[%get3A_125, %get3A_126] {strides = array<i32>} : memref<32x1024xf32, #tpu.memory_space<vmem>>, vector<1x16xf32>,
      %get3A_128 = vector.shape_cast %get3A_127 : vector<1x16xf32> to vector<16xf32>
      %get3A_129 = arith.index_cast %scan3A_42 : i32 to index
      %get3A_130 = arith.constant 96 : index
      %get3A_131 = tpu.vector_load %arg7[%get3A_129, %get3A_130] {strides = array<i32>} : memref<32x1024xf32, #tpu.memory_space<vmem>>, vector<1x16xf32>,
      %get3A_132 = vector.shape_cast %get3A_131 : vector<1x16xf32> to vector<16xf32>
      %add3A_133 = arith.addf %get3A_128, %get3A_132 : vector<16xf32>
      %swap3A_134 = arith.index_cast %scan3A_42 : i32 to index
      %swap3A_135 = arith.constant 96 : index
      %swap3A_136 = tpu.vector_load %arg6[%swap3A_134, %swap3A_135] {strides = array<i32>} : memref<32x1024xf32, #tpu.memory_space<vmem>>, vector<1x16xf32>,
      %swap3A_137 = vector.shape_cast %swap3A_136 : vector<1x16xf32> to vector<16xf32>
      %swap3A_138 = vector.shape_cast %add3A_133 : vector<16xf32> to vector<1x16xf32>
      tpu.vector_store %arg6[%swap3A_134, %swap3A_135], %swap3A_138 {strides = array<i32>} : memref<32x1024xf32, #tpu.memory_space<vmem>>, vector<1x16xf32>,
      %get3A_139 = arith.index_cast %scan3A_42 : i32 to index
      %get3A_140 = arith.constant 112 : index
      %get3A_141 = tpu.vector_load %arg6[%get3A_139, %get3A_140] {strides = array<i32>} : memref<32x1024xf32, #tpu.memory_space<vmem>>, vector<1x16xf32>,
      %get3A_142 = vector.shape_cast %get3A_141 : vector<1x16xf32> to vector<16xf32>
      %get3A_143 = arith.index_cast %scan3A_42 : i32 to index
      %get3A_144 = arith.constant 112 : index
      %get3A_145 = tpu.vector_load %arg7[%get3A_143, %get3A_144] {strides = array<i32>} : memref<32x1024xf32, #tpu.memory_space<vmem>>, vector<1x16xf32>,
      %get3A_146 = vector.shape_cast %get3A_145 : vector<1x16xf32> to vector<16xf32>
      %add3A_147 = arith.addf %get3A_142, %get3A_146 : vector<16xf32>
      %swap3A_148 = arith.index_cast %scan3A_42 : i32 to index
      %swap3A_149 = arith.constant 112 : index
      %swap3A_150 = tpu.vector_load %arg6[%swap3A_148, %swap3A_149] {strides = array<i32>} : memref<32x1024xf32, #tpu.memory_space<vmem>>, vector<1x16xf32>,
      %swap3A_151 = vector.shape_cast %swap3A_150 : vector<1x16xf32> to vector<16xf32>
      %swap3A_152 = vector.shape_cast %add3A_147 : vector<16xf32> to vector<1x16xf32>
      tpu.vector_store %arg6[%swap3A_148, %swap3A_149], %swap3A_152 {strides = array<i32>} : memref<32x1024xf32, #tpu.memory_space<vmem>>, vector<1x16xf32>,
      %get3A_153 = arith.index_cast %scan3A_42 : i32 to index
      %get3A_154 = arith.constant 128 : index
      %get3A_155 = tpu.vector_load %arg6[%get3A_153, %get3A_154] {strides = array<i32>} : memref<32x1024xf32, #tpu.memory_space<vmem>>, vector<1x16xf32>,
      %get3A_156 = vector.shape_cast %get3A_155 : vector<1x16xf32> to vector<16xf32>
      %get3A_157 = arith.index_cast %scan3A_42 : i32 to index
      %get3A_158 = arith.constant 128 : index
      %get3A_159 = tpu.vector_load %arg7[%get3A_157, %get3A_158] {strides = array<i32>} : memref<32x1024xf32, #tpu.memory_space<vmem>>, vector<1x16xf32>,
      %get3A_160 = vector.shape_cast %get3A_159 : vector<1x16xf32> to vector<16xf32>
      %add3A_161 = arith.addf %get3A_156, %get3A_160 : vector<16xf32>
      %swap3A_162 = arith.index_cast %scan3A_42 : i32 to index
      %swap3A_163 = arith.constant 128 : index
      %swap3A_164 = tpu.vector_load %arg6[%swap3A_162, %swap3A_163] {strides = array<i32>} : memref<32x1024xf32, #tpu.memory_space<vmem>>, vector<1x16xf32>,
      %swap3A_165 = vector.shape_cast %swap3A_164 : vector<1x16xf32> to vector<16xf32>
      %swap3A_166 = vector.shape_cast %add3A_161 : vector<16xf32> to vector<1x16xf32>
      tpu.vector_store %arg6[%swap3A_162, %swap3A_163], %swap3A_166 {strides = array<i32>} : memref<32x1024xf32, #tpu.memory_space<vmem>>, vector<1x16xf32>,
      %get3A_167 = arith.index_cast %scan3A_42 : i32 to index
      %get3A_168 = arith.constant 144 : index
      %get3A_169 = tpu.vector_load %arg6[%get3A_167, %get3A_168] {strides = array<i32>} : memref<32x1024xf32, #tpu.memory_space<vmem>>, vector<1x16xf32>,
      %get3A_170 = vector.shape_cast %get3A_169 : vector<1x16xf32> to vector<16xf32>
      %get3A_171 = arith.index_cast %scan3A_42 : i32 to index
      %get3A_172 = arith.constant 144 : index
      %get3A_173 = tpu.vector_load %arg7[%get3A_171, %get3A_172] {strides = array<i32>} : memref<32x1024xf32, #tpu.memory_space<vmem>>, vector<1x16xf32>,
      %get3A_174 = vector.shape_cast %get3A_173 : vector<1x16xf32> to vector<16xf32>
      %add3A_175 = arith.addf %get3A_170, %get3A_174 : vector<16xf32>
      %swap3A_176 = arith.index_cast %scan3A_42 : i32 to index
      %swap3A_177 = arith.constant 144 : index
      %swap3A_178 = tpu.vector_load %arg6[%swap3A_176, %swap3A_177] {strides = array<i32>} : memref<32x1024xf32, #tpu.memory_space<vmem>>, vector<1x16xf32>,
      %swap3A_179 = vector.shape_cast %swap3A_178 : vector<1x16xf32> to vector<16xf32>
      %swap3A_180 = vector.shape_cast %add3A_175 : vector<16xf32> to vector<1x16xf32>
      tpu.vector_store %arg6[%swap3A_176, %swap3A_177], %swap3A_180 {strides = array<i32>} : memref<32x1024xf32, #tpu.memory_space<vmem>>, vector<1x16xf32>,
      %get3A_181 = arith.index_cast %scan3A_42 : i32 to index
      %get3A_182 = arith.constant 160 : index
      %get3A_183 = tpu.vector_load %arg6[%get3A_181, %get3A_182] {strides = array<i32>} : memref<32x1024xf32, #tpu.memory_space<vmem>>, vector<1x16xf32>,
      %get3A_184 = vector.shape_cast %get3A_183 : vector<1x16xf32> to vector<16xf32>
      %get3A_185 = arith.index_cast %scan3A_42 : i32 to index
      %get3A_186 = arith.constant 160 : index
      %get3A_187 = tpu.vector_load %arg7[%get3A_185, %get3A_186] {strides = array<i32>} : memref<32x1024xf32, #tpu.memory_space<vmem>>, vector<1x16xf32>,
      %get3A_188 = vector.shape_cast %get3A_187 : vector<1x16xf32> to vector<16xf32>
      %add3A_189 = arith.addf %get3A_184, %get3A_188 : vector<16xf32>
      %swap3A_190 = arith.index_cast %scan3A_42 : i32 to index
      %swap3A_191 = arith.constant 160 : index
      %swap3A_192 = tpu.vector_load %arg6[%swap3A_190, %swap3A_191] {strides = array<i32>} : memref<32x1024xf32, #tpu.memory_space<vmem>>, vector<1x16xf32>,
      %swap3A_193 = vector.shape_cast %swap3A_192 : vector<1x16xf32> to vector<16xf32>
      %swap3A_194 = vector.shape_cast %add3A_189 : vector<16xf32> to vector<1x16xf32>
      tpu.vector_store %arg6[%swap3A_190, %swap3A_191], %swap3A_194 {strides = array<i32>} : memref<32x1024xf32, #tpu.memory_space<vmem>>, vector<1x16xf32>,
      %get3A_195 = arith.index_cast %scan3A_42 : i32 to index
      %get3A_196 = arith.constant 176 : index
      %get3A_197 = tpu.vector_load %arg6[%get3A_195, %get3A_196] {strides = array<i32>} : memref<32x1024xf32, #tpu.memory_space<vmem>>, vector<1x16xf32>,
      %get3A_198 = vector.shape_cast %get3A_197 : vector<1x16xf32> to vector<16xf32>
      %get3A_199 = arith.index_cast %scan3A_42 : i32 to index
      %get3A_200 = arith.constant 176 : index
      %get3A_201 = tpu.vector_load %arg7[%get3A_199, %get3A_200] {strides = array<i32>} : memref<32x1024xf32, #tpu.memory_space<vmem>>, vector<1x16xf32>,
      %get3A_202 = vector.shape_cast %get3A_201 : vector<1x16xf32> to vector<16xf32>
      %add3A_203 = arith.addf %get3A_198, %get3A_202 : vector<16xf32>
      %swap3A_204 = arith.index_cast %scan3A_42 : i32 to index
      %swap3A_205 = arith.constant 176 : index
      %swap3A_206 = tpu.vector_load %arg6[%swap3A_204, %swap3A_205] {strides = array<i32>} : memref<32x1024xf32, #tpu.memory_space<vmem>>, vector<1x16xf32>,
      %swap3A_207 = vector.shape_cast %swap3A_206 : vector<1x16xf32> to vector<16xf32>
      %swap3A_208 = vector.shape_cast %add3A_203 : vector<16xf32> to vector<1x16xf32>
      tpu.vector_store %arg6[%swap3A_204, %swap3A_205], %swap3A_208 {strides = array<i32>} : memref<32x1024xf32, #tpu.memory_space<vmem>>, vector<1x16xf32>,
      %get3A_209 = arith.index_cast %scan3A_42 : i32 to index
      %get3A_210 = arith.constant 192 : index
      %get3A_211 = tpu.vector_load %arg6[%get3A_209, %get3A_210] {strides = array<i32>} : memref<32x1024xf32, #tpu.memory_space<vmem>>, vector<1x16xf32>,
      %get3A_212 = vector.shape_cast %get3A_211 : vector<1x16xf32> to vector<16xf32>
      %get3A_213 = arith.index_cast %scan3A_42 : i32 to index
      %get3A_214 = arith.constant 192 : index
      %get3A_215 = tpu.vector_load %arg7[%get3A_213, %get3A_214] {strides = array<i32>} : memref<32x1024xf32, #tpu.memory_space<vmem>>, vector<1x16xf32>,
      %get3A_216 = vector.shape_cast %get3A_215 : vector<1x16xf32> to vector<16xf32>
      %add3A_217 = arith.addf %get3A_212, %get3A_216 : vector<16xf32>
      %swap3A_218 = arith.index_cast %scan3A_42 : i32 to index
      %swap3A_219 = arith.constant 192 : index
      %swap3A_220 = tpu.vector_load %arg6[%swap3A_218, %swap3A_219] {strides = array<i32>} : memref<32x1024xf32, #tpu.memory_space<vmem>>, vector<1x16xf32>,
      %swap3A_221 = vector.shape_cast %swap3A_220 : vector<1x16xf32> to vector<16xf32>
      %swap3A_222 = vector.shape_cast %add3A_217 : vector<16xf32> to vector<1x16xf32>
      tpu.vector_store %arg6[%swap3A_218, %swap3A_219], %swap3A_222 {strides = array<i32>} : memref<32x1024xf32, #tpu.memory_space<vmem>>, vector<1x16xf32>,
      %get3A_223 = arith.index_cast %scan3A_42 : i32 to index
      %get3A_224 = arith.constant 208 : index
      %get3A_225 = tpu.vector_load %arg6[%get3A_223, %get3A_224] {strides = array<i32>} : memref<32x1024xf32, #tpu.memory_space<vmem>>, vector<1x16xf32>,
      %get3A_226 = vector.shape_cast %get3A_225 : vector<1x16xf32> to vector<16xf32>
      %get3A_227 = arith.index_cast %scan3A_42 : i32 to index
      %get3A_228 = arith.constant 208 : index
      %get3A_229 = tpu.vector_load %arg7[%get3A_227, %get3A_228] {strides = array<i32>} : memref<32x1024xf32, #tpu.memory_space<vmem>>, vector<1x16xf32>,
      %get3A_230 = vector.shape_cast %get3A_229 : vector<1x16xf32> to vector<16xf32>
      %add3A_231 = arith.addf %get3A_226, %get3A_230 : vector<16xf32>
      %swap3A_232 = arith.index_cast %scan3A_42 : i32 to index
      %swap3A_233 = arith.constant 208 : index
      %swap3A_234 = tpu.vector_load %arg6[%swap3A_232, %swap3A_233] {strides = array<i32>} : memref<32x1024xf32, #tpu.memory_space<vmem>>, vector<1x16xf32>,
      %swap3A_235 = vector.shape_cast %swap3A_234 : vector<1x16xf32> to vector<16xf32>
      %swap3A_236 = vector.shape_cast %add3A_231 : vector<16xf32> to vector<1x16xf32>
      tpu.vector_store %arg6[%swap3A_232, %swap3A_233], %swap3A_236 {strides = array<i32>} : memref<32x1024xf32, #tpu.memory_space<vmem>>, vector<1x16xf32>,
      %get3A_237 = arith.index_cast %scan3A_42 : i32 to index
      %get3A_238 = arith.constant 224 : index
      %get3A_239 = tpu.vector_load %arg6[%get3A_237, %get3A_238] {strides = array<i32>} : memref<32x1024xf32, #tpu.memory_space<vmem>>, vector<1x16xf32>,
      %get3A_240 = vector.shape_cast %get3A_239 : vector<1x16xf32> to vector<16xf32>
      %get3A_241 = arith.index_cast %scan3A_42 : i32 to index
      %get3A_242 = arith.constant 224 : index
      %get3A_243 = tpu.vector_load %arg7[%get3A_241, %get3A_242] {strides = array<i32>} : memref<32x1024xf32, #tpu.memory_space<vmem>>, vector<1x16xf32>,
      %get3A_244 = vector.shape_cast %get3A_243 : vector<1x16xf32> to vector<16xf32>
      %add3A_245 = arith.addf %get3A_240, %get3A_244 : vector<16xf32>
      %swap3A_246 = arith.index_cast %scan3A_42 : i32 to index
      %swap3A_247 = arith.constant 224 : index
      %swap3A_248 = tpu.vector_load %arg6[%swap3A_246, %swap3A_247] {strides = array<i32>} : memref<32x1024xf32, #tpu.memory_space<vmem>>, vector<1x16xf32>,
      %swap3A_249 = vector.shape_cast %swap3A_248 : vector<1x16xf32> to vector<16xf32>
      %swap3A_250 = vector.shape_cast %add3A_245 : vector<16xf32> to vector<1x16xf32>
      tpu.vector_store %arg6[%swap3A_246, %swap3A_247], %swap3A_250 {strides = array<i32>} : memref<32x1024xf32, #tpu.memory_space<vmem>>, vector<1x16xf32>,
      %get3A_251 = arith.index_cast %scan3A_42 : i32 to index
      %get3A_252 = arith.constant 240 : index
      %get3A_253 = tpu.vector_load %arg6[%get3A_251, %get3A_252] {strides = array<i32>} : memref<32x1024xf32, #tpu.memory_space<vmem>>, vector<1x16xf32>,
      %get3A_254 = vector.shape_cast %get3A_253 : vector<1x16xf32> to vector<16xf32>
      %get3A_255 = arith.index_cast %scan3A_42 : i32 to index
      %get3A_256 = arith.constant 240 : index
      %get3A_257 = tpu.vector_load %arg7[%get3A_255, %get3A_256] {strides = array<i32>} : memref<32x1024xf32, #tpu.memory_space<vmem>>, vector<1x16xf32>,
      %get3A_258 = vector.shape_cast %get3A_257 : vector<1x16xf32> to vector<16xf32>
      %add3A_259 = arith.addf %get3A_254, %get3A_258 : vector<16xf32>
      %swap3A_260 = arith.index_cast %scan3A_42 : i32 to index
      %swap3A_261 = arith.constant 240 : index
      %swap3A_262 = tpu.vector_load %arg6[%swap3A_260, %swap3A_261] {strides = array<i32>} : memref<32x1024xf32, #tpu.memory_space<vmem>>, vector<1x16xf32>,
      %swap3A_263 = vector.shape_cast %swap3A_262 : vector<1x16xf32> to vector<16xf32>
      %swap3A_264 = vector.shape_cast %add3A_259 : vector<16xf32> to vector<1x16xf32>
      tpu.vector_store %arg6[%swap3A_260, %swap3A_261], %swap3A_264 {strides = array<i32>} : memref<32x1024xf32, #tpu.memory_space<vmem>>, vector<1x16xf32>,
      %get3A_265 = arith.index_cast %scan3A_42 : i32 to index
      %get3A_266 = arith.constant 256 : index
      %get3A_267 = tpu.vector_load %arg6[%get3A_265, %get3A_266] {strides = array<i32>} : memref<32x1024xf32, #tpu.memory_space<vmem>>, vector<1x16xf32>,
      %get3A_268 = vector.shape_cast %get3A_267 : vector<1x16xf32> to vector<16xf32>
      %get3A_269 = arith.index_cast %scan3A_42 : i32 to index
      %get3A_270 = arith.constant 256 : index
      %get3A_271 = tpu.vector_load %arg7[%get3A_269, %get3A_270] {strides = array<i32>} : memref<32x1024xf32, #tpu.memory_space<vmem>>, vector<1x16xf32>,
      %get3A_272 = vector.shape_cast %get3A_271 : vector<1x16xf32> to vector<16xf32>
      %add3A_273 = arith.addf %get3A_268, %get3A_272 : vector<16xf32>
      %swap3A_274 = arith.index_cast %scan3A_42 : i32 to index
      %swap3A_275 = arith.constant 256 : index
      %swap3A_276 = tpu.vector_load %arg6[%swap3A_274, %swap3A_275] {strides = array<i32>} : memref<32x1024xf32, #tpu.memory_space<vmem>>, vector<1x16xf32>,
      %swap3A_277 = vector.shape_cast %swap3A_276 : vector<1x16xf32> to vector<16xf32>
      %swap3A_278 = vector.shape_cast %add3A_273 : vector<16xf32> to vector<1x16xf32>
      tpu.vector_store %arg6[%swap3A_274, %swap3A_275], %swap3A_278 {strides = array<i32>} : memref<32x1024xf32, #tpu.memory_space<vmem>>, vector<1x16xf32>,
      %get3A_279 = arith.index_cast %scan3A_42 : i32 to index
      %get3A_280 = arith.constant 272 : index
      %get3A_281 = tpu.vector_load %arg6[%get3A_279, %get3A_280] {strides = array<i32>} : memref<32x1024xf32, #tpu.memory_space<vmem>>, vector<1x16xf32>,
      %get3A_282 = vector.shape_cast %get3A_281 : vector<1x16xf32> to vector<16xf32>
      %get3A_283 = arith.index_cast %scan3A_42 : i32 to index
      %get3A_284 = arith.constant 272 : index
      %get3A_285 = tpu.vector_load %arg7[%get3A_283, %get3A_284] {strides = array<i32>} : memref<32x1024xf32, #tpu.memory_space<vmem>>, vector<1x16xf32>,
      %get3A_286 = vector.shape_cast %get3A_285 : vector<1x16xf32> to vector<16xf32>
      %add3A_287 = arith.addf %get3A_282, %get3A_286 : vector<16xf32>
      %swap3A_288 = arith.index_cast %scan3A_42 : i32 to index
      %swap3A_289 = arith.constant 272 : index
      %swap3A_290 = tpu.vector_load %arg6[%swap3A_288, %swap3A_289] {strides = array<i32>} : memref<32x1024xf32, #tpu.memory_space<vmem>>, vector<1x16xf32>,
      %swap3A_291 = vector.shape_cast %swap3A_290 : vector<1x16xf32> to vector<16xf32>
      %swap3A_292 = vector.shape_cast %add3A_287 : vector<16xf32> to vector<1x16xf32>
      tpu.vector_store %arg6[%swap3A_288, %swap3A_289], %swap3A_292 {strides = array<i32>} : memref<32x1024xf32, #tpu.memory_space<vmem>>, vector<1x16xf32>,
      %get3A_293 = arith.index_cast %scan3A_42 : i32 to index
      %get3A_294 = arith.constant 288 : index
      %get3A_295 = tpu.vector_load %arg6[%get3A_293, %get3A_294] {strides = array<i32>} : memref<32x1024xf32, #tpu.memory_space<vmem>>, vector<1x16xf32>,
      %get3A_296 = vector.shape_cast %get3A_295 : vector<1x16xf32> to vector<16xf32>
      %get3A_297 = arith.index_cast %scan3A_42 : i32 to index
      %get3A_298 = arith.constant 288 : index
      %get3A_299 = tpu.vector_load %arg7[%get3A_297, %get3A_298] {strides = array<i32>} : memref<32x1024xf32, #tpu.memory_space<vmem>>, vector<1x16xf32>,
      %get3A_300 = vector.shape_cast %get3A_299 : vector<1x16xf32> to vector<16xf32>
      %add3A_301 = arith.addf %get3A_296, %get3A_300 : vector<16xf32>
      %swap3A_302 = arith.index_cast %scan3A_42 : i32 to index
      %swap3A_303 = arith.constant 288 : index
      %swap3A_304 = tpu.vector_load %arg6[%swap3A_302, %swap3A_303] {strides = array<i32>} : memref<32x1024xf32, #tpu.memory_space<vmem>>, vector<1x16xf32>,
      %swap3A_305 = vector.shape_cast %swap3A_304 : vector<1x16xf32> to vector<16xf32>
      %swap3A_306 = vector.shape_cast %add3A_301 : vector<16xf32> to vector<1x16xf32>
      tpu.vector_store %arg6[%swap3A_302, %swap3A_303], %swap3A_306 {strides = array<i32>} : memref<32x1024xf32, #tpu.memory_space<vmem>>, vector<1x16xf32>,
      %get3A_307 = arith.index_cast %scan3A_42 : i32 to index
      %get3A_308 = arith.constant 304 : index
      %get3A_309 = tpu.vector_load %arg6[%get3A_307, %get3A_308] {strides = array<i32>} : memref<32x1024xf32, #tpu.memory_space<vmem>>, vector<1x16xf32>,
      %get3A_310 = vector.shape_cast %get3A_309 : vector<1x16xf32> to vector<16xf32>
      %get3A_311 = arith.index_cast %scan3A_42 : i32 to index
      %get3A_312 = arith.constant 304 : index
      %get3A_313 = tpu.vector_load %arg7[%get3A_311, %get3A_312] {strides = array<i32>} : memref<32x1024xf32, #tpu.memory_space<vmem>>, vector<1x16xf32>,
      %get3A_314 = vector.shape_cast %get3A_313 : vector<1x16xf32> to vector<16xf32>
      %add3A_315 = arith.addf %get3A_310, %get3A_314 : vector<16xf32>
      %swap3A_316 = arith.index_cast %scan3A_42 : i32 to index
      %swap3A_317 = arith.constant 304 : index
      %swap3A_318 = tpu.vector_load %arg6[%swap3A_316, %swap3A_317] {strides = array<i32>} : memref<32x1024xf32, #tpu.memory_space<vmem>>, vector<1x16xf32>,
      %swap3A_319 = vector.shape_cast %swap3A_318 : vector<1x16xf32> to vector<16xf32>
      %swap3A_320 = vector.shape_cast %add3A_315 : vector<16xf32> to vector<1x16xf32>
      tpu.vector_store %arg6[%swap3A_316, %swap3A_317], %swap3A_320 {strides = array<i32>} : memref<32x1024xf32, #tpu.memory_space<vmem>>, vector<1x16xf32>,
      %get3A_321 = arith.index_cast %scan3A_42 : i32 to index
      %get3A_322 = arith.constant 320 : index
      %get3A_323 = tpu.vector_load %arg6[%get3A_321, %get3A_322] {strides = array<i32>} : memref<32x1024xf32, #tpu.memory_space<vmem>>, vector<1x16xf32>,
      %get3A_324 = vector.shape_cast %get3A_323 : vector<1x16xf32> to vector<16xf32>
      %get3A_325 = arith.index_cast %scan3A_42 : i32 to index
      %get3A_326 = arith.constant 320 : index
      %get3A_327 = tpu.vector_load %arg7[%get3A_325, %get3A_326] {strides = array<i32>} : memref<32x1024xf32, #tpu.memory_space<vmem>>, vector<1x16xf32>,
      %get3A_328 = vector.shape_cast %get3A_327 : vector<1x16xf32> to vector<16xf32>
      %add3A_329 = arith.addf %get3A_324, %get3A_328 : vector<16xf32>
      %swap3A_330 = arith.index_cast %scan3A_42 : i32 to index
      %swap3A_331 = arith.constant 320 : index
      %swap3A_332 = tpu.vector_load %arg6[%swap3A_330, %swap3A_331] {strides = array<i32>} : memref<32x1024xf32, #tpu.memory_space<vmem>>, vector<1x16xf32>,
      %swap3A_333 = vector.shape_cast %swap3A_332 : vector<1x16xf32> to vector<16xf32>
      %swap3A_334 = vector.shape_cast %add3A_329 : vector<16xf32> to vector<1x16xf32>
      tpu.vector_store %arg6[%swap3A_330, %swap3A_331], %swap3A_334 {strides = array<i32>} : memref<32x1024xf32, #tpu.memory_space<vmem>>, vector<1x16xf32>,
      %get3A_335 = arith.index_cast %scan3A_42 : i32 to index
      %get3A_336 = arith.constant 336 : index
      %get3A_337 = tpu.vector_load %arg6[%get3A_335, %get3A_336] {strides = array<i32>} : memref<32x1024xf32, #tpu.memory_space<vmem>>, vector<1x16xf32>,
      %get3A_338 = vector.shape_cast %get3A_337 : vector<1x16xf32> to vector<16xf32>
      %get3A_339 = arith.index_cast %scan3A_42 : i32 to index
      %get3A_340 = arith.constant 336 : index
      %get3A_341 = tpu.vector_load %arg7[%get3A_339, %get3A_340] {strides = array<i32>} : memref<32x1024xf32, #tpu.memory_space<vmem>>, vector<1x16xf32>,
      %get3A_342 = vector.shape_cast %get3A_341 : vector<1x16xf32> to vector<16xf32>
      %add3A_343 = arith.addf %get3A_338, %get3A_342 : vector<16xf32>
      %swap3A_344 = arith.index_cast %scan3A_42 : i32 to index
      %swap3A_345 = arith.constant 336 : index
      %swap3A_346 = tpu.vector_load %arg6[%swap3A_344, %swap3A_345] {strides = array<i32>} : memref<32x1024xf32, #tpu.memory_space<vmem>>, vector<1x16xf32>,
      %swap3A_347 = vector.shape_cast %swap3A_346 : vector<1x16xf32> to vector<16xf32>
      %swap3A_348 = vector.shape_cast %add3A_343 : vector<16xf32> to vector<1x16xf32>
      tpu.vector_store %arg6[%swap3A_344, %swap3A_345], %swap3A_348 {strides = array<i32>} : memref<32x1024xf32, #tpu.memory_space<vmem>>, vector<1x16xf32>,
      %get3A_349 = arith.index_cast %scan3A_42 : i32 to index
      %get3A_350 = arith.constant 352 : index
      %get3A_351 = tpu.vector_load %arg6[%get3A_349, %get3A_350] {strides = array<i32>} : memref<32x1024xf32, #tpu.memory_space<vmem>>, vector<1x16xf32>,
      %get3A_352 = vector.shape_cast %get3A_351 : vector<1x16xf32> to vector<16xf32>
      %get3A_353 = arith.index_cast %scan3A_42 : i32 to index
      %get3A_354 = arith.constant 352 : index
      %get3A_355 = tpu.vector_load %arg7[%get3A_353, %get3A_354] {strides = array<i32>} : memref<32x1024xf32, #tpu.memory_space<vmem>>, vector<1x16xf32>,
      %get3A_356 = vector.shape_cast %get3A_355 : vector<1x16xf32> to vector<16xf32>
      %add3A_357 = arith.addf %get3A_352, %get3A_356 : vector<16xf32>
      %swap3A_358 = arith.index_cast %scan3A_42 : i32 to index
      %swap3A_359 = arith.constant 352 : index
      %swap3A_360 = tpu.vector_load %arg6[%swap3A_358, %swap3A_359] {strides = array<i32>} : memref<32x1024xf32, #tpu.memory_space<vmem>>, vector<1x16xf32>,
      %swap3A_361 = vector.shape_cast %swap3A_360 : vector<1x16xf32> to vector<16xf32>
      %swap3A_362 = vector.shape_cast %add3A_357 : vector<16xf32> to vector<1x16xf32>
      tpu.vector_store %arg6[%swap3A_358, %swap3A_359], %swap3A_362 {strides = array<i32>} : memref<32x1024xf32, #tpu.memory_space<vmem>>, vector<1x16xf32>,
      %get3A_363 = arith.index_cast %scan3A_42 : i32 to index
      %get3A_364 = arith.constant 368 : index
      %get3A_365 = tpu.vector_load %arg6[%get3A_363, %get3A_364] {strides = array<i32>} : memref<32x1024xf32, #tpu.memory_space<vmem>>, vector<1x16xf32>,
      %get3A_366 = vector.shape_cast %get3A_365 : vector<1x16xf32> to vector<16xf32>
      %get3A_367 = arith.index_cast %scan3A_42 : i32 to index
      %get3A_368 = arith.constant 368 : index
      %get3A_369 = tpu.vector_load %arg7[%get3A_367, %get3A_368] {strides = array<i32>} : memref<32x1024xf32, #tpu.memory_space<vmem>>, vector<1x16xf32>,
      %get3A_370 = vector.shape_cast %get3A_369 : vector<1x16xf32> to vector<16xf32>
      %add3A_371 = arith.addf %get3A_366, %get3A_370 : vector<16xf32>
      %swap3A_372 = arith.index_cast %scan3A_42 : i32 to index
      %swap3A_373 = arith.constant 368 : index
      %swap3A_374 = tpu.vector_load %arg6[%swap3A_372, %swap3A_373] {strides = array<i32>} : memref<32x1024xf32, #tpu.memory_space<vmem>>, vector<1x16xf32>,
      %swap3A_375 = vector.shape_cast %swap3A_374 : vector<1x16xf32> to vector<16xf32>
      %swap3A_376 = vector.shape_cast %add3A_371 : vector<16xf32> to vector<1x16xf32>
      tpu.vector_store %arg6[%swap3A_372, %swap3A_373], %swap3A_376 {strides = array<i32>} : memref<32x1024xf32, #tpu.memory_space<vmem>>, vector<1x16xf32>,
      %get3A_377 = arith.index_cast %scan3A_42 : i32 to index
      %get3A_378 = arith.constant 384 : index
      %get3A_379 = tpu.vector_load %arg6[%get3A_377, %get3A_378] {strides = array<i32>} : memref<32x1024xf32, #tpu.memory_space<vmem>>, vector<1x16xf32>,
      %get3A_380 = vector.shape_cast %get3A_379 : vector<1x16xf32> to vector<16xf32>
      %get3A_381 = arith.index_cast %scan3A_42 : i32 to index
      %get3A_382 = arith.constant 384 : index
      %get3A_383 = tpu.vector_load %arg7[%get3A_381, %get3A_382] {strides = array<i32>} : memref<32x1024xf32, #tpu.memory_space<vmem>>, vector<1x16xf32>,
      %get3A_384 = vector.shape_cast %get3A_383 : vector<1x16xf32> to vector<16xf32>
      %add3A_385 = arith.addf %get3A_380, %get3A_384 : vector<16xf32>
      %swap3A_386 = arith.index_cast %scan3A_42 : i32 to index
      %swap3A_387 = arith.constant 384 : index
      %swap3A_388 = tpu.vector_load %arg6[%swap3A_386, %swap3A_387] {strides = array<i32>} : memref<32x1024xf32, #tpu.memory_space<vmem>>, vector<1x16xf32>,
      %swap3A_389 = vector.shape_cast %swap3A_388 : vector<1x16xf32> to vector<16xf32>
      %swap3A_390 = vector.shape_cast %add3A_385 : vector<16xf32> to vector<1x16xf32>
      tpu.vector_store %arg6[%swap3A_386, %swap3A_387], %swap3A_390 {strides = array<i32>} : memref<32x1024xf32, #tpu.memory_space<vmem>>, vector<1x16xf32>,
      %get3A_391 = arith.index_cast %scan3A_42 : i32 to index
      %get3A_392 = arith.constant 400 : index
      %get3A_393 = tpu.vector_load %arg6[%get3A_391, %get3A_392] {strides = array<i32>} : memref<32x1024xf32, #tpu.memory_space<vmem>>, vector<1x16xf32>,
      %get3A_394 = vector.shape_cast %get3A_393 : vector<1x16xf32> to vector<16xf32>
      %get3A_395 = arith.index_cast %scan3A_42 : i32 to index
      %get3A_396 = arith.constant 400 : index
      %get3A_397 = tpu.vector_load %arg7[%get3A_395, %get3A_396] {strides = array<i32>} : memref<32x1024xf32, #tpu.memory_space<vmem>>, vector<1x16xf32>,
      %get3A_398 = vector.shape_cast %get3A_397 : vector<1x16xf32> to vector<16xf32>
      %add3A_399 = arith.addf %get3A_394, %get3A_398 : vector<16xf32>
      %swap3A_400 = arith.index_cast %scan3A_42 : i32 to index
      %swap3A_401 = arith.constant 400 : index
      %swap3A_402 = tpu.vector_load %arg6[%swap3A_400, %swap3A_401] {strides = array<i32>} : memref<32x1024xf32, #tpu.memory_space<vmem>>, vector<1x16xf32>,
      %swap3A_403 = vector.shape_cast %swap3A_402 : vector<1x16xf32> to vector<16xf32>
      %swap3A_404 = vector.shape_cast %add3A_399 : vector<16xf32> to vector<1x16xf32>
      tpu.vector_store %arg6[%swap3A_400, %swap3A_401], %swap3A_404 {strides = array<i32>} : memref<32x1024xf32, #tpu.memory_space<vmem>>, vector<1x16xf32>,
      %get3A_405 = arith.index_cast %scan3A_42 : i32 to index
      %get3A_406 = arith.constant 416 : index
      %get3A_407 = tpu.vector_load %arg6[%get3A_405, %get3A_406] {strides = array<i32>} : memref<32x1024xf32, #tpu.memory_space<vmem>>, vector<1x16xf32>,
      %get3A_408 = vector.shape_cast %get3A_407 : vector<1x16xf32> to vector<16xf32>
      %get3A_409 = arith.index_cast %scan3A_42 : i32 to index
      %get3A_410 = arith.constant 416 : index
      %get3A_411 = tpu.vector_load %arg7[%get3A_409, %get3A_410] {strides = array<i32>} : memref<32x1024xf32, #tpu.memory_space<vmem>>, vector<1x16xf32>,
      %get3A_412 = vector.shape_cast %get3A_411 : vector<1x16xf32> to vector<16xf32>
      %add3A_413 = arith.addf %get3A_408, %get3A_412 : vector<16xf32>
      %swap3A_414 = arith.index_cast %scan3A_42 : i32 to index
      %swap3A_415 = arith.constant 416 : index
      %swap3A_416 = tpu.vector_load %arg6[%swap3A_414, %swap3A_415] {strides = array<i32>} : memref<32x1024xf32, #tpu.memory_space<vmem>>, vector<1x16xf32>,
      %swap3A_417 = vector.shape_cast %swap3A_416 : vector<1x16xf32> to vector<16xf32>
      %swap3A_418 = vector.shape_cast %add3A_413 : vector<16xf32> to vector<1x16xf32>
      tpu.vector_store %arg6[%swap3A_414, %swap3A_415], %swap3A_418 {strides = array<i32>} : memref<32x1024xf32, #tpu.memory_space<vmem>>, vector<1x16xf32>,
      %get3A_419 = arith.index_cast %scan3A_42 : i32 to index
      %get3A_420 = arith.constant 432 : index
      %get3A_421 = tpu.vector_load %arg6[%get3A_419, %get3A_420] {strides = array<i32>} : memref<32x1024xf32, #tpu.memory_space<vmem>>, vector<1x16xf32>,
      %get3A_422 = vector.shape_cast %get3A_421 : vector<1x16xf32> to vector<16xf32>
      %get3A_423 = arith.index_cast %scan3A_42 : i32 to index
      %get3A_424 = arith.constant 432 : index
      %get3A_425 = tpu.vector_load %arg7[%get3A_423, %get3A_424] {strides = array<i32>} : memref<32x1024xf32, #tpu.memory_space<vmem>>, vector<1x16xf32>,
      %get3A_426 = vector.shape_cast %get3A_425 : vector<1x16xf32> to vector<16xf32>
      %add3A_427 = arith.addf %get3A_422, %get3A_426 : vector<16xf32>
      %swap3A_428 = arith.index_cast %scan3A_42 : i32 to index
      %swap3A_429 = arith.constant 432 : index
      %swap3A_430 = tpu.vector_load %arg6[%swap3A_428, %swap3A_429] {strides = array<i32>} : memref<32x1024xf32, #tpu.memory_space<vmem>>, vector<1x16xf32>,
      %swap3A_431 = vector.shape_cast %swap3A_430 : vector<1x16xf32> to vector<16xf32>
      %swap3A_432 = vector.shape_cast %add3A_427 : vector<16xf32> to vector<1x16xf32>
      tpu.vector_store %arg6[%swap3A_428, %swap3A_429], %swap3A_432 {strides = array<i32>} : memref<32x1024xf32, #tpu.memory_space<vmem>>, vector<1x16xf32>,
      %get3A_433 = arith.index_cast %scan3A_42 : i32 to index
      %get3A_434 = arith.constant 448 : index
      %get3A_435 = tpu.vector_load %arg6[%get3A_433, %get3A_434] {strides = array<i32>} : memref<32x1024xf32, #tpu.memory_space<vmem>>, vector<1x16xf32>,
      %get3A_436 = vector.shape_cast %get3A_435 : vector<1x16xf32> to vector<16xf32>
      %get3A_437 = arith.index_cast %scan3A_42 : i32 to index
      %get3A_438 = arith.constant 448 : index
      %get3A_439 = tpu.vector_load %arg7[%get3A_437, %get3A_438] {strides = array<i32>} : memref<32x1024xf32, #tpu.memory_space<vmem>>, vector<1x16xf32>,
      %get3A_440 = vector.shape_cast %get3A_439 : vector<1x16xf32> to vector<16xf32>
      %add3A_441 = arith.addf %get3A_436, %get3A_440 : vector<16xf32>
      %swap3A_442 = arith.index_cast %scan3A_42 : i32 to index
      %swap3A_443 = arith.constant 448 : index
      %swap3A_444 = tpu.vector_load %arg6[%swap3A_442, %swap3A_443] {strides = array<i32>} : memref<32x1024xf32, #tpu.memory_space<vmem>>, vector<1x16xf32>,
      %swap3A_445 = vector.shape_cast %swap3A_444 : vector<1x16xf32> to vector<16xf32>
      %swap3A_446 = vector.shape_cast %add3A_441 : vector<16xf32> to vector<1x16xf32>
      tpu.vector_store %arg6[%swap3A_442, %swap3A_443], %swap3A_446 {strides = array<i32>} : memref<32x1024xf32, #tpu.memory_space<vmem>>, vector<1x16xf32>,
      %get3A_447 = arith.index_cast %scan3A_42 : i32 to index
      %get3A_448 = arith.constant 464 : index
      %get3A_449 = tpu.vector_load %arg6[%get3A_447, %get3A_448] {strides = array<i32>} : memref<32x1024xf32, #tpu.memory_space<vmem>>, vector<1x16xf32>,
      %get3A_450 = vector.shape_cast %get3A_449 : vector<1x16xf32> to vector<16xf32>
      %get3A_451 = arith.index_cast %scan3A_42 : i32 to index
      %get3A_452 = arith.constant 464 : index
      %get3A_453 = tpu.vector_load %arg7[%get3A_451, %get3A_452] {strides = array<i32>} : memref<32x1024xf32, #tpu.memory_space<vmem>>, vector<1x16xf32>,
      %get3A_454 = vector.shape_cast %get3A_453 : vector<1x16xf32> to vector<16xf32>
      %add3A_455 = arith.addf %get3A_450, %get3A_454 : vector<16xf32>
      %swap3A_456 = arith.index_cast %scan3A_42 : i32 to index
      %swap3A_457 = arith.constant 464 : index
      %swap3A_458 = tpu.vector_load %arg6[%swap3A_456, %swap3A_457] {strides = array<i32>} : memref<32x1024xf32, #tpu.memory_space<vmem>>, vector<1x16xf32>,
      %swap3A_459 = vector.shape_cast %swap3A_458 : vector<1x16xf32> to vector<16xf32>
      %swap3A_460 = vector.shape_cast %add3A_455 : vector<16xf32> to vector<1x16xf32>
      tpu.vector_store %arg6[%swap3A_456, %swap3A_457], %swap3A_460 {strides = array<i32>} : memref<32x1024xf32, #tpu.memory_space<vmem>>, vector<1x16xf32>,
      %get3A_461 = arith.index_cast %scan3A_42 : i32 to index
      %get3A_462 = arith.constant 480 : index
      %get3A_463 = tpu.vector_load %arg6[%get3A_461, %get3A_462] {strides = array<i32>} : memref<32x1024xf32, #tpu.memory_space<vmem>>, vector<1x16xf32>,
      %get3A_464 = vector.shape_cast %get3A_463 : vector<1x16xf32> to vector<16xf32>
      %get3A_465 = arith.index_cast %scan3A_42 : i32 to index
      %get3A_466 = arith.constant 480 : index
      %get3A_467 = tpu.vector_load %arg7[%get3A_465, %get3A_466] {strides = array<i32>} : memref<32x1024xf32, #tpu.memory_space<vmem>>, vector<1x16xf32>,
      %get3A_468 = vector.shape_cast %get3A_467 : vector<1x16xf32> to vector<16xf32>
      %add3A_469 = arith.addf %get3A_464, %get3A_468 : vector<16xf32>
      %swap3A_470 = arith.index_cast %scan3A_42 : i32 to index
      %swap3A_471 = arith.constant 480 : index
      %swap3A_472 = tpu.vector_load %arg6[%swap3A_470, %swap3A_471] {strides = array<i32>} : memref<32x1024xf32, #tpu.memory_space<vmem>>, vector<1x16xf32>,
      %swap3A_473 = vector.shape_cast %swap3A_472 : vector<1x16xf32> to vector<16xf32>
      %swap3A_474 = vector.shape_cast %add3A_469 : vector<16xf32> to vector<1x16xf32>
      tpu.vector_store %arg6[%swap3A_470, %swap3A_471], %swap3A_474 {strides = array<i32>} : memref<32x1024xf32, #tpu.memory_space<vmem>>, vector<1x16xf32>,
      %get3A_475 = arith.index_cast %scan3A_42 : i32 to index
      %get3A_476 = arith.constant 496 : index
      %get3A_477 = tpu.vector_load %arg6[%get3A_475, %get3A_476] {strides = array<i32>} : memref<32x1024xf32, #tpu.memory_space<vmem>>, vector<1x16xf32>,
      %get3A_478 = vector.shape_cast %get3A_477 : vector<1x16xf32> to vector<16xf32>
      %get3A_479 = arith.index_cast %scan3A_42 : i32 to index
      %get3A_480 = arith.constant 496 : index
      %get3A_481 = tpu.vector_load %arg7[%get3A_479, %get3A_480] {strides = array<i32>} : memref<32x1024xf32, #tpu.memory_space<vmem>>, vector<1x16xf32>,
      %get3A_482 = vector.shape_cast %get3A_481 : vector<1x16xf32> to vector<16xf32>
      %add3A_483 = arith.addf %get3A_478, %get3A_482 : vector<16xf32>
      %swap3A_484 = arith.index_cast %scan3A_42 : i32 to index
      %swap3A_485 = arith.constant 496 : index
      %swap3A_486 = tpu.vector_load %arg6[%swap3A_484, %swap3A_485] {strides = array<i32>} : memref<32x1024xf32, #tpu.memory_space<vmem>>, vector<1x16xf32>,
      %swap3A_487 = vector.shape_cast %swap3A_486 : vector<1x16xf32> to vector<16xf32>
      %swap3A_488 = vector.shape_cast %add3A_483 : vector<16xf32> to vector<1x16xf32>
      tpu.vector_store %arg6[%swap3A_484, %swap3A_485], %swap3A_488 {strides = array<i32>} : memref<32x1024xf32, #tpu.memory_space<vmem>>, vector<1x16xf32>,
      %get3A_489 = arith.index_cast %scan3A_42 : i32 to index
      %get3A_490 = arith.constant 512 : index
      %get3A_491 = tpu.vector_load %arg6[%get3A_489, %get3A_490] {strides = array<i32>} : memref<32x1024xf32, #tpu.memory_space<vmem>>, vector<1x16xf32>,
      %get3A_492 = vector.shape_cast %get3A_491 : vector<1x16xf32> to vector<16xf32>
      %get3A_493 = arith.index_cast %scan3A_42 : i32 to index
      %get3A_494 = arith.constant 512 : index
      %get3A_495 = tpu.vector_load %arg7[%get3A_493, %get3A_494] {strides = array<i32>} : memref<32x1024xf32, #tpu.memory_space<vmem>>, vector<1x16xf32>,
      %get3A_496 = vector.shape_cast %get3A_495 : vector<1x16xf32> to vector<16xf32>
      %add3A_497 = arith.addf %get3A_492, %get3A_496 : vector<16xf32>
      %swap3A_498 = arith.index_cast %scan3A_42 : i32 to index
      %swap3A_499 = arith.constant 512 : index
      %swap3A_500 = tpu.vector_load %arg6[%swap3A_498, %swap3A_499] {strides = array<i32>} : memref<32x1024xf32, #tpu.memory_space<vmem>>, vector<1x16xf32>,
      %swap3A_501 = vector.shape_cast %swap3A_500 : vector<1x16xf32> to vector<16xf32>
      %swap3A_502 = vector.shape_cast %add3A_497 : vector<16xf32> to vector<1x16xf32>
      tpu.vector_store %arg6[%swap3A_498, %swap3A_499], %swap3A_502 {strides = array<i32>} : memref<32x1024xf32, #tpu.memory_space<vmem>>, vector<1x16xf32>,
      %get3A_503 = arith.index_cast %scan3A_42 : i32 to index
      %get3A_504 = arith.constant 528 : index
      %get3A_505 = tpu.vector_load %arg6[%get3A_503, %get3A_504] {strides = array<i32>} : memref<32x1024xf32, #tpu.memory_space<vmem>>, vector<1x16xf32>,
      %get3A_506 = vector.shape_cast %get3A_505 : vector<1x16xf32> to vector<16xf32>
      %get3A_507 = arith.index_cast %scan3A_42 : i32 to index
      %get3A_508 = arith.constant 528 : index
      %get3A_509 = tpu.vector_load %arg7[%get3A_507, %get3A_508] {strides = array<i32>} : memref<32x1024xf32, #tpu.memory_space<vmem>>, vector<1x16xf32>,
      %get3A_510 = vector.shape_cast %get3A_509 : vector<1x16xf32> to vector<16xf32>
      %add3A_511 = arith.addf %get3A_506, %get3A_510 : vector<16xf32>
      %swap3A_512 = arith.index_cast %scan3A_42 : i32 to index
      %swap3A_513 = arith.constant 528 : index
      %swap3A_514 = tpu.vector_load %arg6[%swap3A_512, %swap3A_513] {strides = array<i32>} : memref<32x1024xf32, #tpu.memory_space<vmem>>, vector<1x16xf32>,
      %swap3A_515 = vector.shape_cast %swap3A_514 : vector<1x16xf32> to vector<16xf32>
      %swap3A_516 = vector.shape_cast %add3A_511 : vector<16xf32> to vector<1x16xf32>
      tpu.vector_store %arg6[%swap3A_512, %swap3A_513], %swap3A_516 {strides = array<i32>} : memref<32x1024xf32, #tpu.memory_space<vmem>>, vector<1x16xf32>,
      %get3A_517 = arith.index_cast %scan3A_42 : i32 to index
      %get3A_518 = arith.constant 544 : index
      %get3A_519 = tpu.vector_load %arg6[%get3A_517, %get3A_518] {strides = array<i32>} : memref<32x1024xf32, #tpu.memory_space<vmem>>, vector<1x16xf32>,
      %get3A_520 = vector.shape_cast %get3A_519 : vector<1x16xf32> to vector<16xf32>
      %get3A_521 = arith.index_cast %scan3A_42 : i32 to index
      %get3A_522 = arith.constant 544 : index
      %get3A_523 = tpu.vector_load %arg7[%get3A_521, %get3A_522] {strides = array<i32>} : memref<32x1024xf32, #tpu.memory_space<vmem>>, vector<1x16xf32>,
      %get3A_524 = vector.shape_cast %get3A_523 : vector<1x16xf32> to vector<16xf32>
      %add3A_525 = arith.addf %get3A_520, %get3A_524 : vector<16xf32>
      %swap3A_526 = arith.index_cast %scan3A_42 : i32 to index
      %swap3A_527 = arith.constant 544 : index
      %swap3A_528 = tpu.vector_load %arg6[%swap3A_526, %swap3A_527] {strides = array<i32>} : memref<32x1024xf32, #tpu.memory_space<vmem>>, vector<1x16xf32>,
      %swap3A_529 = vector.shape_cast %swap3A_528 : vector<1x16xf32> to vector<16xf32>
      %swap3A_530 = vector.shape_cast %add3A_525 : vector<16xf32> to vector<1x16xf32>
      tpu.vector_store %arg6[%swap3A_526, %swap3A_527], %swap3A_530 {strides = array<i32>} : memref<32x1024xf32, #tpu.memory_space<vmem>>, vector<1x16xf32>,
      %get3A_531 = arith.index_cast %scan3A_42 : i32 to index
      %get3A_532 = arith.constant 560 : index
      %get3A_533 = tpu.vector_load %arg6[%get3A_531, %get3A_532] {strides = array<i32>} : memref<32x1024xf32, #tpu.memory_space<vmem>>, vector<1x16xf32>,
      %get3A_534 = vector.shape_cast %get3A_533 : vector<1x16xf32> to vector<16xf32>
      %get3A_535 = arith.index_cast %scan3A_42 : i32 to index
      %get3A_536 = arith.constant 560 : index
      %get3A_537 = tpu.vector_load %arg7[%get3A_535, %get3A_536] {strides = array<i32>} : memref<32x1024xf32, #tpu.memory_space<vmem>>, vector<1x16xf32>,
      %get3A_538 = vector.shape_cast %get3A_537 : vector<1x16xf32> to vector<16xf32>
      %add3A_539 = arith.addf %get3A_534, %get3A_538 : vector<16xf32>
      %swap3A_540 = arith.index_cast %scan3A_42 : i32 to index
      %swap3A_541 = arith.constant 560 : index
      %swap3A_542 = tpu.vector_load %arg6[%swap3A_540, %swap3A_541] {strides = array<i32>} : memref<32x1024xf32, #tpu.memory_space<vmem>>, vector<1x16xf32>,
      %swap3A_543 = vector.shape_cast %swap3A_542 : vector<1x16xf32> to vector<16xf32>
      %swap3A_544 = vector.shape_cast %add3A_539 : vector<16xf32> to vector<1x16xf32>
      tpu.vector_store %arg6[%swap3A_540, %swap3A_541], %swap3A_544 {strides = array<i32>} : memref<32x1024xf32, #tpu.memory_space<vmem>>, vector<1x16xf32>,
      %get3A_545 = arith.index_cast %scan3A_42 : i32 to index
      %get3A_546 = arith.constant 576 : index
      %get3A_547 = tpu.vector_load %arg6[%get3A_545, %get3A_546] {strides = array<i32>} : memref<32x1024xf32, #tpu.memory_space<vmem>>, vector<1x16xf32>,
      %get3A_548 = vector.shape_cast %get3A_547 : vector<1x16xf32> to vector<16xf32>
      %get3A_549 = arith.index_cast %scan3A_42 : i32 to index
      %get3A_550 = arith.constant 576 : index
      %get3A_551 = tpu.vector_load %arg7[%get3A_549, %get3A_550] {strides = array<i32>} : memref<32x1024xf32, #tpu.memory_space<vmem>>, vector<1x16xf32>,
      %get3A_552 = vector.shape_cast %get3A_551 : vector<1x16xf32> to vector<16xf32>
      %add3A_553 = arith.addf %get3A_548, %get3A_552 : vector<16xf32>
      %swap3A_554 = arith.index_cast %scan3A_42 : i32 to index
      %swap3A_555 = arith.constant 576 : index
      %swap3A_556 = tpu.vector_load %arg6[%swap3A_554, %swap3A_555] {strides = array<i32>} : memref<32x1024xf32, #tpu.memory_space<vmem>>, vector<1x16xf32>,
      %swap3A_557 = vector.shape_cast %swap3A_556 : vector<1x16xf32> to vector<16xf32>
      %swap3A_558 = vector.shape_cast %add3A_553 : vector<16xf32> to vector<1x16xf32>
      tpu.vector_store %arg6[%swap3A_554, %swap3A_555], %swap3A_558 {strides = array<i32>} : memref<32x1024xf32, #tpu.memory_space<vmem>>, vector<1x16xf32>,
      %get3A_559 = arith.index_cast %scan3A_42 : i32 to index
      %get3A_560 = arith.constant 592 : index
      %get3A_561 = tpu.vector_load %arg6[%get3A_559, %get3A_560] {strides = array<i32>} : memref<32x1024xf32, #tpu.memory_space<vmem>>, vector<1x16xf32>,
      %get3A_562 = vector.shape_cast %get3A_561 : vector<1x16xf32> to vector<16xf32>
      %get3A_563 = arith.index_cast %scan3A_42 : i32 to index
      %get3A_564 = arith.constant 592 : index
      %get3A_565 = tpu.vector_load %arg7[%get3A_563, %get3A_564] {strides = array<i32>} : memref<32x1024xf32, #tpu.memory_space<vmem>>, vector<1x16xf32>,
      %get3A_566 = vector.shape_cast %get3A_565 : vector<1x16xf32> to vector<16xf32>
      %add3A_567 = arith.addf %get3A_562, %get3A_566 : vector<16xf32>
      %swap3A_568 = arith.index_cast %scan3A_42 : i32 to index
      %swap3A_569 = arith.constant 592 : index
      %swap3A_570 = tpu.vector_load %arg6[%swap3A_568, %swap3A_569] {strides = array<i32>} : memref<32x1024xf32, #tpu.memory_space<vmem>>, vector<1x16xf32>,
      %swap3A_571 = vector.shape_cast %swap3A_570 : vector<1x16xf32> to vector<16xf32>
      %swap3A_572 = vector.shape_cast %add3A_567 : vector<16xf32> to vector<1x16xf32>
      tpu.vector_store %arg6[%swap3A_568, %swap3A_569], %swap3A_572 {strides = array<i32>} : memref<32x1024xf32, #tpu.memory_space<vmem>>, vector<1x16xf32>,
      %get3A_573 = arith.index_cast %scan3A_42 : i32 to index
      %get3A_574 = arith.constant 608 : index
      %get3A_575 = tpu.vector_load %arg6[%get3A_573, %get3A_574] {strides = array<i32>} : memref<32x1024xf32, #tpu.memory_space<vmem>>, vector<1x16xf32>,
      %get3A_576 = vector.shape_cast %get3A_575 : vector<1x16xf32> to vector<16xf32>
      %get3A_577 = arith.index_cast %scan3A_42 : i32 to index
      %get3A_578 = arith.constant 608 : index
      %get3A_579 = tpu.vector_load %arg7[%get3A_577, %get3A_578] {strides = array<i32>} : memref<32x1024xf32, #tpu.memory_space<vmem>>, vector<1x16xf32>,
      %get3A_580 = vector.shape_cast %get3A_579 : vector<1x16xf32> to vector<16xf32>
      %add3A_581 = arith.addf %get3A_576, %get3A_580 : vector<16xf32>
      %swap3A_582 = arith.index_cast %scan3A_42 : i32 to index
      %swap3A_583 = arith.constant 608 : index
      %swap3A_584 = tpu.vector_load %arg6[%swap3A_582, %swap3A_583] {strides = array<i32>} : memref<32x1024xf32, #tpu.memory_space<vmem>>, vector<1x16xf32>,
      %swap3A_585 = vector.shape_cast %swap3A_584 : vector<1x16xf32> to vector<16xf32>
      %swap3A_586 = vector.shape_cast %add3A_581 : vector<16xf32> to vector<1x16xf32>
      tpu.vector_store %arg6[%swap3A_582, %swap3A_583], %swap3A_586 {strides = array<i32>} : memref<32x1024xf32, #tpu.memory_space<vmem>>, vector<1x16xf32>,
      %get3A_587 = arith.index_cast %scan3A_42 : i32 to index
      %get3A_588 = arith.constant 624 : index
      %get3A_589 = tpu.vector_load %arg6[%get3A_587, %get3A_588] {strides = array<i32>} : memref<32x1024xf32, #tpu.memory_space<vmem>>, vector<1x16xf32>,
      %get3A_590 = vector.shape_cast %get3A_589 : vector<1x16xf32> to vector<16xf32>
      %get3A_591 = arith.index_cast %scan3A_42 : i32 to index
      %get3A_592 = arith.constant 624 : index
      %get3A_593 = tpu.vector_load %arg7[%get3A_591, %get3A_592] {strides = array<i32>} : memref<32x1024xf32, #tpu.memory_space<vmem>>, vector<1x16xf32>,
      %get3A_594 = vector.shape_cast %get3A_593 : vector<1x16xf32> to vector<16xf32>
      %add3A_595 = arith.addf %get3A_590, %get3A_594 : vector<16xf32>
      %swap3A_596 = arith.index_cast %scan3A_42 : i32 to index
      %swap3A_597 = arith.constant 624 : index
      %swap3A_598 = tpu.vector_load %arg6[%swap3A_596, %swap3A_597] {strides = array<i32>} : memref<32x1024xf32, #tpu.memory_space<vmem>>, vector<1x16xf32>,
      %swap3A_599 = vector.shape_cast %swap3A_598 : vector<1x16xf32> to vector<16xf32>
      %swap3A_600 = vector.shape_cast %add3A_595 : vector<16xf32> to vector<1x16xf32>
      tpu.vector_store %arg6[%swap3A_596, %swap3A_597], %swap3A_600 {strides = array<i32>} : memref<32x1024xf32, #tpu.memory_space<vmem>>, vector<1x16xf32>,
      %get3A_601 = arith.index_cast %scan3A_42 : i32 to index
      %get3A_602 = arith.constant 640 : index
      %get3A_603 = tpu.vector_load %arg6[%get3A_601, %get3A_602] {strides = array<i32>} : memref<32x1024xf32, #tpu.memory_space<vmem>>, vector<1x16xf32>,
      %get3A_604 = vector.shape_cast %get3A_603 : vector<1x16xf32> to vector<16xf32>
      %get3A_605 = arith.index_cast %scan3A_42 : i32 to index
      %get3A_606 = arith.constant 640 : index
      %get3A_607 = tpu.vector_load %arg7[%get3A_605, %get3A_606] {strides = array<i32>} : memref<32x1024xf32, #tpu.memory_space<vmem>>, vector<1x16xf32>,
      %get3A_608 = vector.shape_cast %get3A_607 : vector<1x16xf32> to vector<16xf32>
      %add3A_609 = arith.addf %get3A_604, %get3A_608 : vector<16xf32>
      %swap3A_610 = arith.index_cast %scan3A_42 : i32 to index
      %swap3A_611 = arith.constant 640 : index
      %swap3A_612 = tpu.vector_load %arg6[%swap3A_610, %swap3A_611] {strides = array<i32>} : memref<32x1024xf32, #tpu.memory_space<vmem>>, vector<1x16xf32>,
      %swap3A_613 = vector.shape_cast %swap3A_612 : vector<1x16xf32> to vector<16xf32>
      %swap3A_614 = vector.shape_cast %add3A_609 : vector<16xf32> to vector<1x16xf32>
      tpu.vector_store %arg6[%swap3A_610, %swap3A_611], %swap3A_614 {strides = array<i32>} : memref<32x1024xf32, #tpu.memory_space<vmem>>, vector<1x16xf32>,
      %get3A_615 = arith.index_cast %scan3A_42 : i32 to index
      %get3A_616 = arith.constant 656 : index
      %get3A_617 = tpu.vector_load %arg6[%get3A_615, %get3A_616] {strides = array<i32>} : memref<32x1024xf32, #tpu.memory_space<vmem>>, vector<1x16xf32>,
      %get3A_618 = vector.shape_cast %get3A_617 : vector<1x16xf32> to vector<16xf32>
      %get3A_619 = arith.index_cast %scan3A_42 : i32 to index
      %get3A_620 = arith.constant 656 : index
      %get3A_621 = tpu.vector_load %arg7[%get3A_619, %get3A_620] {strides = array<i32>} : memref<32x1024xf32, #tpu.memory_space<vmem>>, vector<1x16xf32>,
      %get3A_622 = vector.shape_cast %get3A_621 : vector<1x16xf32> to vector<16xf32>
      %add3A_623 = arith.addf %get3A_618, %get3A_622 : vector<16xf32>
      %swap3A_624 = arith.index_cast %scan3A_42 : i32 to index
      %swap3A_625 = arith.constant 656 : index
      %swap3A_626 = tpu.vector_load %arg6[%swap3A_624, %swap3A_625] {strides = array<i32>} : memref<32x1024xf32, #tpu.memory_space<vmem>>, vector<1x16xf32>,
      %swap3A_627 = vector.shape_cast %swap3A_626 : vector<1x16xf32> to vector<16xf32>
      %swap3A_628 = vector.shape_cast %add3A_623 : vector<16xf32> to vector<1x16xf32>
      tpu.vector_store %arg6[%swap3A_624, %swap3A_625], %swap3A_628 {strides = array<i32>} : memref<32x1024xf32, #tpu.memory_space<vmem>>, vector<1x16xf32>,
      %get3A_629 = arith.index_cast %scan3A_42 : i32 to index
      %get3A_630 = arith.constant 672 : index
      %get3A_631 = tpu.vector_load %arg6[%get3A_629, %get3A_630] {strides = array<i32>} : memref<32x1024xf32, #tpu.memory_space<vmem>>, vector<1x16xf32>,
      %get3A_632 = vector.shape_cast %get3A_631 : vector<1x16xf32> to vector<16xf32>
      %get3A_633 = arith.index_cast %scan3A_42 : i32 to index
      %get3A_634 = arith.constant 672 : index
      %get3A_635 = tpu.vector_load %arg7[%get3A_633, %get3A_634] {strides = array<i32>} : memref<32x1024xf32, #tpu.memory_space<vmem>>, vector<1x16xf32>,
      %get3A_636 = vector.shape_cast %get3A_635 : vector<1x16xf32> to vector<16xf32>
      %add3A_637 = arith.addf %get3A_632, %get3A_636 : vector<16xf32>
      %swap3A_638 = arith.index_cast %scan3A_42 : i32 to index
      %swap3A_639 = arith.constant 672 : index
      %swap3A_640 = tpu.vector_load %arg6[%swap3A_638, %swap3A_639] {strides = array<i32>} : memref<32x1024xf32, #tpu.memory_space<vmem>>, vector<1x16xf32>,
      %swap3A_641 = vector.shape_cast %swap3A_640 : vector<1x16xf32> to vector<16xf32>
      %swap3A_642 = vector.shape_cast %add3A_637 : vector<16xf32> to vector<1x16xf32>
      tpu.vector_store %arg6[%swap3A_638, %swap3A_639], %swap3A_642 {strides = array<i32>} : memref<32x1024xf32, #tpu.memory_space<vmem>>, vector<1x16xf32>,
      %get3A_643 = arith.index_cast %scan3A_42 : i32 to index
      %get3A_644 = arith.constant 688 : index
      %get3A_645 = tpu.vector_load %arg6[%get3A_643, %get3A_644] {strides = array<i32>} : memref<32x1024xf32, #tpu.memory_space<vmem>>, vector<1x16xf32>,
      %get3A_646 = vector.shape_cast %get3A_645 : vector<1x16xf32> to vector<16xf32>
      %get3A_647 = arith.index_cast %scan3A_42 : i32 to index
      %get3A_648 = arith.constant 688 : index
      %get3A_649 = tpu.vector_load %arg7[%get3A_647, %get3A_648] {strides = array<i32>} : memref<32x1024xf32, #tpu.memory_space<vmem>>, vector<1x16xf32>,
      %get3A_650 = vector.shape_cast %get3A_649 : vector<1x16xf32> to vector<16xf32>
      %add3A_651 = arith.addf %get3A_646, %get3A_650 : vector<16xf32>
      %swap3A_652 = arith.index_cast %scan3A_42 : i32 to index
      %swap3A_653 = arith.constant 688 : index
      %swap3A_654 = tpu.vector_load %arg6[%swap3A_652, %swap3A_653] {strides = array<i32>} : memref<32x1024xf32, #tpu.memory_space<vmem>>, vector<1x16xf32>,
      %swap3A_655 = vector.shape_cast %swap3A_654 : vector<1x16xf32> to vector<16xf32>
      %swap3A_656 = vector.shape_cast %add3A_651 : vector<16xf32> to vector<1x16xf32>
      tpu.vector_store %arg6[%swap3A_652, %swap3A_653], %swap3A_656 {strides = array<i32>} : memref<32x1024xf32, #tpu.memory_space<vmem>>, vector<1x16xf32>,
      %get3A_657 = arith.index_cast %scan3A_42 : i32 to index
      %get3A_658 = arith.constant 704 : index
      %get3A_659 = tpu.vector_load %arg6[%get3A_657, %get3A_658] {strides = array<i32>} : memref<32x1024xf32, #tpu.memory_space<vmem>>, vector<1x16xf32>,
      %get3A_660 = vector.shape_cast %get3A_659 : vector<1x16xf32> to vector<16xf32>
      %get3A_661 = arith.index_cast %scan3A_42 : i32 to index
      %get3A_662 = arith.constant 704 : index
      %get3A_663 = tpu.vector_load %arg7[%get3A_661, %get3A_662] {strides = array<i32>} : memref<32x1024xf32, #tpu.memory_space<vmem>>, vector<1x16xf32>,
      %get3A_664 = vector.shape_cast %get3A_663 : vector<1x16xf32> to vector<16xf32>
      %add3A_665 = arith.addf %get3A_660, %get3A_664 : vector<16xf32>
      %swap3A_666 = arith.index_cast %scan3A_42 : i32 to index
      %swap3A_667 = arith.constant 704 : index
      %swap3A_668 = tpu.vector_load %arg6[%swap3A_666, %swap3A_667] {strides = array<i32>} : memref<32x1024xf32, #tpu.memory_space<vmem>>, vector<1x16xf32>,
      %swap3A_669 = vector.shape_cast %swap3A_668 : vector<1x16xf32> to vector<16xf32>
      %swap3A_670 = vector.shape_cast %add3A_665 : vector<16xf32> to vector<1x16xf32>
      tpu.vector_store %arg6[%swap3A_666, %swap3A_667], %swap3A_670 {strides = array<i32>} : memref<32x1024xf32, #tpu.memory_space<vmem>>, vector<1x16xf32>,
      %get3A_671 = arith.index_cast %scan3A_42 : i32 to index
      %get3A_672 = arith.constant 720 : index
      %get3A_673 = tpu.vector_load %arg6[%get3A_671, %get3A_672] {strides = array<i32>} : memref<32x1024xf32, #tpu.memory_space<vmem>>, vector<1x16xf32>,
      %get3A_674 = vector.shape_cast %get3A_673 : vector<1x16xf32> to vector<16xf32>
      %get3A_675 = arith.index_cast %scan3A_42 : i32 to index
      %get3A_676 = arith.constant 720 : index
      %get3A_677 = tpu.vector_load %arg7[%get3A_675, %get3A_676] {strides = array<i32>} : memref<32x1024xf32, #tpu.memory_space<vmem>>, vector<1x16xf32>,
      %get3A_678 = vector.shape_cast %get3A_677 : vector<1x16xf32> to vector<16xf32>
      %add3A_679 = arith.addf %get3A_674, %get3A_678 : vector<16xf32>
      %swap3A_680 = arith.index_cast %scan3A_42 : i32 to index
      %swap3A_681 = arith.constant 720 : index
      %swap3A_682 = tpu.vector_load %arg6[%swap3A_680, %swap3A_681] {strides = array<i32>} : memref<32x1024xf32, #tpu.memory_space<vmem>>, vector<1x16xf32>,
      %swap3A_683 = vector.shape_cast %swap3A_682 : vector<1x16xf32> to vector<16xf32>
      %swap3A_684 = vector.shape_cast %add3A_679 : vector<16xf32> to vector<1x16xf32>
      tpu.vector_store %arg6[%swap3A_680, %swap3A_681], %swap3A_684 {strides = array<i32>} : memref<32x1024xf32, #tpu.memory_space<vmem>>, vector<1x16xf32>,
      %get3A_685 = arith.index_cast %scan3A_42 : i32 to index
      %get3A_686 = arith.constant 736 : index
      %get3A_687 = tpu.vector_load %arg6[%get3A_685, %get3A_686] {strides = array<i32>} : memref<32x1024xf32, #tpu.memory_space<vmem>>, vector<1x16xf32>,
      %get3A_688 = vector.shape_cast %get3A_687 : vector<1x16xf32> to vector<16xf32>
      %get3A_689 = arith.index_cast %scan3A_42 : i32 to index
      %get3A_690 = arith.constant 736 : index
      %get3A_691 = tpu.vector_load %arg7[%get3A_689, %get3A_690] {strides = array<i32>} : memref<32x1024xf32, #tpu.memory_space<vmem>>, vector<1x16xf32>,
      %get3A_692 = vector.shape_cast %get3A_691 : vector<1x16xf32> to vector<16xf32>
      %add3A_693 = arith.addf %get3A_688, %get3A_692 : vector<16xf32>
      %swap3A_694 = arith.index_cast %scan3A_42 : i32 to index
      %swap3A_695 = arith.constant 736 : index
      %swap3A_696 = tpu.vector_load %arg6[%swap3A_694, %swap3A_695] {strides = array<i32>} : memref<32x1024xf32, #tpu.memory_space<vmem>>, vector<1x16xf32>,
      %swap3A_697 = vector.shape_cast %swap3A_696 : vector<1x16xf32> to vector<16xf32>
      %swap3A_698 = vector.shape_cast %add3A_693 : vector<16xf32> to vector<1x16xf32>
      tpu.vector_store %arg6[%swap3A_694, %swap3A_695], %swap3A_698 {strides = array<i32>} : memref<32x1024xf32, #tpu.memory_space<vmem>>, vector<1x16xf32>,
      %get3A_699 = arith.index_cast %scan3A_42 : i32 to index
      %get3A_700 = arith.constant 752 : index
      %get3A_701 = tpu.vector_load %arg6[%get3A_699, %get3A_700] {strides = array<i32>} : memref<32x1024xf32, #tpu.memory_space<vmem>>, vector<1x16xf32>,
      %get3A_702 = vector.shape_cast %get3A_701 : vector<1x16xf32> to vector<16xf32>
      %get3A_703 = arith.index_cast %scan3A_42 : i32 to index
      %get3A_704 = arith.constant 752 : index
      %get3A_705 = tpu.vector_load %arg7[%get3A_703, %get3A_704] {strides = array<i32>} : memref<32x1024xf32, #tpu.memory_space<vmem>>, vector<1x16xf32>,
      %get3A_706 = vector.shape_cast %get3A_705 : vector<1x16xf32> to vector<16xf32>
      %add3A_707 = arith.addf %get3A_702, %get3A_706 : vector<16xf32>
      %swap3A_708 = arith.index_cast %scan3A_42 : i32 to index
      %swap3A_709 = arith.constant 752 : index
      %swap3A_710 = tpu.vector_load %arg6[%swap3A_708, %swap3A_709] {strides = array<i32>} : memref<32x1024xf32, #tpu.memory_space<vmem>>, vector<1x16xf32>,
      %swap3A_711 = vector.shape_cast %swap3A_710 : vector<1x16xf32> to vector<16xf32>
      %swap3A_712 = vector.shape_cast %add3A_707 : vector<16xf32> to vector<1x16xf32>
      tpu.vector_store %arg6[%swap3A_708, %swap3A_709], %swap3A_712 {strides = array<i32>} : memref<32x1024xf32, #tpu.memory_space<vmem>>, vector<1x16xf32>,
      %get3A_713 = arith.index_cast %scan3A_42 : i32 to index
      %get3A_714 = arith.constant 768 : index
      %get3A_715 = tpu.vector_load %arg6[%get3A_713, %get3A_714] {strides = array<i32>} : memref<32x1024xf32, #tpu.memory_space<vmem>>, vector<1x16xf32>,
      %get3A_716 = vector.shape_cast %get3A_715 : vector<1x16xf32> to vector<16xf32>
      %get3A_717 = arith.index_cast %scan3A_42 : i32 to index
      %get3A_718 = arith.constant 768 : index
      %get3A_719 = tpu.vector_load %arg7[%get3A_717, %get3A_718] {strides = array<i32>} : memref<32x1024xf32, #tpu.memory_space<vmem>>, vector<1x16xf32>,
      %get3A_720 = vector.shape_cast %get3A_719 : vector<1x16xf32> to vector<16xf32>
      %add3A_721 = arith.addf %get3A_716, %get3A_720 : vector<16xf32>
      %swap3A_722 = arith.index_cast %scan3A_42 : i32 to index
      %swap3A_723 = arith.constant 768 : index
      %swap3A_724 = tpu.vector_load %arg6[%swap3A_722, %swap3A_723] {strides = array<i32>} : memref<32x1024xf32, #tpu.memory_space<vmem>>, vector<1x16xf32>,
      %swap3A_725 = vector.shape_cast %swap3A_724 : vector<1x16xf32> to vector<16xf32>
      %swap3A_726 = vector.shape_cast %add3A_721 : vector<16xf32> to vector<1x16xf32>
      tpu.vector_store %arg6[%swap3A_722, %swap3A_723], %swap3A_726 {strides = array<i32>} : memref<32x1024xf32, #tpu.memory_space<vmem>>, vector<1x16xf32>,
      %get3A_727 = arith.index_cast %scan3A_42 : i32 to index
      %get3A_728 = arith.constant 784 : index
      %get3A_729 = tpu.vector_load %arg6[%get3A_727, %get3A_728] {strides = array<i32>} : memref<32x1024xf32, #tpu.memory_space<vmem>>, vector<1x16xf32>,
      %get3A_730 = vector.shape_cast %get3A_729 : vector<1x16xf32> to vector<16xf32>
      %get3A_731 = arith.index_cast %scan3A_42 : i32 to index
      %get3A_732 = arith.constant 784 : index
      %get3A_733 = tpu.vector_load %arg7[%get3A_731, %get3A_732] {strides = array<i32>} : memref<32x1024xf32, #tpu.memory_space<vmem>>, vector<1x16xf32>,
      %get3A_734 = vector.shape_cast %get3A_733 : vector<1x16xf32> to vector<16xf32>
      %add3A_735 = arith.addf %get3A_730, %get3A_734 : vector<16xf32>
      %swap3A_736 = arith.index_cast %scan3A_42 : i32 to index
      %swap3A_737 = arith.constant 784 : index
      %swap3A_738 = tpu.vector_load %arg6[%swap3A_736, %swap3A_737] {strides = array<i32>} : memref<32x1024xf32, #tpu.memory_space<vmem>>, vector<1x16xf32>,
      %swap3A_739 = vector.shape_cast %swap3A_738 : vector<1x16xf32> to vector<16xf32>
      %swap3A_740 = vector.shape_cast %add3A_735 : vector<16xf32> to vector<1x16xf32>
      tpu.vector_store %arg6[%swap3A_736, %swap3A_737], %swap3A_740 {strides = array<i32>} : memref<32x1024xf32, #tpu.memory_space<vmem>>, vector<1x16xf32>,
      %get3A_741 = arith.index_cast %scan3A_42 : i32 to index
      %get3A_742 = arith.constant 800 : index
      %get3A_743 = tpu.vector_load %arg6[%get3A_741, %get3A_742] {strides = array<i32>} : memref<32x1024xf32, #tpu.memory_space<vmem>>, vector<1x16xf32>,
      %get3A_744 = vector.shape_cast %get3A_743 : vector<1x16xf32> to vector<16xf32>
      %get3A_745 = arith.index_cast %scan3A_42 : i32 to index
      %get3A_746 = arith.constant 800 : index
      %get3A_747 = tpu.vector_load %arg7[%get3A_745, %get3A_746] {strides = array<i32>} : memref<32x1024xf32, #tpu.memory_space<vmem>>, vector<1x16xf32>,
      %get3A_748 = vector.shape_cast %get3A_747 : vector<1x16xf32> to vector<16xf32>
      %add3A_749 = arith.addf %get3A_744, %get3A_748 : vector<16xf32>
      %swap3A_750 = arith.index_cast %scan3A_42 : i32 to index
      %swap3A_751 = arith.constant 800 : index
      %swap3A_752 = tpu.vector_load %arg6[%swap3A_750, %swap3A_751] {strides = array<i32>} : memref<32x1024xf32, #tpu.memory_space<vmem>>, vector<1x16xf32>,
      %swap3A_753 = vector.shape_cast %swap3A_752 : vector<1x16xf32> to vector<16xf32>
      %swap3A_754 = vector.shape_cast %add3A_749 : vector<16xf32> to vector<1x16xf32>
      tpu.vector_store %arg6[%swap3A_750, %swap3A_751], %swap3A_754 {strides = array<i32>} : memref<32x1024xf32, #tpu.memory_space<vmem>>, vector<1x16xf32>,
      %get3A_755 = arith.index_cast %scan3A_42 : i32 to index
      %get3A_756 = arith.constant 816 : index
      %get3A_757 = tpu.vector_load %arg6[%get3A_755, %get3A_756] {strides = array<i32>} : memref<32x1024xf32, #tpu.memory_space<vmem>>, vector<1x16xf32>,
      %get3A_758 = vector.shape_cast %get3A_757 : vector<1x16xf32> to vector<16xf32>
      %get3A_759 = arith.index_cast %scan3A_42 : i32 to index
      %get3A_760 = arith.constant 816 : index
      %get3A_761 = tpu.vector_load %arg7[%get3A_759, %get3A_760] {strides = array<i32>} : memref<32x1024xf32, #tpu.memory_space<vmem>>, vector<1x16xf32>,
      %get3A_762 = vector.shape_cast %get3A_761 : vector<1x16xf32> to vector<16xf32>
      %add3A_763 = arith.addf %get3A_758, %get3A_762 : vector<16xf32>
      %swap3A_764 = arith.index_cast %scan3A_42 : i32 to index
      %swap3A_765 = arith.constant 816 : index
      %swap3A_766 = tpu.vector_load %arg6[%swap3A_764, %swap3A_765] {strides = array<i32>} : memref<32x1024xf32, #tpu.memory_space<vmem>>, vector<1x16xf32>,
      %swap3A_767 = vector.shape_cast %swap3A_766 : vector<1x16xf32> to vector<16xf32>
      %swap3A_768 = vector.shape_cast %add3A_763 : vector<16xf32> to vector<1x16xf32>
      tpu.vector_store %arg6[%swap3A_764, %swap3A_765], %swap3A_768 {strides = array<i32>} : memref<32x1024xf32, #tpu.memory_space<vmem>>, vector<1x16xf32>,
      %get3A_769 = arith.index_cast %scan3A_42 : i32 to index
      %get3A_770 = arith.constant 832 : index
      %get3A_771 = tpu.vector_load %arg6[%get3A_769, %get3A_770] {strides = array<i32>} : memref<32x1024xf32, #tpu.memory_space<vmem>>, vector<1x16xf32>,
      %get3A_772 = vector.shape_cast %get3A_771 : vector<1x16xf32> to vector<16xf32>
      %get3A_773 = arith.index_cast %scan3A_42 : i32 to index
      %get3A_774 = arith.constant 832 : index
      %get3A_775 = tpu.vector_load %arg7[%get3A_773, %get3A_774] {strides = array<i32>} : memref<32x1024xf32, #tpu.memory_space<vmem>>, vector<1x16xf32>,
      %get3A_776 = vector.shape_cast %get3A_775 : vector<1x16xf32> to vector<16xf32>
      %add3A_777 = arith.addf %get3A_772, %get3A_776 : vector<16xf32>
      %swap3A_778 = arith.index_cast %scan3A_42 : i32 to index
      %swap3A_779 = arith.constant 832 : index
      %swap3A_780 = tpu.vector_load %arg6[%swap3A_778, %swap3A_779] {strides = array<i32>} : memref<32x1024xf32, #tpu.memory_space<vmem>>, vector<1x16xf32>,
      %swap3A_781 = vector.shape_cast %swap3A_780 : vector<1x16xf32> to vector<16xf32>
      %swap3A_782 = vector.shape_cast %add3A_777 : vector<16xf32> to vector<1x16xf32>
      tpu.vector_store %arg6[%swap3A_778, %swap3A_779], %swap3A_782 {strides = array<i32>} : memref<32x1024xf32, #tpu.memory_space<vmem>>, vector<1x16xf32>,
      %get3A_783 = arith.index_cast %scan3A_42 : i32 to index
      %get3A_784 = arith.constant 848 : index
      %get3A_785 = tpu.vector_load %arg6[%get3A_783, %get3A_784] {strides = array<i32>} : memref<32x1024xf32, #tpu.memory_space<vmem>>, vector<1x16xf32>,
      %get3A_786 = vector.shape_cast %get3A_785 : vector<1x16xf32> to vector<16xf32>
      %get3A_787 = arith.index_cast %scan3A_42 : i32 to index
      %get3A_788 = arith.constant 848 : index
      %get3A_789 = tpu.vector_load %arg7[%get3A_787, %get3A_788] {strides = array<i32>} : memref<32x1024xf32, #tpu.memory_space<vmem>>, vector<1x16xf32>,
      %get3A_790 = vector.shape_cast %get3A_789 : vector<1x16xf32> to vector<16xf32>
      %add3A_791 = arith.addf %get3A_786, %get3A_790 : vector<16xf32>
      %swap3A_792 = arith.index_cast %scan3A_42 : i32 to index
      %swap3A_793 = arith.constant 848 : index
      %swap3A_794 = tpu.vector_load %arg6[%swap3A_792, %swap3A_793] {strides = array<i32>} : memref<32x1024xf32, #tpu.memory_space<vmem>>, vector<1x16xf32>,
      %swap3A_795 = vector.shape_cast %swap3A_794 : vector<1x16xf32> to vector<16xf32>
      %swap3A_796 = vector.shape_cast %add3A_791 : vector<16xf32> to vector<1x16xf32>
      tpu.vector_store %arg6[%swap3A_792, %swap3A_793], %swap3A_796 {strides = array<i32>} : memref<32x1024xf32, #tpu.memory_space<vmem>>, vector<1x16xf32>,
      %get3A_797 = arith.index_cast %scan3A_42 : i32 to index
      %get3A_798 = arith.constant 864 : index
      %get3A_799 = tpu.vector_load %arg6[%get3A_797, %get3A_798] {strides = array<i32>} : memref<32x1024xf32, #tpu.memory_space<vmem>>, vector<1x16xf32>,
      %get3A_800 = vector.shape_cast %get3A_799 : vector<1x16xf32> to vector<16xf32>
      %get3A_801 = arith.index_cast %scan3A_42 : i32 to index
      %get3A_802 = arith.constant 864 : index
      %get3A_803 = tpu.vector_load %arg7[%get3A_801, %get3A_802] {strides = array<i32>} : memref<32x1024xf32, #tpu.memory_space<vmem>>, vector<1x16xf32>,
      %get3A_804 = vector.shape_cast %get3A_803 : vector<1x16xf32> to vector<16xf32>
      %add3A_805 = arith.addf %get3A_800, %get3A_804 : vector<16xf32>
      %swap3A_806 = arith.index_cast %scan3A_42 : i32 to index
      %swap3A_807 = arith.constant 864 : index
      %swap3A_808 = tpu.vector_load %arg6[%swap3A_806, %swap3A_807] {strides = array<i32>} : memref<32x1024xf32, #tpu.memory_space<vmem>>, vector<1x16xf32>,
      %swap3A_809 = vector.shape_cast %swap3A_808 : vector<1x16xf32> to vector<16xf32>
      %swap3A_810 = vector.shape_cast %add3A_805 : vector<16xf32> to vector<1x16xf32>
      tpu.vector_store %arg6[%swap3A_806, %swap3A_807], %swap3A_810 {strides = array<i32>} : memref<32x1024xf32, #tpu.memory_space<vmem>>, vector<1x16xf32>,
      %get3A_811 = arith.index_cast %scan3A_42 : i32 to index
      %get3A_812 = arith.constant 880 : index
      %get3A_813 = tpu.vector_load %arg6[%get3A_811, %get3A_812] {strides = array<i32>} : memref<32x1024xf32, #tpu.memory_space<vmem>>, vector<1x16xf32>,
      %get3A_814 = vector.shape_cast %get3A_813 : vector<1x16xf32> to vector<16xf32>
      %get3A_815 = arith.index_cast %scan3A_42 : i32 to index
      %get3A_816 = arith.constant 880 : index
      %get3A_817 = tpu.vector_load %arg7[%get3A_815, %get3A_816] {strides = array<i32>} : memref<32x1024xf32, #tpu.memory_space<vmem>>, vector<1x16xf32>,
      %get3A_818 = vector.shape_cast %get3A_817 : vector<1x16xf32> to vector<16xf32>
      %add3A_819 = arith.addf %get3A_814, %get3A_818 : vector<16xf32>
      %swap3A_820 = arith.index_cast %scan3A_42 : i32 to index
      %swap3A_821 = arith.constant 880 : index
      %swap3A_822 = tpu.vector_load %arg6[%swap3A_820, %swap3A_821] {strides = array<i32>} : memref<32x1024xf32, #tpu.memory_space<vmem>>, vector<1x16xf32>,
      %swap3A_823 = vector.shape_cast %swap3A_822 : vector<1x16xf32> to vector<16xf32>
      %swap3A_824 = vector.shape_cast %add3A_819 : vector<16xf32> to vector<1x16xf32>
      tpu.vector_store %arg6[%swap3A_820, %swap3A_821], %swap3A_824 {strides = array<i32>} : memref<32x1024xf32, #tpu.memory_space<vmem>>, vector<1x16xf32>,
      %get3A_825 = arith.index_cast %scan3A_42 : i32 to index
      %get3A_826 = arith.constant 896 : index
      %get3A_827 = tpu.vector_load %arg6[%get3A_825, %get3A_826] {strides = array<i32>} : memref<32x1024xf32, #tpu.memory_space<vmem>>, vector<1x16xf32>,
      %get3A_828 = vector.shape_cast %get3A_827 : vector<1x16xf32> to vector<16xf32>
      %get3A_829 = arith.index_cast %scan3A_42 : i32 to index
      %get3A_830 = arith.constant 896 : index
      %get3A_831 = tpu.vector_load %arg7[%get3A_829, %get3A_830] {strides = array<i32>} : memref<32x1024xf32, #tpu.memory_space<vmem>>, vector<1x16xf32>,
      %get3A_832 = vector.shape_cast %get3A_831 : vector<1x16xf32> to vector<16xf32>
      %add3A_833 = arith.addf %get3A_828, %get3A_832 : vector<16xf32>
      %swap3A_834 = arith.index_cast %scan3A_42 : i32 to index
      %swap3A_835 = arith.constant 896 : index
      %swap3A_836 = tpu.vector_load %arg6[%swap3A_834, %swap3A_835] {strides = array<i32>} : memref<32x1024xf32, #tpu.memory_space<vmem>>, vector<1x16xf32>,
      %swap3A_837 = vector.shape_cast %swap3A_836 : vector<1x16xf32> to vector<16xf32>
      %swap3A_838 = vector.shape_cast %add3A_833 : vector<16xf32> to vector<1x16xf32>
      tpu.vector_store %arg6[%swap3A_834, %swap3A_835], %swap3A_838 {strides = array<i32>} : memref<32x1024xf32, #tpu.memory_space<vmem>>, vector<1x16xf32>,
      %get3A_839 = arith.index_cast %scan3A_42 : i32 to index
      %get3A_840 = arith.constant 912 : index
      %get3A_841 = tpu.vector_load %arg6[%get3A_839, %get3A_840] {strides = array<i32>} : memref<32x1024xf32, #tpu.memory_space<vmem>>, vector<1x16xf32>,
      %get3A_842 = vector.shape_cast %get3A_841 : vector<1x16xf32> to vector<16xf32>
      %get3A_843 = arith.index_cast %scan3A_42 : i32 to index
      %get3A_844 = arith.constant 912 : index
      %get3A_845 = tpu.vector_load %arg7[%get3A_843, %get3A_844] {strides = array<i32>} : memref<32x1024xf32, #tpu.memory_space<vmem>>, vector<1x16xf32>,
      %get3A_846 = vector.shape_cast %get3A_845 : vector<1x16xf32> to vector<16xf32>
      %add3A_847 = arith.addf %get3A_842, %get3A_846 : vector<16xf32>
      %swap3A_848 = arith.index_cast %scan3A_42 : i32 to index
      %swap3A_849 = arith.constant 912 : index
      %swap3A_850 = tpu.vector_load %arg6[%swap3A_848, %swap3A_849] {strides = array<i32>} : memref<32x1024xf32, #tpu.memory_space<vmem>>, vector<1x16xf32>,
      %swap3A_851 = vector.shape_cast %swap3A_850 : vector<1x16xf32> to vector<16xf32>
      %swap3A_852 = vector.shape_cast %add3A_847 : vector<16xf32> to vector<1x16xf32>
      tpu.vector_store %arg6[%swap3A_848, %swap3A_849], %swap3A_852 {strides = array<i32>} : memref<32x1024xf32, #tpu.memory_space<vmem>>, vector<1x16xf32>,
      %get3A_853 = arith.index_cast %scan3A_42 : i32 to index
      %get3A_854 = arith.constant 928 : index
      %get3A_855 = tpu.vector_load %arg6[%get3A_853, %get3A_854] {strides = array<i32>} : memref<32x1024xf32, #tpu.memory_space<vmem>>, vector<1x16xf32>,
      %get3A_856 = vector.shape_cast %get3A_855 : vector<1x16xf32> to vector<16xf32>
      %get3A_857 = arith.index_cast %scan3A_42 : i32 to index
      %get3A_858 = arith.constant 928 : index
      %get3A_859 = tpu.vector_load %arg7[%get3A_857, %get3A_858] {strides = array<i32>} : memref<32x1024xf32, #tpu.memory_space<vmem>>, vector<1x16xf32>,
      %get3A_860 = vector.shape_cast %get3A_859 : vector<1x16xf32> to vector<16xf32>
      %add3A_861 = arith.addf %get3A_856, %get3A_860 : vector<16xf32>
      %swap3A_862 = arith.index_cast %scan3A_42 : i32 to index
      %swap3A_863 = arith.constant 928 : index
      %swap3A_864 = tpu.vector_load %arg6[%swap3A_862, %swap3A_863] {strides = array<i32>} : memref<32x1024xf32, #tpu.memory_space<vmem>>, vector<1x16xf32>,
      %swap3A_865 = vector.shape_cast %swap3A_864 : vector<1x16xf32> to vector<16xf32>
      %swap3A_866 = vector.shape_cast %add3A_861 : vector<16xf32> to vector<1x16xf32>
      tpu.vector_store %arg6[%swap3A_862, %swap3A_863], %swap3A_866 {strides = array<i32>} : memref<32x1024xf32, #tpu.memory_space<vmem>>, vector<1x16xf32>,
      %get3A_867 = arith.index_cast %scan3A_42 : i32 to index
      %get3A_868 = arith.constant 944 : index
      %get3A_869 = tpu.vector_load %arg6[%get3A_867, %get3A_868] {strides = array<i32>} : memref<32x1024xf32, #tpu.memory_space<vmem>>, vector<1x16xf32>,
      %get3A_870 = vector.shape_cast %get3A_869 : vector<1x16xf32> to vector<16xf32>
      %get3A_871 = arith.index_cast %scan3A_42 : i32 to index
      %get3A_872 = arith.constant 944 : index
      %get3A_873 = tpu.vector_load %arg7[%get3A_871, %get3A_872] {strides = array<i32>} : memref<32x1024xf32, #tpu.memory_space<vmem>>, vector<1x16xf32>,
      %get3A_874 = vector.shape_cast %get3A_873 : vector<1x16xf32> to vector<16xf32>
      %add3A_875 = arith.addf %get3A_870, %get3A_874 : vector<16xf32>
      %swap3A_876 = arith.index_cast %scan3A_42 : i32 to index
      %swap3A_877 = arith.constant 944 : index
      %swap3A_878 = tpu.vector_load %arg6[%swap3A_876, %swap3A_877] {strides = array<i32>} : memref<32x1024xf32, #tpu.memory_space<vmem>>, vector<1x16xf32>,
      %swap3A_879 = vector.shape_cast %swap3A_878 : vector<1x16xf32> to vector<16xf32>
      %swap3A_880 = vector.shape_cast %add3A_875 : vector<16xf32> to vector<1x16xf32>
      tpu.vector_store %arg6[%swap3A_876, %swap3A_877], %swap3A_880 {strides = array<i32>} : memref<32x1024xf32, #tpu.memory_space<vmem>>, vector<1x16xf32>,
      %get3A_881 = arith.index_cast %scan3A_42 : i32 to index
      %get3A_882 = arith.constant 960 : index
      %get3A_883 = tpu.vector_load %arg6[%get3A_881, %get3A_882] {strides = array<i32>} : memref<32x1024xf32, #tpu.memory_space<vmem>>, vector<1x16xf32>,
      %get3A_884 = vector.shape_cast %get3A_883 : vector<1x16xf32> to vector<16xf32>
      %get3A_885 = arith.index_cast %scan3A_42 : i32 to index
      %get3A_886 = arith.constant 960 : index
      %get3A_887 = tpu.vector_load %arg7[%get3A_885, %get3A_886] {strides = array<i32>} : memref<32x1024xf32, #tpu.memory_space<vmem>>, vector<1x16xf32>,
      %get3A_888 = vector.shape_cast %get3A_887 : vector<1x16xf32> to vector<16xf32>
      %add3A_889 = arith.addf %get3A_884, %get3A_888 : vector<16xf32>
      %swap3A_890 = arith.index_cast %scan3A_42 : i32 to index
      %swap3A_891 = arith.constant 960 : index
      %swap3A_892 = tpu.vector_load %arg6[%swap3A_890, %swap3A_891] {strides = array<i32>} : memref<32x1024xf32, #tpu.memory_space<vmem>>, vector<1x16xf32>,
      %swap3A_893 = vector.shape_cast %swap3A_892 : vector<1x16xf32> to vector<16xf32>
      %swap3A_894 = vector.shape_cast %add3A_889 : vector<16xf32> to vector<1x16xf32>
      tpu.vector_store %arg6[%swap3A_890, %swap3A_891], %swap3A_894 {strides = array<i32>} : memref<32x1024xf32, #tpu.memory_space<vmem>>, vector<1x16xf32>,
      %get3A_895 = arith.index_cast %scan3A_42 : i32 to index
      %get3A_896 = arith.constant 976 : index
      %get3A_897 = tpu.vector_load %arg6[%get3A_895, %get3A_896] {strides = array<i32>} : memref<32x1024xf32, #tpu.memory_space<vmem>>, vector<1x16xf32>,
      %get3A_898 = vector.shape_cast %get3A_897 : vector<1x16xf32> to vector<16xf32>
      %get3A_899 = arith.index_cast %scan3A_42 : i32 to index
      %get3A_900 = arith.constant 976 : index
      %get3A_901 = tpu.vector_load %arg7[%get3A_899, %get3A_900] {strides = array<i32>} : memref<32x1024xf32, #tpu.memory_space<vmem>>, vector<1x16xf32>,
      %get3A_902 = vector.shape_cast %get3A_901 : vector<1x16xf32> to vector<16xf32>
      %add3A_903 = arith.addf %get3A_898, %get3A_902 : vector<16xf32>
      %swap3A_904 = arith.index_cast %scan3A_42 : i32 to index
      %swap3A_905 = arith.constant 976 : index
      %swap3A_906 = tpu.vector_load %arg6[%swap3A_904, %swap3A_905] {strides = array<i32>} : memref<32x1024xf32, #tpu.memory_space<vmem>>, vector<1x16xf32>,
      %swap3A_907 = vector.shape_cast %swap3A_906 : vector<1x16xf32> to vector<16xf32>
      %swap3A_908 = vector.shape_cast %add3A_903 : vector<16xf32> to vector<1x16xf32>
      tpu.vector_store %arg6[%swap3A_904, %swap3A_905], %swap3A_908 {strides = array<i32>} : memref<32x1024xf32, #tpu.memory_space<vmem>>, vector<1x16xf32>,
      %get3A_909 = arith.index_cast %scan3A_42 : i32 to index
      %get3A_910 = arith.constant 992 : index
      %get3A_911 = tpu.vector_load %arg6[%get3A_909, %get3A_910] {strides = array<i32>} : memref<32x1024xf32, #tpu.memory_space<vmem>>, vector<1x16xf32>,
      %get3A_912 = vector.shape_cast %get3A_911 : vector<1x16xf32> to vector<16xf32>
      %get3A_913 = arith.index_cast %scan3A_42 : i32 to index
      %get3A_914 = arith.constant 992 : index
      %get3A_915 = tpu.vector_load %arg7[%get3A_913, %get3A_914] {strides = array<i32>} : memref<32x1024xf32, #tpu.memory_space<vmem>>, vector<1x16xf32>,
      %get3A_916 = vector.shape_cast %get3A_915 : vector<1x16xf32> to vector<16xf32>
      %add3A_917 = arith.addf %get3A_912, %get3A_916 : vector<16xf32>
      %swap3A_918 = arith.index_cast %scan3A_42 : i32 to index
      %swap3A_919 = arith.constant 992 : index
      %swap3A_920 = tpu.vector_load %arg6[%swap3A_918, %swap3A_919] {strides = array<i32>} : memref<32x1024xf32, #tpu.memory_space<vmem>>, vector<1x16xf32>,
      %swap3A_921 = vector.shape_cast %swap3A_920 : vector<1x16xf32> to vector<16xf32>
      %swap3A_922 = vector.shape_cast %add3A_917 : vector<16xf32> to vector<1x16xf32>
      tpu.vector_store %arg6[%swap3A_918, %swap3A_919], %swap3A_922 {strides = array<i32>} : memref<32x1024xf32, #tpu.memory_space<vmem>>, vector<1x16xf32>,
      %get3A_923 = arith.index_cast %scan3A_42 : i32 to index
      %get3A_924 = arith.constant 1008 : index
      %get3A_925 = tpu.vector_load %arg6[%get3A_923, %get3A_924] {strides = array<i32>} : memref<32x1024xf32, #tpu.memory_space<vmem>>, vector<1x16xf32>,
      %get3A_926 = vector.shape_cast %get3A_925 : vector<1x16xf32> to vector<16xf32>
      %get3A_927 = arith.index_cast %scan3A_42 : i32 to index
      %get3A_928 = arith.constant 1008 : index
      %get3A_929 = tpu.vector_load %arg7[%get3A_927, %get3A_928] {strides = array<i32>} : memref<32x1024xf32, #tpu.memory_space<vmem>>, vector<1x16xf32>,
      %get3A_930 = vector.shape_cast %get3A_929 : vector<1x16xf32> to vector<16xf32>
      %add3A_931 = arith.addf %get3A_926, %get3A_930 : vector<16xf32>
      %swap3A_932 = arith.index_cast %scan3A_42 : i32 to index
      %swap3A_933 = arith.constant 1008 : index
      %swap3A_934 = tpu.vector_load %arg6[%swap3A_932, %swap3A_933] {strides = array<i32>} : memref<32x1024xf32, #tpu.memory_space<vmem>>, vector<1x16xf32>,
      %swap3A_935 = vector.shape_cast %swap3A_934 : vector<1x16xf32> to vector<16xf32>
      %swap3A_936 = vector.shape_cast %add3A_931 : vector<16xf32> to vector<1x16xf32>
      tpu.vector_store %arg6[%swap3A_932, %swap3A_933], %swap3A_936 {strides = array<i32>} : memref<32x1024xf32, #tpu.memory_space<vmem>>, vector<1x16xf32>,
    }
    %scan3A_41 = arith.constant 32 : i32
    "tpu.region"() ({
      %run_scoped3A = tpu.sem_alloc : memref<!tpu.dma_semaphore, #tpu.memory_space<semaphore_mem>>
      %dma_start3A_42 = arith.constant 0 : i32
      %dma_start3A_43 = tpu.memref_slice %arg5[%add3A_23, %dma_start3A_42] : memref<2048x1024xf32, #tpu.memory_space<hbm>> -> memref<32x1024xf32, #tpu.memory_space<hbm>>
      %dma_start3A_44 = arith.constant 0 : i32
      %dma_start3A_45 = tpu.memref_slice %arg5[%add3A_23, %dma_start3A_44] : memref<2048x1024xf32, #tpu.memory_space<hbm>> -> memref<32x1024xf32, #tpu.memory_space<hbm>>
      tpu.enqueue_dma source(%arg6 : memref<32x1024xf32, #tpu.memory_space<vmem>>) target(%dma_start3A_45 : memref<32x1024xf32, #tpu.memory_space<hbm>>) target_semaphore(%run_scoped3A : memref<!tpu.dma_semaphore, #tpu.memory_space<semaphore_mem>>)
      %dma_wait3A_46 = arith.constant 0 : i32
      %dma_wait3A_47 = tpu.memref_slice %arg5[%add3A_23, %dma_wait3A_46] : memref<2048x1024xf32, #tpu.memory_space<hbm>> -> memref<32x1024xf32, #tpu.memory_space<hbm>>
      %dma_wait3A_48 = arith.constant 0 : i32
      %dma_wait3A_49 = tpu.memref_slice %arg5[%add3A_23, %dma_wait3A_48] : memref<2048x1024xf32, #tpu.memory_space<hbm>> -> memref<32x1024xf32, #tpu.memory_space<hbm>>
      tpu.wait_dma2 semaphore(%run_scoped3A : memref<!tpu.dma_semaphore, #tpu.memory_space<semaphore_mem>>) src(%arg6 : memref<32x1024xf32, #tpu.memory_space<vmem>>) dst(%dma_wait3A_49 : memref<32x1024xf32, #tpu.memory_space<hbm>>)
      tpu.yield
    }) : () -> ()
    return
  }
}

#map = affine_map<(d0, d1) -> (0, 0)>
#map1 = affine_map<(d0, d1) -> (0)>
module attributes {stable_mosaic.version = 14 : i64} {
  func.func @scatter(%arg0: i32, %arg1: i32, %arg2: memref<2048x1024xf32, #tpu.memory_space<hbm>>, %arg3: memref<2048xi32, #tpu.memory_space<hbm>>, %arg4: memref<2048xi32, #tpu.memory_space<hbm>>, %arg5: memref<2048x128xf32, #tpu.memory_space<hbm>>, %arg6: memref<2048x128xf32, #tpu.memory_space<hbm>>, %arg7: memref<6144x1024xf32, #tpu.memory_space<hbm>>, %arg8: memref<6144x128xf32, #tpu.memory_space<hbm>>, %arg9: memref<64x1024xf32, #tpu.memory_space<vmem>>, %arg10: memref<64x128xf32, #tpu.memory_space<vmem>>, %arg11: memref<64x128xf32, #tpu.memory_space<vmem>>, %arg12: memref<64xi32, #tpu.memory_space<vmem>>, %arg13: memref<64xi32, #tpu.memory_space<vmem>>, %arg14: memref<!tpu.dma_semaphore, #tpu.memory_space<semaphore_mem>>) attributes {dimension_semantics = [#tpu.dimension_semantics<core_parallel>, #tpu.dimension_semantics<subcore_parallel>], iteration_bounds = array<i64: 2, 16>, scalar_prefetch = 0 : i64, scratch_operands = 6 : i64, tpu.core_type = #tpu.core_type<sc_vector_subcore>, window_params = [{transform_indices = #map}, {transform_indices = #map1}, {transform_indices = #map1}, {transform_indices = #map}, {transform_indices = #map}, {transform_indices = #map}, {transform_indices = #map}]} {
    %mul3A = arith.constant 2 : i32
    %mul3A_0 = arith.muli %arg1, %mul3A : i32
    %add3A = arith.addi %mul3A_0, %arg0 : i32
    %mul3A_1 = arith.constant 64 : i32
    %mul3A_2 = arith.muli %add3A, %mul3A_1 : i32
    "tpu.region"() ({
      %run_scoped3A = tpu.sem_alloc : memref<!tpu.dma_semaphore, #tpu.memory_space<semaphore_mem>>
      %dma_start3A_25 = arith.constant 0 : i32
      %dma_start3A_26 = tpu.memref_slice %arg2[%mul3A_2, %dma_start3A_25] : memref<2048x1024xf32, #tpu.memory_space<hbm>> -> memref<64x1024xf32, #tpu.memory_space<hbm>>
      %dma_start3A_27 = arith.constant 0 : i32
      %dma_start3A_28 = tpu.memref_slice %arg2[%mul3A_2, %dma_start3A_27] : memref<2048x1024xf32, #tpu.memory_space<hbm>> -> memref<64x1024xf32, #tpu.memory_space<hbm>>
      tpu.enqueue_dma source(%dma_start3A_28 : memref<64x1024xf32, #tpu.memory_space<hbm>>) target(%arg9 : memref<64x1024xf32, #tpu.memory_space<vmem>>) target_semaphore(%run_scoped3A : memref<!tpu.dma_semaphore, #tpu.memory_space<semaphore_mem>>)
      %dma_wait3A_29 = arith.constant 0 : i32
      %dma_wait3A_30 = tpu.memref_slice %arg2[%mul3A_2, %dma_wait3A_29] : memref<2048x1024xf32, #tpu.memory_space<hbm>> -> memref<64x1024xf32, #tpu.memory_space<hbm>>
      %dma_wait3A_31 = arith.constant 0 : i32
      %dma_wait3A_32 = tpu.memref_slice %arg2[%mul3A_2, %dma_wait3A_31] : memref<2048x1024xf32, #tpu.memory_space<hbm>> -> memref<64x1024xf32, #tpu.memory_space<hbm>>
      tpu.wait_dma2 semaphore(%run_scoped3A : memref<!tpu.dma_semaphore, #tpu.memory_space<semaphore_mem>>) src(%dma_wait3A_32 : memref<64x1024xf32, #tpu.memory_space<hbm>>) dst(%arg9 : memref<64x1024xf32, #tpu.memory_space<vmem>>)
      tpu.yield
    }) : () -> ()
    "tpu.region"() ({
      %run_scoped3A = tpu.sem_alloc : memref<!tpu.dma_semaphore, #tpu.memory_space<semaphore_mem>>
      %dma_start3A_25 = tpu.memref_slice %arg3[%mul3A_2] : memref<2048xi32, #tpu.memory_space<hbm>> -> memref<64xi32, #tpu.memory_space<hbm>>
      %dma_start3A_26 = tpu.memref_slice %arg3[%mul3A_2] : memref<2048xi32, #tpu.memory_space<hbm>> -> memref<64xi32, #tpu.memory_space<hbm>>
      tpu.enqueue_dma source(%dma_start3A_26 : memref<64xi32, #tpu.memory_space<hbm>>) target(%arg12 : memref<64xi32, #tpu.memory_space<vmem>>) target_semaphore(%run_scoped3A : memref<!tpu.dma_semaphore, #tpu.memory_space<semaphore_mem>>)
      %dma_wait3A_27 = tpu.memref_slice %arg3[%mul3A_2] : memref<2048xi32, #tpu.memory_space<hbm>> -> memref<64xi32, #tpu.memory_space<hbm>>
      %dma_wait3A_28 = tpu.memref_slice %arg3[%mul3A_2] : memref<2048xi32, #tpu.memory_space<hbm>> -> memref<64xi32, #tpu.memory_space<hbm>>
      tpu.wait_dma2 semaphore(%run_scoped3A : memref<!tpu.dma_semaphore, #tpu.memory_space<semaphore_mem>>) src(%dma_wait3A_28 : memref<64xi32, #tpu.memory_space<hbm>>) dst(%arg12 : memref<64xi32, #tpu.memory_space<vmem>>)
      tpu.yield
    }) : () -> ()
    "tpu.region"() ({
      %run_scoped3A = tpu.sem_alloc : memref<!tpu.dma_semaphore, #tpu.memory_space<semaphore_mem>>
      %dma_start3A_25 = tpu.memref_slice %arg4[%mul3A_2] : memref<2048xi32, #tpu.memory_space<hbm>> -> memref<64xi32, #tpu.memory_space<hbm>>
      %dma_start3A_26 = tpu.memref_slice %arg4[%mul3A_2] : memref<2048xi32, #tpu.memory_space<hbm>> -> memref<64xi32, #tpu.memory_space<hbm>>
      tpu.enqueue_dma source(%dma_start3A_26 : memref<64xi32, #tpu.memory_space<hbm>>) target(%arg13 : memref<64xi32, #tpu.memory_space<vmem>>) target_semaphore(%run_scoped3A : memref<!tpu.dma_semaphore, #tpu.memory_space<semaphore_mem>>)
      %dma_wait3A_27 = tpu.memref_slice %arg4[%mul3A_2] : memref<2048xi32, #tpu.memory_space<hbm>> -> memref<64xi32, #tpu.memory_space<hbm>>
      %dma_wait3A_28 = tpu.memref_slice %arg4[%mul3A_2] : memref<2048xi32, #tpu.memory_space<hbm>> -> memref<64xi32, #tpu.memory_space<hbm>>
      tpu.wait_dma2 semaphore(%run_scoped3A : memref<!tpu.dma_semaphore, #tpu.memory_space<semaphore_mem>>) src(%dma_wait3A_28 : memref<64xi32, #tpu.memory_space<hbm>>) dst(%arg13 : memref<64xi32, #tpu.memory_space<vmem>>)
      tpu.yield
    }) : () -> ()
    "tpu.region"() ({
      %run_scoped3A = tpu.sem_alloc : memref<!tpu.dma_semaphore, #tpu.memory_space<semaphore_mem>>
      %dma_start3A_25 = arith.constant 0 : i32
      %dma_start3A_26 = tpu.memref_slice %arg5[%mul3A_2, %dma_start3A_25] : memref<2048x128xf32, #tpu.memory_space<hbm>> -> memref<64x128xf32, #tpu.memory_space<hbm>>
      %dma_start3A_27 = arith.constant 0 : i32
      %dma_start3A_28 = tpu.memref_slice %arg5[%mul3A_2, %dma_start3A_27] : memref<2048x128xf32, #tpu.memory_space<hbm>> -> memref<64x128xf32, #tpu.memory_space<hbm>>
      tpu.enqueue_dma source(%dma_start3A_28 : memref<64x128xf32, #tpu.memory_space<hbm>>) target(%arg10 : memref<64x128xf32, #tpu.memory_space<vmem>>) target_semaphore(%run_scoped3A : memref<!tpu.dma_semaphore, #tpu.memory_space<semaphore_mem>>)
      %dma_wait3A_29 = arith.constant 0 : i32
      %dma_wait3A_30 = tpu.memref_slice %arg5[%mul3A_2, %dma_wait3A_29] : memref<2048x128xf32, #tpu.memory_space<hbm>> -> memref<64x128xf32, #tpu.memory_space<hbm>>
      %dma_wait3A_31 = arith.constant 0 : i32
      %dma_wait3A_32 = tpu.memref_slice %arg5[%mul3A_2, %dma_wait3A_31] : memref<2048x128xf32, #tpu.memory_space<hbm>> -> memref<64x128xf32, #tpu.memory_space<hbm>>
      tpu.wait_dma2 semaphore(%run_scoped3A : memref<!tpu.dma_semaphore, #tpu.memory_space<semaphore_mem>>) src(%dma_wait3A_32 : memref<64x128xf32, #tpu.memory_space<hbm>>) dst(%arg10 : memref<64x128xf32, #tpu.memory_space<vmem>>)
      tpu.yield
    }) : () -> ()
    "tpu.region"() ({
      %run_scoped3A = tpu.sem_alloc : memref<!tpu.dma_semaphore, #tpu.memory_space<semaphore_mem>>
      %dma_start3A_25 = arith.constant 0 : i32
      %dma_start3A_26 = tpu.memref_slice %arg6[%mul3A_2, %dma_start3A_25] : memref<2048x128xf32, #tpu.memory_space<hbm>> -> memref<64x128xf32, #tpu.memory_space<hbm>>
      %dma_start3A_27 = arith.constant 0 : i32
      %dma_start3A_28 = tpu.memref_slice %arg6[%mul3A_2, %dma_start3A_27] : memref<2048x128xf32, #tpu.memory_space<hbm>> -> memref<64x128xf32, #tpu.memory_space<hbm>>
      tpu.enqueue_dma source(%dma_start3A_28 : memref<64x128xf32, #tpu.memory_space<hbm>>) target(%arg11 : memref<64x128xf32, #tpu.memory_space<vmem>>) target_semaphore(%run_scoped3A : memref<!tpu.dma_semaphore, #tpu.memory_space<semaphore_mem>>)
      %dma_wait3A_29 = arith.constant 0 : i32
      %dma_wait3A_30 = tpu.memref_slice %arg6[%mul3A_2, %dma_wait3A_29] : memref<2048x128xf32, #tpu.memory_space<hbm>> -> memref<64x128xf32, #tpu.memory_space<hbm>>
      %dma_wait3A_31 = arith.constant 0 : i32
      %dma_wait3A_32 = tpu.memref_slice %arg6[%mul3A_2, %dma_wait3A_31] : memref<2048x128xf32, #tpu.memory_space<hbm>> -> memref<64x128xf32, #tpu.memory_space<hbm>>
      tpu.wait_dma2 semaphore(%run_scoped3A : memref<!tpu.dma_semaphore, #tpu.memory_space<semaphore_mem>>) src(%dma_wait3A_32 : memref<64x128xf32, #tpu.memory_space<hbm>>) dst(%arg11 : memref<64x128xf32, #tpu.memory_space<vmem>>)
      tpu.yield
    }) : () -> ()
    %dma_start3A = arith.constant 0 : i32
    %dma_start3A_3 = arith.constant 0 : i32
    %dma_start3A_4 = tpu.memref_slice %arg7[%dma_start3A, %dma_start3A_3] : memref<6144x1024xf32, #tpu.memory_space<hbm>> -> memref<6144x1024xf32, #tpu.memory_space<hbm>>
    tpu.enqueue_indirect_dma source(%arg9 : memref<64x1024xf32, #tpu.memory_space<vmem>>) target(%dma_start3A_4 : memref<6144x1024xf32, #tpu.memory_space<hbm>>) offsets(%arg12 : memref<64xi32, #tpu.memory_space<vmem>>) semaphore(%arg14 : memref<!tpu.dma_semaphore, #tpu.memory_space<semaphore_mem>>)
    %dma_start3A_5 = arith.constant 0 : i32
    %dma_start3A_6 = arith.constant 0 : i32
    %dma_start3A_7 = tpu.memref_slice %arg7[%dma_start3A_5, %dma_start3A_6] : memref<6144x1024xf32, #tpu.memory_space<hbm>> -> memref<6144x1024xf32, #tpu.memory_space<hbm>>
    tpu.enqueue_indirect_dma source(%arg9 : memref<64x1024xf32, #tpu.memory_space<vmem>>) target(%dma_start3A_7 : memref<6144x1024xf32, #tpu.memory_space<hbm>>) offsets(%arg13 : memref<64xi32, #tpu.memory_space<vmem>>) semaphore(%arg14 : memref<!tpu.dma_semaphore, #tpu.memory_space<semaphore_mem>>)
    %dma_start3A_8 = arith.constant 0 : i32
    %dma_start3A_9 = arith.constant 0 : i32
    %dma_start3A_10 = tpu.memref_slice %arg8[%dma_start3A_8, %dma_start3A_9] : memref<6144x128xf32, #tpu.memory_space<hbm>> -> memref<6144x128xf32, #tpu.memory_space<hbm>>
    tpu.enqueue_indirect_dma source(%arg10 : memref<64x128xf32, #tpu.memory_space<vmem>>) target(%dma_start3A_10 : memref<6144x128xf32, #tpu.memory_space<hbm>>) offsets(%arg12 : memref<64xi32, #tpu.memory_space<vmem>>) semaphore(%arg14 : memref<!tpu.dma_semaphore, #tpu.memory_space<semaphore_mem>>)
    %dma_start3A_11 = arith.constant 0 : i32
    %dma_start3A_12 = arith.constant 0 : i32
    %dma_start3A_13 = tpu.memref_slice %arg8[%dma_start3A_11, %dma_start3A_12] : memref<6144x128xf32, #tpu.memory_space<hbm>> -> memref<6144x128xf32, #tpu.memory_space<hbm>>
    tpu.enqueue_indirect_dma source(%arg11 : memref<64x128xf32, #tpu.memory_space<vmem>>) target(%dma_start3A_13 : memref<6144x128xf32, #tpu.memory_space<hbm>>) offsets(%arg13 : memref<64xi32, #tpu.memory_space<vmem>>) semaphore(%arg14 : memref<!tpu.dma_semaphore, #tpu.memory_space<semaphore_mem>>)
    %dma_wait3A = arith.constant 0 : i32
    %dma_wait3A_14 = arith.constant 0 : i32
    %dma_wait3A_15 = tpu.memref_slice %arg7[%dma_wait3A, %dma_wait3A_14] : memref<6144x1024xf32, #tpu.memory_space<hbm>> -> memref<6144x1024xf32, #tpu.memory_space<hbm>>
    tpu.wait_indirect_dma semaphore(%arg14 : memref<!tpu.dma_semaphore, #tpu.memory_space<semaphore_mem>>) src(%arg9 : memref<64x1024xf32, #tpu.memory_space<vmem>>) dst(%dma_wait3A_15 : memref<6144x1024xf32, #tpu.memory_space<hbm>>)
    %dma_wait3A_16 = arith.constant 0 : i32
    %dma_wait3A_17 = arith.constant 0 : i32
    %dma_wait3A_18 = tpu.memref_slice %arg7[%dma_wait3A_16, %dma_wait3A_17] : memref<6144x1024xf32, #tpu.memory_space<hbm>> -> memref<6144x1024xf32, #tpu.memory_space<hbm>>
    tpu.wait_indirect_dma semaphore(%arg14 : memref<!tpu.dma_semaphore, #tpu.memory_space<semaphore_mem>>) src(%arg9 : memref<64x1024xf32, #tpu.memory_space<vmem>>) dst(%dma_wait3A_18 : memref<6144x1024xf32, #tpu.memory_space<hbm>>)
    %dma_wait3A_19 = arith.constant 0 : i32
    %dma_wait3A_20 = arith.constant 0 : i32
    %dma_wait3A_21 = tpu.memref_slice %arg8[%dma_wait3A_19, %dma_wait3A_20] : memref<6144x128xf32, #tpu.memory_space<hbm>> -> memref<6144x128xf32, #tpu.memory_space<hbm>>
    tpu.wait_indirect_dma semaphore(%arg14 : memref<!tpu.dma_semaphore, #tpu.memory_space<semaphore_mem>>) src(%arg10 : memref<64x128xf32, #tpu.memory_space<vmem>>) dst(%dma_wait3A_21 : memref<6144x128xf32, #tpu.memory_space<hbm>>)
    %dma_wait3A_22 = arith.constant 0 : i32
    %dma_wait3A_23 = arith.constant 0 : i32
    %dma_wait3A_24 = tpu.memref_slice %arg8[%dma_wait3A_22, %dma_wait3A_23] : memref<6144x128xf32, #tpu.memory_space<hbm>> -> memref<6144x128xf32, #tpu.memory_space<hbm>>
    tpu.wait_indirect_dma semaphore(%arg14 : memref<!tpu.dma_semaphore, #tpu.memory_space<semaphore_mem>>) src(%arg11 : memref<64x128xf32, #tpu.memory_space<vmem>>) dst(%dma_wait3A_24 : memref<6144x128xf32, #tpu.memory_space<hbm>>)
    return
  }
}

module attributes {stable_mosaic.version = 14 : i64} {
  func.func @_plan_body(%arg0: memref<2048x1024xf32, #tpu.memory_space<vmem>>, %arg1: memref<128x1024xf32, #tpu.memory_space<vmem>>, %arg2: memref<1x128xf32, #tpu.memory_space<vmem>>, %arg3: memref<16x128xi32, #tpu.memory_space<vmem>>, %arg4: memref<16x128xi32, #tpu.memory_space<vmem>>, %arg5: memref<2048x128xf32, #tpu.memory_space<vmem>>, %arg6: memref<2048x128xf32, #tpu.memory_space<vmem>>, %arg7: memref<1x128xi32, #tpu.memory_space<vmem>>) attributes {dimension_semantics = [], scalar_prefetch = 0 : i64, scratch_operands = 0 : i64, tpu.core_type = #tpu.core_type<tc>} {
    %get3A = arith.constant 0 : index
    %get3A_0 = arith.constant 0 : index
    %get3A_1 = vector.load %arg0[%get3A, %get3A_0] : memref<2048x1024xf32, #tpu.memory_space<vmem>>, vector<2048x1024xf32>
    %get3A_2 = arith.constant 0 : index
    %get3A_3 = arith.constant 0 : index
    %get3A_4 = vector.load %arg1[%get3A_2, %get3A_3] : memref<128x1024xf32, #tpu.memory_space<vmem>>, vector<128x1024xf32>
    %dot_general3A = arith.constant dense<0.000000e+00> : vector<2048x128xf32>
    %dot_general3A_5 = tpu.matmul %get3A_1, %get3A_4, %dot_general3A {dimension_numbers = #tpu.dot_dimension_numbers<[1], [1], [0], [0], [0, 0, 1, 0], [], []>, transpose_lhs_hint = false} : vector<2048x1024xf32>, vector<128x1024xf32>, vector<2048x128xf32> -> vector<2048x128xf32>
    %logistic3A = arith.negf %dot_general3A_5 : vector<2048x128xf32>
    %logistic3A_6 = math.exp %logistic3A : vector<2048x128xf32>
    %logistic3A_7 = arith.constant 1.000000e+00 : f32
    %logistic3A_8 = vector.broadcast %logistic3A_7 : f32 to vector<2048x128xf32>
    %logistic3A_9 = arith.addf %logistic3A_8, %logistic3A_6 : vector<2048x128xf32>
    %logistic3A_10 = arith.divf %logistic3A_8, %logistic3A_9 : vector<2048x128xf32>
    %iota3A = tpu.iota {dimensions = array<i32: 1>} : vector<2048x128xi32>
    %lt3A = arith.constant 8 : i32
    %lt3A_11 = vector.broadcast %lt3A : i32 to vector<2048x128xi32>
    %lt3A_12 = arith.cmpi slt, %iota3A, %lt3A_11 : vector<2048x128xi32>
    %get3A_13 = arith.constant 0 : index
    %get3A_14 = arith.constant 0 : index
    %get3A_15 = vector.load %arg2[%get3A_13, %get3A_14] : memref<1x128xf32, #tpu.memory_space<vmem>>, vector<1x128xf32>
    %add3A = vector.broadcast %get3A_15 : vector<1x128xf32> to vector<2048x128xf32>
    %add3A_16 = arith.addf %logistic3A_10, %add3A : vector<2048x128xf32>
    %jit3A = arith.constant -1.000000e+30 : f32
    %broadcast_in_dim3A = vector.broadcast %jit3A : f32 to vector<2048x128xf32>
    %select_n3A = arith.select %lt3A_12, %add3A_16, %broadcast_in_dim3A : vector<2048x128xi1>, vector<2048x128xf32>
    %reduce_max3A = arith.constant dense<0xFF800000> : vector<2048xf32>
    %reduce_max3A_17 = vector.multi_reduction <maximumf>, %select_n3A, %reduce_max3A [1] : vector<2048x128xf32> to vector<2048xf32>
    %broadcast_in_dim3A_18 = vector.shape_cast %reduce_max3A_17 : vector<2048xf32> to vector<2048x1xf32>
    %eq3A = vector.broadcast %broadcast_in_dim3A_18 : vector<2048x1xf32> to vector<2048x128xf32>
    %eq3A_19 = arith.cmpf oeq, %select_n3A, %eq3A : vector<2048x128xf32>
    %jit3A_20 = arith.constant 128 : i32
    %broadcast_in_dim3A_21 = vector.broadcast %jit3A_20 : i32 to vector<2048x128xi32>
    %select_n3A_22 = arith.select %eq3A_19, %iota3A, %broadcast_in_dim3A_21 : vector<2048x128xi1>, vector<2048x128xi32>
    %reduce_min3A = arith.constant dense<2147483647> : vector<2048xi32>
    %reduce_min3A_23 = vector.multi_reduction <minsi>, %select_n3A_22, %reduce_min3A [1] : vector<2048x128xi32> to vector<2048xi32>
    %broadcast_in_dim3A_24 = vector.shape_cast %reduce_min3A_23 : vector<2048xi32> to vector<2048x1xi32>
    %eq3A_25 = vector.broadcast %broadcast_in_dim3A_24 : vector<2048x1xi32> to vector<2048x128xi32>
    %eq3A_26 = arith.cmpi eq, %iota3A, %eq3A_25 : vector<2048x128xi32>
    %jit3A_27 = arith.constant 0.000000e+00 : f32
    %broadcast_in_dim3A_28 = vector.broadcast %jit3A_27 : f32 to vector<2048x128xf32>
    %select_n3A_29 = arith.select %eq3A_26, %logistic3A_10, %broadcast_in_dim3A_28 : vector<2048x128xi1>, vector<2048x128xf32>
    %reduce_sum3A = arith.constant dense<0.000000e+00> : vector<2048xf32>
    %reduce_sum3A_30 = vector.multi_reduction <add>, %select_n3A_29, %reduce_sum3A [1] : vector<2048x128xf32> to vector<2048xf32>
    %broadcast_in_dim3A_31 = vector.shape_cast %reduce_sum3A_30 : vector<2048xf32> to vector<2048x1xf32>
    %jit3A_32 = arith.constant -1.000000e+30 : f32
    %broadcast_in_dim3A_33 = vector.broadcast %jit3A_32 : f32 to vector<2048x128xf32>
    %select_n3A_34 = arith.select %eq3A_26, %broadcast_in_dim3A_33, %select_n3A : vector<2048x128xi1>, vector<2048x128xf32>
    %reduce_max3A_35 = arith.constant dense<0xFF800000> : vector<2048xf32>
    %reduce_max3A_36 = vector.multi_reduction <maximumf>, %select_n3A_34, %reduce_max3A_35 [1] : vector<2048x128xf32> to vector<2048xf32>
    %broadcast_in_dim3A_37 = vector.shape_cast %reduce_max3A_36 : vector<2048xf32> to vector<2048x1xf32>
    %eq3A_38 = vector.broadcast %broadcast_in_dim3A_37 : vector<2048x1xf32> to vector<2048x128xf32>
    %eq3A_39 = arith.cmpf oeq, %select_n3A_34, %eq3A_38 : vector<2048x128xf32>
    %jit3A_40 = arith.constant 128 : i32
    %broadcast_in_dim3A_41 = vector.broadcast %jit3A_40 : i32 to vector<2048x128xi32>
    %select_n3A_42 = arith.select %eq3A_39, %iota3A, %broadcast_in_dim3A_41 : vector<2048x128xi1>, vector<2048x128xi32>
    %reduce_min3A_43 = arith.constant dense<2147483647> : vector<2048xi32>
    %reduce_min3A_44 = vector.multi_reduction <minsi>, %select_n3A_42, %reduce_min3A_43 [1] : vector<2048x128xi32> to vector<2048xi32>
    %broadcast_in_dim3A_45 = vector.shape_cast %reduce_min3A_44 : vector<2048xi32> to vector<2048x1xi32>
    %eq3A_46 = vector.broadcast %broadcast_in_dim3A_45 : vector<2048x1xi32> to vector<2048x128xi32>
    %eq3A_47 = arith.cmpi eq, %iota3A, %eq3A_46 : vector<2048x128xi32>
    %jit3A_48 = arith.constant 0.000000e+00 : f32
    %broadcast_in_dim3A_49 = vector.broadcast %jit3A_48 : f32 to vector<2048x128xf32>
    %select_n3A_50 = arith.select %eq3A_47, %logistic3A_10, %broadcast_in_dim3A_49 : vector<2048x128xi1>, vector<2048x128xf32>
    %reduce_sum3A_51 = arith.constant dense<0.000000e+00> : vector<2048xf32>
    %reduce_sum3A_52 = vector.multi_reduction <add>, %select_n3A_50, %reduce_sum3A_51 [1] : vector<2048x128xf32> to vector<2048xf32>
    %broadcast_in_dim3A_53 = vector.shape_cast %reduce_sum3A_52 : vector<2048xf32> to vector<2048x1xf32>
    %add3A_54 = arith.addf %broadcast_in_dim3A_31, %broadcast_in_dim3A_53 : vector<2048x1xf32>
    %add3A_55 = arith.constant 9.99999968E-21 : f32
    %add3A_56 = vector.broadcast %add3A_55 : f32 to vector<2048x1xf32>
    %add3A_57 = arith.addf %add3A_54, %add3A_56 : vector<2048x1xf32>
    %div3A = arith.divf %broadcast_in_dim3A_31, %add3A_57 : vector<2048x1xf32>
    %broadcast_in_dim3A_58 = vector.shape_cast %div3A : vector<2048x1xf32> to vector<2048x1xf32>
    %broadcast_in_dim3A_59 = vector.broadcast %broadcast_in_dim3A_58 : vector<2048x1xf32> to vector<2048x128xf32>
    %swap3A = arith.constant 0 : index
    %swap3A_60 = arith.constant 0 : index
    %swap3A_61 = vector.load %arg5[%swap3A, %swap3A_60] : memref<2048x128xf32, #tpu.memory_space<vmem>>, vector<2048x128xf32>
    tpu.vector_store %arg5[%swap3A, %swap3A_60], %broadcast_in_dim3A_59 {strides = array<i32>} : memref<2048x128xf32, #tpu.memory_space<vmem>>, vector<2048x128xf32>,
    %div3A_62 = arith.divf %broadcast_in_dim3A_53, %add3A_57 : vector<2048x1xf32>
    %broadcast_in_dim3A_63 = vector.shape_cast %div3A_62 : vector<2048x1xf32> to vector<2048x1xf32>
    %broadcast_in_dim3A_64 = vector.broadcast %broadcast_in_dim3A_63 : vector<2048x1xf32> to vector<2048x128xf32>
    %swap3A_65 = arith.constant 0 : index
    %swap3A_66 = arith.constant 0 : index
    %swap3A_67 = vector.load %arg6[%swap3A_65, %swap3A_66] : memref<2048x128xf32, #tpu.memory_space<vmem>>, vector<2048x128xf32>
    tpu.vector_store %arg6[%swap3A_65, %swap3A_66], %broadcast_in_dim3A_64 {strides = array<i32>} : memref<2048x128xf32, #tpu.memory_space<vmem>>, vector<2048x128xf32>,
    %convert_element_type3A = arith.extui %eq3A_26 : vector<2048x128xi1> to vector<2048x128xi32>
    %convert_element_type3A_68 = arith.sitofp %convert_element_type3A : vector<2048x128xi32> to vector<2048x128xf32>
    %convert_element_type3A_69 = arith.extui %eq3A_47 : vector<2048x128xi1> to vector<2048x128xi32>
    %convert_element_type3A_70 = arith.sitofp %convert_element_type3A_69 : vector<2048x128xi32> to vector<2048x128xf32>
    %reduce_sum3A_71 = arith.constant dense<0.000000e+00> : vector<128xf32>
    %reduce_sum3A_72 = vector.multi_reduction <add>, %convert_element_type3A_68, %reduce_sum3A_71 [0] : vector<2048x128xf32> to vector<128xf32>
    %broadcast_in_dim3A_73 = vector.shape_cast %reduce_sum3A_72 : vector<128xf32> to vector<1x128xf32>
    %reduce_sum3A_74 = arith.constant dense<0.000000e+00> : vector<128xf32>
    %reduce_sum3A_75 = vector.multi_reduction <add>, %convert_element_type3A_70, %reduce_sum3A_74 [0] : vector<2048x128xf32> to vector<128xf32>
    %broadcast_in_dim3A_76 = vector.shape_cast %reduce_sum3A_75 : vector<128xf32> to vector<1x128xf32>
    %add3A_77 = arith.addf %broadcast_in_dim3A_73, %broadcast_in_dim3A_76 : vector<1x128xf32>
    %add3A_78 = arith.constant 2.550000e+02 : f32
    %add3A_79 = vector.broadcast %add3A_78 : f32 to vector<1x128xf32>
    %add3A_80 = arith.addf %add3A_77, %add3A_79 : vector<1x128xf32>
    %mul3A = arith.constant 3.906250e-03 : f32
    %mul3A_81 = vector.broadcast %mul3A : f32 to vector<1x128xf32>
    %mul3A_82 = arith.mulf %add3A_80, %mul3A_81 : vector<1x128xf32>
    %floor3A = math.floor %mul3A_82 : vector<1x128xf32>
    %iota3A_83 = tpu.iota {dimensions = array<i32: 0>} : vector<128x128xi32>
    %iota3A_84 = tpu.iota {dimensions = array<i32: 1>} : vector<128x128xi32>
    %gt3A = arith.cmpi sgt, %iota3A_83, %iota3A_84 : vector<128x128xi32>
    %convert_element_type3A_85 = arith.extui %gt3A : vector<128x128xi1> to vector<128x128xi32>
    %convert_element_type3A_86 = arith.sitofp %convert_element_type3A_85 : vector<128x128xi32> to vector<128x128xf32>
    %lt3A_87 = arith.cmpi slt, %iota3A_83, %iota3A_84 : vector<128x128xi32>
    %convert_element_type3A_88 = arith.extui %lt3A_87 : vector<128x128xi1> to vector<128x128xi32>
    %convert_element_type3A_89 = arith.sitofp %convert_element_type3A_88 : vector<128x128xi32> to vector<128x128xf32>
    %eq3A_90 = arith.cmpi eq, %iota3A_83, %iota3A_84 : vector<128x128xi32>
    %dot_general3A_91 = arith.constant dense<0.000000e+00> : vector<1x128xf32>
    %dot_general3A_92 = tpu.matmul %floor3A, %convert_element_type3A_89, %dot_general3A_91 {dimension_numbers = #tpu.dot_dimension_numbers<[1], [0], [0], [1], [0, 0, 1, 1], [], []>, transpose_lhs_hint = false} : vector<1x128xf32>, vector<128x128xf32>, vector<1x128xf32> -> vector<1x128xf32>
    %mul3A_93 = arith.constant 2.560000e+02 : f32
    %mul3A_94 = vector.broadcast %mul3A_93 : f32 to vector<1x128xf32>
    %mul3A_95 = arith.mulf %mul3A_94, %dot_general3A_92 : vector<1x128xf32>
    %broadcast_in_dim3A_96 = arith.constant 0.000000e+00 : f32
    %broadcast_in_dim3A_97 = vector.broadcast %broadcast_in_dim3A_96 : f32 to vector<1x128xf32>
    %broadcast_in_dim3A_98 = arith.constant 0.000000e+00 : f32
    %broadcast_in_dim3A_99 = vector.broadcast %broadcast_in_dim3A_98 : f32 to vector<1x128xf32>
    %slice3A = vector.extract_strided_slice %convert_element_type3A_68 {offsets = [0, 0], sizes = [128, 128], strides = [1, 1]} : vector<2048x128xf32> to vector<128x128xf32>
    %slice3A_100 = vector.extract_strided_slice %convert_element_type3A_70 {offsets = [0, 0], sizes = [128, 128], strides = [1, 1]} : vector<2048x128xf32> to vector<128x128xf32>
    %dot_general3A_101 = arith.constant dense<0.000000e+00> : vector<128x128xf32>
    %dot_general3A_102 = tpu.matmul %convert_element_type3A_86, %slice3A, %dot_general3A_101 {dimension_numbers = #tpu.dot_dimension_numbers<[1], [0], [0], [1], [0, 0, 1, 1], [], []>, transpose_lhs_hint = false} : vector<128x128xf32>, vector<128x128xf32>, vector<128x128xf32> -> vector<128x128xf32>
    %add3A_103 = vector.broadcast %broadcast_in_dim3A_97 : vector<1x128xf32> to vector<128x128xf32>
    %add3A_104 = arith.addf %dot_general3A_102, %add3A_103 : vector<128x128xf32>
    %dot_general3A_105 = arith.constant dense<0.000000e+00> : vector<128x128xf32>
    %dot_general3A_106 = tpu.matmul %convert_element_type3A_86, %slice3A_100, %dot_general3A_105 {dimension_numbers = #tpu.dot_dimension_numbers<[1], [0], [0], [1], [0, 0, 1, 1], [], []>, transpose_lhs_hint = false} : vector<128x128xf32>, vector<128x128xf32>, vector<128x128xf32> -> vector<128x128xf32>
    %add3A_107 = vector.broadcast %broadcast_in_dim3A_99 : vector<1x128xf32> to vector<128x128xf32>
    %add3A_108 = arith.addf %dot_general3A_106, %add3A_107 : vector<128x128xf32>
    %add3A_109 = vector.broadcast %broadcast_in_dim3A_73 : vector<1x128xf32> to vector<128x128xf32>
    %add3A_110 = arith.addf %add3A_108, %add3A_109 : vector<128x128xf32>
    %reduce_sum3A_111 = arith.constant dense<0.000000e+00> : vector<128xf32>
    %reduce_sum3A_112 = vector.multi_reduction <add>, %slice3A, %reduce_sum3A_111 [0] : vector<128x128xf32> to vector<128xf32>
    %broadcast_in_dim3A_113 = vector.shape_cast %reduce_sum3A_112 : vector<128xf32> to vector<1x128xf32>
    %add3A_114 = arith.addf %broadcast_in_dim3A_97, %broadcast_in_dim3A_113 : vector<1x128xf32>
    %reduce_sum3A_115 = arith.constant dense<0.000000e+00> : vector<128xf32>
    %reduce_sum3A_116 = vector.multi_reduction <add>, %slice3A_100, %reduce_sum3A_115 [0] : vector<128x128xf32> to vector<128xf32>
    %broadcast_in_dim3A_117 = vector.shape_cast %reduce_sum3A_116 : vector<128xf32> to vector<1x128xf32>
    %add3A_118 = arith.addf %broadcast_in_dim3A_99, %broadcast_in_dim3A_117 : vector<1x128xf32>
    %slice3A_119 = vector.extract_strided_slice %eq3A_26 {offsets = [0, 0], sizes = [128, 128], strides = [1, 1]} : vector<2048x128xi1> to vector<128x128xi1>
    %add3A_120 = vector.broadcast %mul3A_95 : vector<1x128xf32> to vector<128x128xf32>
    %add3A_121 = arith.addf %add3A_120, %add3A_104 : vector<128x128xf32>
    %jit3A_122 = arith.constant 0.000000e+00 : f32
    %broadcast_in_dim3A_123 = vector.broadcast %jit3A_122 : f32 to vector<128x128xf32>
    %select_n3A_124 = arith.select %slice3A_119, %add3A_121, %broadcast_in_dim3A_123 : vector<128x128xi1>, vector<128x128xf32>
    %reduce_sum3A_125 = arith.constant dense<0.000000e+00> : vector<128xf32>
    %reduce_sum3A_126 = vector.multi_reduction <add>, %select_n3A_124, %reduce_sum3A_125 [1] : vector<128x128xf32> to vector<128xf32>
    %broadcast_in_dim3A_127 = vector.shape_cast %reduce_sum3A_126 : vector<128xf32> to vector<128x1xf32>
    %slice3A_128 = vector.extract_strided_slice %eq3A_47 {offsets = [0, 0], sizes = [128, 128], strides = [1, 1]} : vector<2048x128xi1> to vector<128x128xi1>
    %add3A_129 = vector.broadcast %mul3A_95 : vector<1x128xf32> to vector<128x128xf32>
    %add3A_130 = arith.addf %add3A_129, %add3A_110 : vector<128x128xf32>
    %jit3A_131 = arith.constant 0.000000e+00 : f32
    %broadcast_in_dim3A_132 = vector.broadcast %jit3A_131 : f32 to vector<128x128xf32>
    %select_n3A_133 = arith.select %slice3A_128, %add3A_130, %broadcast_in_dim3A_132 : vector<128x128xi1>, vector<128x128xf32>
    %reduce_sum3A_134 = arith.constant dense<0.000000e+00> : vector<128xf32>
    %reduce_sum3A_135 = vector.multi_reduction <add>, %select_n3A_133, %reduce_sum3A_134 [1] : vector<128x128xf32> to vector<128xf32>
    %broadcast_in_dim3A_136 = vector.shape_cast %reduce_sum3A_135 : vector<128xf32> to vector<128x1xf32>
    %broadcast_in_dim3A_137 = vector.shape_cast %broadcast_in_dim3A_127 : vector<128x1xf32> to vector<128x1xf32>
    %broadcast_in_dim3A_138 = vector.broadcast %broadcast_in_dim3A_137 : vector<128x1xf32> to vector<128x128xf32>
    %jit3A_139 = arith.constant 0.000000e+00 : f32
    %broadcast_in_dim3A_140 = vector.broadcast %jit3A_139 : f32 to vector<128x128xf32>
    %select_n3A_141 = arith.select %eq3A_90, %broadcast_in_dim3A_138, %broadcast_in_dim3A_140 : vector<128x128xi1>, vector<128x128xf32>
    %reduce_sum3A_142 = arith.constant dense<0.000000e+00> : vector<128xf32>
    %reduce_sum3A_143 = vector.multi_reduction <add>, %select_n3A_141, %reduce_sum3A_142 [0] : vector<128x128xf32> to vector<128xf32>
    %broadcast_in_dim3A_144 = vector.shape_cast %reduce_sum3A_143 : vector<128xf32> to vector<1x128xf32>
    %convert_element_type3A_145 = arith.fptosi %broadcast_in_dim3A_144 : vector<1x128xf32> to vector<1x128xi32>
    %swap3A_146 = arith.constant 0 : index
    %swap3A_147 = arith.constant 0 : index
    %swap3A_148 = vector.load %arg3[%swap3A_146, %swap3A_147] : memref<16x128xi32, #tpu.memory_space<vmem>>, vector<1x128xi32>
    tpu.vector_store %arg3[%swap3A_146, %swap3A_147], %convert_element_type3A_145 {strides = array<i32>} : memref<16x128xi32, #tpu.memory_space<vmem>>, vector<1x128xi32>,
    %broadcast_in_dim3A_149 = vector.shape_cast %broadcast_in_dim3A_136 : vector<128x1xf32> to vector<128x1xf32>
    %broadcast_in_dim3A_150 = vector.broadcast %broadcast_in_dim3A_149 : vector<128x1xf32> to vector<128x128xf32>
    %jit3A_151 = arith.constant 0.000000e+00 : f32
    %broadcast_in_dim3A_152 = vector.broadcast %jit3A_151 : f32 to vector<128x128xf32>
    %select_n3A_153 = arith.select %eq3A_90, %broadcast_in_dim3A_150, %broadcast_in_dim3A_152 : vector<128x128xi1>, vector<128x128xf32>
    %reduce_sum3A_154 = arith.constant dense<0.000000e+00> : vector<128xf32>
    %reduce_sum3A_155 = vector.multi_reduction <add>, %select_n3A_153, %reduce_sum3A_154 [0] : vector<128x128xf32> to vector<128xf32>
    %broadcast_in_dim3A_156 = vector.shape_cast %reduce_sum3A_155 : vector<128xf32> to vector<1x128xf32>
    %convert_element_type3A_157 = arith.fptosi %broadcast_in_dim3A_156 : vector<1x128xf32> to vector<1x128xi32>
    %swap3A_158 = arith.constant 0 : index
    %swap3A_159 = arith.constant 0 : index
    %swap3A_160 = vector.load %arg4[%swap3A_158, %swap3A_159] : memref<16x128xi32, #tpu.memory_space<vmem>>, vector<1x128xi32>
    tpu.vector_store %arg4[%swap3A_158, %swap3A_159], %convert_element_type3A_157 {strides = array<i32>} : memref<16x128xi32, #tpu.memory_space<vmem>>, vector<1x128xi32>,
    %slice3A_161 = vector.extract_strided_slice %convert_element_type3A_68 {offsets = [128, 0], sizes = [128, 128], strides = [1, 1]} : vector<2048x128xf32> to vector<128x128xf32>
    %slice3A_162 = vector.extract_strided_slice %convert_element_type3A_70 {offsets = [128, 0], sizes = [128, 128], strides = [1, 1]} : vector<2048x128xf32> to vector<128x128xf32>
    %dot_general3A_163 = arith.constant dense<0.000000e+00> : vector<128x128xf32>
    %dot_general3A_164 = tpu.matmul %convert_element_type3A_86, %slice3A_161, %dot_general3A_163 {dimension_numbers = #tpu.dot_dimension_numbers<[1], [0], [0], [1], [0, 0, 1, 1], [], []>, transpose_lhs_hint = false} : vector<128x128xf32>, vector<128x128xf32>, vector<128x128xf32> -> vector<128x128xf32>
    %add3A_165 = vector.broadcast %add3A_114 : vector<1x128xf32> to vector<128x128xf32>
    %add3A_166 = arith.addf %dot_general3A_164, %add3A_165 : vector<128x128xf32>
    %dot_general3A_167 = arith.constant dense<0.000000e+00> : vector<128x128xf32>
    %dot_general3A_168 = tpu.matmul %convert_element_type3A_86, %slice3A_162, %dot_general3A_167 {dimension_numbers = #tpu.dot_dimension_numbers<[1], [0], [0], [1], [0, 0, 1, 1], [], []>, transpose_lhs_hint = false} : vector<128x128xf32>, vector<128x128xf32>, vector<128x128xf32> -> vector<128x128xf32>
    %add3A_169 = vector.broadcast %add3A_118 : vector<1x128xf32> to vector<128x128xf32>
    %add3A_170 = arith.addf %dot_general3A_168, %add3A_169 : vector<128x128xf32>
    %add3A_171 = vector.broadcast %broadcast_in_dim3A_73 : vector<1x128xf32> to vector<128x128xf32>
    %add3A_172 = arith.addf %add3A_170, %add3A_171 : vector<128x128xf32>
    %reduce_sum3A_173 = arith.constant dense<0.000000e+00> : vector<128xf32>
    %reduce_sum3A_174 = vector.multi_reduction <add>, %slice3A_161, %reduce_sum3A_173 [0] : vector<128x128xf32> to vector<128xf32>
    %broadcast_in_dim3A_175 = vector.shape_cast %reduce_sum3A_174 : vector<128xf32> to vector<1x128xf32>
    %add3A_176 = arith.addf %add3A_114, %broadcast_in_dim3A_175 : vector<1x128xf32>
    %reduce_sum3A_177 = arith.constant dense<0.000000e+00> : vector<128xf32>
    %reduce_sum3A_178 = vector.multi_reduction <add>, %slice3A_162, %reduce_sum3A_177 [0] : vector<128x128xf32> to vector<128xf32>
    %broadcast_in_dim3A_179 = vector.shape_cast %reduce_sum3A_178 : vector<128xf32> to vector<1x128xf32>
    %add3A_180 = arith.addf %add3A_118, %broadcast_in_dim3A_179 : vector<1x128xf32>
    %slice3A_181 = vector.extract_strided_slice %eq3A_26 {offsets = [128, 0], sizes = [128, 128], strides = [1, 1]} : vector<2048x128xi1> to vector<128x128xi1>
    %add3A_182 = vector.broadcast %mul3A_95 : vector<1x128xf32> to vector<128x128xf32>
    %add3A_183 = arith.addf %add3A_182, %add3A_166 : vector<128x128xf32>
    %jit3A_184 = arith.constant 0.000000e+00 : f32
    %broadcast_in_dim3A_185 = vector.broadcast %jit3A_184 : f32 to vector<128x128xf32>
    %select_n3A_186 = arith.select %slice3A_181, %add3A_183, %broadcast_in_dim3A_185 : vector<128x128xi1>, vector<128x128xf32>
    %reduce_sum3A_187 = arith.constant dense<0.000000e+00> : vector<128xf32>
    %reduce_sum3A_188 = vector.multi_reduction <add>, %select_n3A_186, %reduce_sum3A_187 [1] : vector<128x128xf32> to vector<128xf32>
    %broadcast_in_dim3A_189 = vector.shape_cast %reduce_sum3A_188 : vector<128xf32> to vector<128x1xf32>
    %slice3A_190 = vector.extract_strided_slice %eq3A_47 {offsets = [128, 0], sizes = [128, 128], strides = [1, 1]} : vector<2048x128xi1> to vector<128x128xi1>
    %add3A_191 = vector.broadcast %mul3A_95 : vector<1x128xf32> to vector<128x128xf32>
    %add3A_192 = arith.addf %add3A_191, %add3A_172 : vector<128x128xf32>
    %jit3A_193 = arith.constant 0.000000e+00 : f32
    %broadcast_in_dim3A_194 = vector.broadcast %jit3A_193 : f32 to vector<128x128xf32>
    %select_n3A_195 = arith.select %slice3A_190, %add3A_192, %broadcast_in_dim3A_194 : vector<128x128xi1>, vector<128x128xf32>
    %reduce_sum3A_196 = arith.constant dense<0.000000e+00> : vector<128xf32>
    %reduce_sum3A_197 = vector.multi_reduction <add>, %select_n3A_195, %reduce_sum3A_196 [1] : vector<128x128xf32> to vector<128xf32>
    %broadcast_in_dim3A_198 = vector.shape_cast %reduce_sum3A_197 : vector<128xf32> to vector<128x1xf32>
    %broadcast_in_dim3A_199 = vector.shape_cast %broadcast_in_dim3A_189 : vector<128x1xf32> to vector<128x1xf32>
    %broadcast_in_dim3A_200 = vector.broadcast %broadcast_in_dim3A_199 : vector<128x1xf32> to vector<128x128xf32>
    %jit3A_201 = arith.constant 0.000000e+00 : f32
    %broadcast_in_dim3A_202 = vector.broadcast %jit3A_201 : f32 to vector<128x128xf32>
    %select_n3A_203 = arith.select %eq3A_90, %broadcast_in_dim3A_200, %broadcast_in_dim3A_202 : vector<128x128xi1>, vector<128x128xf32>
    %reduce_sum3A_204 = arith.constant dense<0.000000e+00> : vector<128xf32>
    %reduce_sum3A_205 = vector.multi_reduction <add>, %select_n3A_203, %reduce_sum3A_204 [0] : vector<128x128xf32> to vector<128xf32>
    %broadcast_in_dim3A_206 = vector.shape_cast %reduce_sum3A_205 : vector<128xf32> to vector<1x128xf32>
    %convert_element_type3A_207 = arith.fptosi %broadcast_in_dim3A_206 : vector<1x128xf32> to vector<1x128xi32>
    %swap3A_208 = arith.constant 1 : index
    %swap3A_209 = arith.constant 0 : index
    %swap3A_210 = vector.load %arg3[%swap3A_208, %swap3A_209] : memref<16x128xi32, #tpu.memory_space<vmem>>, vector<1x128xi32>
    tpu.vector_store %arg3[%swap3A_208, %swap3A_209], %convert_element_type3A_207 {strides = array<i32>} : memref<16x128xi32, #tpu.memory_space<vmem>>, vector<1x128xi32>,
    %broadcast_in_dim3A_211 = vector.shape_cast %broadcast_in_dim3A_198 : vector<128x1xf32> to vector<128x1xf32>
    %broadcast_in_dim3A_212 = vector.broadcast %broadcast_in_dim3A_211 : vector<128x1xf32> to vector<128x128xf32>
    %jit3A_213 = arith.constant 0.000000e+00 : f32
    %broadcast_in_dim3A_214 = vector.broadcast %jit3A_213 : f32 to vector<128x128xf32>
    %select_n3A_215 = arith.select %eq3A_90, %broadcast_in_dim3A_212, %broadcast_in_dim3A_214 : vector<128x128xi1>, vector<128x128xf32>
    %reduce_sum3A_216 = arith.constant dense<0.000000e+00> : vector<128xf32>
    %reduce_sum3A_217 = vector.multi_reduction <add>, %select_n3A_215, %reduce_sum3A_216 [0] : vector<128x128xf32> to vector<128xf32>
    %broadcast_in_dim3A_218 = vector.shape_cast %reduce_sum3A_217 : vector<128xf32> to vector<1x128xf32>
    %convert_element_type3A_219 = arith.fptosi %broadcast_in_dim3A_218 : vector<1x128xf32> to vector<1x128xi32>
    %swap3A_220 = arith.constant 1 : index
    %swap3A_221 = arith.constant 0 : index
    %swap3A_222 = vector.load %arg4[%swap3A_220, %swap3A_221] : memref<16x128xi32, #tpu.memory_space<vmem>>, vector<1x128xi32>
    tpu.vector_store %arg4[%swap3A_220, %swap3A_221], %convert_element_type3A_219 {strides = array<i32>} : memref<16x128xi32, #tpu.memory_space<vmem>>, vector<1x128xi32>,
    %slice3A_223 = vector.extract_strided_slice %convert_element_type3A_68 {offsets = [256, 0], sizes = [128, 128], strides = [1, 1]} : vector<2048x128xf32> to vector<128x128xf32>
    %slice3A_224 = vector.extract_strided_slice %convert_element_type3A_70 {offsets = [256, 0], sizes = [128, 128], strides = [1, 1]} : vector<2048x128xf32> to vector<128x128xf32>
    %dot_general3A_225 = arith.constant dense<0.000000e+00> : vector<128x128xf32>
    %dot_general3A_226 = tpu.matmul %convert_element_type3A_86, %slice3A_223, %dot_general3A_225 {dimension_numbers = #tpu.dot_dimension_numbers<[1], [0], [0], [1], [0, 0, 1, 1], [], []>, transpose_lhs_hint = false} : vector<128x128xf32>, vector<128x128xf32>, vector<128x128xf32> -> vector<128x128xf32>
    %add3A_227 = vector.broadcast %add3A_176 : vector<1x128xf32> to vector<128x128xf32>
    %add3A_228 = arith.addf %dot_general3A_226, %add3A_227 : vector<128x128xf32>
    %dot_general3A_229 = arith.constant dense<0.000000e+00> : vector<128x128xf32>
    %dot_general3A_230 = tpu.matmul %convert_element_type3A_86, %slice3A_224, %dot_general3A_229 {dimension_numbers = #tpu.dot_dimension_numbers<[1], [0], [0], [1], [0, 0, 1, 1], [], []>, transpose_lhs_hint = false} : vector<128x128xf32>, vector<128x128xf32>, vector<128x128xf32> -> vector<128x128xf32>
    %add3A_231 = vector.broadcast %add3A_180 : vector<1x128xf32> to vector<128x128xf32>
    %add3A_232 = arith.addf %dot_general3A_230, %add3A_231 : vector<128x128xf32>
    %add3A_233 = vector.broadcast %broadcast_in_dim3A_73 : vector<1x128xf32> to vector<128x128xf32>
    %add3A_234 = arith.addf %add3A_232, %add3A_233 : vector<128x128xf32>
    %reduce_sum3A_235 = arith.constant dense<0.000000e+00> : vector<128xf32>
    %reduce_sum3A_236 = vector.multi_reduction <add>, %slice3A_223, %reduce_sum3A_235 [0] : vector<128x128xf32> to vector<128xf32>
    %broadcast_in_dim3A_237 = vector.shape_cast %reduce_sum3A_236 : vector<128xf32> to vector<1x128xf32>
    %add3A_238 = arith.addf %add3A_176, %broadcast_in_dim3A_237 : vector<1x128xf32>
    %reduce_sum3A_239 = arith.constant dense<0.000000e+00> : vector<128xf32>
    %reduce_sum3A_240 = vector.multi_reduction <add>, %slice3A_224, %reduce_sum3A_239 [0] : vector<128x128xf32> to vector<128xf32>
    %broadcast_in_dim3A_241 = vector.shape_cast %reduce_sum3A_240 : vector<128xf32> to vector<1x128xf32>
    %add3A_242 = arith.addf %add3A_180, %broadcast_in_dim3A_241 : vector<1x128xf32>
    %slice3A_243 = vector.extract_strided_slice %eq3A_26 {offsets = [256, 0], sizes = [128, 128], strides = [1, 1]} : vector<2048x128xi1> to vector<128x128xi1>
    %add3A_244 = vector.broadcast %mul3A_95 : vector<1x128xf32> to vector<128x128xf32>
    %add3A_245 = arith.addf %add3A_244, %add3A_228 : vector<128x128xf32>
    %jit3A_246 = arith.constant 0.000000e+00 : f32
    %broadcast_in_dim3A_247 = vector.broadcast %jit3A_246 : f32 to vector<128x128xf32>
    %select_n3A_248 = arith.select %slice3A_243, %add3A_245, %broadcast_in_dim3A_247 : vector<128x128xi1>, vector<128x128xf32>
    %reduce_sum3A_249 = arith.constant dense<0.000000e+00> : vector<128xf32>
    %reduce_sum3A_250 = vector.multi_reduction <add>, %select_n3A_248, %reduce_sum3A_249 [1] : vector<128x128xf32> to vector<128xf32>
    %broadcast_in_dim3A_251 = vector.shape_cast %reduce_sum3A_250 : vector<128xf32> to vector<128x1xf32>
    %slice3A_252 = vector.extract_strided_slice %eq3A_47 {offsets = [256, 0], sizes = [128, 128], strides = [1, 1]} : vector<2048x128xi1> to vector<128x128xi1>
    %add3A_253 = vector.broadcast %mul3A_95 : vector<1x128xf32> to vector<128x128xf32>
    %add3A_254 = arith.addf %add3A_253, %add3A_234 : vector<128x128xf32>
    %jit3A_255 = arith.constant 0.000000e+00 : f32
    %broadcast_in_dim3A_256 = vector.broadcast %jit3A_255 : f32 to vector<128x128xf32>
    %select_n3A_257 = arith.select %slice3A_252, %add3A_254, %broadcast_in_dim3A_256 : vector<128x128xi1>, vector<128x128xf32>
    %reduce_sum3A_258 = arith.constant dense<0.000000e+00> : vector<128xf32>
    %reduce_sum3A_259 = vector.multi_reduction <add>, %select_n3A_257, %reduce_sum3A_258 [1] : vector<128x128xf32> to vector<128xf32>
    %broadcast_in_dim3A_260 = vector.shape_cast %reduce_sum3A_259 : vector<128xf32> to vector<128x1xf32>
    %broadcast_in_dim3A_261 = vector.shape_cast %broadcast_in_dim3A_251 : vector<128x1xf32> to vector<128x1xf32>
    %broadcast_in_dim3A_262 = vector.broadcast %broadcast_in_dim3A_261 : vector<128x1xf32> to vector<128x128xf32>
    %jit3A_263 = arith.constant 0.000000e+00 : f32
    %broadcast_in_dim3A_264 = vector.broadcast %jit3A_263 : f32 to vector<128x128xf32>
    %select_n3A_265 = arith.select %eq3A_90, %broadcast_in_dim3A_262, %broadcast_in_dim3A_264 : vector<128x128xi1>, vector<128x128xf32>
    %reduce_sum3A_266 = arith.constant dense<0.000000e+00> : vector<128xf32>
    %reduce_sum3A_267 = vector.multi_reduction <add>, %select_n3A_265, %reduce_sum3A_266 [0] : vector<128x128xf32> to vector<128xf32>
    %broadcast_in_dim3A_268 = vector.shape_cast %reduce_sum3A_267 : vector<128xf32> to vector<1x128xf32>
    %convert_element_type3A_269 = arith.fptosi %broadcast_in_dim3A_268 : vector<1x128xf32> to vector<1x128xi32>
    %swap3A_270 = arith.constant 2 : index
    %swap3A_271 = arith.constant 0 : index
    %swap3A_272 = vector.load %arg3[%swap3A_270, %swap3A_271] : memref<16x128xi32, #tpu.memory_space<vmem>>, vector<1x128xi32>
    tpu.vector_store %arg3[%swap3A_270, %swap3A_271], %convert_element_type3A_269 {strides = array<i32>} : memref<16x128xi32, #tpu.memory_space<vmem>>, vector<1x128xi32>,
    %broadcast_in_dim3A_273 = vector.shape_cast %broadcast_in_dim3A_260 : vector<128x1xf32> to vector<128x1xf32>
    %broadcast_in_dim3A_274 = vector.broadcast %broadcast_in_dim3A_273 : vector<128x1xf32> to vector<128x128xf32>
    %jit3A_275 = arith.constant 0.000000e+00 : f32
    %broadcast_in_dim3A_276 = vector.broadcast %jit3A_275 : f32 to vector<128x128xf32>
    %select_n3A_277 = arith.select %eq3A_90, %broadcast_in_dim3A_274, %broadcast_in_dim3A_276 : vector<128x128xi1>, vector<128x128xf32>
    %reduce_sum3A_278 = arith.constant dense<0.000000e+00> : vector<128xf32>
    %reduce_sum3A_279 = vector.multi_reduction <add>, %select_n3A_277, %reduce_sum3A_278 [0] : vector<128x128xf32> to vector<128xf32>
    %broadcast_in_dim3A_280 = vector.shape_cast %reduce_sum3A_279 : vector<128xf32> to vector<1x128xf32>
    %convert_element_type3A_281 = arith.fptosi %broadcast_in_dim3A_280 : vector<1x128xf32> to vector<1x128xi32>
    %swap3A_282 = arith.constant 2 : index
    %swap3A_283 = arith.constant 0 : index
    %swap3A_284 = vector.load %arg4[%swap3A_282, %swap3A_283] : memref<16x128xi32, #tpu.memory_space<vmem>>, vector<1x128xi32>
    tpu.vector_store %arg4[%swap3A_282, %swap3A_283], %convert_element_type3A_281 {strides = array<i32>} : memref<16x128xi32, #tpu.memory_space<vmem>>, vector<1x128xi32>,
    %slice3A_285 = vector.extract_strided_slice %convert_element_type3A_68 {offsets = [384, 0], sizes = [128, 128], strides = [1, 1]} : vector<2048x128xf32> to vector<128x128xf32>
    %slice3A_286 = vector.extract_strided_slice %convert_element_type3A_70 {offsets = [384, 0], sizes = [128, 128], strides = [1, 1]} : vector<2048x128xf32> to vector<128x128xf32>
    %dot_general3A_287 = arith.constant dense<0.000000e+00> : vector<128x128xf32>
    %dot_general3A_288 = tpu.matmul %convert_element_type3A_86, %slice3A_285, %dot_general3A_287 {dimension_numbers = #tpu.dot_dimension_numbers<[1], [0], [0], [1], [0, 0, 1, 1], [], []>, transpose_lhs_hint = false} : vector<128x128xf32>, vector<128x128xf32>, vector<128x128xf32> -> vector<128x128xf32>
    %add3A_289 = vector.broadcast %add3A_238 : vector<1x128xf32> to vector<128x128xf32>
    %add3A_290 = arith.addf %dot_general3A_288, %add3A_289 : vector<128x128xf32>
    %dot_general3A_291 = arith.constant dense<0.000000e+00> : vector<128x128xf32>
    %dot_general3A_292 = tpu.matmul %convert_element_type3A_86, %slice3A_286, %dot_general3A_291 {dimension_numbers = #tpu.dot_dimension_numbers<[1], [0], [0], [1], [0, 0, 1, 1], [], []>, transpose_lhs_hint = false} : vector<128x128xf32>, vector<128x128xf32>, vector<128x128xf32> -> vector<128x128xf32>
    %add3A_293 = vector.broadcast %add3A_242 : vector<1x128xf32> to vector<128x128xf32>
    %add3A_294 = arith.addf %dot_general3A_292, %add3A_293 : vector<128x128xf32>
    %add3A_295 = vector.broadcast %broadcast_in_dim3A_73 : vector<1x128xf32> to vector<128x128xf32>
    %add3A_296 = arith.addf %add3A_294, %add3A_295 : vector<128x128xf32>
    %reduce_sum3A_297 = arith.constant dense<0.000000e+00> : vector<128xf32>
    %reduce_sum3A_298 = vector.multi_reduction <add>, %slice3A_285, %reduce_sum3A_297 [0] : vector<128x128xf32> to vector<128xf32>
    %broadcast_in_dim3A_299 = vector.shape_cast %reduce_sum3A_298 : vector<128xf32> to vector<1x128xf32>
    %add3A_300 = arith.addf %add3A_238, %broadcast_in_dim3A_299 : vector<1x128xf32>
    %reduce_sum3A_301 = arith.constant dense<0.000000e+00> : vector<128xf32>
    %reduce_sum3A_302 = vector.multi_reduction <add>, %slice3A_286, %reduce_sum3A_301 [0] : vector<128x128xf32> to vector<128xf32>
    %broadcast_in_dim3A_303 = vector.shape_cast %reduce_sum3A_302 : vector<128xf32> to vector<1x128xf32>
    %add3A_304 = arith.addf %add3A_242, %broadcast_in_dim3A_303 : vector<1x128xf32>
    %slice3A_305 = vector.extract_strided_slice %eq3A_26 {offsets = [384, 0], sizes = [128, 128], strides = [1, 1]} : vector<2048x128xi1> to vector<128x128xi1>
    %add3A_306 = vector.broadcast %mul3A_95 : vector<1x128xf32> to vector<128x128xf32>
    %add3A_307 = arith.addf %add3A_306, %add3A_290 : vector<128x128xf32>
    %jit3A_308 = arith.constant 0.000000e+00 : f32
    %broadcast_in_dim3A_309 = vector.broadcast %jit3A_308 : f32 to vector<128x128xf32>
    %select_n3A_310 = arith.select %slice3A_305, %add3A_307, %broadcast_in_dim3A_309 : vector<128x128xi1>, vector<128x128xf32>
    %reduce_sum3A_311 = arith.constant dense<0.000000e+00> : vector<128xf32>
    %reduce_sum3A_312 = vector.multi_reduction <add>, %select_n3A_310, %reduce_sum3A_311 [1] : vector<128x128xf32> to vector<128xf32>
    %broadcast_in_dim3A_313 = vector.shape_cast %reduce_sum3A_312 : vector<128xf32> to vector<128x1xf32>
    %slice3A_314 = vector.extract_strided_slice %eq3A_47 {offsets = [384, 0], sizes = [128, 128], strides = [1, 1]} : vector<2048x128xi1> to vector<128x128xi1>
    %add3A_315 = vector.broadcast %mul3A_95 : vector<1x128xf32> to vector<128x128xf32>
    %add3A_316 = arith.addf %add3A_315, %add3A_296 : vector<128x128xf32>
    %jit3A_317 = arith.constant 0.000000e+00 : f32
    %broadcast_in_dim3A_318 = vector.broadcast %jit3A_317 : f32 to vector<128x128xf32>
    %select_n3A_319 = arith.select %slice3A_314, %add3A_316, %broadcast_in_dim3A_318 : vector<128x128xi1>, vector<128x128xf32>
    %reduce_sum3A_320 = arith.constant dense<0.000000e+00> : vector<128xf32>
    %reduce_sum3A_321 = vector.multi_reduction <add>, %select_n3A_319, %reduce_sum3A_320 [1] : vector<128x128xf32> to vector<128xf32>
    %broadcast_in_dim3A_322 = vector.shape_cast %reduce_sum3A_321 : vector<128xf32> to vector<128x1xf32>
    %broadcast_in_dim3A_323 = vector.shape_cast %broadcast_in_dim3A_313 : vector<128x1xf32> to vector<128x1xf32>
    %broadcast_in_dim3A_324 = vector.broadcast %broadcast_in_dim3A_323 : vector<128x1xf32> to vector<128x128xf32>
    %jit3A_325 = arith.constant 0.000000e+00 : f32
    %broadcast_in_dim3A_326 = vector.broadcast %jit3A_325 : f32 to vector<128x128xf32>
    %select_n3A_327 = arith.select %eq3A_90, %broadcast_in_dim3A_324, %broadcast_in_dim3A_326 : vector<128x128xi1>, vector<128x128xf32>
    %reduce_sum3A_328 = arith.constant dense<0.000000e+00> : vector<128xf32>
    %reduce_sum3A_329 = vector.multi_reduction <add>, %select_n3A_327, %reduce_sum3A_328 [0] : vector<128x128xf32> to vector<128xf32>
    %broadcast_in_dim3A_330 = vector.shape_cast %reduce_sum3A_329 : vector<128xf32> to vector<1x128xf32>
    %convert_element_type3A_331 = arith.fptosi %broadcast_in_dim3A_330 : vector<1x128xf32> to vector<1x128xi32>
    %swap3A_332 = arith.constant 3 : index
    %swap3A_333 = arith.constant 0 : index
    %swap3A_334 = vector.load %arg3[%swap3A_332, %swap3A_333] : memref<16x128xi32, #tpu.memory_space<vmem>>, vector<1x128xi32>
    tpu.vector_store %arg3[%swap3A_332, %swap3A_333], %convert_element_type3A_331 {strides = array<i32>} : memref<16x128xi32, #tpu.memory_space<vmem>>, vector<1x128xi32>,
    %broadcast_in_dim3A_335 = vector.shape_cast %broadcast_in_dim3A_322 : vector<128x1xf32> to vector<128x1xf32>
    %broadcast_in_dim3A_336 = vector.broadcast %broadcast_in_dim3A_335 : vector<128x1xf32> to vector<128x128xf32>
    %jit3A_337 = arith.constant 0.000000e+00 : f32
    %broadcast_in_dim3A_338 = vector.broadcast %jit3A_337 : f32 to vector<128x128xf32>
    %select_n3A_339 = arith.select %eq3A_90, %broadcast_in_dim3A_336, %broadcast_in_dim3A_338 : vector<128x128xi1>, vector<128x128xf32>
    %reduce_sum3A_340 = arith.constant dense<0.000000e+00> : vector<128xf32>
    %reduce_sum3A_341 = vector.multi_reduction <add>, %select_n3A_339, %reduce_sum3A_340 [0] : vector<128x128xf32> to vector<128xf32>
    %broadcast_in_dim3A_342 = vector.shape_cast %reduce_sum3A_341 : vector<128xf32> to vector<1x128xf32>
    %convert_element_type3A_343 = arith.fptosi %broadcast_in_dim3A_342 : vector<1x128xf32> to vector<1x128xi32>
    %swap3A_344 = arith.constant 3 : index
    %swap3A_345 = arith.constant 0 : index
    %swap3A_346 = vector.load %arg4[%swap3A_344, %swap3A_345] : memref<16x128xi32, #tpu.memory_space<vmem>>, vector<1x128xi32>
    tpu.vector_store %arg4[%swap3A_344, %swap3A_345], %convert_element_type3A_343 {strides = array<i32>} : memref<16x128xi32, #tpu.memory_space<vmem>>, vector<1x128xi32>,
    %slice3A_347 = vector.extract_strided_slice %convert_element_type3A_68 {offsets = [512, 0], sizes = [128, 128], strides = [1, 1]} : vector<2048x128xf32> to vector<128x128xf32>
    %slice3A_348 = vector.extract_strided_slice %convert_element_type3A_70 {offsets = [512, 0], sizes = [128, 128], strides = [1, 1]} : vector<2048x128xf32> to vector<128x128xf32>
    %dot_general3A_349 = arith.constant dense<0.000000e+00> : vector<128x128xf32>
    %dot_general3A_350 = tpu.matmul %convert_element_type3A_86, %slice3A_347, %dot_general3A_349 {dimension_numbers = #tpu.dot_dimension_numbers<[1], [0], [0], [1], [0, 0, 1, 1], [], []>, transpose_lhs_hint = false} : vector<128x128xf32>, vector<128x128xf32>, vector<128x128xf32> -> vector<128x128xf32>
    %add3A_351 = vector.broadcast %add3A_300 : vector<1x128xf32> to vector<128x128xf32>
    %add3A_352 = arith.addf %dot_general3A_350, %add3A_351 : vector<128x128xf32>
    %dot_general3A_353 = arith.constant dense<0.000000e+00> : vector<128x128xf32>
    %dot_general3A_354 = tpu.matmul %convert_element_type3A_86, %slice3A_348, %dot_general3A_353 {dimension_numbers = #tpu.dot_dimension_numbers<[1], [0], [0], [1], [0, 0, 1, 1], [], []>, transpose_lhs_hint = false} : vector<128x128xf32>, vector<128x128xf32>, vector<128x128xf32> -> vector<128x128xf32>
    %add3A_355 = vector.broadcast %add3A_304 : vector<1x128xf32> to vector<128x128xf32>
    %add3A_356 = arith.addf %dot_general3A_354, %add3A_355 : vector<128x128xf32>
    %add3A_357 = vector.broadcast %broadcast_in_dim3A_73 : vector<1x128xf32> to vector<128x128xf32>
    %add3A_358 = arith.addf %add3A_356, %add3A_357 : vector<128x128xf32>
    %reduce_sum3A_359 = arith.constant dense<0.000000e+00> : vector<128xf32>
    %reduce_sum3A_360 = vector.multi_reduction <add>, %slice3A_347, %reduce_sum3A_359 [0] : vector<128x128xf32> to vector<128xf32>
    %broadcast_in_dim3A_361 = vector.shape_cast %reduce_sum3A_360 : vector<128xf32> to vector<1x128xf32>
    %add3A_362 = arith.addf %add3A_300, %broadcast_in_dim3A_361 : vector<1x128xf32>
    %reduce_sum3A_363 = arith.constant dense<0.000000e+00> : vector<128xf32>
    %reduce_sum3A_364 = vector.multi_reduction <add>, %slice3A_348, %reduce_sum3A_363 [0] : vector<128x128xf32> to vector<128xf32>
    %broadcast_in_dim3A_365 = vector.shape_cast %reduce_sum3A_364 : vector<128xf32> to vector<1x128xf32>
    %add3A_366 = arith.addf %add3A_304, %broadcast_in_dim3A_365 : vector<1x128xf32>
    %slice3A_367 = vector.extract_strided_slice %eq3A_26 {offsets = [512, 0], sizes = [128, 128], strides = [1, 1]} : vector<2048x128xi1> to vector<128x128xi1>
    %add3A_368 = vector.broadcast %mul3A_95 : vector<1x128xf32> to vector<128x128xf32>
    %add3A_369 = arith.addf %add3A_368, %add3A_352 : vector<128x128xf32>
    %jit3A_370 = arith.constant 0.000000e+00 : f32
    %broadcast_in_dim3A_371 = vector.broadcast %jit3A_370 : f32 to vector<128x128xf32>
    %select_n3A_372 = arith.select %slice3A_367, %add3A_369, %broadcast_in_dim3A_371 : vector<128x128xi1>, vector<128x128xf32>
    %reduce_sum3A_373 = arith.constant dense<0.000000e+00> : vector<128xf32>
    %reduce_sum3A_374 = vector.multi_reduction <add>, %select_n3A_372, %reduce_sum3A_373 [1] : vector<128x128xf32> to vector<128xf32>
    %broadcast_in_dim3A_375 = vector.shape_cast %reduce_sum3A_374 : vector<128xf32> to vector<128x1xf32>
    %slice3A_376 = vector.extract_strided_slice %eq3A_47 {offsets = [512, 0], sizes = [128, 128], strides = [1, 1]} : vector<2048x128xi1> to vector<128x128xi1>
    %add3A_377 = vector.broadcast %mul3A_95 : vector<1x128xf32> to vector<128x128xf32>
    %add3A_378 = arith.addf %add3A_377, %add3A_358 : vector<128x128xf32>
    %jit3A_379 = arith.constant 0.000000e+00 : f32
    %broadcast_in_dim3A_380 = vector.broadcast %jit3A_379 : f32 to vector<128x128xf32>
    %select_n3A_381 = arith.select %slice3A_376, %add3A_378, %broadcast_in_dim3A_380 : vector<128x128xi1>, vector<128x128xf32>
    %reduce_sum3A_382 = arith.constant dense<0.000000e+00> : vector<128xf32>
    %reduce_sum3A_383 = vector.multi_reduction <add>, %select_n3A_381, %reduce_sum3A_382 [1] : vector<128x128xf32> to vector<128xf32>
    %broadcast_in_dim3A_384 = vector.shape_cast %reduce_sum3A_383 : vector<128xf32> to vector<128x1xf32>
    %broadcast_in_dim3A_385 = vector.shape_cast %broadcast_in_dim3A_375 : vector<128x1xf32> to vector<128x1xf32>
    %broadcast_in_dim3A_386 = vector.broadcast %broadcast_in_dim3A_385 : vector<128x1xf32> to vector<128x128xf32>
    %jit3A_387 = arith.constant 0.000000e+00 : f32
    %broadcast_in_dim3A_388 = vector.broadcast %jit3A_387 : f32 to vector<128x128xf32>
    %select_n3A_389 = arith.select %eq3A_90, %broadcast_in_dim3A_386, %broadcast_in_dim3A_388 : vector<128x128xi1>, vector<128x128xf32>
    %reduce_sum3A_390 = arith.constant dense<0.000000e+00> : vector<128xf32>
    %reduce_sum3A_391 = vector.multi_reduction <add>, %select_n3A_389, %reduce_sum3A_390 [0] : vector<128x128xf32> to vector<128xf32>
    %broadcast_in_dim3A_392 = vector.shape_cast %reduce_sum3A_391 : vector<128xf32> to vector<1x128xf32>
    %convert_element_type3A_393 = arith.fptosi %broadcast_in_dim3A_392 : vector<1x128xf32> to vector<1x128xi32>
    %swap3A_394 = arith.constant 4 : index
    %swap3A_395 = arith.constant 0 : index
    %swap3A_396 = vector.load %arg3[%swap3A_394, %swap3A_395] : memref<16x128xi32, #tpu.memory_space<vmem>>, vector<1x128xi32>
    tpu.vector_store %arg3[%swap3A_394, %swap3A_395], %convert_element_type3A_393 {strides = array<i32>} : memref<16x128xi32, #tpu.memory_space<vmem>>, vector<1x128xi32>,
    %broadcast_in_dim3A_397 = vector.shape_cast %broadcast_in_dim3A_384 : vector<128x1xf32> to vector<128x1xf32>
    %broadcast_in_dim3A_398 = vector.broadcast %broadcast_in_dim3A_397 : vector<128x1xf32> to vector<128x128xf32>
    %jit3A_399 = arith.constant 0.000000e+00 : f32
    %broadcast_in_dim3A_400 = vector.broadcast %jit3A_399 : f32 to vector<128x128xf32>
    %select_n3A_401 = arith.select %eq3A_90, %broadcast_in_dim3A_398, %broadcast_in_dim3A_400 : vector<128x128xi1>, vector<128x128xf32>
    %reduce_sum3A_402 = arith.constant dense<0.000000e+00> : vector<128xf32>
    %reduce_sum3A_403 = vector.multi_reduction <add>, %select_n3A_401, %reduce_sum3A_402 [0] : vector<128x128xf32> to vector<128xf32>
    %broadcast_in_dim3A_404 = vector.shape_cast %reduce_sum3A_403 : vector<128xf32> to vector<1x128xf32>
    %convert_element_type3A_405 = arith.fptosi %broadcast_in_dim3A_404 : vector<1x128xf32> to vector<1x128xi32>
    %swap3A_406 = arith.constant 4 : index
    %swap3A_407 = arith.constant 0 : index
    %swap3A_408 = vector.load %arg4[%swap3A_406, %swap3A_407] : memref<16x128xi32, #tpu.memory_space<vmem>>, vector<1x128xi32>
    tpu.vector_store %arg4[%swap3A_406, %swap3A_407], %convert_element_type3A_405 {strides = array<i32>} : memref<16x128xi32, #tpu.memory_space<vmem>>, vector<1x128xi32>,
    %slice3A_409 = vector.extract_strided_slice %convert_element_type3A_68 {offsets = [640, 0], sizes = [128, 128], strides = [1, 1]} : vector<2048x128xf32> to vector<128x128xf32>
    %slice3A_410 = vector.extract_strided_slice %convert_element_type3A_70 {offsets = [640, 0], sizes = [128, 128], strides = [1, 1]} : vector<2048x128xf32> to vector<128x128xf32>
    %dot_general3A_411 = arith.constant dense<0.000000e+00> : vector<128x128xf32>
    %dot_general3A_412 = tpu.matmul %convert_element_type3A_86, %slice3A_409, %dot_general3A_411 {dimension_numbers = #tpu.dot_dimension_numbers<[1], [0], [0], [1], [0, 0, 1, 1], [], []>, transpose_lhs_hint = false} : vector<128x128xf32>, vector<128x128xf32>, vector<128x128xf32> -> vector<128x128xf32>
    %add3A_413 = vector.broadcast %add3A_362 : vector<1x128xf32> to vector<128x128xf32>
    %add3A_414 = arith.addf %dot_general3A_412, %add3A_413 : vector<128x128xf32>
    %dot_general3A_415 = arith.constant dense<0.000000e+00> : vector<128x128xf32>
    %dot_general3A_416 = tpu.matmul %convert_element_type3A_86, %slice3A_410, %dot_general3A_415 {dimension_numbers = #tpu.dot_dimension_numbers<[1], [0], [0], [1], [0, 0, 1, 1], [], []>, transpose_lhs_hint = false} : vector<128x128xf32>, vector<128x128xf32>, vector<128x128xf32> -> vector<128x128xf32>
    %add3A_417 = vector.broadcast %add3A_366 : vector<1x128xf32> to vector<128x128xf32>
    %add3A_418 = arith.addf %dot_general3A_416, %add3A_417 : vector<128x128xf32>
    %add3A_419 = vector.broadcast %broadcast_in_dim3A_73 : vector<1x128xf32> to vector<128x128xf32>
    %add3A_420 = arith.addf %add3A_418, %add3A_419 : vector<128x128xf32>
    %reduce_sum3A_421 = arith.constant dense<0.000000e+00> : vector<128xf32>
    %reduce_sum3A_422 = vector.multi_reduction <add>, %slice3A_409, %reduce_sum3A_421 [0] : vector<128x128xf32> to vector<128xf32>
    %broadcast_in_dim3A_423 = vector.shape_cast %reduce_sum3A_422 : vector<128xf32> to vector<1x128xf32>
    %add3A_424 = arith.addf %add3A_362, %broadcast_in_dim3A_423 : vector<1x128xf32>
    %reduce_sum3A_425 = arith.constant dense<0.000000e+00> : vector<128xf32>
    %reduce_sum3A_426 = vector.multi_reduction <add>, %slice3A_410, %reduce_sum3A_425 [0] : vector<128x128xf32> to vector<128xf32>
    %broadcast_in_dim3A_427 = vector.shape_cast %reduce_sum3A_426 : vector<128xf32> to vector<1x128xf32>
    %add3A_428 = arith.addf %add3A_366, %broadcast_in_dim3A_427 : vector<1x128xf32>
    %slice3A_429 = vector.extract_strided_slice %eq3A_26 {offsets = [640, 0], sizes = [128, 128], strides = [1, 1]} : vector<2048x128xi1> to vector<128x128xi1>
    %add3A_430 = vector.broadcast %mul3A_95 : vector<1x128xf32> to vector<128x128xf32>
    %add3A_431 = arith.addf %add3A_430, %add3A_414 : vector<128x128xf32>
    %jit3A_432 = arith.constant 0.000000e+00 : f32
    %broadcast_in_dim3A_433 = vector.broadcast %jit3A_432 : f32 to vector<128x128xf32>
    %select_n3A_434 = arith.select %slice3A_429, %add3A_431, %broadcast_in_dim3A_433 : vector<128x128xi1>, vector<128x128xf32>
    %reduce_sum3A_435 = arith.constant dense<0.000000e+00> : vector<128xf32>
    %reduce_sum3A_436 = vector.multi_reduction <add>, %select_n3A_434, %reduce_sum3A_435 [1] : vector<128x128xf32> to vector<128xf32>
    %broadcast_in_dim3A_437 = vector.shape_cast %reduce_sum3A_436 : vector<128xf32> to vector<128x1xf32>
    %slice3A_438 = vector.extract_strided_slice %eq3A_47 {offsets = [640, 0], sizes = [128, 128], strides = [1, 1]} : vector<2048x128xi1> to vector<128x128xi1>
    %add3A_439 = vector.broadcast %mul3A_95 : vector<1x128xf32> to vector<128x128xf32>
    %add3A_440 = arith.addf %add3A_439, %add3A_420 : vector<128x128xf32>
    %jit3A_441 = arith.constant 0.000000e+00 : f32
    %broadcast_in_dim3A_442 = vector.broadcast %jit3A_441 : f32 to vector<128x128xf32>
    %select_n3A_443 = arith.select %slice3A_438, %add3A_440, %broadcast_in_dim3A_442 : vector<128x128xi1>, vector<128x128xf32>
    %reduce_sum3A_444 = arith.constant dense<0.000000e+00> : vector<128xf32>
    %reduce_sum3A_445 = vector.multi_reduction <add>, %select_n3A_443, %reduce_sum3A_444 [1] : vector<128x128xf32> to vector<128xf32>
    %broadcast_in_dim3A_446 = vector.shape_cast %reduce_sum3A_445 : vector<128xf32> to vector<128x1xf32>
    %broadcast_in_dim3A_447 = vector.shape_cast %broadcast_in_dim3A_437 : vector<128x1xf32> to vector<128x1xf32>
    %broadcast_in_dim3A_448 = vector.broadcast %broadcast_in_dim3A_447 : vector<128x1xf32> to vector<128x128xf32>
    %jit3A_449 = arith.constant 0.000000e+00 : f32
    %broadcast_in_dim3A_450 = vector.broadcast %jit3A_449 : f32 to vector<128x128xf32>
    %select_n3A_451 = arith.select %eq3A_90, %broadcast_in_dim3A_448, %broadcast_in_dim3A_450 : vector<128x128xi1>, vector<128x128xf32>
    %reduce_sum3A_452 = arith.constant dense<0.000000e+00> : vector<128xf32>
    %reduce_sum3A_453 = vector.multi_reduction <add>, %select_n3A_451, %reduce_sum3A_452 [0] : vector<128x128xf32> to vector<128xf32>
    %broadcast_in_dim3A_454 = vector.shape_cast %reduce_sum3A_453 : vector<128xf32> to vector<1x128xf32>
    %convert_element_type3A_455 = arith.fptosi %broadcast_in_dim3A_454 : vector<1x128xf32> to vector<1x128xi32>
    %swap3A_456 = arith.constant 5 : index
    %swap3A_457 = arith.constant 0 : index
    %swap3A_458 = vector.load %arg3[%swap3A_456, %swap3A_457] : memref<16x128xi32, #tpu.memory_space<vmem>>, vector<1x128xi32>
    tpu.vector_store %arg3[%swap3A_456, %swap3A_457], %convert_element_type3A_455 {strides = array<i32>} : memref<16x128xi32, #tpu.memory_space<vmem>>, vector<1x128xi32>,
    %broadcast_in_dim3A_459 = vector.shape_cast %broadcast_in_dim3A_446 : vector<128x1xf32> to vector<128x1xf32>
    %broadcast_in_dim3A_460 = vector.broadcast %broadcast_in_dim3A_459 : vector<128x1xf32> to vector<128x128xf32>
    %jit3A_461 = arith.constant 0.000000e+00 : f32
    %broadcast_in_dim3A_462 = vector.broadcast %jit3A_461 : f32 to vector<128x128xf32>
    %select_n3A_463 = arith.select %eq3A_90, %broadcast_in_dim3A_460, %broadcast_in_dim3A_462 : vector<128x128xi1>, vector<128x128xf32>
    %reduce_sum3A_464 = arith.constant dense<0.000000e+00> : vector<128xf32>
    %reduce_sum3A_465 = vector.multi_reduction <add>, %select_n3A_463, %reduce_sum3A_464 [0] : vector<128x128xf32> to vector<128xf32>
    %broadcast_in_dim3A_466 = vector.shape_cast %reduce_sum3A_465 : vector<128xf32> to vector<1x128xf32>
    %convert_element_type3A_467 = arith.fptosi %broadcast_in_dim3A_466 : vector<1x128xf32> to vector<1x128xi32>
    %swap3A_468 = arith.constant 5 : index
    %swap3A_469 = arith.constant 0 : index
    %swap3A_470 = vector.load %arg4[%swap3A_468, %swap3A_469] : memref<16x128xi32, #tpu.memory_space<vmem>>, vector<1x128xi32>
    tpu.vector_store %arg4[%swap3A_468, %swap3A_469], %convert_element_type3A_467 {strides = array<i32>} : memref<16x128xi32, #tpu.memory_space<vmem>>, vector<1x128xi32>,
    %slice3A_471 = vector.extract_strided_slice %convert_element_type3A_68 {offsets = [768, 0], sizes = [128, 128], strides = [1, 1]} : vector<2048x128xf32> to vector<128x128xf32>
    %slice3A_472 = vector.extract_strided_slice %convert_element_type3A_70 {offsets = [768, 0], sizes = [128, 128], strides = [1, 1]} : vector<2048x128xf32> to vector<128x128xf32>
    %dot_general3A_473 = arith.constant dense<0.000000e+00> : vector<128x128xf32>
    %dot_general3A_474 = tpu.matmul %convert_element_type3A_86, %slice3A_471, %dot_general3A_473 {dimension_numbers = #tpu.dot_dimension_numbers<[1], [0], [0], [1], [0, 0, 1, 1], [], []>, transpose_lhs_hint = false} : vector<128x128xf32>, vector<128x128xf32>, vector<128x128xf32> -> vector<128x128xf32>
    %add3A_475 = vector.broadcast %add3A_424 : vector<1x128xf32> to vector<128x128xf32>
    %add3A_476 = arith.addf %dot_general3A_474, %add3A_475 : vector<128x128xf32>
    %dot_general3A_477 = arith.constant dense<0.000000e+00> : vector<128x128xf32>
    %dot_general3A_478 = tpu.matmul %convert_element_type3A_86, %slice3A_472, %dot_general3A_477 {dimension_numbers = #tpu.dot_dimension_numbers<[1], [0], [0], [1], [0, 0, 1, 1], [], []>, transpose_lhs_hint = false} : vector<128x128xf32>, vector<128x128xf32>, vector<128x128xf32> -> vector<128x128xf32>
    %add3A_479 = vector.broadcast %add3A_428 : vector<1x128xf32> to vector<128x128xf32>
    %add3A_480 = arith.addf %dot_general3A_478, %add3A_479 : vector<128x128xf32>
    %add3A_481 = vector.broadcast %broadcast_in_dim3A_73 : vector<1x128xf32> to vector<128x128xf32>
    %add3A_482 = arith.addf %add3A_480, %add3A_481 : vector<128x128xf32>
    %reduce_sum3A_483 = arith.constant dense<0.000000e+00> : vector<128xf32>
    %reduce_sum3A_484 = vector.multi_reduction <add>, %slice3A_471, %reduce_sum3A_483 [0] : vector<128x128xf32> to vector<128xf32>
    %broadcast_in_dim3A_485 = vector.shape_cast %reduce_sum3A_484 : vector<128xf32> to vector<1x128xf32>
    %add3A_486 = arith.addf %add3A_424, %broadcast_in_dim3A_485 : vector<1x128xf32>
    %reduce_sum3A_487 = arith.constant dense<0.000000e+00> : vector<128xf32>
    %reduce_sum3A_488 = vector.multi_reduction <add>, %slice3A_472, %reduce_sum3A_487 [0] : vector<128x128xf32> to vector<128xf32>
    %broadcast_in_dim3A_489 = vector.shape_cast %reduce_sum3A_488 : vector<128xf32> to vector<1x128xf32>
    %add3A_490 = arith.addf %add3A_428, %broadcast_in_dim3A_489 : vector<1x128xf32>
    %slice3A_491 = vector.extract_strided_slice %eq3A_26 {offsets = [768, 0], sizes = [128, 128], strides = [1, 1]} : vector<2048x128xi1> to vector<128x128xi1>
    %add3A_492 = vector.broadcast %mul3A_95 : vector<1x128xf32> to vector<128x128xf32>
    %add3A_493 = arith.addf %add3A_492, %add3A_476 : vector<128x128xf32>
    %jit3A_494 = arith.constant 0.000000e+00 : f32
    %broadcast_in_dim3A_495 = vector.broadcast %jit3A_494 : f32 to vector<128x128xf32>
    %select_n3A_496 = arith.select %slice3A_491, %add3A_493, %broadcast_in_dim3A_495 : vector<128x128xi1>, vector<128x128xf32>
    %reduce_sum3A_497 = arith.constant dense<0.000000e+00> : vector<128xf32>
    %reduce_sum3A_498 = vector.multi_reduction <add>, %select_n3A_496, %reduce_sum3A_497 [1] : vector<128x128xf32> to vector<128xf32>
    %broadcast_in_dim3A_499 = vector.shape_cast %reduce_sum3A_498 : vector<128xf32> to vector<128x1xf32>
    %slice3A_500 = vector.extract_strided_slice %eq3A_47 {offsets = [768, 0], sizes = [128, 128], strides = [1, 1]} : vector<2048x128xi1> to vector<128x128xi1>
    %add3A_501 = vector.broadcast %mul3A_95 : vector<1x128xf32> to vector<128x128xf32>
    %add3A_502 = arith.addf %add3A_501, %add3A_482 : vector<128x128xf32>
    %jit3A_503 = arith.constant 0.000000e+00 : f32
    %broadcast_in_dim3A_504 = vector.broadcast %jit3A_503 : f32 to vector<128x128xf32>
    %select_n3A_505 = arith.select %slice3A_500, %add3A_502, %broadcast_in_dim3A_504 : vector<128x128xi1>, vector<128x128xf32>
    %reduce_sum3A_506 = arith.constant dense<0.000000e+00> : vector<128xf32>
    %reduce_sum3A_507 = vector.multi_reduction <add>, %select_n3A_505, %reduce_sum3A_506 [1] : vector<128x128xf32> to vector<128xf32>
    %broadcast_in_dim3A_508 = vector.shape_cast %reduce_sum3A_507 : vector<128xf32> to vector<128x1xf32>
    %broadcast_in_dim3A_509 = vector.shape_cast %broadcast_in_dim3A_499 : vector<128x1xf32> to vector<128x1xf32>
    %broadcast_in_dim3A_510 = vector.broadcast %broadcast_in_dim3A_509 : vector<128x1xf32> to vector<128x128xf32>
    %jit3A_511 = arith.constant 0.000000e+00 : f32
    %broadcast_in_dim3A_512 = vector.broadcast %jit3A_511 : f32 to vector<128x128xf32>
    %select_n3A_513 = arith.select %eq3A_90, %broadcast_in_dim3A_510, %broadcast_in_dim3A_512 : vector<128x128xi1>, vector<128x128xf32>
    %reduce_sum3A_514 = arith.constant dense<0.000000e+00> : vector<128xf32>
    %reduce_sum3A_515 = vector.multi_reduction <add>, %select_n3A_513, %reduce_sum3A_514 [0] : vector<128x128xf32> to vector<128xf32>
    %broadcast_in_dim3A_516 = vector.shape_cast %reduce_sum3A_515 : vector<128xf32> to vector<1x128xf32>
    %convert_element_type3A_517 = arith.fptosi %broadcast_in_dim3A_516 : vector<1x128xf32> to vector<1x128xi32>
    %swap3A_518 = arith.constant 6 : index
    %swap3A_519 = arith.constant 0 : index
    %swap3A_520 = vector.load %arg3[%swap3A_518, %swap3A_519] : memref<16x128xi32, #tpu.memory_space<vmem>>, vector<1x128xi32>
    tpu.vector_store %arg3[%swap3A_518, %swap3A_519], %convert_element_type3A_517 {strides = array<i32>} : memref<16x128xi32, #tpu.memory_space<vmem>>, vector<1x128xi32>,
    %broadcast_in_dim3A_521 = vector.shape_cast %broadcast_in_dim3A_508 : vector<128x1xf32> to vector<128x1xf32>
    %broadcast_in_dim3A_522 = vector.broadcast %broadcast_in_dim3A_521 : vector<128x1xf32> to vector<128x128xf32>
    %jit3A_523 = arith.constant 0.000000e+00 : f32
    %broadcast_in_dim3A_524 = vector.broadcast %jit3A_523 : f32 to vector<128x128xf32>
    %select_n3A_525 = arith.select %eq3A_90, %broadcast_in_dim3A_522, %broadcast_in_dim3A_524 : vector<128x128xi1>, vector<128x128xf32>
    %reduce_sum3A_526 = arith.constant dense<0.000000e+00> : vector<128xf32>
    %reduce_sum3A_527 = vector.multi_reduction <add>, %select_n3A_525, %reduce_sum3A_526 [0] : vector<128x128xf32> to vector<128xf32>
    %broadcast_in_dim3A_528 = vector.shape_cast %reduce_sum3A_527 : vector<128xf32> to vector<1x128xf32>
    %convert_element_type3A_529 = arith.fptosi %broadcast_in_dim3A_528 : vector<1x128xf32> to vector<1x128xi32>
    %swap3A_530 = arith.constant 6 : index
    %swap3A_531 = arith.constant 0 : index
    %swap3A_532 = vector.load %arg4[%swap3A_530, %swap3A_531] : memref<16x128xi32, #tpu.memory_space<vmem>>, vector<1x128xi32>
    tpu.vector_store %arg4[%swap3A_530, %swap3A_531], %convert_element_type3A_529 {strides = array<i32>} : memref<16x128xi32, #tpu.memory_space<vmem>>, vector<1x128xi32>,
    %slice3A_533 = vector.extract_strided_slice %convert_element_type3A_68 {offsets = [896, 0], sizes = [128, 128], strides = [1, 1]} : vector<2048x128xf32> to vector<128x128xf32>
    %slice3A_534 = vector.extract_strided_slice %convert_element_type3A_70 {offsets = [896, 0], sizes = [128, 128], strides = [1, 1]} : vector<2048x128xf32> to vector<128x128xf32>
    %dot_general3A_535 = arith.constant dense<0.000000e+00> : vector<128x128xf32>
    %dot_general3A_536 = tpu.matmul %convert_element_type3A_86, %slice3A_533, %dot_general3A_535 {dimension_numbers = #tpu.dot_dimension_numbers<[1], [0], [0], [1], [0, 0, 1, 1], [], []>, transpose_lhs_hint = false} : vector<128x128xf32>, vector<128x128xf32>, vector<128x128xf32> -> vector<128x128xf32>
    %add3A_537 = vector.broadcast %add3A_486 : vector<1x128xf32> to vector<128x128xf32>
    %add3A_538 = arith.addf %dot_general3A_536, %add3A_537 : vector<128x128xf32>
    %dot_general3A_539 = arith.constant dense<0.000000e+00> : vector<128x128xf32>
    %dot_general3A_540 = tpu.matmul %convert_element_type3A_86, %slice3A_534, %dot_general3A_539 {dimension_numbers = #tpu.dot_dimension_numbers<[1], [0], [0], [1], [0, 0, 1, 1], [], []>, transpose_lhs_hint = false} : vector<128x128xf32>, vector<128x128xf32>, vector<128x128xf32> -> vector<128x128xf32>
    %add3A_541 = vector.broadcast %add3A_490 : vector<1x128xf32> to vector<128x128xf32>
    %add3A_542 = arith.addf %dot_general3A_540, %add3A_541 : vector<128x128xf32>
    %add3A_543 = vector.broadcast %broadcast_in_dim3A_73 : vector<1x128xf32> to vector<128x128xf32>
    %add3A_544 = arith.addf %add3A_542, %add3A_543 : vector<128x128xf32>
    %reduce_sum3A_545 = arith.constant dense<0.000000e+00> : vector<128xf32>
    %reduce_sum3A_546 = vector.multi_reduction <add>, %slice3A_533, %reduce_sum3A_545 [0] : vector<128x128xf32> to vector<128xf32>
    %broadcast_in_dim3A_547 = vector.shape_cast %reduce_sum3A_546 : vector<128xf32> to vector<1x128xf32>
    %add3A_548 = arith.addf %add3A_486, %broadcast_in_dim3A_547 : vector<1x128xf32>
    %reduce_sum3A_549 = arith.constant dense<0.000000e+00> : vector<128xf32>
    %reduce_sum3A_550 = vector.multi_reduction <add>, %slice3A_534, %reduce_sum3A_549 [0] : vector<128x128xf32> to vector<128xf32>
    %broadcast_in_dim3A_551 = vector.shape_cast %reduce_sum3A_550 : vector<128xf32> to vector<1x128xf32>
    %add3A_552 = arith.addf %add3A_490, %broadcast_in_dim3A_551 : vector<1x128xf32>
    %slice3A_553 = vector.extract_strided_slice %eq3A_26 {offsets = [896, 0], sizes = [128, 128], strides = [1, 1]} : vector<2048x128xi1> to vector<128x128xi1>
    %add3A_554 = vector.broadcast %mul3A_95 : vector<1x128xf32> to vector<128x128xf32>
    %add3A_555 = arith.addf %add3A_554, %add3A_538 : vector<128x128xf32>
    %jit3A_556 = arith.constant 0.000000e+00 : f32
    %broadcast_in_dim3A_557 = vector.broadcast %jit3A_556 : f32 to vector<128x128xf32>
    %select_n3A_558 = arith.select %slice3A_553, %add3A_555, %broadcast_in_dim3A_557 : vector<128x128xi1>, vector<128x128xf32>
    %reduce_sum3A_559 = arith.constant dense<0.000000e+00> : vector<128xf32>
    %reduce_sum3A_560 = vector.multi_reduction <add>, %select_n3A_558, %reduce_sum3A_559 [1] : vector<128x128xf32> to vector<128xf32>
    %broadcast_in_dim3A_561 = vector.shape_cast %reduce_sum3A_560 : vector<128xf32> to vector<128x1xf32>
    %slice3A_562 = vector.extract_strided_slice %eq3A_47 {offsets = [896, 0], sizes = [128, 128], strides = [1, 1]} : vector<2048x128xi1> to vector<128x128xi1>
    %add3A_563 = vector.broadcast %mul3A_95 : vector<1x128xf32> to vector<128x128xf32>
    %add3A_564 = arith.addf %add3A_563, %add3A_544 : vector<128x128xf32>
    %jit3A_565 = arith.constant 0.000000e+00 : f32
    %broadcast_in_dim3A_566 = vector.broadcast %jit3A_565 : f32 to vector<128x128xf32>
    %select_n3A_567 = arith.select %slice3A_562, %add3A_564, %broadcast_in_dim3A_566 : vector<128x128xi1>, vector<128x128xf32>
    %reduce_sum3A_568 = arith.constant dense<0.000000e+00> : vector<128xf32>
    %reduce_sum3A_569 = vector.multi_reduction <add>, %select_n3A_567, %reduce_sum3A_568 [1] : vector<128x128xf32> to vector<128xf32>
    %broadcast_in_dim3A_570 = vector.shape_cast %reduce_sum3A_569 : vector<128xf32> to vector<128x1xf32>
    %broadcast_in_dim3A_571 = vector.shape_cast %broadcast_in_dim3A_561 : vector<128x1xf32> to vector<128x1xf32>
    %broadcast_in_dim3A_572 = vector.broadcast %broadcast_in_dim3A_571 : vector<128x1xf32> to vector<128x128xf32>
    %jit3A_573 = arith.constant 0.000000e+00 : f32
    %broadcast_in_dim3A_574 = vector.broadcast %jit3A_573 : f32 to vector<128x128xf32>
    %select_n3A_575 = arith.select %eq3A_90, %broadcast_in_dim3A_572, %broadcast_in_dim3A_574 : vector<128x128xi1>, vector<128x128xf32>
    %reduce_sum3A_576 = arith.constant dense<0.000000e+00> : vector<128xf32>
    %reduce_sum3A_577 = vector.multi_reduction <add>, %select_n3A_575, %reduce_sum3A_576 [0] : vector<128x128xf32> to vector<128xf32>
    %broadcast_in_dim3A_578 = vector.shape_cast %reduce_sum3A_577 : vector<128xf32> to vector<1x128xf32>
    %convert_element_type3A_579 = arith.fptosi %broadcast_in_dim3A_578 : vector<1x128xf32> to vector<1x128xi32>
    %swap3A_580 = arith.constant 7 : index
    %swap3A_581 = arith.constant 0 : index
    %swap3A_582 = vector.load %arg3[%swap3A_580, %swap3A_581] : memref<16x128xi32, #tpu.memory_space<vmem>>, vector<1x128xi32>
    tpu.vector_store %arg3[%swap3A_580, %swap3A_581], %convert_element_type3A_579 {strides = array<i32>} : memref<16x128xi32, #tpu.memory_space<vmem>>, vector<1x128xi32>,
    %broadcast_in_dim3A_583 = vector.shape_cast %broadcast_in_dim3A_570 : vector<128x1xf32> to vector<128x1xf32>
    %broadcast_in_dim3A_584 = vector.broadcast %broadcast_in_dim3A_583 : vector<128x1xf32> to vector<128x128xf32>
    %jit3A_585 = arith.constant 0.000000e+00 : f32
    %broadcast_in_dim3A_586 = vector.broadcast %jit3A_585 : f32 to vector<128x128xf32>
    %select_n3A_587 = arith.select %eq3A_90, %broadcast_in_dim3A_584, %broadcast_in_dim3A_586 : vector<128x128xi1>, vector<128x128xf32>
    %reduce_sum3A_588 = arith.constant dense<0.000000e+00> : vector<128xf32>
    %reduce_sum3A_589 = vector.multi_reduction <add>, %select_n3A_587, %reduce_sum3A_588 [0] : vector<128x128xf32> to vector<128xf32>
    %broadcast_in_dim3A_590 = vector.shape_cast %reduce_sum3A_589 : vector<128xf32> to vector<1x128xf32>
    %convert_element_type3A_591 = arith.fptosi %broadcast_in_dim3A_590 : vector<1x128xf32> to vector<1x128xi32>
    %swap3A_592 = arith.constant 7 : index
    %swap3A_593 = arith.constant 0 : index
    %swap3A_594 = vector.load %arg4[%swap3A_592, %swap3A_593] : memref<16x128xi32, #tpu.memory_space<vmem>>, vector<1x128xi32>
    tpu.vector_store %arg4[%swap3A_592, %swap3A_593], %convert_element_type3A_591 {strides = array<i32>} : memref<16x128xi32, #tpu.memory_space<vmem>>, vector<1x128xi32>,
    %slice3A_595 = vector.extract_strided_slice %convert_element_type3A_68 {offsets = [1024, 0], sizes = [128, 128], strides = [1, 1]} : vector<2048x128xf32> to vector<128x128xf32>
    %slice3A_596 = vector.extract_strided_slice %convert_element_type3A_70 {offsets = [1024, 0], sizes = [128, 128], strides = [1, 1]} : vector<2048x128xf32> to vector<128x128xf32>
    %dot_general3A_597 = arith.constant dense<0.000000e+00> : vector<128x128xf32>
    %dot_general3A_598 = tpu.matmul %convert_element_type3A_86, %slice3A_595, %dot_general3A_597 {dimension_numbers = #tpu.dot_dimension_numbers<[1], [0], [0], [1], [0, 0, 1, 1], [], []>, transpose_lhs_hint = false} : vector<128x128xf32>, vector<128x128xf32>, vector<128x128xf32> -> vector<128x128xf32>
    %add3A_599 = vector.broadcast %add3A_548 : vector<1x128xf32> to vector<128x128xf32>
    %add3A_600 = arith.addf %dot_general3A_598, %add3A_599 : vector<128x128xf32>
    %dot_general3A_601 = arith.constant dense<0.000000e+00> : vector<128x128xf32>
    %dot_general3A_602 = tpu.matmul %convert_element_type3A_86, %slice3A_596, %dot_general3A_601 {dimension_numbers = #tpu.dot_dimension_numbers<[1], [0], [0], [1], [0, 0, 1, 1], [], []>, transpose_lhs_hint = false} : vector<128x128xf32>, vector<128x128xf32>, vector<128x128xf32> -> vector<128x128xf32>
    %add3A_603 = vector.broadcast %add3A_552 : vector<1x128xf32> to vector<128x128xf32>
    %add3A_604 = arith.addf %dot_general3A_602, %add3A_603 : vector<128x128xf32>
    %add3A_605 = vector.broadcast %broadcast_in_dim3A_73 : vector<1x128xf32> to vector<128x128xf32>
    %add3A_606 = arith.addf %add3A_604, %add3A_605 : vector<128x128xf32>
    %reduce_sum3A_607 = arith.constant dense<0.000000e+00> : vector<128xf32>
    %reduce_sum3A_608 = vector.multi_reduction <add>, %slice3A_595, %reduce_sum3A_607 [0] : vector<128x128xf32> to vector<128xf32>
    %broadcast_in_dim3A_609 = vector.shape_cast %reduce_sum3A_608 : vector<128xf32> to vector<1x128xf32>
    %add3A_610 = arith.addf %add3A_548, %broadcast_in_dim3A_609 : vector<1x128xf32>
    %reduce_sum3A_611 = arith.constant dense<0.000000e+00> : vector<128xf32>
    %reduce_sum3A_612 = vector.multi_reduction <add>, %slice3A_596, %reduce_sum3A_611 [0] : vector<128x128xf32> to vector<128xf32>
    %broadcast_in_dim3A_613 = vector.shape_cast %reduce_sum3A_612 : vector<128xf32> to vector<1x128xf32>
    %add3A_614 = arith.addf %add3A_552, %broadcast_in_dim3A_613 : vector<1x128xf32>
    %slice3A_615 = vector.extract_strided_slice %eq3A_26 {offsets = [1024, 0], sizes = [128, 128], strides = [1, 1]} : vector<2048x128xi1> to vector<128x128xi1>
    %add3A_616 = vector.broadcast %mul3A_95 : vector<1x128xf32> to vector<128x128xf32>
    %add3A_617 = arith.addf %add3A_616, %add3A_600 : vector<128x128xf32>
    %jit3A_618 = arith.constant 0.000000e+00 : f32
    %broadcast_in_dim3A_619 = vector.broadcast %jit3A_618 : f32 to vector<128x128xf32>
    %select_n3A_620 = arith.select %slice3A_615, %add3A_617, %broadcast_in_dim3A_619 : vector<128x128xi1>, vector<128x128xf32>
    %reduce_sum3A_621 = arith.constant dense<0.000000e+00> : vector<128xf32>
    %reduce_sum3A_622 = vector.multi_reduction <add>, %select_n3A_620, %reduce_sum3A_621 [1] : vector<128x128xf32> to vector<128xf32>
    %broadcast_in_dim3A_623 = vector.shape_cast %reduce_sum3A_622 : vector<128xf32> to vector<128x1xf32>
    %slice3A_624 = vector.extract_strided_slice %eq3A_47 {offsets = [1024, 0], sizes = [128, 128], strides = [1, 1]} : vector<2048x128xi1> to vector<128x128xi1>
    %add3A_625 = vector.broadcast %mul3A_95 : vector<1x128xf32> to vector<128x128xf32>
    %add3A_626 = arith.addf %add3A_625, %add3A_606 : vector<128x128xf32>
    %jit3A_627 = arith.constant 0.000000e+00 : f32
    %broadcast_in_dim3A_628 = vector.broadcast %jit3A_627 : f32 to vector<128x128xf32>
    %select_n3A_629 = arith.select %slice3A_624, %add3A_626, %broadcast_in_dim3A_628 : vector<128x128xi1>, vector<128x128xf32>
    %reduce_sum3A_630 = arith.constant dense<0.000000e+00> : vector<128xf32>
    %reduce_sum3A_631 = vector.multi_reduction <add>, %select_n3A_629, %reduce_sum3A_630 [1] : vector<128x128xf32> to vector<128xf32>
    %broadcast_in_dim3A_632 = vector.shape_cast %reduce_sum3A_631 : vector<128xf32> to vector<128x1xf32>
    %broadcast_in_dim3A_633 = vector.shape_cast %broadcast_in_dim3A_623 : vector<128x1xf32> to vector<128x1xf32>
    %broadcast_in_dim3A_634 = vector.broadcast %broadcast_in_dim3A_633 : vector<128x1xf32> to vector<128x128xf32>
    %jit3A_635 = arith.constant 0.000000e+00 : f32
    %broadcast_in_dim3A_636 = vector.broadcast %jit3A_635 : f32 to vector<128x128xf32>
    %select_n3A_637 = arith.select %eq3A_90, %broadcast_in_dim3A_634, %broadcast_in_dim3A_636 : vector<128x128xi1>, vector<128x128xf32>
    %reduce_sum3A_638 = arith.constant dense<0.000000e+00> : vector<128xf32>
    %reduce_sum3A_639 = vector.multi_reduction <add>, %select_n3A_637, %reduce_sum3A_638 [0] : vector<128x128xf32> to vector<128xf32>
    %broadcast_in_dim3A_640 = vector.shape_cast %reduce_sum3A_639 : vector<128xf32> to vector<1x128xf32>
    %convert_element_type3A_641 = arith.fptosi %broadcast_in_dim3A_640 : vector<1x128xf32> to vector<1x128xi32>
    %swap3A_642 = arith.constant 8 : index
    %swap3A_643 = arith.constant 0 : index
    %swap3A_644 = vector.load %arg3[%swap3A_642, %swap3A_643] : memref<16x128xi32, #tpu.memory_space<vmem>>, vector<1x128xi32>
    tpu.vector_store %arg3[%swap3A_642, %swap3A_643], %convert_element_type3A_641 {strides = array<i32>} : memref<16x128xi32, #tpu.memory_space<vmem>>, vector<1x128xi32>,
    %broadcast_in_dim3A_645 = vector.shape_cast %broadcast_in_dim3A_632 : vector<128x1xf32> to vector<128x1xf32>
    %broadcast_in_dim3A_646 = vector.broadcast %broadcast_in_dim3A_645 : vector<128x1xf32> to vector<128x128xf32>
    %jit3A_647 = arith.constant 0.000000e+00 : f32
    %broadcast_in_dim3A_648 = vector.broadcast %jit3A_647 : f32 to vector<128x128xf32>
    %select_n3A_649 = arith.select %eq3A_90, %broadcast_in_dim3A_646, %broadcast_in_dim3A_648 : vector<128x128xi1>, vector<128x128xf32>
    %reduce_sum3A_650 = arith.constant dense<0.000000e+00> : vector<128xf32>
    %reduce_sum3A_651 = vector.multi_reduction <add>, %select_n3A_649, %reduce_sum3A_650 [0] : vector<128x128xf32> to vector<128xf32>
    %broadcast_in_dim3A_652 = vector.shape_cast %reduce_sum3A_651 : vector<128xf32> to vector<1x128xf32>
    %convert_element_type3A_653 = arith.fptosi %broadcast_in_dim3A_652 : vector<1x128xf32> to vector<1x128xi32>
    %swap3A_654 = arith.constant 8 : index
    %swap3A_655 = arith.constant 0 : index
    %swap3A_656 = vector.load %arg4[%swap3A_654, %swap3A_655] : memref<16x128xi32, #tpu.memory_space<vmem>>, vector<1x128xi32>
    tpu.vector_store %arg4[%swap3A_654, %swap3A_655], %convert_element_type3A_653 {strides = array<i32>} : memref<16x128xi32, #tpu.memory_space<vmem>>, vector<1x128xi32>,
    %slice3A_657 = vector.extract_strided_slice %convert_element_type3A_68 {offsets = [1152, 0], sizes = [128, 128], strides = [1, 1]} : vector<2048x128xf32> to vector<128x128xf32>
    %slice3A_658 = vector.extract_strided_slice %convert_element_type3A_70 {offsets = [1152, 0], sizes = [128, 128], strides = [1, 1]} : vector<2048x128xf32> to vector<128x128xf32>
    %dot_general3A_659 = arith.constant dense<0.000000e+00> : vector<128x128xf32>
    %dot_general3A_660 = tpu.matmul %convert_element_type3A_86, %slice3A_657, %dot_general3A_659 {dimension_numbers = #tpu.dot_dimension_numbers<[1], [0], [0], [1], [0, 0, 1, 1], [], []>, transpose_lhs_hint = false} : vector<128x128xf32>, vector<128x128xf32>, vector<128x128xf32> -> vector<128x128xf32>
    %add3A_661 = vector.broadcast %add3A_610 : vector<1x128xf32> to vector<128x128xf32>
    %add3A_662 = arith.addf %dot_general3A_660, %add3A_661 : vector<128x128xf32>
    %dot_general3A_663 = arith.constant dense<0.000000e+00> : vector<128x128xf32>
    %dot_general3A_664 = tpu.matmul %convert_element_type3A_86, %slice3A_658, %dot_general3A_663 {dimension_numbers = #tpu.dot_dimension_numbers<[1], [0], [0], [1], [0, 0, 1, 1], [], []>, transpose_lhs_hint = false} : vector<128x128xf32>, vector<128x128xf32>, vector<128x128xf32> -> vector<128x128xf32>
    %add3A_665 = vector.broadcast %add3A_614 : vector<1x128xf32> to vector<128x128xf32>
    %add3A_666 = arith.addf %dot_general3A_664, %add3A_665 : vector<128x128xf32>
    %add3A_667 = vector.broadcast %broadcast_in_dim3A_73 : vector<1x128xf32> to vector<128x128xf32>
    %add3A_668 = arith.addf %add3A_666, %add3A_667 : vector<128x128xf32>
    %reduce_sum3A_669 = arith.constant dense<0.000000e+00> : vector<128xf32>
    %reduce_sum3A_670 = vector.multi_reduction <add>, %slice3A_657, %reduce_sum3A_669 [0] : vector<128x128xf32> to vector<128xf32>
    %broadcast_in_dim3A_671 = vector.shape_cast %reduce_sum3A_670 : vector<128xf32> to vector<1x128xf32>
    %add3A_672 = arith.addf %add3A_610, %broadcast_in_dim3A_671 : vector<1x128xf32>
    %reduce_sum3A_673 = arith.constant dense<0.000000e+00> : vector<128xf32>
    %reduce_sum3A_674 = vector.multi_reduction <add>, %slice3A_658, %reduce_sum3A_673 [0] : vector<128x128xf32> to vector<128xf32>
    %broadcast_in_dim3A_675 = vector.shape_cast %reduce_sum3A_674 : vector<128xf32> to vector<1x128xf32>
    %add3A_676 = arith.addf %add3A_614, %broadcast_in_dim3A_675 : vector<1x128xf32>
    %slice3A_677 = vector.extract_strided_slice %eq3A_26 {offsets = [1152, 0], sizes = [128, 128], strides = [1, 1]} : vector<2048x128xi1> to vector<128x128xi1>
    %add3A_678 = vector.broadcast %mul3A_95 : vector<1x128xf32> to vector<128x128xf32>
    %add3A_679 = arith.addf %add3A_678, %add3A_662 : vector<128x128xf32>
    %jit3A_680 = arith.constant 0.000000e+00 : f32
    %broadcast_in_dim3A_681 = vector.broadcast %jit3A_680 : f32 to vector<128x128xf32>
    %select_n3A_682 = arith.select %slice3A_677, %add3A_679, %broadcast_in_dim3A_681 : vector<128x128xi1>, vector<128x128xf32>
    %reduce_sum3A_683 = arith.constant dense<0.000000e+00> : vector<128xf32>
    %reduce_sum3A_684 = vector.multi_reduction <add>, %select_n3A_682, %reduce_sum3A_683 [1] : vector<128x128xf32> to vector<128xf32>
    %broadcast_in_dim3A_685 = vector.shape_cast %reduce_sum3A_684 : vector<128xf32> to vector<128x1xf32>
    %slice3A_686 = vector.extract_strided_slice %eq3A_47 {offsets = [1152, 0], sizes = [128, 128], strides = [1, 1]} : vector<2048x128xi1> to vector<128x128xi1>
    %add3A_687 = vector.broadcast %mul3A_95 : vector<1x128xf32> to vector<128x128xf32>
    %add3A_688 = arith.addf %add3A_687, %add3A_668 : vector<128x128xf32>
    %jit3A_689 = arith.constant 0.000000e+00 : f32
    %broadcast_in_dim3A_690 = vector.broadcast %jit3A_689 : f32 to vector<128x128xf32>
    %select_n3A_691 = arith.select %slice3A_686, %add3A_688, %broadcast_in_dim3A_690 : vector<128x128xi1>, vector<128x128xf32>
    %reduce_sum3A_692 = arith.constant dense<0.000000e+00> : vector<128xf32>
    %reduce_sum3A_693 = vector.multi_reduction <add>, %select_n3A_691, %reduce_sum3A_692 [1] : vector<128x128xf32> to vector<128xf32>
    %broadcast_in_dim3A_694 = vector.shape_cast %reduce_sum3A_693 : vector<128xf32> to vector<128x1xf32>
    %broadcast_in_dim3A_695 = vector.shape_cast %broadcast_in_dim3A_685 : vector<128x1xf32> to vector<128x1xf32>
    %broadcast_in_dim3A_696 = vector.broadcast %broadcast_in_dim3A_695 : vector<128x1xf32> to vector<128x128xf32>
    %jit3A_697 = arith.constant 0.000000e+00 : f32
    %broadcast_in_dim3A_698 = vector.broadcast %jit3A_697 : f32 to vector<128x128xf32>
    %select_n3A_699 = arith.select %eq3A_90, %broadcast_in_dim3A_696, %broadcast_in_dim3A_698 : vector<128x128xi1>, vector<128x128xf32>
    %reduce_sum3A_700 = arith.constant dense<0.000000e+00> : vector<128xf32>
    %reduce_sum3A_701 = vector.multi_reduction <add>, %select_n3A_699, %reduce_sum3A_700 [0] : vector<128x128xf32> to vector<128xf32>
    %broadcast_in_dim3A_702 = vector.shape_cast %reduce_sum3A_701 : vector<128xf32> to vector<1x128xf32>
    %convert_element_type3A_703 = arith.fptosi %broadcast_in_dim3A_702 : vector<1x128xf32> to vector<1x128xi32>
    %swap3A_704 = arith.constant 9 : index
    %swap3A_705 = arith.constant 0 : index
    %swap3A_706 = vector.load %arg3[%swap3A_704, %swap3A_705] : memref<16x128xi32, #tpu.memory_space<vmem>>, vector<1x128xi32>
    tpu.vector_store %arg3[%swap3A_704, %swap3A_705], %convert_element_type3A_703 {strides = array<i32>} : memref<16x128xi32, #tpu.memory_space<vmem>>, vector<1x128xi32>,
    %broadcast_in_dim3A_707 = vector.shape_cast %broadcast_in_dim3A_694 : vector<128x1xf32> to vector<128x1xf32>
    %broadcast_in_dim3A_708 = vector.broadcast %broadcast_in_dim3A_707 : vector<128x1xf32> to vector<128x128xf32>
    %jit3A_709 = arith.constant 0.000000e+00 : f32
    %broadcast_in_dim3A_710 = vector.broadcast %jit3A_709 : f32 to vector<128x128xf32>
    %select_n3A_711 = arith.select %eq3A_90, %broadcast_in_dim3A_708, %broadcast_in_dim3A_710 : vector<128x128xi1>, vector<128x128xf32>
    %reduce_sum3A_712 = arith.constant dense<0.000000e+00> : vector<128xf32>
    %reduce_sum3A_713 = vector.multi_reduction <add>, %select_n3A_711, %reduce_sum3A_712 [0] : vector<128x128xf32> to vector<128xf32>
    %broadcast_in_dim3A_714 = vector.shape_cast %reduce_sum3A_713 : vector<128xf32> to vector<1x128xf32>
    %convert_element_type3A_715 = arith.fptosi %broadcast_in_dim3A_714 : vector<1x128xf32> to vector<1x128xi32>
    %swap3A_716 = arith.constant 9 : index
    %swap3A_717 = arith.constant 0 : index
    %swap3A_718 = vector.load %arg4[%swap3A_716, %swap3A_717] : memref<16x128xi32, #tpu.memory_space<vmem>>, vector<1x128xi32>
    tpu.vector_store %arg4[%swap3A_716, %swap3A_717], %convert_element_type3A_715 {strides = array<i32>} : memref<16x128xi32, #tpu.memory_space<vmem>>, vector<1x128xi32>,
    %slice3A_719 = vector.extract_strided_slice %convert_element_type3A_68 {offsets = [1280, 0], sizes = [128, 128], strides = [1, 1]} : vector<2048x128xf32> to vector<128x128xf32>
    %slice3A_720 = vector.extract_strided_slice %convert_element_type3A_70 {offsets = [1280, 0], sizes = [128, 128], strides = [1, 1]} : vector<2048x128xf32> to vector<128x128xf32>
    %dot_general3A_721 = arith.constant dense<0.000000e+00> : vector<128x128xf32>
    %dot_general3A_722 = tpu.matmul %convert_element_type3A_86, %slice3A_719, %dot_general3A_721 {dimension_numbers = #tpu.dot_dimension_numbers<[1], [0], [0], [1], [0, 0, 1, 1], [], []>, transpose_lhs_hint = false} : vector<128x128xf32>, vector<128x128xf32>, vector<128x128xf32> -> vector<128x128xf32>
    %add3A_723 = vector.broadcast %add3A_672 : vector<1x128xf32> to vector<128x128xf32>
    %add3A_724 = arith.addf %dot_general3A_722, %add3A_723 : vector<128x128xf32>
    %dot_general3A_725 = arith.constant dense<0.000000e+00> : vector<128x128xf32>
    %dot_general3A_726 = tpu.matmul %convert_element_type3A_86, %slice3A_720, %dot_general3A_725 {dimension_numbers = #tpu.dot_dimension_numbers<[1], [0], [0], [1], [0, 0, 1, 1], [], []>, transpose_lhs_hint = false} : vector<128x128xf32>, vector<128x128xf32>, vector<128x128xf32> -> vector<128x128xf32>
    %add3A_727 = vector.broadcast %add3A_676 : vector<1x128xf32> to vector<128x128xf32>
    %add3A_728 = arith.addf %dot_general3A_726, %add3A_727 : vector<128x128xf32>
    %add3A_729 = vector.broadcast %broadcast_in_dim3A_73 : vector<1x128xf32> to vector<128x128xf32>
    %add3A_730 = arith.addf %add3A_728, %add3A_729 : vector<128x128xf32>
    %reduce_sum3A_731 = arith.constant dense<0.000000e+00> : vector<128xf32>
    %reduce_sum3A_732 = vector.multi_reduction <add>, %slice3A_719, %reduce_sum3A_731 [0] : vector<128x128xf32> to vector<128xf32>
    %broadcast_in_dim3A_733 = vector.shape_cast %reduce_sum3A_732 : vector<128xf32> to vector<1x128xf32>
    %add3A_734 = arith.addf %add3A_672, %broadcast_in_dim3A_733 : vector<1x128xf32>
    %reduce_sum3A_735 = arith.constant dense<0.000000e+00> : vector<128xf32>
    %reduce_sum3A_736 = vector.multi_reduction <add>, %slice3A_720, %reduce_sum3A_735 [0] : vector<128x128xf32> to vector<128xf32>
    %broadcast_in_dim3A_737 = vector.shape_cast %reduce_sum3A_736 : vector<128xf32> to vector<1x128xf32>
    %add3A_738 = arith.addf %add3A_676, %broadcast_in_dim3A_737 : vector<1x128xf32>
    %slice3A_739 = vector.extract_strided_slice %eq3A_26 {offsets = [1280, 0], sizes = [128, 128], strides = [1, 1]} : vector<2048x128xi1> to vector<128x128xi1>
    %add3A_740 = vector.broadcast %mul3A_95 : vector<1x128xf32> to vector<128x128xf32>
    %add3A_741 = arith.addf %add3A_740, %add3A_724 : vector<128x128xf32>
    %jit3A_742 = arith.constant 0.000000e+00 : f32
    %broadcast_in_dim3A_743 = vector.broadcast %jit3A_742 : f32 to vector<128x128xf32>
    %select_n3A_744 = arith.select %slice3A_739, %add3A_741, %broadcast_in_dim3A_743 : vector<128x128xi1>, vector<128x128xf32>
    %reduce_sum3A_745 = arith.constant dense<0.000000e+00> : vector<128xf32>
    %reduce_sum3A_746 = vector.multi_reduction <add>, %select_n3A_744, %reduce_sum3A_745 [1] : vector<128x128xf32> to vector<128xf32>
    %broadcast_in_dim3A_747 = vector.shape_cast %reduce_sum3A_746 : vector<128xf32> to vector<128x1xf32>
    %slice3A_748 = vector.extract_strided_slice %eq3A_47 {offsets = [1280, 0], sizes = [128, 128], strides = [1, 1]} : vector<2048x128xi1> to vector<128x128xi1>
    %add3A_749 = vector.broadcast %mul3A_95 : vector<1x128xf32> to vector<128x128xf32>
    %add3A_750 = arith.addf %add3A_749, %add3A_730 : vector<128x128xf32>
    %jit3A_751 = arith.constant 0.000000e+00 : f32
    %broadcast_in_dim3A_752 = vector.broadcast %jit3A_751 : f32 to vector<128x128xf32>
    %select_n3A_753 = arith.select %slice3A_748, %add3A_750, %broadcast_in_dim3A_752 : vector<128x128xi1>, vector<128x128xf32>
    %reduce_sum3A_754 = arith.constant dense<0.000000e+00> : vector<128xf32>
    %reduce_sum3A_755 = vector.multi_reduction <add>, %select_n3A_753, %reduce_sum3A_754 [1] : vector<128x128xf32> to vector<128xf32>
    %broadcast_in_dim3A_756 = vector.shape_cast %reduce_sum3A_755 : vector<128xf32> to vector<128x1xf32>
    %broadcast_in_dim3A_757 = vector.shape_cast %broadcast_in_dim3A_747 : vector<128x1xf32> to vector<128x1xf32>
    %broadcast_in_dim3A_758 = vector.broadcast %broadcast_in_dim3A_757 : vector<128x1xf32> to vector<128x128xf32>
    %jit3A_759 = arith.constant 0.000000e+00 : f32
    %broadcast_in_dim3A_760 = vector.broadcast %jit3A_759 : f32 to vector<128x128xf32>
    %select_n3A_761 = arith.select %eq3A_90, %broadcast_in_dim3A_758, %broadcast_in_dim3A_760 : vector<128x128xi1>, vector<128x128xf32>
    %reduce_sum3A_762 = arith.constant dense<0.000000e+00> : vector<128xf32>
    %reduce_sum3A_763 = vector.multi_reduction <add>, %select_n3A_761, %reduce_sum3A_762 [0] : vector<128x128xf32> to vector<128xf32>
    %broadcast_in_dim3A_764 = vector.shape_cast %reduce_sum3A_763 : vector<128xf32> to vector<1x128xf32>
    %convert_element_type3A_765 = arith.fptosi %broadcast_in_dim3A_764 : vector<1x128xf32> to vector<1x128xi32>
    %swap3A_766 = arith.constant 10 : index
    %swap3A_767 = arith.constant 0 : index
    %swap3A_768 = vector.load %arg3[%swap3A_766, %swap3A_767] : memref<16x128xi32, #tpu.memory_space<vmem>>, vector<1x128xi32>
    tpu.vector_store %arg3[%swap3A_766, %swap3A_767], %convert_element_type3A_765 {strides = array<i32>} : memref<16x128xi32, #tpu.memory_space<vmem>>, vector<1x128xi32>,
    %broadcast_in_dim3A_769 = vector.shape_cast %broadcast_in_dim3A_756 : vector<128x1xf32> to vector<128x1xf32>
    %broadcast_in_dim3A_770 = vector.broadcast %broadcast_in_dim3A_769 : vector<128x1xf32> to vector<128x128xf32>
    %jit3A_771 = arith.constant 0.000000e+00 : f32
    %broadcast_in_dim3A_772 = vector.broadcast %jit3A_771 : f32 to vector<128x128xf32>
    %select_n3A_773 = arith.select %eq3A_90, %broadcast_in_dim3A_770, %broadcast_in_dim3A_772 : vector<128x128xi1>, vector<128x128xf32>
    %reduce_sum3A_774 = arith.constant dense<0.000000e+00> : vector<128xf32>
    %reduce_sum3A_775 = vector.multi_reduction <add>, %select_n3A_773, %reduce_sum3A_774 [0] : vector<128x128xf32> to vector<128xf32>
    %broadcast_in_dim3A_776 = vector.shape_cast %reduce_sum3A_775 : vector<128xf32> to vector<1x128xf32>
    %convert_element_type3A_777 = arith.fptosi %broadcast_in_dim3A_776 : vector<1x128xf32> to vector<1x128xi32>
    %swap3A_778 = arith.constant 10 : index
    %swap3A_779 = arith.constant 0 : index
    %swap3A_780 = vector.load %arg4[%swap3A_778, %swap3A_779] : memref<16x128xi32, #tpu.memory_space<vmem>>, vector<1x128xi32>
    tpu.vector_store %arg4[%swap3A_778, %swap3A_779], %convert_element_type3A_777 {strides = array<i32>} : memref<16x128xi32, #tpu.memory_space<vmem>>, vector<1x128xi32>,
    %slice3A_781 = vector.extract_strided_slice %convert_element_type3A_68 {offsets = [1408, 0], sizes = [128, 128], strides = [1, 1]} : vector<2048x128xf32> to vector<128x128xf32>
    %slice3A_782 = vector.extract_strided_slice %convert_element_type3A_70 {offsets = [1408, 0], sizes = [128, 128], strides = [1, 1]} : vector<2048x128xf32> to vector<128x128xf32>
    %dot_general3A_783 = arith.constant dense<0.000000e+00> : vector<128x128xf32>
    %dot_general3A_784 = tpu.matmul %convert_element_type3A_86, %slice3A_781, %dot_general3A_783 {dimension_numbers = #tpu.dot_dimension_numbers<[1], [0], [0], [1], [0, 0, 1, 1], [], []>, transpose_lhs_hint = false} : vector<128x128xf32>, vector<128x128xf32>, vector<128x128xf32> -> vector<128x128xf32>
    %add3A_785 = vector.broadcast %add3A_734 : vector<1x128xf32> to vector<128x128xf32>
    %add3A_786 = arith.addf %dot_general3A_784, %add3A_785 : vector<128x128xf32>
    %dot_general3A_787 = arith.constant dense<0.000000e+00> : vector<128x128xf32>
    %dot_general3A_788 = tpu.matmul %convert_element_type3A_86, %slice3A_782, %dot_general3A_787 {dimension_numbers = #tpu.dot_dimension_numbers<[1], [0], [0], [1], [0, 0, 1, 1], [], []>, transpose_lhs_hint = false} : vector<128x128xf32>, vector<128x128xf32>, vector<128x128xf32> -> vector<128x128xf32>
    %add3A_789 = vector.broadcast %add3A_738 : vector<1x128xf32> to vector<128x128xf32>
    %add3A_790 = arith.addf %dot_general3A_788, %add3A_789 : vector<128x128xf32>
    %add3A_791 = vector.broadcast %broadcast_in_dim3A_73 : vector<1x128xf32> to vector<128x128xf32>
    %add3A_792 = arith.addf %add3A_790, %add3A_791 : vector<128x128xf32>
    %reduce_sum3A_793 = arith.constant dense<0.000000e+00> : vector<128xf32>
    %reduce_sum3A_794 = vector.multi_reduction <add>, %slice3A_781, %reduce_sum3A_793 [0] : vector<128x128xf32> to vector<128xf32>
    %broadcast_in_dim3A_795 = vector.shape_cast %reduce_sum3A_794 : vector<128xf32> to vector<1x128xf32>
    %add3A_796 = arith.addf %add3A_734, %broadcast_in_dim3A_795 : vector<1x128xf32>
    %reduce_sum3A_797 = arith.constant dense<0.000000e+00> : vector<128xf32>
    %reduce_sum3A_798 = vector.multi_reduction <add>, %slice3A_782, %reduce_sum3A_797 [0] : vector<128x128xf32> to vector<128xf32>
    %broadcast_in_dim3A_799 = vector.shape_cast %reduce_sum3A_798 : vector<128xf32> to vector<1x128xf32>
    %add3A_800 = arith.addf %add3A_738, %broadcast_in_dim3A_799 : vector<1x128xf32>
    %slice3A_801 = vector.extract_strided_slice %eq3A_26 {offsets = [1408, 0], sizes = [128, 128], strides = [1, 1]} : vector<2048x128xi1> to vector<128x128xi1>
    %add3A_802 = vector.broadcast %mul3A_95 : vector<1x128xf32> to vector<128x128xf32>
    %add3A_803 = arith.addf %add3A_802, %add3A_786 : vector<128x128xf32>
    %jit3A_804 = arith.constant 0.000000e+00 : f32
    %broadcast_in_dim3A_805 = vector.broadcast %jit3A_804 : f32 to vector<128x128xf32>
    %select_n3A_806 = arith.select %slice3A_801, %add3A_803, %broadcast_in_dim3A_805 : vector<128x128xi1>, vector<128x128xf32>
    %reduce_sum3A_807 = arith.constant dense<0.000000e+00> : vector<128xf32>
    %reduce_sum3A_808 = vector.multi_reduction <add>, %select_n3A_806, %reduce_sum3A_807 [1] : vector<128x128xf32> to vector<128xf32>
    %broadcast_in_dim3A_809 = vector.shape_cast %reduce_sum3A_808 : vector<128xf32> to vector<128x1xf32>
    %slice3A_810 = vector.extract_strided_slice %eq3A_47 {offsets = [1408, 0], sizes = [128, 128], strides = [1, 1]} : vector<2048x128xi1> to vector<128x128xi1>
    %add3A_811 = vector.broadcast %mul3A_95 : vector<1x128xf32> to vector<128x128xf32>
    %add3A_812 = arith.addf %add3A_811, %add3A_792 : vector<128x128xf32>
    %jit3A_813 = arith.constant 0.000000e+00 : f32
    %broadcast_in_dim3A_814 = vector.broadcast %jit3A_813 : f32 to vector<128x128xf32>
    %select_n3A_815 = arith.select %slice3A_810, %add3A_812, %broadcast_in_dim3A_814 : vector<128x128xi1>, vector<128x128xf32>
    %reduce_sum3A_816 = arith.constant dense<0.000000e+00> : vector<128xf32>
    %reduce_sum3A_817 = vector.multi_reduction <add>, %select_n3A_815, %reduce_sum3A_816 [1] : vector<128x128xf32> to vector<128xf32>
    %broadcast_in_dim3A_818 = vector.shape_cast %reduce_sum3A_817 : vector<128xf32> to vector<128x1xf32>
    %broadcast_in_dim3A_819 = vector.shape_cast %broadcast_in_dim3A_809 : vector<128x1xf32> to vector<128x1xf32>
    %broadcast_in_dim3A_820 = vector.broadcast %broadcast_in_dim3A_819 : vector<128x1xf32> to vector<128x128xf32>
    %jit3A_821 = arith.constant 0.000000e+00 : f32
    %broadcast_in_dim3A_822 = vector.broadcast %jit3A_821 : f32 to vector<128x128xf32>
    %select_n3A_823 = arith.select %eq3A_90, %broadcast_in_dim3A_820, %broadcast_in_dim3A_822 : vector<128x128xi1>, vector<128x128xf32>
    %reduce_sum3A_824 = arith.constant dense<0.000000e+00> : vector<128xf32>
    %reduce_sum3A_825 = vector.multi_reduction <add>, %select_n3A_823, %reduce_sum3A_824 [0] : vector<128x128xf32> to vector<128xf32>
    %broadcast_in_dim3A_826 = vector.shape_cast %reduce_sum3A_825 : vector<128xf32> to vector<1x128xf32>
    %convert_element_type3A_827 = arith.fptosi %broadcast_in_dim3A_826 : vector<1x128xf32> to vector<1x128xi32>
    %swap3A_828 = arith.constant 11 : index
    %swap3A_829 = arith.constant 0 : index
    %swap3A_830 = vector.load %arg3[%swap3A_828, %swap3A_829] : memref<16x128xi32, #tpu.memory_space<vmem>>, vector<1x128xi32>
    tpu.vector_store %arg3[%swap3A_828, %swap3A_829], %convert_element_type3A_827 {strides = array<i32>} : memref<16x128xi32, #tpu.memory_space<vmem>>, vector<1x128xi32>,
    %broadcast_in_dim3A_831 = vector.shape_cast %broadcast_in_dim3A_818 : vector<128x1xf32> to vector<128x1xf32>
    %broadcast_in_dim3A_832 = vector.broadcast %broadcast_in_dim3A_831 : vector<128x1xf32> to vector<128x128xf32>
    %jit3A_833 = arith.constant 0.000000e+00 : f32
    %broadcast_in_dim3A_834 = vector.broadcast %jit3A_833 : f32 to vector<128x128xf32>
    %select_n3A_835 = arith.select %eq3A_90, %broadcast_in_dim3A_832, %broadcast_in_dim3A_834 : vector<128x128xi1>, vector<128x128xf32>
    %reduce_sum3A_836 = arith.constant dense<0.000000e+00> : vector<128xf32>
    %reduce_sum3A_837 = vector.multi_reduction <add>, %select_n3A_835, %reduce_sum3A_836 [0] : vector<128x128xf32> to vector<128xf32>
    %broadcast_in_dim3A_838 = vector.shape_cast %reduce_sum3A_837 : vector<128xf32> to vector<1x128xf32>
    %convert_element_type3A_839 = arith.fptosi %broadcast_in_dim3A_838 : vector<1x128xf32> to vector<1x128xi32>
    %swap3A_840 = arith.constant 11 : index
    %swap3A_841 = arith.constant 0 : index
    %swap3A_842 = vector.load %arg4[%swap3A_840, %swap3A_841] : memref<16x128xi32, #tpu.memory_space<vmem>>, vector<1x128xi32>
    tpu.vector_store %arg4[%swap3A_840, %swap3A_841], %convert_element_type3A_839 {strides = array<i32>} : memref<16x128xi32, #tpu.memory_space<vmem>>, vector<1x128xi32>,
    %slice3A_843 = vector.extract_strided_slice %convert_element_type3A_68 {offsets = [1536, 0], sizes = [128, 128], strides = [1, 1]} : vector<2048x128xf32> to vector<128x128xf32>
    %slice3A_844 = vector.extract_strided_slice %convert_element_type3A_70 {offsets = [1536, 0], sizes = [128, 128], strides = [1, 1]} : vector<2048x128xf32> to vector<128x128xf32>
    %dot_general3A_845 = arith.constant dense<0.000000e+00> : vector<128x128xf32>
    %dot_general3A_846 = tpu.matmul %convert_element_type3A_86, %slice3A_843, %dot_general3A_845 {dimension_numbers = #tpu.dot_dimension_numbers<[1], [0], [0], [1], [0, 0, 1, 1], [], []>, transpose_lhs_hint = false} : vector<128x128xf32>, vector<128x128xf32>, vector<128x128xf32> -> vector<128x128xf32>
    %add3A_847 = vector.broadcast %add3A_796 : vector<1x128xf32> to vector<128x128xf32>
    %add3A_848 = arith.addf %dot_general3A_846, %add3A_847 : vector<128x128xf32>
    %dot_general3A_849 = arith.constant dense<0.000000e+00> : vector<128x128xf32>
    %dot_general3A_850 = tpu.matmul %convert_element_type3A_86, %slice3A_844, %dot_general3A_849 {dimension_numbers = #tpu.dot_dimension_numbers<[1], [0], [0], [1], [0, 0, 1, 1], [], []>, transpose_lhs_hint = false} : vector<128x128xf32>, vector<128x128xf32>, vector<128x128xf32> -> vector<128x128xf32>
    %add3A_851 = vector.broadcast %add3A_800 : vector<1x128xf32> to vector<128x128xf32>
    %add3A_852 = arith.addf %dot_general3A_850, %add3A_851 : vector<128x128xf32>
    %add3A_853 = vector.broadcast %broadcast_in_dim3A_73 : vector<1x128xf32> to vector<128x128xf32>
    %add3A_854 = arith.addf %add3A_852, %add3A_853 : vector<128x128xf32>
    %reduce_sum3A_855 = arith.constant dense<0.000000e+00> : vector<128xf32>
    %reduce_sum3A_856 = vector.multi_reduction <add>, %slice3A_843, %reduce_sum3A_855 [0] : vector<128x128xf32> to vector<128xf32>
    %broadcast_in_dim3A_857 = vector.shape_cast %reduce_sum3A_856 : vector<128xf32> to vector<1x128xf32>
    %add3A_858 = arith.addf %add3A_796, %broadcast_in_dim3A_857 : vector<1x128xf32>
    %reduce_sum3A_859 = arith.constant dense<0.000000e+00> : vector<128xf32>
    %reduce_sum3A_860 = vector.multi_reduction <add>, %slice3A_844, %reduce_sum3A_859 [0] : vector<128x128xf32> to vector<128xf32>
    %broadcast_in_dim3A_861 = vector.shape_cast %reduce_sum3A_860 : vector<128xf32> to vector<1x128xf32>
    %add3A_862 = arith.addf %add3A_800, %broadcast_in_dim3A_861 : vector<1x128xf32>
    %slice3A_863 = vector.extract_strided_slice %eq3A_26 {offsets = [1536, 0], sizes = [128, 128], strides = [1, 1]} : vector<2048x128xi1> to vector<128x128xi1>
    %add3A_864 = vector.broadcast %mul3A_95 : vector<1x128xf32> to vector<128x128xf32>
    %add3A_865 = arith.addf %add3A_864, %add3A_848 : vector<128x128xf32>
    %jit3A_866 = arith.constant 0.000000e+00 : f32
    %broadcast_in_dim3A_867 = vector.broadcast %jit3A_866 : f32 to vector<128x128xf32>
    %select_n3A_868 = arith.select %slice3A_863, %add3A_865, %broadcast_in_dim3A_867 : vector<128x128xi1>, vector<128x128xf32>
    %reduce_sum3A_869 = arith.constant dense<0.000000e+00> : vector<128xf32>
    %reduce_sum3A_870 = vector.multi_reduction <add>, %select_n3A_868, %reduce_sum3A_869 [1] : vector<128x128xf32> to vector<128xf32>
    %broadcast_in_dim3A_871 = vector.shape_cast %reduce_sum3A_870 : vector<128xf32> to vector<128x1xf32>
    %slice3A_872 = vector.extract_strided_slice %eq3A_47 {offsets = [1536, 0], sizes = [128, 128], strides = [1, 1]} : vector<2048x128xi1> to vector<128x128xi1>
    %add3A_873 = vector.broadcast %mul3A_95 : vector<1x128xf32> to vector<128x128xf32>
    %add3A_874 = arith.addf %add3A_873, %add3A_854 : vector<128x128xf32>
    %jit3A_875 = arith.constant 0.000000e+00 : f32
    %broadcast_in_dim3A_876 = vector.broadcast %jit3A_875 : f32 to vector<128x128xf32>
    %select_n3A_877 = arith.select %slice3A_872, %add3A_874, %broadcast_in_dim3A_876 : vector<128x128xi1>, vector<128x128xf32>
    %reduce_sum3A_878 = arith.constant dense<0.000000e+00> : vector<128xf32>
    %reduce_sum3A_879 = vector.multi_reduction <add>, %select_n3A_877, %reduce_sum3A_878 [1] : vector<128x128xf32> to vector<128xf32>
    %broadcast_in_dim3A_880 = vector.shape_cast %reduce_sum3A_879 : vector<128xf32> to vector<128x1xf32>
    %broadcast_in_dim3A_881 = vector.shape_cast %broadcast_in_dim3A_871 : vector<128x1xf32> to vector<128x1xf32>
    %broadcast_in_dim3A_882 = vector.broadcast %broadcast_in_dim3A_881 : vector<128x1xf32> to vector<128x128xf32>
    %jit3A_883 = arith.constant 0.000000e+00 : f32
    %broadcast_in_dim3A_884 = vector.broadcast %jit3A_883 : f32 to vector<128x128xf32>
    %select_n3A_885 = arith.select %eq3A_90, %broadcast_in_dim3A_882, %broadcast_in_dim3A_884 : vector<128x128xi1>, vector<128x128xf32>
    %reduce_sum3A_886 = arith.constant dense<0.000000e+00> : vector<128xf32>
    %reduce_sum3A_887 = vector.multi_reduction <add>, %select_n3A_885, %reduce_sum3A_886 [0] : vector<128x128xf32> to vector<128xf32>
    %broadcast_in_dim3A_888 = vector.shape_cast %reduce_sum3A_887 : vector<128xf32> to vector<1x128xf32>
    %convert_element_type3A_889 = arith.fptosi %broadcast_in_dim3A_888 : vector<1x128xf32> to vector<1x128xi32>
    %swap3A_890 = arith.constant 12 : index
    %swap3A_891 = arith.constant 0 : index
    %swap3A_892 = vector.load %arg3[%swap3A_890, %swap3A_891] : memref<16x128xi32, #tpu.memory_space<vmem>>, vector<1x128xi32>
    tpu.vector_store %arg3[%swap3A_890, %swap3A_891], %convert_element_type3A_889 {strides = array<i32>} : memref<16x128xi32, #tpu.memory_space<vmem>>, vector<1x128xi32>,
    %broadcast_in_dim3A_893 = vector.shape_cast %broadcast_in_dim3A_880 : vector<128x1xf32> to vector<128x1xf32>
    %broadcast_in_dim3A_894 = vector.broadcast %broadcast_in_dim3A_893 : vector<128x1xf32> to vector<128x128xf32>
    %jit3A_895 = arith.constant 0.000000e+00 : f32
    %broadcast_in_dim3A_896 = vector.broadcast %jit3A_895 : f32 to vector<128x128xf32>
    %select_n3A_897 = arith.select %eq3A_90, %broadcast_in_dim3A_894, %broadcast_in_dim3A_896 : vector<128x128xi1>, vector<128x128xf32>
    %reduce_sum3A_898 = arith.constant dense<0.000000e+00> : vector<128xf32>
    %reduce_sum3A_899 = vector.multi_reduction <add>, %select_n3A_897, %reduce_sum3A_898 [0] : vector<128x128xf32> to vector<128xf32>
    %broadcast_in_dim3A_900 = vector.shape_cast %reduce_sum3A_899 : vector<128xf32> to vector<1x128xf32>
    %convert_element_type3A_901 = arith.fptosi %broadcast_in_dim3A_900 : vector<1x128xf32> to vector<1x128xi32>
    %swap3A_902 = arith.constant 12 : index
    %swap3A_903 = arith.constant 0 : index
    %swap3A_904 = vector.load %arg4[%swap3A_902, %swap3A_903] : memref<16x128xi32, #tpu.memory_space<vmem>>, vector<1x128xi32>
    tpu.vector_store %arg4[%swap3A_902, %swap3A_903], %convert_element_type3A_901 {strides = array<i32>} : memref<16x128xi32, #tpu.memory_space<vmem>>, vector<1x128xi32>,
    %slice3A_905 = vector.extract_strided_slice %convert_element_type3A_68 {offsets = [1664, 0], sizes = [128, 128], strides = [1, 1]} : vector<2048x128xf32> to vector<128x128xf32>
    %slice3A_906 = vector.extract_strided_slice %convert_element_type3A_70 {offsets = [1664, 0], sizes = [128, 128], strides = [1, 1]} : vector<2048x128xf32> to vector<128x128xf32>
    %dot_general3A_907 = arith.constant dense<0.000000e+00> : vector<128x128xf32>
    %dot_general3A_908 = tpu.matmul %convert_element_type3A_86, %slice3A_905, %dot_general3A_907 {dimension_numbers = #tpu.dot_dimension_numbers<[1], [0], [0], [1], [0, 0, 1, 1], [], []>, transpose_lhs_hint = false} : vector<128x128xf32>, vector<128x128xf32>, vector<128x128xf32> -> vector<128x128xf32>
    %add3A_909 = vector.broadcast %add3A_858 : vector<1x128xf32> to vector<128x128xf32>
    %add3A_910 = arith.addf %dot_general3A_908, %add3A_909 : vector<128x128xf32>
    %dot_general3A_911 = arith.constant dense<0.000000e+00> : vector<128x128xf32>
    %dot_general3A_912 = tpu.matmul %convert_element_type3A_86, %slice3A_906, %dot_general3A_911 {dimension_numbers = #tpu.dot_dimension_numbers<[1], [0], [0], [1], [0, 0, 1, 1], [], []>, transpose_lhs_hint = false} : vector<128x128xf32>, vector<128x128xf32>, vector<128x128xf32> -> vector<128x128xf32>
    %add3A_913 = vector.broadcast %add3A_862 : vector<1x128xf32> to vector<128x128xf32>
    %add3A_914 = arith.addf %dot_general3A_912, %add3A_913 : vector<128x128xf32>
    %add3A_915 = vector.broadcast %broadcast_in_dim3A_73 : vector<1x128xf32> to vector<128x128xf32>
    %add3A_916 = arith.addf %add3A_914, %add3A_915 : vector<128x128xf32>
    %reduce_sum3A_917 = arith.constant dense<0.000000e+00> : vector<128xf32>
    %reduce_sum3A_918 = vector.multi_reduction <add>, %slice3A_905, %reduce_sum3A_917 [0] : vector<128x128xf32> to vector<128xf32>
    %broadcast_in_dim3A_919 = vector.shape_cast %reduce_sum3A_918 : vector<128xf32> to vector<1x128xf32>
    %add3A_920 = arith.addf %add3A_858, %broadcast_in_dim3A_919 : vector<1x128xf32>
    %reduce_sum3A_921 = arith.constant dense<0.000000e+00> : vector<128xf32>
    %reduce_sum3A_922 = vector.multi_reduction <add>, %slice3A_906, %reduce_sum3A_921 [0] : vector<128x128xf32> to vector<128xf32>
    %broadcast_in_dim3A_923 = vector.shape_cast %reduce_sum3A_922 : vector<128xf32> to vector<1x128xf32>
    %add3A_924 = arith.addf %add3A_862, %broadcast_in_dim3A_923 : vector<1x128xf32>
    %slice3A_925 = vector.extract_strided_slice %eq3A_26 {offsets = [1664, 0], sizes = [128, 128], strides = [1, 1]} : vector<2048x128xi1> to vector<128x128xi1>
    %add3A_926 = vector.broadcast %mul3A_95 : vector<1x128xf32> to vector<128x128xf32>
    %add3A_927 = arith.addf %add3A_926, %add3A_910 : vector<128x128xf32>
    %jit3A_928 = arith.constant 0.000000e+00 : f32
    %broadcast_in_dim3A_929 = vector.broadcast %jit3A_928 : f32 to vector<128x128xf32>
    %select_n3A_930 = arith.select %slice3A_925, %add3A_927, %broadcast_in_dim3A_929 : vector<128x128xi1>, vector<128x128xf32>
    %reduce_sum3A_931 = arith.constant dense<0.000000e+00> : vector<128xf32>
    %reduce_sum3A_932 = vector.multi_reduction <add>, %select_n3A_930, %reduce_sum3A_931 [1] : vector<128x128xf32> to vector<128xf32>
    %broadcast_in_dim3A_933 = vector.shape_cast %reduce_sum3A_932 : vector<128xf32> to vector<128x1xf32>
    %slice3A_934 = vector.extract_strided_slice %eq3A_47 {offsets = [1664, 0], sizes = [128, 128], strides = [1, 1]} : vector<2048x128xi1> to vector<128x128xi1>
    %add3A_935 = vector.broadcast %mul3A_95 : vector<1x128xf32> to vector<128x128xf32>
    %add3A_936 = arith.addf %add3A_935, %add3A_916 : vector<128x128xf32>
    %jit3A_937 = arith.constant 0.000000e+00 : f32
    %broadcast_in_dim3A_938 = vector.broadcast %jit3A_937 : f32 to vector<128x128xf32>
    %select_n3A_939 = arith.select %slice3A_934, %add3A_936, %broadcast_in_dim3A_938 : vector<128x128xi1>, vector<128x128xf32>
    %reduce_sum3A_940 = arith.constant dense<0.000000e+00> : vector<128xf32>
    %reduce_sum3A_941 = vector.multi_reduction <add>, %select_n3A_939, %reduce_sum3A_940 [1] : vector<128x128xf32> to vector<128xf32>
    %broadcast_in_dim3A_942 = vector.shape_cast %reduce_sum3A_941 : vector<128xf32> to vector<128x1xf32>
    %broadcast_in_dim3A_943 = vector.shape_cast %broadcast_in_dim3A_933 : vector<128x1xf32> to vector<128x1xf32>
    %broadcast_in_dim3A_944 = vector.broadcast %broadcast_in_dim3A_943 : vector<128x1xf32> to vector<128x128xf32>
    %jit3A_945 = arith.constant 0.000000e+00 : f32
    %broadcast_in_dim3A_946 = vector.broadcast %jit3A_945 : f32 to vector<128x128xf32>
    %select_n3A_947 = arith.select %eq3A_90, %broadcast_in_dim3A_944, %broadcast_in_dim3A_946 : vector<128x128xi1>, vector<128x128xf32>
    %reduce_sum3A_948 = arith.constant dense<0.000000e+00> : vector<128xf32>
    %reduce_sum3A_949 = vector.multi_reduction <add>, %select_n3A_947, %reduce_sum3A_948 [0] : vector<128x128xf32> to vector<128xf32>
    %broadcast_in_dim3A_950 = vector.shape_cast %reduce_sum3A_949 : vector<128xf32> to vector<1x128xf32>
    %convert_element_type3A_951 = arith.fptosi %broadcast_in_dim3A_950 : vector<1x128xf32> to vector<1x128xi32>
    %swap3A_952 = arith.constant 13 : index
    %swap3A_953 = arith.constant 0 : index
    %swap3A_954 = vector.load %arg3[%swap3A_952, %swap3A_953] : memref<16x128xi32, #tpu.memory_space<vmem>>, vector<1x128xi32>
    tpu.vector_store %arg3[%swap3A_952, %swap3A_953], %convert_element_type3A_951 {strides = array<i32>} : memref<16x128xi32, #tpu.memory_space<vmem>>, vector<1x128xi32>,
    %broadcast_in_dim3A_955 = vector.shape_cast %broadcast_in_dim3A_942 : vector<128x1xf32> to vector<128x1xf32>
    %broadcast_in_dim3A_956 = vector.broadcast %broadcast_in_dim3A_955 : vector<128x1xf32> to vector<128x128xf32>
    %jit3A_957 = arith.constant 0.000000e+00 : f32
    %broadcast_in_dim3A_958 = vector.broadcast %jit3A_957 : f32 to vector<128x128xf32>
    %select_n3A_959 = arith.select %eq3A_90, %broadcast_in_dim3A_956, %broadcast_in_dim3A_958 : vector<128x128xi1>, vector<128x128xf32>
    %reduce_sum3A_960 = arith.constant dense<0.000000e+00> : vector<128xf32>
    %reduce_sum3A_961 = vector.multi_reduction <add>, %select_n3A_959, %reduce_sum3A_960 [0] : vector<128x128xf32> to vector<128xf32>
    %broadcast_in_dim3A_962 = vector.shape_cast %reduce_sum3A_961 : vector<128xf32> to vector<1x128xf32>
    %convert_element_type3A_963 = arith.fptosi %broadcast_in_dim3A_962 : vector<1x128xf32> to vector<1x128xi32>
    %swap3A_964 = arith.constant 13 : index
    %swap3A_965 = arith.constant 0 : index
    %swap3A_966 = vector.load %arg4[%swap3A_964, %swap3A_965] : memref<16x128xi32, #tpu.memory_space<vmem>>, vector<1x128xi32>
    tpu.vector_store %arg4[%swap3A_964, %swap3A_965], %convert_element_type3A_963 {strides = array<i32>} : memref<16x128xi32, #tpu.memory_space<vmem>>, vector<1x128xi32>,
    %slice3A_967 = vector.extract_strided_slice %convert_element_type3A_68 {offsets = [1792, 0], sizes = [128, 128], strides = [1, 1]} : vector<2048x128xf32> to vector<128x128xf32>
    %slice3A_968 = vector.extract_strided_slice %convert_element_type3A_70 {offsets = [1792, 0], sizes = [128, 128], strides = [1, 1]} : vector<2048x128xf32> to vector<128x128xf32>
    %dot_general3A_969 = arith.constant dense<0.000000e+00> : vector<128x128xf32>
    %dot_general3A_970 = tpu.matmul %convert_element_type3A_86, %slice3A_967, %dot_general3A_969 {dimension_numbers = #tpu.dot_dimension_numbers<[1], [0], [0], [1], [0, 0, 1, 1], [], []>, transpose_lhs_hint = false} : vector<128x128xf32>, vector<128x128xf32>, vector<128x128xf32> -> vector<128x128xf32>
    %add3A_971 = vector.broadcast %add3A_920 : vector<1x128xf32> to vector<128x128xf32>
    %add3A_972 = arith.addf %dot_general3A_970, %add3A_971 : vector<128x128xf32>
    %dot_general3A_973 = arith.constant dense<0.000000e+00> : vector<128x128xf32>
    %dot_general3A_974 = tpu.matmul %convert_element_type3A_86, %slice3A_968, %dot_general3A_973 {dimension_numbers = #tpu.dot_dimension_numbers<[1], [0], [0], [1], [0, 0, 1, 1], [], []>, transpose_lhs_hint = false} : vector<128x128xf32>, vector<128x128xf32>, vector<128x128xf32> -> vector<128x128xf32>
    %add3A_975 = vector.broadcast %add3A_924 : vector<1x128xf32> to vector<128x128xf32>
    %add3A_976 = arith.addf %dot_general3A_974, %add3A_975 : vector<128x128xf32>
    %add3A_977 = vector.broadcast %broadcast_in_dim3A_73 : vector<1x128xf32> to vector<128x128xf32>
    %add3A_978 = arith.addf %add3A_976, %add3A_977 : vector<128x128xf32>
    %reduce_sum3A_979 = arith.constant dense<0.000000e+00> : vector<128xf32>
    %reduce_sum3A_980 = vector.multi_reduction <add>, %slice3A_967, %reduce_sum3A_979 [0] : vector<128x128xf32> to vector<128xf32>
    %broadcast_in_dim3A_981 = vector.shape_cast %reduce_sum3A_980 : vector<128xf32> to vector<1x128xf32>
    %add3A_982 = arith.addf %add3A_920, %broadcast_in_dim3A_981 : vector<1x128xf32>
    %reduce_sum3A_983 = arith.constant dense<0.000000e+00> : vector<128xf32>
    %reduce_sum3A_984 = vector.multi_reduction <add>, %slice3A_968, %reduce_sum3A_983 [0] : vector<128x128xf32> to vector<128xf32>
    %broadcast_in_dim3A_985 = vector.shape_cast %reduce_sum3A_984 : vector<128xf32> to vector<1x128xf32>
    %add3A_986 = arith.addf %add3A_924, %broadcast_in_dim3A_985 : vector<1x128xf32>
    %slice3A_987 = vector.extract_strided_slice %eq3A_26 {offsets = [1792, 0], sizes = [128, 128], strides = [1, 1]} : vector<2048x128xi1> to vector<128x128xi1>
    %add3A_988 = vector.broadcast %mul3A_95 : vector<1x128xf32> to vector<128x128xf32>
    %add3A_989 = arith.addf %add3A_988, %add3A_972 : vector<128x128xf32>
    %jit3A_990 = arith.constant 0.000000e+00 : f32
    %broadcast_in_dim3A_991 = vector.broadcast %jit3A_990 : f32 to vector<128x128xf32>
    %select_n3A_992 = arith.select %slice3A_987, %add3A_989, %broadcast_in_dim3A_991 : vector<128x128xi1>, vector<128x128xf32>
    %reduce_sum3A_993 = arith.constant dense<0.000000e+00> : vector<128xf32>
    %reduce_sum3A_994 = vector.multi_reduction <add>, %select_n3A_992, %reduce_sum3A_993 [1] : vector<128x128xf32> to vector<128xf32>
    %broadcast_in_dim3A_995 = vector.shape_cast %reduce_sum3A_994 : vector<128xf32> to vector<128x1xf32>
    %slice3A_996 = vector.extract_strided_slice %eq3A_47 {offsets = [1792, 0], sizes = [128, 128], strides = [1, 1]} : vector<2048x128xi1> to vector<128x128xi1>
    %add3A_997 = vector.broadcast %mul3A_95 : vector<1x128xf32> to vector<128x128xf32>
    %add3A_998 = arith.addf %add3A_997, %add3A_978 : vector<128x128xf32>
    %jit3A_999 = arith.constant 0.000000e+00 : f32
    %broadcast_in_dim3A_1000 = vector.broadcast %jit3A_999 : f32 to vector<128x128xf32>
    %select_n3A_1001 = arith.select %slice3A_996, %add3A_998, %broadcast_in_dim3A_1000 : vector<128x128xi1>, vector<128x128xf32>
    %reduce_sum3A_1002 = arith.constant dense<0.000000e+00> : vector<128xf32>
    %reduce_sum3A_1003 = vector.multi_reduction <add>, %select_n3A_1001, %reduce_sum3A_1002 [1] : vector<128x128xf32> to vector<128xf32>
    %broadcast_in_dim3A_1004 = vector.shape_cast %reduce_sum3A_1003 : vector<128xf32> to vector<128x1xf32>
    %broadcast_in_dim3A_1005 = vector.shape_cast %broadcast_in_dim3A_995 : vector<128x1xf32> to vector<128x1xf32>
    %broadcast_in_dim3A_1006 = vector.broadcast %broadcast_in_dim3A_1005 : vector<128x1xf32> to vector<128x128xf32>
    %jit3A_1007 = arith.constant 0.000000e+00 : f32
    %broadcast_in_dim3A_1008 = vector.broadcast %jit3A_1007 : f32 to vector<128x128xf32>
    %select_n3A_1009 = arith.select %eq3A_90, %broadcast_in_dim3A_1006, %broadcast_in_dim3A_1008 : vector<128x128xi1>, vector<128x128xf32>
    %reduce_sum3A_1010 = arith.constant dense<0.000000e+00> : vector<128xf32>
    %reduce_sum3A_1011 = vector.multi_reduction <add>, %select_n3A_1009, %reduce_sum3A_1010 [0] : vector<128x128xf32> to vector<128xf32>
    %broadcast_in_dim3A_1012 = vector.shape_cast %reduce_sum3A_1011 : vector<128xf32> to vector<1x128xf32>
    %convert_element_type3A_1013 = arith.fptosi %broadcast_in_dim3A_1012 : vector<1x128xf32> to vector<1x128xi32>
    %swap3A_1014 = arith.constant 14 : index
    %swap3A_1015 = arith.constant 0 : index
    %swap3A_1016 = vector.load %arg3[%swap3A_1014, %swap3A_1015] : memref<16x128xi32, #tpu.memory_space<vmem>>, vector<1x128xi32>
    tpu.vector_store %arg3[%swap3A_1014, %swap3A_1015], %convert_element_type3A_1013 {strides = array<i32>} : memref<16x128xi32, #tpu.memory_space<vmem>>, vector<1x128xi32>,
    %broadcast_in_dim3A_1017 = vector.shape_cast %broadcast_in_dim3A_1004 : vector<128x1xf32> to vector<128x1xf32>
    %broadcast_in_dim3A_1018 = vector.broadcast %broadcast_in_dim3A_1017 : vector<128x1xf32> to vector<128x128xf32>
    %jit3A_1019 = arith.constant 0.000000e+00 : f32
    %broadcast_in_dim3A_1020 = vector.broadcast %jit3A_1019 : f32 to vector<128x128xf32>
    %select_n3A_1021 = arith.select %eq3A_90, %broadcast_in_dim3A_1018, %broadcast_in_dim3A_1020 : vector<128x128xi1>, vector<128x128xf32>
    %reduce_sum3A_1022 = arith.constant dense<0.000000e+00> : vector<128xf32>
    %reduce_sum3A_1023 = vector.multi_reduction <add>, %select_n3A_1021, %reduce_sum3A_1022 [0] : vector<128x128xf32> to vector<128xf32>
    %broadcast_in_dim3A_1024 = vector.shape_cast %reduce_sum3A_1023 : vector<128xf32> to vector<1x128xf32>
    %convert_element_type3A_1025 = arith.fptosi %broadcast_in_dim3A_1024 : vector<1x128xf32> to vector<1x128xi32>
    %swap3A_1026 = arith.constant 14 : index
    %swap3A_1027 = arith.constant 0 : index
    %swap3A_1028 = vector.load %arg4[%swap3A_1026, %swap3A_1027] : memref<16x128xi32, #tpu.memory_space<vmem>>, vector<1x128xi32>
    tpu.vector_store %arg4[%swap3A_1026, %swap3A_1027], %convert_element_type3A_1025 {strides = array<i32>} : memref<16x128xi32, #tpu.memory_space<vmem>>, vector<1x128xi32>,
    %slice3A_1029 = vector.extract_strided_slice %convert_element_type3A_68 {offsets = [1920, 0], sizes = [128, 128], strides = [1, 1]} : vector<2048x128xf32> to vector<128x128xf32>
    %slice3A_1030 = vector.extract_strided_slice %convert_element_type3A_70 {offsets = [1920, 0], sizes = [128, 128], strides = [1, 1]} : vector<2048x128xf32> to vector<128x128xf32>
    %dot_general3A_1031 = arith.constant dense<0.000000e+00> : vector<128x128xf32>
    %dot_general3A_1032 = tpu.matmul %convert_element_type3A_86, %slice3A_1029, %dot_general3A_1031 {dimension_numbers = #tpu.dot_dimension_numbers<[1], [0], [0], [1], [0, 0, 1, 1], [], []>, transpose_lhs_hint = false} : vector<128x128xf32>, vector<128x128xf32>, vector<128x128xf32> -> vector<128x128xf32>
    %add3A_1033 = vector.broadcast %add3A_982 : vector<1x128xf32> to vector<128x128xf32>
    %add3A_1034 = arith.addf %dot_general3A_1032, %add3A_1033 : vector<128x128xf32>
    %dot_general3A_1035 = arith.constant dense<0.000000e+00> : vector<128x128xf32>
    %dot_general3A_1036 = tpu.matmul %convert_element_type3A_86, %slice3A_1030, %dot_general3A_1035 {dimension_numbers = #tpu.dot_dimension_numbers<[1], [0], [0], [1], [0, 0, 1, 1], [], []>, transpose_lhs_hint = false} : vector<128x128xf32>, vector<128x128xf32>, vector<128x128xf32> -> vector<128x128xf32>
    %add3A_1037 = vector.broadcast %add3A_986 : vector<1x128xf32> to vector<128x128xf32>
    %add3A_1038 = arith.addf %dot_general3A_1036, %add3A_1037 : vector<128x128xf32>
    %add3A_1039 = vector.broadcast %broadcast_in_dim3A_73 : vector<1x128xf32> to vector<128x128xf32>
    %add3A_1040 = arith.addf %add3A_1038, %add3A_1039 : vector<128x128xf32>
    %slice3A_1041 = vector.extract_strided_slice %eq3A_26 {offsets = [1920, 0], sizes = [128, 128], strides = [1, 1]} : vector<2048x128xi1> to vector<128x128xi1>
    %add3A_1042 = vector.broadcast %mul3A_95 : vector<1x128xf32> to vector<128x128xf32>
    %add3A_1043 = arith.addf %add3A_1042, %add3A_1034 : vector<128x128xf32>
    %jit3A_1044 = arith.constant 0.000000e+00 : f32
    %broadcast_in_dim3A_1045 = vector.broadcast %jit3A_1044 : f32 to vector<128x128xf32>
    %select_n3A_1046 = arith.select %slice3A_1041, %add3A_1043, %broadcast_in_dim3A_1045 : vector<128x128xi1>, vector<128x128xf32>
    %reduce_sum3A_1047 = arith.constant dense<0.000000e+00> : vector<128xf32>
    %reduce_sum3A_1048 = vector.multi_reduction <add>, %select_n3A_1046, %reduce_sum3A_1047 [1] : vector<128x128xf32> to vector<128xf32>
    %broadcast_in_dim3A_1049 = vector.shape_cast %reduce_sum3A_1048 : vector<128xf32> to vector<128x1xf32>
    %slice3A_1050 = vector.extract_strided_slice %eq3A_47 {offsets = [1920, 0], sizes = [128, 128], strides = [1, 1]} : vector<2048x128xi1> to vector<128x128xi1>
    %add3A_1051 = vector.broadcast %mul3A_95 : vector<1x128xf32> to vector<128x128xf32>
    %add3A_1052 = arith.addf %add3A_1051, %add3A_1040 : vector<128x128xf32>
    %jit3A_1053 = arith.constant 0.000000e+00 : f32
    %broadcast_in_dim3A_1054 = vector.broadcast %jit3A_1053 : f32 to vector<128x128xf32>
    %select_n3A_1055 = arith.select %slice3A_1050, %add3A_1052, %broadcast_in_dim3A_1054 : vector<128x128xi1>, vector<128x128xf32>
    %reduce_sum3A_1056 = arith.constant dense<0.000000e+00> : vector<128xf32>
    %reduce_sum3A_1057 = vector.multi_reduction <add>, %select_n3A_1055, %reduce_sum3A_1056 [1] : vector<128x128xf32> to vector<128xf32>
    %broadcast_in_dim3A_1058 = vector.shape_cast %reduce_sum3A_1057 : vector<128xf32> to vector<128x1xf32>
    %broadcast_in_dim3A_1059 = vector.shape_cast %broadcast_in_dim3A_1049 : vector<128x1xf32> to vector<128x1xf32>
    %broadcast_in_dim3A_1060 = vector.broadcast %broadcast_in_dim3A_1059 : vector<128x1xf32> to vector<128x128xf32>
    %jit3A_1061 = arith.constant 0.000000e+00 : f32
    %broadcast_in_dim3A_1062 = vector.broadcast %jit3A_1061 : f32 to vector<128x128xf32>
    %select_n3A_1063 = arith.select %eq3A_90, %broadcast_in_dim3A_1060, %broadcast_in_dim3A_1062 : vector<128x128xi1>, vector<128x128xf32>
    %reduce_sum3A_1064 = arith.constant dense<0.000000e+00> : vector<128xf32>
    %reduce_sum3A_1065 = vector.multi_reduction <add>, %select_n3A_1063, %reduce_sum3A_1064 [0] : vector<128x128xf32> to vector<128xf32>
    %broadcast_in_dim3A_1066 = vector.shape_cast %reduce_sum3A_1065 : vector<128xf32> to vector<1x128xf32>
    %convert_element_type3A_1067 = arith.fptosi %broadcast_in_dim3A_1066 : vector<1x128xf32> to vector<1x128xi32>
    %swap3A_1068 = arith.constant 15 : index
    %swap3A_1069 = arith.constant 0 : index
    %swap3A_1070 = vector.load %arg3[%swap3A_1068, %swap3A_1069] : memref<16x128xi32, #tpu.memory_space<vmem>>, vector<1x128xi32>
    tpu.vector_store %arg3[%swap3A_1068, %swap3A_1069], %convert_element_type3A_1067 {strides = array<i32>} : memref<16x128xi32, #tpu.memory_space<vmem>>, vector<1x128xi32>,
    %broadcast_in_dim3A_1071 = vector.shape_cast %broadcast_in_dim3A_1058 : vector<128x1xf32> to vector<128x1xf32>
    %broadcast_in_dim3A_1072 = vector.broadcast %broadcast_in_dim3A_1071 : vector<128x1xf32> to vector<128x128xf32>
    %jit3A_1073 = arith.constant 0.000000e+00 : f32
    %broadcast_in_dim3A_1074 = vector.broadcast %jit3A_1073 : f32 to vector<128x128xf32>
    %select_n3A_1075 = arith.select %eq3A_90, %broadcast_in_dim3A_1072, %broadcast_in_dim3A_1074 : vector<128x128xi1>, vector<128x128xf32>
    %reduce_sum3A_1076 = arith.constant dense<0.000000e+00> : vector<128xf32>
    %reduce_sum3A_1077 = vector.multi_reduction <add>, %select_n3A_1075, %reduce_sum3A_1076 [0] : vector<128x128xf32> to vector<128xf32>
    %broadcast_in_dim3A_1078 = vector.shape_cast %reduce_sum3A_1077 : vector<128xf32> to vector<1x128xf32>
    %convert_element_type3A_1079 = arith.fptosi %broadcast_in_dim3A_1078 : vector<1x128xf32> to vector<1x128xi32>
    %swap3A_1080 = arith.constant 15 : index
    %swap3A_1081 = arith.constant 0 : index
    %swap3A_1082 = vector.load %arg4[%swap3A_1080, %swap3A_1081] : memref<16x128xi32, #tpu.memory_space<vmem>>, vector<1x128xi32>
    tpu.vector_store %arg4[%swap3A_1080, %swap3A_1081], %convert_element_type3A_1079 {strides = array<i32>} : memref<16x128xi32, #tpu.memory_space<vmem>>, vector<1x128xi32>,
    %broadcast_in_dim3A_1083 = vector.shape_cast %mul3A_95 : vector<1x128xf32> to vector<1x128xf32>
    %broadcast_in_dim3A_1084 = vector.broadcast %broadcast_in_dim3A_1083 : vector<1x128xf32> to vector<128x128xf32>
    %jit3A_1085 = arith.constant 0.000000e+00 : f32
    %broadcast_in_dim3A_1086 = vector.broadcast %jit3A_1085 : f32 to vector<128x128xf32>
    %select_n3A_1087 = arith.select %eq3A_90, %broadcast_in_dim3A_1084, %broadcast_in_dim3A_1086 : vector<128x128xi1>, vector<128x128xf32>
    %reduce_sum3A_1088 = arith.constant dense<0.000000e+00> : vector<128xf32>
    %reduce_sum3A_1089 = vector.multi_reduction <add>, %select_n3A_1087, %reduce_sum3A_1088 [1] : vector<128x128xf32> to vector<128xf32>
    %broadcast_in_dim3A_1090 = vector.shape_cast %reduce_sum3A_1089 : vector<128xf32> to vector<128x1xf32>
    %mul3A_1091 = arith.constant 256 : i32
    %mul3A_1092 = vector.broadcast %mul3A_1091 : i32 to vector<128x128xi32>
    %mul3A_1093 = arith.muli %iota3A_84, %mul3A_1092 : vector<128x128xi32>
    %convert_element_type3A_1094 = arith.sitofp %mul3A_1093 : vector<128x128xi32> to vector<128x128xf32>
    %le3A = vector.broadcast %broadcast_in_dim3A_1090 : vector<128x1xf32> to vector<128x128xf32>
    %le3A_1095 = arith.cmpf ole, %le3A, %convert_element_type3A_1094 : vector<128x128xf32>
    %lt3A_1096 = arith.constant 8 : i32
    %lt3A_1097 = vector.broadcast %lt3A_1096 : i32 to vector<128x128xi32>
    %lt3A_1098 = arith.cmpi slt, %iota3A_83, %lt3A_1097 : vector<128x128xi32>
    %and3A = arith.andi %le3A_1095, %lt3A_1098 : vector<128x128xi1>
    %convert_element_type3A_1099 = arith.extui %and3A : vector<128x128xi1> to vector<128x128xi32>
    %reduce_sum3A_1100 = arith.constant dense<0> : vector<128xi32>
    %reduce_sum3A_1101 = vector.multi_reduction <add>, %convert_element_type3A_1099, %reduce_sum3A_1100 [0] : vector<128x128xi32> to vector<128xi32>
    %broadcast_in_dim3A_1102 = vector.shape_cast %reduce_sum3A_1101 : vector<128xi32> to vector<1x128xi32>
    %sub3A = arith.constant 1 : i32
    %sub3A_1103 = vector.broadcast %sub3A : i32 to vector<1x128xi32>
    %sub3A_1104 = arith.subi %broadcast_in_dim3A_1102, %sub3A_1103 : vector<1x128xi32>
    %swap3A_1105 = arith.constant 0 : index
    %swap3A_1106 = arith.constant 0 : index
    %swap3A_1107 = vector.load %arg7[%swap3A_1105, %swap3A_1106] : memref<1x128xi32, #tpu.memory_space<vmem>>, vector<1x128xi32>
    tpu.vector_store %arg7[%swap3A_1105, %swap3A_1106], %sub3A_1104 {strides = array<i32>} : memref<1x128xi32, #tpu.memory_space<vmem>>, vector<1x128xi32>,
    return
  }
}

module attributes {stable_mosaic.version = 14 : i64} {
  func.func @_ffn_body(%arg0: i32, %arg1: memref<5x24xi32, #tpu.memory_space<smem>>, %arg2: memref<256x1024xf32, #tpu.memory_space<vmem>>, %arg3: memref<8x2048x1024xf32, #tpu.memory_space<any>>, %arg4: memref<8x2048x1024xf32, #tpu.memory_space<any>>, %arg5: memref<8x1024x2048xf32, #tpu.memory_space<any>>, %arg6: memref<256x128xf32, #tpu.memory_space<vmem>>, %arg7: memref<256x1024xf32, #tpu.memory_space<vmem>>, %arg8: memref<2x2048x1024xf32, #tpu.memory_space<vmem>>, %arg9: memref<2x2048x1024xf32, #tpu.memory_space<vmem>>, %arg10: memref<2x1024x2048xf32, #tpu.memory_space<vmem>>, %arg11: memref<2x!tpu.dma_semaphore, #tpu.memory_space<semaphore_mem>>) attributes {dimension_semantics = [#tpu.dimension_semantics<arbitrary>], iteration_bounds = array<i64: 24>, scalar_prefetch = 1 : i64, scratch_operands = 4 : i64, tpu.core_type = #tpu.core_type<tc>, window_params = [{transform_indices = @transform_0, window_bounds = array<i64: 256, 1024>}, {}, {}, {}, {transform_indices = @transform_4, window_bounds = array<i64: 256, 128>}, {transform_indices = @transform_5, window_bounds = array<i64: 256, 1024>}]} {
    %get3A = arith.constant 0 : index
    %get3A_0 = arith.index_cast %arg0 : i32 to index
    %get3A_1 = memref.load %arg1[%get3A, %get3A_0] : memref<5x24xi32, #tpu.memory_space<smem>>
    %get3A_2 = arith.constant 1 : index
    %get3A_3 = arith.index_cast %arg0 : i32 to index
    %get3A_4 = memref.load %arg1[%get3A_2, %get3A_3] : memref<5x24xi32, #tpu.memory_space<smem>>
    %get3A_5 = arith.constant 2 : index
    %get3A_6 = arith.index_cast %arg0 : i32 to index
    %get3A_7 = memref.load %arg1[%get3A_5, %get3A_6] : memref<5x24xi32, #tpu.memory_space<smem>>
    %get3A_8 = arith.constant 3 : index
    %get3A_9 = arith.index_cast %arg0 : i32 to index
    %get3A_10 = memref.load %arg1[%get3A_8, %get3A_9] : memref<5x24xi32, #tpu.memory_space<smem>>
    %get3A_11 = arith.constant 4 : index
    %get3A_12 = arith.index_cast %arg0 : i32 to index
    %get3A_13 = memref.load %arg1[%get3A_11, %get3A_12] : memref<5x24xi32, #tpu.memory_space<smem>>
    %eq3A = arith.constant 0 : i32
    %eq3A_14 = arith.cmpi eq, %arg0, %eq3A : i32
    %convert_element_type3A = arith.extui %eq3A_14 : i1 to i32
    %cond3A = arith.constant 0 : i32
    %cond3A_15 = arith.cmpi ne, %convert_element_type3A, %cond3A : i32
    scf.if %cond3A_15 {
      %dma_start3A = tpu.memref_slice %arg11[%get3A_1] : memref<2x!tpu.dma_semaphore, #tpu.memory_space<semaphore_mem>> -> memref<1x!tpu.dma_semaphore, #tpu.memory_space<semaphore_mem>>
      %dma_start3A_67 = tpu.memref_squeeze %dma_start3A : memref<1x!tpu.dma_semaphore, #tpu.memory_space<semaphore_mem>> -> memref<!tpu.dma_semaphore, #tpu.memory_space<semaphore_mem>>
      %dma_start3A_68 = arith.constant 0 : i32
      %dma_start3A_69 = arith.constant 0 : i32
      %dma_start3A_70 = tpu.memref_slice %arg8[%get3A_1, %dma_start3A_68, %dma_start3A_69] : memref<2x2048x1024xf32, #tpu.memory_space<vmem>> -> memref<1x2048x1024xf32, #tpu.memory_space<vmem>>
      %dma_start3A_71 = tpu.memref_squeeze %dma_start3A_70 : memref<1x2048x1024xf32, #tpu.memory_space<vmem>> -> memref<2048x1024xf32, #tpu.memory_space<vmem>>
      %dma_start3A_72 = arith.constant 0 : i32
      %dma_start3A_73 = arith.constant 0 : i32
      %dma_start3A_74 = tpu.memref_slice %arg3[%get3A_13, %dma_start3A_72, %dma_start3A_73] : memref<8x2048x1024xf32, #tpu.memory_space<any>> -> memref<1x2048x1024xf32, #tpu.memory_space<any>>
      %dma_start3A_75 = tpu.memref_squeeze %dma_start3A_74 : memref<1x2048x1024xf32, #tpu.memory_space<any>> -> memref<2048x1024xf32, #tpu.memory_space<any>>
      tpu.enqueue_dma source(%dma_start3A_75 : memref<2048x1024xf32, #tpu.memory_space<any>>) target(%dma_start3A_71 : memref<2048x1024xf32, #tpu.memory_space<vmem>>) target_semaphore(%dma_start3A_67 : memref<!tpu.dma_semaphore, #tpu.memory_space<semaphore_mem>>)
      %dma_start3A_76 = tpu.memref_slice %arg11[%get3A_1] : memref<2x!tpu.dma_semaphore, #tpu.memory_space<semaphore_mem>> -> memref<1x!tpu.dma_semaphore, #tpu.memory_space<semaphore_mem>>
      %dma_start3A_77 = tpu.memref_squeeze %dma_start3A_76 : memref<1x!tpu.dma_semaphore, #tpu.memory_space<semaphore_mem>> -> memref<!tpu.dma_semaphore, #tpu.memory_space<semaphore_mem>>
      %dma_start3A_78 = arith.constant 0 : i32
      %dma_start3A_79 = arith.constant 0 : i32
      %dma_start3A_80 = tpu.memref_slice %arg9[%get3A_1, %dma_start3A_78, %dma_start3A_79] : memref<2x2048x1024xf32, #tpu.memory_space<vmem>> -> memref<1x2048x1024xf32, #tpu.memory_space<vmem>>
      %dma_start3A_81 = tpu.memref_squeeze %dma_start3A_80 : memref<1x2048x1024xf32, #tpu.memory_space<vmem>> -> memref<2048x1024xf32, #tpu.memory_space<vmem>>
      %dma_start3A_82 = arith.constant 0 : i32
      %dma_start3A_83 = arith.constant 0 : i32
      %dma_start3A_84 = tpu.memref_slice %arg4[%get3A_13, %dma_start3A_82, %dma_start3A_83] : memref<8x2048x1024xf32, #tpu.memory_space<any>> -> memref<1x2048x1024xf32, #tpu.memory_space<any>>
      %dma_start3A_85 = tpu.memref_squeeze %dma_start3A_84 : memref<1x2048x1024xf32, #tpu.memory_space<any>> -> memref<2048x1024xf32, #tpu.memory_space<any>>
      tpu.enqueue_dma source(%dma_start3A_85 : memref<2048x1024xf32, #tpu.memory_space<any>>) target(%dma_start3A_81 : memref<2048x1024xf32, #tpu.memory_space<vmem>>) target_semaphore(%dma_start3A_77 : memref<!tpu.dma_semaphore, #tpu.memory_space<semaphore_mem>>)
      %dma_start3A_86 = tpu.memref_slice %arg11[%get3A_1] : memref<2x!tpu.dma_semaphore, #tpu.memory_space<semaphore_mem>> -> memref<1x!tpu.dma_semaphore, #tpu.memory_space<semaphore_mem>>
      %dma_start3A_87 = tpu.memref_squeeze %dma_start3A_86 : memref<1x!tpu.dma_semaphore, #tpu.memory_space<semaphore_mem>> -> memref<!tpu.dma_semaphore, #tpu.memory_space<semaphore_mem>>
      %dma_start3A_88 = arith.constant 0 : i32
      %dma_start3A_89 = arith.constant 0 : i32
      %dma_start3A_90 = tpu.memref_slice %arg10[%get3A_1, %dma_start3A_88, %dma_start3A_89] : memref<2x1024x2048xf32, #tpu.memory_space<vmem>> -> memref<1x1024x2048xf32, #tpu.memory_space<vmem>>
      %dma_start3A_91 = tpu.memref_squeeze %dma_start3A_90 : memref<1x1024x2048xf32, #tpu.memory_space<vmem>> -> memref<1024x2048xf32, #tpu.memory_space<vmem>>
      %dma_start3A_92 = arith.constant 0 : i32
      %dma_start3A_93 = arith.constant 0 : i32
      %dma_start3A_94 = tpu.memref_slice %arg5[%get3A_13, %dma_start3A_92, %dma_start3A_93] : memref<8x1024x2048xf32, #tpu.memory_space<any>> -> memref<1x1024x2048xf32, #tpu.memory_space<any>>
      %dma_start3A_95 = tpu.memref_squeeze %dma_start3A_94 : memref<1x1024x2048xf32, #tpu.memory_space<any>> -> memref<1024x2048xf32, #tpu.memory_space<any>>
      tpu.enqueue_dma source(%dma_start3A_95 : memref<1024x2048xf32, #tpu.memory_space<any>>) target(%dma_start3A_91 : memref<1024x2048xf32, #tpu.memory_space<vmem>>) target_semaphore(%dma_start3A_87 : memref<!tpu.dma_semaphore, #tpu.memory_space<semaphore_mem>>)
    } else {
    }
    %eq3A_16 = arith.constant 1 : i32
    %eq3A_17 = arith.cmpi eq, %get3A_4, %eq3A_16 : i32
    %convert_element_type3A_18 = arith.extui %eq3A_17 : i1 to i32
    %cond3A_19 = arith.constant 0 : i32
    %cond3A_20 = arith.cmpi ne, %convert_element_type3A_18, %cond3A_19 : i32
    scf.if %cond3A_20 {
      %dma_wait3A = tpu.memref_slice %arg11[%get3A_1] : memref<2x!tpu.dma_semaphore, #tpu.memory_space<semaphore_mem>> -> memref<1x!tpu.dma_semaphore, #tpu.memory_space<semaphore_mem>>
      %dma_wait3A_67 = tpu.memref_squeeze %dma_wait3A : memref<1x!tpu.dma_semaphore, #tpu.memory_space<semaphore_mem>> -> memref<!tpu.dma_semaphore, #tpu.memory_space<semaphore_mem>>
      %dma_wait3A_68 = arith.constant 0 : i32
      %dma_wait3A_69 = arith.constant 0 : i32
      %dma_wait3A_70 = tpu.memref_slice %arg8[%get3A_1, %dma_wait3A_68, %dma_wait3A_69] : memref<2x2048x1024xf32, #tpu.memory_space<vmem>> -> memref<1x2048x1024xf32, #tpu.memory_space<vmem>>
      %dma_wait3A_71 = tpu.memref_squeeze %dma_wait3A_70 : memref<1x2048x1024xf32, #tpu.memory_space<vmem>> -> memref<2048x1024xf32, #tpu.memory_space<vmem>>
      %dma_wait3A_72 = arith.constant 0 : i32
      %dma_wait3A_73 = arith.constant 0 : i32
      %dma_wait3A_74 = tpu.memref_slice %arg3[%get3A_13, %dma_wait3A_72, %dma_wait3A_73] : memref<8x2048x1024xf32, #tpu.memory_space<any>> -> memref<1x2048x1024xf32, #tpu.memory_space<any>>
      %dma_wait3A_75 = tpu.memref_squeeze %dma_wait3A_74 : memref<1x2048x1024xf32, #tpu.memory_space<any>> -> memref<2048x1024xf32, #tpu.memory_space<any>>
      tpu.wait_dma2 semaphore(%dma_wait3A_67 : memref<!tpu.dma_semaphore, #tpu.memory_space<semaphore_mem>>) src(%dma_wait3A_75 : memref<2048x1024xf32, #tpu.memory_space<any>>) dst(%dma_wait3A_71 : memref<2048x1024xf32, #tpu.memory_space<vmem>>)
      %dma_wait3A_76 = tpu.memref_slice %arg11[%get3A_1] : memref<2x!tpu.dma_semaphore, #tpu.memory_space<semaphore_mem>> -> memref<1x!tpu.dma_semaphore, #tpu.memory_space<semaphore_mem>>
      %dma_wait3A_77 = tpu.memref_squeeze %dma_wait3A_76 : memref<1x!tpu.dma_semaphore, #tpu.memory_space<semaphore_mem>> -> memref<!tpu.dma_semaphore, #tpu.memory_space<semaphore_mem>>
      %dma_wait3A_78 = arith.constant 0 : i32
      %dma_wait3A_79 = arith.constant 0 : i32
      %dma_wait3A_80 = tpu.memref_slice %arg9[%get3A_1, %dma_wait3A_78, %dma_wait3A_79] : memref<2x2048x1024xf32, #tpu.memory_space<vmem>> -> memref<1x2048x1024xf32, #tpu.memory_space<vmem>>
      %dma_wait3A_81 = tpu.memref_squeeze %dma_wait3A_80 : memref<1x2048x1024xf32, #tpu.memory_space<vmem>> -> memref<2048x1024xf32, #tpu.memory_space<vmem>>
      %dma_wait3A_82 = arith.constant 0 : i32
      %dma_wait3A_83 = arith.constant 0 : i32
      %dma_wait3A_84 = tpu.memref_slice %arg4[%get3A_13, %dma_wait3A_82, %dma_wait3A_83] : memref<8x2048x1024xf32, #tpu.memory_space<any>> -> memref<1x2048x1024xf32, #tpu.memory_space<any>>
      %dma_wait3A_85 = tpu.memref_squeeze %dma_wait3A_84 : memref<1x2048x1024xf32, #tpu.memory_space<any>> -> memref<2048x1024xf32, #tpu.memory_space<any>>
      tpu.wait_dma2 semaphore(%dma_wait3A_77 : memref<!tpu.dma_semaphore, #tpu.memory_space<semaphore_mem>>) src(%dma_wait3A_85 : memref<2048x1024xf32, #tpu.memory_space<any>>) dst(%dma_wait3A_81 : memref<2048x1024xf32, #tpu.memory_space<vmem>>)
      %dma_wait3A_86 = tpu.memref_slice %arg11[%get3A_1] : memref<2x!tpu.dma_semaphore, #tpu.memory_space<semaphore_mem>> -> memref<1x!tpu.dma_semaphore, #tpu.memory_space<semaphore_mem>>
      %dma_wait3A_87 = tpu.memref_squeeze %dma_wait3A_86 : memref<1x!tpu.dma_semaphore, #tpu.memory_space<semaphore_mem>> -> memref<!tpu.dma_semaphore, #tpu.memory_space<semaphore_mem>>
      %dma_wait3A_88 = arith.constant 0 : i32
      %dma_wait3A_89 = arith.constant 0 : i32
      %dma_wait3A_90 = tpu.memref_slice %arg10[%get3A_1, %dma_wait3A_88, %dma_wait3A_89] : memref<2x1024x2048xf32, #tpu.memory_space<vmem>> -> memref<1x1024x2048xf32, #tpu.memory_space<vmem>>
      %dma_wait3A_91 = tpu.memref_squeeze %dma_wait3A_90 : memref<1x1024x2048xf32, #tpu.memory_space<vmem>> -> memref<1024x2048xf32, #tpu.memory_space<vmem>>
      %dma_wait3A_92 = arith.constant 0 : i32
      %dma_wait3A_93 = arith.constant 0 : i32
      %dma_wait3A_94 = tpu.memref_slice %arg5[%get3A_13, %dma_wait3A_92, %dma_wait3A_93] : memref<8x1024x2048xf32, #tpu.memory_space<any>> -> memref<1x1024x2048xf32, #tpu.memory_space<any>>
      %dma_wait3A_95 = tpu.memref_squeeze %dma_wait3A_94 : memref<1x1024x2048xf32, #tpu.memory_space<any>> -> memref<1024x2048xf32, #tpu.memory_space<any>>
      tpu.wait_dma2 semaphore(%dma_wait3A_87 : memref<!tpu.dma_semaphore, #tpu.memory_space<semaphore_mem>>) src(%dma_wait3A_95 : memref<1024x2048xf32, #tpu.memory_space<any>>) dst(%dma_wait3A_91 : memref<1024x2048xf32, #tpu.memory_space<vmem>>)
    } else {
    }
    %eq3A_21 = arith.constant 1 : i32
    %eq3A_22 = arith.cmpi eq, %get3A_10, %eq3A_21 : i32
    %convert_element_type3A_23 = arith.extui %eq3A_22 : i1 to i32
    %cond3A_24 = arith.constant 0 : i32
    %cond3A_25 = arith.cmpi ne, %convert_element_type3A_23, %cond3A_24 : i32
    scf.if %cond3A_25 {
      %sub3A = arith.constant 1 : i32
      %sub3A_67 = arith.subi %sub3A, %get3A_1 : i32
      %dma_start3A = tpu.memref_slice %arg11[%sub3A_67] : memref<2x!tpu.dma_semaphore, #tpu.memory_space<semaphore_mem>> -> memref<1x!tpu.dma_semaphore, #tpu.memory_space<semaphore_mem>>
      %dma_start3A_68 = tpu.memref_squeeze %dma_start3A : memref<1x!tpu.dma_semaphore, #tpu.memory_space<semaphore_mem>> -> memref<!tpu.dma_semaphore, #tpu.memory_space<semaphore_mem>>
      %dma_start3A_69 = arith.constant 0 : i32
      %dma_start3A_70 = arith.constant 0 : i32
      %dma_start3A_71 = tpu.memref_slice %arg8[%sub3A_67, %dma_start3A_69, %dma_start3A_70] : memref<2x2048x1024xf32, #tpu.memory_space<vmem>> -> memref<1x2048x1024xf32, #tpu.memory_space<vmem>>
      %dma_start3A_72 = tpu.memref_squeeze %dma_start3A_71 : memref<1x2048x1024xf32, #tpu.memory_space<vmem>> -> memref<2048x1024xf32, #tpu.memory_space<vmem>>
      %dma_start3A_73 = arith.constant 0 : i32
      %dma_start3A_74 = arith.constant 0 : i32
      %dma_start3A_75 = tpu.memref_slice %arg3[%get3A_7, %dma_start3A_73, %dma_start3A_74] : memref<8x2048x1024xf32, #tpu.memory_space<any>> -> memref<1x2048x1024xf32, #tpu.memory_space<any>>
      %dma_start3A_76 = tpu.memref_squeeze %dma_start3A_75 : memref<1x2048x1024xf32, #tpu.memory_space<any>> -> memref<2048x1024xf32, #tpu.memory_space<any>>
      tpu.enqueue_dma source(%dma_start3A_76 : memref<2048x1024xf32, #tpu.memory_space<any>>) target(%dma_start3A_72 : memref<2048x1024xf32, #tpu.memory_space<vmem>>) target_semaphore(%dma_start3A_68 : memref<!tpu.dma_semaphore, #tpu.memory_space<semaphore_mem>>)
      %dma_start3A_77 = tpu.memref_slice %arg11[%sub3A_67] : memref<2x!tpu.dma_semaphore, #tpu.memory_space<semaphore_mem>> -> memref<1x!tpu.dma_semaphore, #tpu.memory_space<semaphore_mem>>
      %dma_start3A_78 = tpu.memref_squeeze %dma_start3A_77 : memref<1x!tpu.dma_semaphore, #tpu.memory_space<semaphore_mem>> -> memref<!tpu.dma_semaphore, #tpu.memory_space<semaphore_mem>>
      %dma_start3A_79 = arith.constant 0 : i32
      %dma_start3A_80 = arith.constant 0 : i32
      %dma_start3A_81 = tpu.memref_slice %arg9[%sub3A_67, %dma_start3A_79, %dma_start3A_80] : memref<2x2048x1024xf32, #tpu.memory_space<vmem>> -> memref<1x2048x1024xf32, #tpu.memory_space<vmem>>
      %dma_start3A_82 = tpu.memref_squeeze %dma_start3A_81 : memref<1x2048x1024xf32, #tpu.memory_space<vmem>> -> memref<2048x1024xf32, #tpu.memory_space<vmem>>
      %dma_start3A_83 = arith.constant 0 : i32
      %dma_start3A_84 = arith.constant 0 : i32
      %dma_start3A_85 = tpu.memref_slice %arg4[%get3A_7, %dma_start3A_83, %dma_start3A_84] : memref<8x2048x1024xf32, #tpu.memory_space<any>> -> memref<1x2048x1024xf32, #tpu.memory_space<any>>
      %dma_start3A_86 = tpu.memref_squeeze %dma_start3A_85 : memref<1x2048x1024xf32, #tpu.memory_space<any>> -> memref<2048x1024xf32, #tpu.memory_space<any>>
      tpu.enqueue_dma source(%dma_start3A_86 : memref<2048x1024xf32, #tpu.memory_space<any>>) target(%dma_start3A_82 : memref<2048x1024xf32, #tpu.memory_space<vmem>>) target_semaphore(%dma_start3A_78 : memref<!tpu.dma_semaphore, #tpu.memory_space<semaphore_mem>>)
      %dma_start3A_87 = tpu.memref_slice %arg11[%sub3A_67] : memref<2x!tpu.dma_semaphore, #tpu.memory_space<semaphore_mem>> -> memref<1x!tpu.dma_semaphore, #tpu.memory_space<semaphore_mem>>
      %dma_start3A_88 = tpu.memref_squeeze %dma_start3A_87 : memref<1x!tpu.dma_semaphore, #tpu.memory_space<semaphore_mem>> -> memref<!tpu.dma_semaphore, #tpu.memory_space<semaphore_mem>>
      %dma_start3A_89 = arith.constant 0 : i32
      %dma_start3A_90 = arith.constant 0 : i32
      %dma_start3A_91 = tpu.memref_slice %arg10[%sub3A_67, %dma_start3A_89, %dma_start3A_90] : memref<2x1024x2048xf32, #tpu.memory_space<vmem>> -> memref<1x1024x2048xf32, #tpu.memory_space<vmem>>
      %dma_start3A_92 = tpu.memref_squeeze %dma_start3A_91 : memref<1x1024x2048xf32, #tpu.memory_space<vmem>> -> memref<1024x2048xf32, #tpu.memory_space<vmem>>
      %dma_start3A_93 = arith.constant 0 : i32
      %dma_start3A_94 = arith.constant 0 : i32
      %dma_start3A_95 = tpu.memref_slice %arg5[%get3A_7, %dma_start3A_93, %dma_start3A_94] : memref<8x1024x2048xf32, #tpu.memory_space<any>> -> memref<1x1024x2048xf32, #tpu.memory_space<any>>
      %dma_start3A_96 = tpu.memref_squeeze %dma_start3A_95 : memref<1x1024x2048xf32, #tpu.memory_space<any>> -> memref<1024x2048xf32, #tpu.memory_space<any>>
      tpu.enqueue_dma source(%dma_start3A_96 : memref<1024x2048xf32, #tpu.memory_space<any>>) target(%dma_start3A_92 : memref<1024x2048xf32, #tpu.memory_space<vmem>>) target_semaphore(%dma_start3A_88 : memref<!tpu.dma_semaphore, #tpu.memory_space<semaphore_mem>>)
    } else {
    }
    %get3A_26 = arith.constant 0 : index
    %get3A_27 = arith.constant 0 : index
    %get3A_28 = vector.load %arg2[%get3A_26, %get3A_27] : memref<256x1024xf32, #tpu.memory_space<vmem>>, vector<256x1024xf32>
    %convert_element_type3A_29 = arith.truncf %get3A_28 : vector<256x1024xf32> to vector<256x1024xbf16>
    %get3A_30 = arith.index_cast %get3A_1 : i32 to index
    %get3A_31 = arith.constant 0 : index
    %get3A_32 = arith.constant 0 : index
    %get3A_33 = vector.load %arg8[%get3A_30, %get3A_31, %get3A_32] : memref<2x2048x1024xf32, #tpu.memory_space<vmem>>, vector<1x2048x1024xf32>
    %get3A_34 = vector.shape_cast %get3A_33 : vector<1x2048x1024xf32> to vector<2048x1024xf32>
    %convert_element_type3A_35 = arith.truncf %get3A_34 : vector<2048x1024xf32> to vector<2048x1024xbf16>
    %dot_general3A = arith.constant dense<0.000000e+00> : vector<256x2048xf32>
    %dot_general3A_36 = tpu.matmul %convert_element_type3A_29, %convert_element_type3A_35, %dot_general3A {dimension_numbers = #tpu.dot_dimension_numbers<[1], [1], [0], [0], [0, 0, 1, 0], [], []>, transpose_lhs_hint = false} : vector<256x1024xbf16>, vector<2048x1024xbf16>, vector<256x2048xf32> -> vector<256x2048xf32>
    %get3A_37 = arith.index_cast %get3A_1 : i32 to index
    %get3A_38 = arith.constant 0 : index
    %get3A_39 = arith.constant 0 : index
    %get3A_40 = vector.load %arg9[%get3A_37, %get3A_38, %get3A_39] : memref<2x2048x1024xf32, #tpu.memory_space<vmem>>, vector<1x2048x1024xf32>
    %get3A_41 = vector.shape_cast %get3A_40 : vector<1x2048x1024xf32> to vector<2048x1024xf32>
    %convert_element_type3A_42 = arith.truncf %get3A_41 : vector<2048x1024xf32> to vector<2048x1024xbf16>
    %dot_general3A_43 = arith.constant dense<0.000000e+00> : vector<256x2048xf32>
    %dot_general3A_44 = tpu.matmul %convert_element_type3A_29, %convert_element_type3A_42, %dot_general3A_43 {dimension_numbers = #tpu.dot_dimension_numbers<[1], [1], [0], [0], [0, 0, 1, 0], [], []>, transpose_lhs_hint = false} : vector<256x1024xbf16>, vector<2048x1024xbf16>, vector<256x2048xf32> -> vector<256x2048xf32>
    %logistic3A = arith.negf %dot_general3A_36 : vector<256x2048xf32>
    %logistic3A_45 = math.exp %logistic3A : vector<256x2048xf32>
    %logistic3A_46 = arith.constant 1.000000e+00 : f32
    %logistic3A_47 = vector.broadcast %logistic3A_46 : f32 to vector<256x2048xf32>
    %logistic3A_48 = arith.addf %logistic3A_47, %logistic3A_45 : vector<256x2048xf32>
    %logistic3A_49 = arith.divf %logistic3A_47, %logistic3A_48 : vector<256x2048xf32>
    %mul3A = arith.mulf %dot_general3A_36, %logistic3A_49 : vector<256x2048xf32>
    %mul3A_50 = arith.mulf %mul3A, %dot_general3A_44 : vector<256x2048xf32>
    %convert_element_type3A_51 = arith.truncf %mul3A_50 : vector<256x2048xf32> to vector<256x2048xbf16>
    %get3A_52 = arith.index_cast %get3A_1 : i32 to index
    %get3A_53 = arith.constant 0 : index
    %get3A_54 = arith.constant 0 : index
    %get3A_55 = vector.load %arg10[%get3A_52, %get3A_53, %get3A_54] : memref<2x1024x2048xf32, #tpu.memory_space<vmem>>, vector<1x1024x2048xf32>
    %get3A_56 = vector.shape_cast %get3A_55 : vector<1x1024x2048xf32> to vector<1024x2048xf32>
    %convert_element_type3A_57 = arith.truncf %get3A_56 : vector<1024x2048xf32> to vector<1024x2048xbf16>
    %dot_general3A_58 = arith.constant dense<0.000000e+00> : vector<256x1024xf32>
    %dot_general3A_59 = tpu.matmul %convert_element_type3A_51, %convert_element_type3A_57, %dot_general3A_58 {dimension_numbers = #tpu.dot_dimension_numbers<[1], [1], [0], [0], [0, 0, 1, 0], [], []>, transpose_lhs_hint = false} : vector<256x2048xbf16>, vector<1024x2048xbf16>, vector<256x1024xf32> -> vector<256x1024xf32>
    %get3A_60 = arith.constant 0 : index
    %get3A_61 = arith.constant 0 : index
    %get3A_62 = vector.load %arg6[%get3A_60, %get3A_61] : memref<256x128xf32, #tpu.memory_space<vmem>>, vector<256x1xf32>
    %mul3A_63 = vector.broadcast %get3A_62 : vector<256x1xf32> to vector<256x1024xf32>
    %mul3A_64 = arith.mulf %dot_general3A_59, %mul3A_63 : vector<256x1024xf32>
    %swap3A = arith.constant 0 : index
    %swap3A_65 = arith.constant 0 : index
    %swap3A_66 = vector.load %arg7[%swap3A, %swap3A_65] : memref<256x1024xf32, #tpu.memory_space<vmem>>, vector<256x1024xf32>
    tpu.vector_store %arg7[%swap3A, %swap3A_65], %mul3A_64 {strides = array<i32>} : memref<256x1024xf32, #tpu.memory_space<vmem>>, vector<256x1024xf32>,
    return
  }
  func.func @transform_0(%arg0: i32, %arg1: memref<5x24xi32, #tpu.memory_space<smem>>) -> (i32, i32) {
    %c0_i32 = arith.constant 0 : i32
    %c0_i32_0 = arith.constant 0 : i32
    return %arg0, %c0_i32 : i32, i32
  }
  func.func @transform_4(%arg0: i32, %arg1: memref<5x24xi32, #tpu.memory_space<smem>>) -> (i32, i32) {
    %c0_i32 = arith.constant 0 : i32
    %c0_i32_0 = arith.constant 0 : i32
    return %arg0, %c0_i32 : i32, i32
  }
  func.func @transform_5(%arg0: i32, %arg1: memref<5x24xi32, #tpu.memory_space<smem>>) -> (i32, i32) {
    %c0_i32 = arith.constant 0 : i32
    %c0_i32_0 = arith.constant 0 : i32
    return %arg0, %c0_i32 : i32, i32
  }
}

</mosaic_0001>

<sc_bundles>
// kernel: kernel.6.cloned.1.call-start
scs
__scs_entry_jumppad:
0x0: {  	(pc) =	sbr.rel $0x88, $3  }
0x1: {  	(tag) =	ssettag $0x0;
	lr =	simm.s32 $0x1  }
0x2: {  	[smem:$0x3F9B] =	sst lr;
	_ =	strace $0xD0000000  }
0x3: {  	_ = 	snop  }
0x4: {  	_ = 	snop  }
0x5: {  	_ = 	snop  }
0x6: {  	_ = 	snop  }
0x7: {  	_ = 	snop  }
__scs_overlays_trampoline_lowered:
0x8: {  	[smem:$0x3FAA] =	sst s0  }
0x9: {  	[smem:$0x3FAB] =	sst s1  }
0xa: {  	[smem:$0x3FAC] =	sst s2  }
0xb: {  	[smem:$0x3FAD] =	sst s3  }
0xc: {  	[smem:$0x3FAE] =	sst s4  }
0xd: {  	[smem:$0x3FAF] =	sst s5  }
0xe: {  	[smem:$0x3FB0] =	sst s6  }
0xf: {  	[smem:$0x3FB1] =	sst s7  }
0x10: {  	[smem:$0x3FB2] =	sst s8  }
0x11: {  	[smem:$0x3FB3] =	sst s9;
	s0 =	simm.s32 @!p0 $0x0  }
0x12: {  	s1 =	sld [smem:$0x3F99];
	s0 =	simm.s32 @p0 $0x1  }
0x13: {  	[smem:$0x3FB4] =	sst s0;
	s0 =	simm.s32 @!p1 $0x0  }
0x14: {  	s2 =	sld [smem:$0x3F98];
	s0 =	simm.s32 @p1 $0x1  }
0x15: {  	[smem:$0x3FB5] =	sst s0;
	s0 =	simm.s32 @!p2 $0x0  }
0x16: {  	s3 =	sld [smem:$0x3FDB];
	s0 =	simm.s32 @p2 $0x1  }
0x17: {  	s4 =	simm.s32 $0x1BF5;
	[smem:$0x3FB7] =	sst s0  }
0x18: {  	s0 =	sld [smem:$0x3F9A];
	_ =	swait.ge [sflag:s4], $0x0  }
0x19: {  	s7 =	sld [smem:$0x3F9B]  }
0x1a: {  	s8 =	sadd.s32 $0xFFFFE003, lr  }
0x1b: {  	s9 =	sadd.s32 $0xFFFFFEF7, lr;
	s5 =	simm.s32 $0xFFFFFFFF;
	p2 =	slt.u32 s8, $0xFFFFF086  }
0x1c: {  	p1 =	slt.u32 s9, $0xF7A;
	s5 =	simm.s32 @!p2 $0x0  }
0x1d: {  	s5 =	simm.s32 @p1 $0x1;
	p0 =	seq.s32 s7, s2  }
0x1e: {  	s7 =	smul.u32 @!p0 $0xF7A, s2;
	p2 =	seq.s32 @!p0 s5, $0x0  }
0x1f: {  	s9 =	smul.u32 $0xF7A, s1;
	s8 =	simm.s32 @!p0 $0x1BF5;
	p2 =	por !p2, p0  }
0x20: {  	[sflag:s8] =	ssyncset.s32 @!p0 $0xFFFFF086;
	s6 =	sadd.s32 @!p0 s3, s7;
	s7 =	simm.s32 @!p0 $0x108  }
0x21: {  	s3 =	sadd.s32 s3, s9;
	s6 =	sadd.s32 @!p0 $0x88, s6;
	s7 =	simm.s32 @p2 $0x1082  }
0x22: {  	[simem:s7], [sflag:s8] =	dma.local @!p0 [hbm:s6], $0xF7A  }
0x23: {  	s9 =	sor.u32 $0xD0000000, s2;
	s6 =	simm.s32 $0x108;
	_ =	swait.ge @!p0 [sflag:s8], $0x0  }
0x24: {  	s3 =	sadd.s32 $0x88, s3;
	s6 =	simm.s32 @!p1 $0x1082;
	[sflag:s4] =	ssyncset.s32 $0xFFFFF086  }
0x25: {  	[simem:s6], [sflag:s4] =	dma.local [hbm:s3], $0xF7A  }
0x26: {  	[smem:$0x3F9B] =	sst s1;
	(tag) =	ssettag s2;
	_ =	strace s9  }
0x27: {  	s1 =	sld [smem:$0x3FAB]  }
0x28: {  	s2 =	sld [smem:$0x3FAC]  }
0x29: {  	s4 =	sld [smem:$0x3FAE]  }
0x2a: {  	p0 =	seq.s32 s5, $0x0;
	s5 =	sld [smem:$0x3FAF]  }
0x2b: {  	s6 =	sld [smem:$0x3FB0]  }
0x2c: {  	s7 =	sld [smem:$0x3FB1]  }
0x2d: {  	s3 =	simm.s32 $0x108;
	s8 =	sld [smem:$0x3FB2]  }
0x2e: {  	s3 =	simm.s32 @!p0 $0x1082;
	s9 =	sld [smem:$0x3FB3]  }
0x2f: {  	lr =	sadd.s32 s0, s3;
	s0 =	sld [smem:$0x3FAA]  }
0x30: {  	s3 =	sld [smem:$0x3FAD]  }
0x31: {  	[smem:$0x3FB6] =	sst s10  }
0x32: {  	s10 =	sld [smem:$0x3FB4];
	_ =	sdelay $0x3  }
0x33: {  	p0 =	seq.s32 s10, $0x1;
	s10 =	sld [smem:$0x3FB6];
	_ =	sdelay $0x3  }
0x34: {  	[smem:$0x3FB6] =	sst s10  }
0x35: {  	s10 =	sld [smem:$0x3FB5];
	_ =	sdelay $0x3  }
0x36: {  	p1 =	seq.s32 s10, $0x1;
	s10 =	sld [smem:$0x3FB6];
	_ =	sdelay $0x3  }
0x37: {  	[smem:$0x3FB6] =	sst s10  }
0x38: {  	s10 =	sld [smem:$0x3FB7]  }
0x39: {  	_ = 	snop;
	(pc) =	sbr.ind lr, $3  }
0x3a: {  	_ = 	snop  }
0x3b: {  	_ = 	snop  }
0x3c: {  	p2 =	seq.s32 s10, $0x1;
	s10 =	sld [smem:$0x3FB6]  }
0x3d: {  	_ =	shalt  }
0x3e: {  	_ =	shalt  }
0x3f: {  	_ =	shalt  }
0x40: {  	_ =	shalt  }
0x41: {  	_ =	shalt  }
0x42: {  	_ =	shalt  }
0x43: {  	_ =	shalt  }
0x44: {  	_ =	shalt  }
0x45: {  	_ =	shalt  }
0x46: {  	_ =	shalt  }
0x47: {  	_ =	shalt  }
0x48: {  	_ =	shalt  }
0x49: {  	_ =	shalt  }
0x4a: {  	_ =	shalt  }
0x4b: {  	_ =	shalt  }
0x4c: {  	_ =	shalt  }
0x4d: {  	_ =	shalt  }
0x4e: {  	_ =	shalt  }
0x4f: {  	_ =	shalt  }
0x50: {  	_ =	shalt  }
0x51: {  	_ =	shalt  }
0x52: {  	_ =	shalt  }
0x53: {  	_ =	shalt  }
0x54: {  	_ =	shalt  }
0x55: {  	_ =	shalt  }
0x56: {  	_ =	shalt  }
0x57: {  	_ =	shalt  }
0x58: {  	_ =	shalt  }
0x59: {  	_ =	shalt  }
0x5a: {  	_ =	shalt  }
0x5b: {  	_ =	shalt  }
0x5c: {  	_ =	shalt  }
0x5d: {  	_ =	shalt  }
0x5e: {  	_ =	shalt  }
0x5f: {  	_ =	shalt  }
0x60: {  	_ =	shalt  }
0x61: {  	_ =	shalt  }
0x62: {  	_ =	shalt  }
0x63: {  	_ =	shalt  }
0x64: {  	_ =	shalt  }
0x65: {  	_ =	shalt  }
0x66: {  	_ =	shalt  }
0x67: {  	_ =	shalt  }
0x68: {  	_ =	shalt  }
0x69: {  	_ =	shalt  }
0x6a: {  	_ =	shalt  }
0x6b: {  	_ =	shalt  }
0x6c: {  	_ =	shalt  }
0x6d: {  	_ =	shalt  }
0x6e: {  	_ =	shalt  }
0x6f: {  	_ =	shalt  }
0x70: {  	_ =	shalt  }
0x71: {  	_ =	shalt  }
0x72: {  	_ =	shalt  }
0x73: {  	_ =	shalt  }
0x74: {  	_ =	shalt  }
0x75: {  	_ =	shalt  }
0x76: {  	_ =	shalt  }
0x77: {  	_ =	shalt  }
0x78: {  	_ =	shalt  }
0x79: {  	_ =	shalt  }
0x7a: {  	_ =	shalt  }
0x7b: {  	_ =	shalt  }
0x7c: {  	_ =	shalt  }
0x7d: {  	_ =	shalt  }
0x7e: {  	_ =	shalt  }
0x7f: {  	_ =	shalt  }
0x80: {  	_ =	shalt  }
0x81: {  	_ =	shalt  }
0x82: {  	_ =	shalt  }
0x83: {  	_ =	shalt  }
0x84: {  	_ =	shalt  }
0x85: {  	_ =	shalt  }
0x86: {  	_ =	shalt  }
0x87: {  	_ =	shalt  }
.Lfunc_end0:
.L_simem_size_0:
called_computation_lowered:
.L_overlay_start_0:
0x88: {  	s2 =	sld [smem:$0x3FD9]  }
0x89: {  	s3 =	sld [smem:$0x3FFE];
	_ =	sdelay $0x1  }
0x8a: {  	s1 =	srdreg.scid  }
0x8b: {  	s0 =	sand.u32 $0x1, s1  }
0x8c: {  	s17 =	sshll.u32 s0, $0xA;
	s2 =	sadd.s32 s3, s2  }
0x8d: {  	s2 =	sadd.s32 s2, s17  }
0x8e: {  	[smem:$0x3FC2] =	sst s2  }
0x8f: {  	_ = 	snop  }
0x90: {  	s2 =	sld [smem:$0x3FC9]  }
0x91: {  	s18 =	sld [smem:$0x3FD0];
	(tm) =	ssettm $0x1  }
0x92: {  	s4 =	sld [smem:$0x3FFB];
	_ =	sdelay $0x3  }
0x93: {  	_ =	strace s4  }
0x94: {  	s4 =	sld [smem:$0x3FFC];
	_ =	sdelay $0x3  }
0x95: {  	_ =	strace s4  }
0x96: {  	s4 =	sld [smem:$0x3FFD];
	_ =	sdelay $0x3  }
0x97: {  	_ =	strace s4  }
0x98: {  	_ =	strace $0x8FFFFFFF  }
0x99: {  	s19 =	sld [smem:$0x3FDB];
	_ =	sdelay $0x1  }
0x9a: {  	s5 =	simm.s32 $_scs_section_size  }
0x9b: {  	s6 =	simm.s32 $_size__tile_overlayer_lowered;
	s7 =	simm.s32 $_tile_overlayer_lowered  }
0x9c: {  	s22 =	simm.s32 $0x1BFF;
	s21 =	sshll.u32 s7, $0x1;
	s4 =	sadd.s32 s5, s19  }
0x9d: {  	s8 =	simm.s32 $0x0;
	s20 =	sshll.u32 s6, $0x1;
	s6 =	sadd.s32 s21, s4  }
0x9e: {  	[timem:s8], [sflag:s22] =	dma.local [hbm:s6], s20  }
0x9f: {  	_ =	swait.ge [sflag:s22], s20  }
0xa0: {  	s5 =	ssub.s32 $0x0, s20;
	[sflag:s22] =	ssyncset.done $0x0  }
0xa1: {  	[sflag:s22] =	ssyncadd.s32 s5;
	_ =	sdelay $0x1  }
0xa2: {  	s23 =	simm.s32 $0x1B8B  }
0xa3: {  	_ =	swait.ge [sflag:s23], $0x1  }
0xa4: {  	[sflag:s23] =	ssyncset.done $0x0  }
0xa5: {  	s25 =	simm.s32 $0x1B8E;
	s24 =	sld [smem:$0x3FFE];
	[sflag:s23] =	ssyncadd.s32 $0xFFFFFFFF  }
0xa6: {  	s26 =	simm.s32 $execute0_lowered;
	[smem:$0x3FD2] =	sst s25  }
0xa7: {  	s6 =	sshll.u32 s26, $0x1;
	_ =	strace $0x80000046;
	[dreg:$0x1] =	wrdreg $0xFFFFFFFF  }
0xa8: {  	s28 =	simm.s32 $_size_execute0_lowered;
	s4 =	sadd.s32 s4, s6;
	[dreg:$0x0] =	wrdreg $0x0  }
0xa9: {  	s6 =	sshll.u32 s28, $0x1;
	[dreg:$0x2] =	wrdreg s4  }
0xaa: {  	[dreg:$0x3] =	wrdreg s6  }
0xab: {  	[dreg:$0x4] =	wrdreg $0xC0  }
0xac: {  	_ =	task [dreg:s8], $0x5FFFF  }
0xad: {  	[dreg:$0x1] =	wrdreg $0xFFFFFFFF  }
0xae: {  	[dreg:$0x0] =	wrdreg $0x60  }
0xaf: {  	[dreg:$0x2] =	wrdreg s2  }
0xb0: {  	[dreg:$0x3] =	wrdreg s24  }
0xb1: {  	[dreg:$0x4] =	wrdreg s18  }
0xb2: {  	[dreg:$0x5] =	wrdreg $0x9  }
0xb3: {  	_ =	task.clear_ibuf [dreg:s8], $0x6FFFF;
	_ =	strace $0x90000046  }
0xb4: {  	s29 =	simm.s32 $0x9;
	_ =	strace $0x80000048  }
0xb5: {  	_ =	swait.ge [sflag:s29], $0x1  }
0xb6: {  	[sflag:s29] =	ssyncadd.s32 $0xFFFFFFFF  }
0xb7: {  	_ =	strace $0x90000048  }
0xb8: {  	_ =	sfence  }
0xb9: {  	s30 =	sld [smem:$0x0];
	_ =	sdelay $0x2  }
0xba: {  	s31 =	sshll.u32 s1, $0xD;
	s1 =	sshrl.u32 s1, $0x2  }
0xbb: {  	s3 =	sand.u32 $0x4000, s31;
	s1 =	sadd.s32 s1, s30  }
0xbc: {  	s0 =	sor.u32 s3, s0;
	s1 =	sshll.u32 s1, $0x11  }
0xbd: {  	s0 =	sor.u32 s1, s0  }
0xbe: {  	s0 =	sadd.s32 $0x8F2B, s0  }
0xbf: {  	[sflag:s0] =	ssyncadd.remote.s32 $0x1  }
0xc0: {  	_ =	sfence.sel $0xFFFF  }
0xc1: {  	[dreg:$0x0] =	wrdreg $0xFFFFFFFF;
	(pc) =	sbr.abs _section_cstart, $3  }
0xc2: {  	[dreg:$0x1] =	wrdreg $0xFFFFFFFF  }
0xc3: {  	_ =	task.clear_ibuf [dreg:s8], $0x2FFFF;
	_ =	strace $0x9FFFFFFF  }
0xc4: {  	(tm) =	ssettm $0x7FFFFFFF  }
0xc5: {  	_ =	shalt  }
tec
execute0_lowered:
.L_overlay_start_1:
0x0: {  	(tag) =	ssettag $0x1  }
0x1: {  	s0 =	rddreg [dreg:$0x0];
	s1 =	srdreg.scid  }
0x2: {  	s2 =	rddreg [dreg:$0x1];
	s3 =	stileid.u32  }
0x3: {  	s9 =	simm.s32 $0x2;
	s29 =	simm.s32 $0x1000;
	s30 =	simm.s32 $0x1800  }
0x4: {  	s31 =	simm.s32 $0x2000;
	s10 =	simm.s32 $0x4000;
	s11 =	simm.s32 $0x4800  }
0x5: {  	s12 =	simm.s32 $0x5000;
	s13 =	simm.s32 $0x5800;
	s14 =	simm.s32 $0x6000  }
0x6: {  	s15 =	simm.s32 $0x6800;
	s16 =	simm.s32 $0x7000;
	s17 =	simm.s32 $0x7800  }
0x7: {  	s18 =	simm.s32 $0x8000;
	s19 =	simm.s32 $0x8800;
	s20 =	simm.s32 $0x9000  }
0x8: {  	s21 =	simm.s32 $0x9800;
	s28 =	simm.s32 $0xB800;
	s1 =	sand.u32 $0x1, s1  }
0x9: {  	s4 =	sshll.u32 s3, $0x7;
	s3 =	simm.s32 $0x0;
	s7 =	sadd.s32 $0x10B00, s2  }
0xa: {  	s5 =	sshll.u32 s1, $0x6;
	[smem:$0x7FF] =	sst s3;
	s1 =	ssub.s32 $0x2, s1  }
0xb: {  	s4 =	sor.u32 s5, s4;
	_ =	strace $0x80000047;
	s25 =	sshrl.u32 s1, $0x1  }
0xc: {  	s5 =	sshrl.u32 s4, $0x3;
	s6 =	sshll.u32 s4, $0x7;
	s4 =	sshll.u32 s4, $0x4  }
0xd: {  	s1 =	ssub.s32 s1, s25;
	s5 =	sadd.s32 s5, s2;
	s0 =	sadd.s32 s0, s6  }
0xe: {  	s25 =	simm.s32 $0xA800;
	[dreg:$0x4] =	wrdreg s0;
	s22 =	sadd.s32 $0x10400, s5  }
0xf: {  	s4 =	sadd.s32 s4, s2;
	s23 =	sadd.s32 $0x10600, s5;
	[dreg:$0x5] =	wrdreg s22  }
0x10: {  	s6 =	sadd.s32 $0x10A00, s2;
	s24 =	sadd.s32 $0x400, s4;
	[dreg:$0x6] =	wrdreg s23  }
0x11: {  	v2 =	vlaneseq.u32;
	s8 =	smax.u32 s1, $0x1;
	s26 =	sadd.s32 $0x8400, s4;
	[dreg:$0x7] =	wrdreg s24  }
0x12: {  	vm0 =	vmmov $0xffff;
	v1 =	vshrl.u32 v2, $0x3;
	s4 =	sadd.s32 $0x10800, s2;
	s5 =	sadd.s32 $0x10900, s2;
	[dreg:$0x8] =	wrdreg s26  }
0x13: {  	v0 =	vand.u32 $0x7, v2;
	v2 =	vor.u32 $0x8, v2;
	v1 =	vmul.u32 $0x8, v1;
	s22 =	simm.s32 $0x1;
	s24 =	simm.s32 $0xA000;
	s26 =	simm.s32 $0xB000  }
.LBB2_1:
0x14: {  	s23 =	rddreg [dreg:$0x4]  }
0x15: {  	[tilespmem:s3], [sflag:$0x2] =	stream.linear.gather [hbm4b:s23+s3], $0x10000, $0x38;
	[tilespmem:$0x14100] =	vst v63  }
0x16: {  	_ =	swait.ge [sflag:s9], $0x10000  }
0x17: {  	[sflag:s9] =	ssyncset.done $0x0  }
0x18: {  	s0 =	simm.s32 $0x14000;
	s2 =	rddreg [dreg:$0x5];
	[sflag:s9] =	ssyncadd.s32 $0xFFFF0000  }
0x19: {  	[tilespmem:s0], [sflag:$0x2] =	stream.linear.gather [hbm4b:s2+s3], $0x40, $0x38;
	[tilespmem:$0x14100] =	vst v63  }
0x1a: {  	_ =	swait.ge [sflag:s9], $0x40  }
0x1b: {  	[sflag:s9] =	ssyncset.done $0x0  }
0x1c: {  	s2 =	simm.s32 $0x14080;
	s1 =	rddreg [dreg:$0x6];
	[sflag:s9] =	ssyncadd.s32 $0xFFFFFFC0  }
0x1d: {  	[tilespmem:s2], [sflag:$0x2] =	stream.linear.gather [hbm4b:s1+s3], $0x40, $0x38;
	[tilespmem:$0x14100] =	vst v63  }
0x1e: {  	_ =	swait.ge [sflag:s9], $0x40  }
0x1f: {  	[sflag:s9] =	ssyncset.done $0x0  }
0x20: {  	s2 =	simm.s32 $0x10000;
	s1 =	rddreg [dreg:$0x7];
	[sflag:s9] =	ssyncadd.s32 $0xFFFFFFC0  }
0x21: {  	[tilespmem:s2], [sflag:$0x2] =	stream.linear.gather [hbm4b:s1+s3], $0x2000, $0x38;
	[tilespmem:$0x14100] =	vst v63  }
0x22: {  	_ =	swait.ge [sflag:s9], $0x2000  }
0x23: {  	[sflag:s9] =	ssyncset.done $0x0  }
0x24: {  	s1 =	simm.s32 $0x12000;
	s0 =	rddreg [dreg:$0x8];
	[sflag:s9] =	ssyncadd.s32 $0xFFFFE000  }
0x25: {  	[tilespmem:s1], [sflag:$0x2] =	stream.linear.gather [hbm4b:s0+s3], $0x2000, $0x38;
	[tilespmem:$0x14100] =	vst v63  }
0x26: {  	_ =	swait.ge [sflag:s9], $0x2000  }
0x27: {  	[sflag:s9] =	ssyncset.done $0x0  }
0x28: {  	[sflag:s9] =	ssyncadd.s32 $0xFFFFE000  }
0x29: {  	v3 =	vld [tilespmem:$0x14000];
	_ =	sdelay $0x4  }
0x2a: {  	v4 =	vshll.u32 v3, $0x3  }
0x2b: {  	v3 =	vand.u32 $0x7, v3;
	v4 =	vand.u32 $0xFFFFFFC0, v4  }
0x2c: {  	v3 =	vor.u32 v3, v4  }
0x2d: {  	v4 =	vperm.xlane v3, v0;
	_ =	sdelay $0x1  }
0x2e: {  	v4 =	vadd.s32 v1, v4;
	_ =	sdelay $0x4  }
0x2f: {  	[hbm4b:s4+s3] =	stream.indirect_vreg.scatter [tilespmem:s3], [sflag:$0x1], $0x80, v4, vm0, $0xb8;
	[tilespmem:$0x14100] =	vst v63  }
0x30: {  	s23 =	simm.s32 $0x800;
	v3 =	vperm.xlane v3, v2  }
0x31: {  	[hbm4b:s5+s3] =	stream.indirect_vreg.scatter [tilespmem:s23], [sflag:$0x1], $0x80, v4, vm0, $0xb8;
	[tilespmem:$0x14100] =	vst v63  }
0x32: {  	v3 =	vadd.s32 v1, v3  }
0x33: {  	[hbm4b:s6+s3] =	stream.indirect_vreg.scatter [tilespmem:s29], [sflag:$0x1], $0x80, v4, vm0, $0xb8;
	[tilespmem:$0x14100] =	vst v63  }
0x34: {  	_ = 	snop  }
0x35: {  	[hbm4b:s7+s3] =	stream.indirect_vreg.scatter [tilespmem:s30], [sflag:$0x1], $0x80, v4, vm0, $0xb8;
	[tilespmem:$0x14100] =	vst v63  }
0x36: {  	_ = 	snop  }
0x37: {  	[hbm4b:s4+s3] =	stream.indirect_vreg.scatter [tilespmem:s31], [sflag:$0x1], $0x80, v3, vm0, $0xb8;
	[tilespmem:$0x14100] =	vst v63  }
0x38: {  	s1 =	simm.s32 $0x2800  }
0x39: {  	[hbm4b:s5+s3] =	stream.indirect_vreg.scatter [tilespmem:s1], [sflag:$0x1], $0x80, v3, vm0, $0xb8;
	[tilespmem:$0x14100] =	vst v63  }
0x3a: {  	s2 =	simm.s32 $0x3000  }
0x3b: {  	[hbm4b:s6+s3] =	stream.indirect_vreg.scatter [tilespmem:s2], [sflag:$0x1], $0x80, v3, vm0, $0xb8;
	[tilespmem:$0x14100] =	vst v63  }
0x3c: {  	s2 =	simm.s32 $0x3800  }
0x3d: {  	[hbm4b:s7+s3] =	stream.indirect_vreg.scatter [tilespmem:s2], [sflag:$0x1], $0x80, v3, vm0, $0xb8;
	[tilespmem:$0x14100] =	vst v63  }
0x3e: {  	v3 =	vld [tilespmem:$0x14010];
	_ =	sdelay $0x4  }
0x3f: {  	v57 =	vshll.u32 v3, $0x3  }
0x40: {  	v3 =	vand.u32 $0x7, v3;
	v4 =	vand.u32 $0xFFFFFFC0, v57  }
0x41: {  	v3 =	vor.u32 v3, v4  }
0x42: {  	v4 =	vperm.xlane v3, v0;
	_ =	sdelay $0x1  }
0x43: {  	v4 =	vadd.s32 v1, v4;
	_ =	sdelay $0x4  }
0x44: {  	[hbm4b:s4+s3] =	stream.indirect_vreg.scatter [tilespmem:s10], [sflag:$0x1], $0x80, v4, vm0, $0xb8;
	[tilespmem:$0x14100] =	vst v63  }
0x45: {  	v3 =	vperm.xlane v3, v2  }
0x46: {  	[hbm4b:s5+s3] =	stream.indirect_vreg.scatter [tilespmem:s11], [sflag:$0x1], $0x80, v4, vm0, $0xb8;
	[tilespmem:$0x14100] =	vst v63  }
0x47: {  	v3 =	vadd.s32 v1, v3  }
0x48: {  	[hbm4b:s6+s3] =	stream.indirect_vreg.scatter [tilespmem:s12], [sflag:$0x1], $0x80, v4, vm0, $0xb8;
	[tilespmem:$0x14100] =	vst v63  }
0x49: {  	_ = 	snop  }
0x4a: {  	[hbm4b:s7+s3] =	stream.indirect_vreg.scatter [tilespmem:s13], [sflag:$0x1], $0x80, v4, vm0, $0xb8;
	[tilespmem:$0x14100] =	vst v63  }
0x4b: {  	_ = 	snop  }
0x4c: {  	[hbm4b:s4+s3] =	stream.indirect_vreg.scatter [tilespmem:s14], [sflag:$0x1], $0x80, v3, vm0, $0xb8;
	[tilespmem:$0x14100] =	vst v63  }
0x4d: {  	_ = 	snop  }
0x4e: {  	[hbm4b:s5+s3] =	stream.indirect_vreg.scatter [tilespmem:s15], [sflag:$0x1], $0x80, v3, vm0, $0xb8;
	[tilespmem:$0x14100] =	vst v63  }
0x4f: {  	_ = 	snop  }
0x50: {  	[hbm4b:s6+s3] =	stream.indirect_vreg.scatter [tilespmem:s16], [sflag:$0x1], $0x80, v3, vm0, $0xb8;
	[tilespmem:$0x14100] =	vst v63  }
0x51: {  	_ = 	snop  }
0x52: {  	[hbm4b:s7+s3] =	stream.indirect_vreg.scatter [tilespmem:s17], [sflag:$0x1], $0x80, v3, vm0, $0xb8;
	[tilespmem:$0x14100] =	vst v63  }
0x53: {  	v3 =	vld [tilespmem:$0x14020];
	_ =	sdelay $0x4  }
0x54: {  	v58 =	vshll.u32 v3, $0x3  }
0x55: {  	v3 =	vand.u32 $0x7, v3;
	v4 =	vand.u32 $0xFFFFFFC0, v58  }
0x56: {  	v3 =	vor.u32 v3, v4  }
0x57: {  	v4 =	vperm.xlane v3, v0;
	_ =	sdelay $0x1  }
0x58: {  	v4 =	vadd.s32 v1, v4;
	_ =	sdelay $0x4  }
0x59: {  	[hbm4b:s4+s3] =	stream.indirect_vreg.scatter [tilespmem:s18], [sflag:$0x1], $0x80, v4, vm0, $0xb8;
	[tilespmem:$0x14100] =	vst v63  }
0x5a: {  	v3 =	vperm.xlane v3, v2  }
0x5b: {  	[hbm4b:s5+s3] =	stream.indirect_vreg.scatter [tilespmem:s19], [sflag:$0x1], $0x80, v4, vm0, $0xb8;
	[tilespmem:$0x14100] =	vst v63  }
0x5c: {  	v3 =	vadd.s32 v1, v3  }
0x5d: {  	[hbm4b:s6+s3] =	stream.indirect_vreg.scatter [tilespmem:s20], [sflag:$0x1], $0x80, v4, vm0, $0xb8;
	[tilespmem:$0x14100] =	vst v63  }
0x5e: {  	_ = 	snop  }
0x5f: {  	[hbm4b:s7+s3] =	stream.indirect_vreg.scatter [tilespmem:s21], [sflag:$0x1], $0x80, v4, vm0, $0xb8;
	[tilespmem:$0x14100] =	vst v63  }
0x60: {  	_ = 	snop  }
0x61: {  	[hbm4b:s4+s3] =	stream.indirect_vreg.scatter [tilespmem:s24], [sflag:$0x1], $0x80, v3, vm0, $0xb8;
	[tilespmem:$0x14100] =	vst v63  }
0x62: {  	_ = 	snop  }
0x63: {  	[hbm4b:s5+s3] =	stream.indirect_vreg.scatter [tilespmem:s25], [sflag:$0x1], $0x80, v3, vm0, $0xb8;
	[tilespmem:$0x14100] =	vst v63  }
0x64: {  	_ = 	snop  }
0x65: {  	[hbm4b:s6+s3] =	stream.indirect_vreg.scatter [tilespmem:s26], [sflag:$0x1], $0x80, v3, vm0, $0xb8;
	[tilespmem:$0x14100] =	vst v63  }
0x66: {  	_ = 	snop  }
0x67: {  	[hbm4b:s7+s3] =	stream.indirect_vreg.scatter [tilespmem:s28], [sflag:$0x1], $0x80, v3, vm0, $0xb8;
	[tilespmem:$0x14100] =	vst v63  }
0x68: {  	v3 =	vld [tilespmem:$0x14030];
	_ =	sdelay $0x4  }
0x69: {  	v59 =	vshll.u32 v3, $0x3  }
0x6a: {  	v3 =	vand.u32 $0x7, v3;
	v4 =	vand.u32 $0xFFFFFFC0, v59  }
0x6b: {  	v3 =	vor.u32 v3, v4  }
0x6c: {  	v4 =	vperm.xlane v3, v0;
	_ =	sdelay $0x1  }
0x6d: {  	v4 =	vadd.s32 v1, v4;
	_ =	sdelay $0x3  }
0x6e: {  	s0 =	simm.s32 $0xC000  }
0x6f: {  	[hbm4b:s4+s3] =	stream.indirect_vreg.scatter [tilespmem:s0], [sflag:$0x1], $0x80, v4, vm0, $0xb8;
	[tilespmem:$0x14100] =	vst v63  }
0x70: {  	v3 =	vperm.xlane v3, v2;
	s0 =	simm.s32 $0xC800  }
0x71: {  	[hbm4b:s5+s3] =	stream.indirect_vreg.scatter [tilespmem:s0], [sflag:$0x1], $0x80, v4, vm0, $0xb8;
	[tilespmem:$0x14100] =	vst v63  }
0x72: {  	v3 =	vadd.s32 v1, v3;
	s0 =	simm.s32 $0xD000  }
0x73: {  	[hbm4b:s6+s3] =	stream.indirect_vreg.scatter [tilespmem:s0], [sflag:$0x1], $0x80, v4, vm0, $0xb8;
	[tilespmem:$0x14100] =	vst v63  }
0x74: {  	s0 =	simm.s32 $0xD800  }
0x75: {  	[hbm4b:s7+s3] =	stream.indirect_vreg.scatter [tilespmem:s0], [sflag:$0x1], $0x80, v4, vm0, $0xb8;
	[tilespmem:$0x14100] =	vst v63  }
0x76: {  	s0 =	simm.s32 $0xE000  }
0x77: {  	[hbm4b:s4+s3] =	stream.indirect_vreg.scatter [tilespmem:s0], [sflag:$0x1], $0x80, v3, vm0, $0xb8;
	[tilespmem:$0x14100] =	vst v63  }
0x78: {  	s0 =	simm.s32 $0xE800  }
0x79: {  	[hbm4b:s5+s3] =	stream.indirect_vreg.scatter [tilespmem:s0], [sflag:$0x1], $0x80, v3, vm0, $0xb8;
	[tilespmem:$0x14100] =	vst v63  }
0x7a: {  	s0 =	simm.s32 $0xF000  }
0x7b: {  	[hbm4b:s6+s3] =	stream.indirect_vreg.scatter [tilespmem:s0], [sflag:$0x1], $0x80, v3, vm0, $0xb8;
	[tilespmem:$0x14100] =	vst v63  }
0x7c: {  	s0 =	simm.s32 $0xF800  }
0x7d: {  	[hbm4b:s7+s3] =	stream.indirect_vreg.scatter [tilespmem:s0], [sflag:$0x1], $0x80, v3, vm0, $0xb8;
	[tilespmem:$0x14100] =	vst v63  }
0x7e: {  	v3 =	vld [tilespmem:$0x14080];
	_ =	sdelay $0x4  }
0x7f: {  	v60 =	vshll.u32 v3, $0x3  }
0x80: {  	v3 =	vand.u32 $0x7, v3;
	v4 =	vand.u32 $0xFFFFFFC0, v60  }
0x81: {  	v3 =	vor.u32 v3, v4  }
0x82: {  	v4 =	vperm.xlane v3, v0;
	_ =	sdelay $0x1  }
0x83: {  	v4 =	vadd.s32 v1, v4;
	_ =	sdelay $0x4  }
0x84: {  	[hbm4b:s4+s3] =	stream.indirect_vreg.scatter [tilespmem:s3], [sflag:$0x1], $0x80, v4, vm0, $0xb8;
	[tilespmem:$0x14100] =	vst v63  }
0x85: {  	v3 =	vperm.xlane v3, v2  }
0x86: {  	[hbm4b:s5+s3] =	stream.indirect_vreg.scatter [tilespmem:s23], [sflag:$0x1], $0x80, v4, vm0, $0xb8;
	[tilespmem:$0x14100] =	vst v63  }
0x87: {  	v3 =	vadd.s32 v1, v3  }
0x88: {  	[hbm4b:s6+s3] =	stream.indirect_vreg.scatter [tilespmem:s29], [sflag:$0x1], $0x80, v4, vm0, $0xb8;
	[tilespmem:$0x14100] =	vst v63  }
0x89: {  	_ = 	snop  }
0x8a: {  	[hbm4b:s7+s3] =	stream.indirect_vreg.scatter [tilespmem:s30], [sflag:$0x1], $0x80, v4, vm0, $0xb8;
	[tilespmem:$0x14100] =	vst v63  }
0x8b: {  	_ = 	snop  }
0x8c: {  	[hbm4b:s4+s3] =	stream.indirect_vreg.scatter [tilespmem:s31], [sflag:$0x1], $0x80, v3, vm0, $0xb8;
	[tilespmem:$0x14100] =	vst v63  }
0x8d: {  	_ = 	snop  }
0x8e: {  	[hbm4b:s5+s3] =	stream.indirect_vreg.scatter [tilespmem:s1], [sflag:$0x1], $0x80, v3, vm0, $0xb8;
	[tilespmem:$0x14100] =	vst v63  }
0x8f: {  	s23 =	simm.s32 $0x3000  }
0x90: {  	[hbm4b:s6+s3] =	stream.indirect_vreg.scatter [tilespmem:s23], [sflag:$0x1], $0x80, v3, vm0, $0xb8;
	[tilespmem:$0x14100] =	vst v63  }
0x91: {  	_ = 	snop  }
0x92: {  	[hbm4b:s7+s3] =	stream.indirect_vreg.scatter [tilespmem:s2], [sflag:$0x1], $0x80, v3, vm0, $0xb8;
	[tilespmem:$0x14100] =	vst v63  }
0x93: {  	v3 =	vld [tilespmem:$0x14090];
	_ =	sdelay $0x4  }
0x94: {  	v61 =	vshll.u32 v3, $0x3  }
0x95: {  	v3 =	vand.u32 $0x7, v3;
	v4 =	vand.u32 $0xFFFFFFC0, v61  }
0x96: {  	v3 =	vor.u32 v3, v4  }
0x97: {  	v4 =	vperm.xlane v3, v0;
	_ =	sdelay $0x1  }
0x98: {  	v4 =	vadd.s32 v1, v4;
	_ =	sdelay $0x4  }
0x99: {  	[hbm4b:s4+s3] =	stream.indirect_vreg.scatter [tilespmem:s10], [sflag:$0x1], $0x80, v4, vm0, $0xb8;
	[tilespmem:$0x14100] =	vst v63  }
0x9a: {  	v3 =	vperm.xlane v3, v2  }
0x9b: {  	[hbm4b:s5+s3] =	stream.indirect_vreg.scatter [tilespmem:s11], [sflag:$0x1], $0x80, v4, vm0, $0xb8;
	[tilespmem:$0x14100] =	vst v63  }
0x9c: {  	v3 =	vadd.s32 v1, v3  }
0x9d: {  	[hbm4b:s6+s3] =	stream.indirect_vreg.scatter [tilespmem:s12], [sflag:$0x1], $0x80, v4, vm0, $0xb8;
	[tilespmem:$0x14100] =	vst v63  }
0x9e: {  	_ = 	snop  }
0x9f: {  	[hbm4b:s7+s3] =	stream.indirect_vreg.scatter [tilespmem:s13], [sflag:$0x1], $0x80, v4, vm0, $0xb8;
	[tilespmem:$0x14100] =	vst v63  }
0xa0: {  	_ = 	snop  }
0xa1: {  	[hbm4b:s4+s3] =	stream.indirect_vreg.scatter [tilespmem:s14], [sflag:$0x1], $0x80, v3, vm0, $0xb8;
	[tilespmem:$0x14100] =	vst v63  }
0xa2: {  	_ = 	snop  }
0xa3: {  	[hbm4b:s5+s3] =	stream.indirect_vreg.scatter [tilespmem:s15], [sflag:$0x1], $0x80, v3, vm0, $0xb8;
	[tilespmem:$0x14100] =	vst v63  }
0xa4: {  	_ = 	snop  }
0xa5: {  	[hbm4b:s6+s3] =	stream.indirect_vreg.scatter [tilespmem:s16], [sflag:$0x1], $0x80, v3, vm0, $0xb8;
	[tilespmem:$0x14100] =	vst v63  }
0xa6: {  	_ = 	snop  }
0xa7: {  	[hbm4b:s7+s3] =	stream.indirect_vreg.scatter [tilespmem:s17], [sflag:$0x1], $0x80, v3, vm0, $0xb8;
	[tilespmem:$0x14100] =	vst v63  }
0xa8: {  	v3 =	vld [tilespmem:$0x140A0];
	_ =	sdelay $0x4  }
0xa9: {  	v62 =	vshll.u32 v3, $0x3  }
0xaa: {  	v3 =	vand.u32 $0x7, v3;
	v4 =	vand.u32 $0xFFFFFFC0, v62  }
0xab: {  	v3 =	vor.u32 v3, v4  }
0xac: {  	v4 =	vperm.xlane v3, v0;
	_ =	sdelay $0x1  }
0xad: {  	v4 =	vadd.s32 v1, v4;
	_ =	sdelay $0x4  }
0xae: {  	[hbm4b:s4+s3] =	stream.indirect_vreg.scatter [tilespmem:s18], [sflag:$0x1], $0x80, v4, vm0, $0xb8;
	[tilespmem:$0x14100] =	vst v63  }
0xaf: {  	v3 =	vperm.xlane v3, v2  }
0xb0: {  	[hbm4b:s5+s3] =	stream.indirect_vreg.scatter [tilespmem:s19], [sflag:$0x1], $0x80, v4, vm0, $0xb8;
	[tilespmem:$0x14100] =	vst v63  }
0xb1: {  	v3 =	vadd.s32 v1, v3  }
0xb2: {  	[hbm4b:s6+s3] =	stream.indirect_vreg.scatter [tilespmem:s20], [sflag:$0x1], $0x80, v4, vm0, $0xb8;
	[tilespmem:$0x14100] =	vst v63  }
0xb3: {  	_ = 	snop  }
0xb4: {  	[hbm4b:s7+s3] =	stream.indirect_vreg.scatter [tilespmem:s21], [sflag:$0x1], $0x80, v4, vm0, $0xb8;
	[tilespmem:$0x14100] =	vst v63  }
0xb5: {  	_ = 	snop  }
0xb6: {  	[hbm4b:s4+s3] =	stream.indirect_vreg.scatter [tilespmem:s24], [sflag:$0x1], $0x80, v3, vm0, $0xb8;
	[tilespmem:$0x14100] =	vst v63  }
0xb7: {  	_ = 	snop  }
0xb8: {  	[hbm4b:s5+s3] =	stream.indirect_vreg.scatter [tilespmem:s25], [sflag:$0x1], $0x80, v3, vm0, $0xb8;
	[tilespmem:$0x14100] =	vst v63  }
0xb9: {  	_ = 	snop  }
0xba: {  	[hbm4b:s6+s3] =	stream.indirect_vreg.scatter [tilespmem:s26], [sflag:$0x1], $0x80, v3, vm0, $0xb8;
	[tilespmem:$0x14100] =	vst v63  }
0xbb: {  	_ = 	snop  }
0xbc: {  	[hbm4b:s7+s3] =	stream.indirect_vreg.scatter [tilespmem:s28], [sflag:$0x1], $0x80, v3, vm0, $0xb8;
	[tilespmem:$0x14100] =	vst v63  }
0xbd: {  	v3 =	vld [tilespmem:$0x140B0];
	_ =	sdelay $0x4  }
0xbe: {  	v63 =	vshll.u32 v3, $0x3  }
0xbf: {  	v3 =	vand.u32 $0x7, v3;
	v4 =	vand.u32 $0xFFFFFFC0, v63  }
0xc0: {  	v3 =	vor.u32 v3, v4  }
0xc1: {  	v4 =	vperm.xlane v3, v0;
	_ =	sdelay $0x1  }
0xc2: {  	v4 =	vadd.s32 v1, v4;
	_ =	sdelay $0x3  }
0xc3: {  	s23 =	simm.s32 $0xC000  }
0xc4: {  	[hbm4b:s4+s3] =	stream.indirect_vreg.scatter [tilespmem:s23], [sflag:$0x1], $0x80, v4, vm0, $0xb8;
	[tilespmem:$0x14100] =	vst v63  }
0xc5: {  	s2 =	simm.s32 $0xC800;
	v3 =	vperm.xlane v3, v2  }
0xc6: {  	[hbm4b:s5+s3] =	stream.indirect_vreg.scatter [tilespmem:s2], [sflag:$0x1], $0x80, v4, vm0, $0xb8;
	[tilespmem:$0x14100] =	vst v63  }
0xc7: {  	v3 =	vadd.s32 v1, v3;
	s23 =	simm.s32 $0xD000  }
0xc8: {  	[hbm4b:s6+s3] =	stream.indirect_vreg.scatter [tilespmem:s23], [sflag:$0x1], $0x80, v4, vm0, $0xb8;
	[tilespmem:$0x14100] =	vst v63  }
0xc9: {  	s2 =	simm.s32 $0xD800  }
0xca: {  	[hbm4b:s7+s3] =	stream.indirect_vreg.scatter [tilespmem:s2], [sflag:$0x1], $0x80, v4, vm0, $0xb8;
	[tilespmem:$0x14100] =	vst v63  }
0xcb: {  	s23 =	simm.s32 $0xE000  }
0xcc: {  	[hbm4b:s4+s3] =	stream.indirect_vreg.scatter [tilespmem:s23], [sflag:$0x1], $0x80, v3, vm0, $0xb8;
	[tilespmem:$0x14100] =	vst v63  }
0xcd: {  	s2 =	simm.s32 $0xE800  }
0xce: {  	[hbm4b:s5+s3] =	stream.indirect_vreg.scatter [tilespmem:s2], [sflag:$0x1], $0x80, v3, vm0, $0xb8;
	[tilespmem:$0x14100] =	vst v63  }
0xcf: {  	s23 =	simm.s32 $0xF000  }
0xd0: {  	[hbm4b:s6+s3] =	stream.indirect_vreg.scatter [tilespmem:s23], [sflag:$0x1], $0x80, v3, vm0, $0xb8;
	[tilespmem:$0x14100] =	vst v63  }
0xd1: {  	s1 =	simm.s32 $0x14000  }
0xd2: {  	[hbm4b:s7+s3] =	stream.indirect_vreg.scatter [tilespmem:s0], [sflag:$0x1], $0x80, v3, vm0, $0xb8;
	[tilespmem:$0x14100] =	vst v63  }
0xd3: {  	s2 =	simm.s32 $0x10000;
	s23 =	rddreg [dreg:$0x2];
	s0 =	simm.s32 $0x40  }
0xd4: {  	[hbm4b:s23+s0] =	stream.indirect.scatter [tilespmem:s2], [sflag:$0x1], $0x80, s1, s0, $0xb8;
	[tilespmem:$0x14100] =	vst v63  }
0xd5: {  	s1 =	simm.s32 $0x14080;
	s2 =	simm.s32 $0x12000  }
0xd6: {  	[hbm4b:s23+s0] =	stream.indirect.scatter [tilespmem:s2], [sflag:$0x1], $0x80, s1, s0, $0xb8;
	[tilespmem:$0x14100] =	vst v63  }
0xd7: {  	_ =	swait.ge [sflag:s22], $0x10000  }
0xd8: {  	[sflag:s22] =	ssyncset.done $0x0  }
0xd9: {  	[sflag:s22] =	ssyncadd.s32 $0xFFFF0000  }
0xda: {  	_ =	swait.ge [sflag:s22], $0x10000  }
0xdb: {  	[sflag:s22] =	ssyncset.done $0x0  }
0xdc: {  	[sflag:s22] =	ssyncadd.s32 $0xFFFF0000  }
0xdd: {  	p0 =	sne.s32 s8, $0x1;
	_ =	swait.ge [sflag:s22], $0x2000  }
.Ltmp0:
0xde: {  	[sflag:s22] =	ssyncset.done $0x0;
	(pc) =	sbr.rel @p0 .LBB2_1-.Ltmp0, $4  }
0xdf: {  	[sflag:s22] =	ssyncadd.s32 $0xFFFFE000  }
0xe0: {  	_ =	swait.ge [sflag:s22], $0x2000  }
0xe1: {  	[sflag:s22] =	ssyncset.done $0x0  }
0xe2: {  	s8 =	sadd.s32 $0xFFFFFFFF, s8;
	[sflag:s22] =	ssyncadd.s32 $0xFFFFE000  }
0xe3: {  	_ =	sfence.sel $0x180000  }
0xe4: {  	[bflag:$0x0] =	sbarrier.arrive $0xFFFF  }
0xe5: {  	_ =	strace $0x90000047  }
0xe6: {  	s0 =	stileid.u32;
	[bflag:$0x2] =	sbarrier.arrive $0xFFFF  }
0xe7: {  	p0 =	sne.s32 s0, $0x0;
	s0 =	rddreg [dreg:$0x3]  }
0xe8: {  	s0 =	sadd.s32 @!p0 $0x100000, s0  }
0xe9: {  	[sflag:s0] =	ssyncadd.tile.s32 @!p0 $0x1;
	_ =	shalt  }
.Lfunc_end2:
_tile_overlayer_lowered:
.L_overlay_start_2:
0xea: {  	(tag) =	ssettag $0x2  }
0xeb: {  	s0 =	rddreg [dreg:$0x0];
	s2 =	stileid.u32  }
0xec: {  	s1 =	rddreg [dreg:$0x1];
	p0 =	sne.s32 s2, $0x0  }
0xed: {  	s3 =	rddreg [dreg:$0x2];
	[bflag:$0x3] =	sbarrier.arrive $0xFFFF;
	s2 =	simm.s32 @!p0 $0x1C02  }
0xee: {  	[timem:s3], [sflag:s2] =	dma.local @!p0 [hbm:s0], s1  }
0xef: {  	s0 =	simm.s32 @!p0 $0x2  }
0xf0: {  	_ =	swait.ge @!p0 [sflag:s0], s1  }
0xf1: {  	s1 =	ssub.s32 @!p0 $0x0, s1;
	[sflag:s0] =	ssyncset.done @!p0 $0x0  }
0xf2: {  	[sflag:s0] =	ssyncadd.s32 @!p0 s1  }
0xf3: {  	[bflag:$0x3] =	sbarrier.arrive $0xFFFF  }
0xf4: {  	_ =	shalt  }

// kernel: kernel.9.cloned.1.call-start
scs
__scs_entry_jumppad:
0x0: {  	(pc) =	sbr.rel $0x88, $3  }
0x1: {  	(tag) =	ssettag $0x0;
	lr =	simm.s32 $0x1  }
0x2: {  	[smem:$0x3F9B] =	sst lr;
	_ =	strace $0xD0000000  }
0x3: {  	_ = 	snop  }
0x4: {  	_ = 	snop  }
0x5: {  	_ = 	snop  }
0x6: {  	_ = 	snop  }
0x7: {  	_ = 	snop  }
__scs_overlays_trampoline_lowered:
0x8: {  	[smem:$0x3FAA] =	sst s0  }
0x9: {  	[smem:$0x3FAB] =	sst s1  }
0xa: {  	[smem:$0x3FAC] =	sst s2  }
0xb: {  	[smem:$0x3FAD] =	sst s3  }
0xc: {  	[smem:$0x3FAE] =	sst s4  }
0xd: {  	[smem:$0x3FAF] =	sst s5  }
0xe: {  	[smem:$0x3FB0] =	sst s6  }
0xf: {  	[smem:$0x3FB1] =	sst s7  }
0x10: {  	[smem:$0x3FB2] =	sst s8  }
0x11: {  	[smem:$0x3FB3] =	sst s9;
	s0 =	simm.s32 @!p0 $0x0  }
0x12: {  	s1 =	sld [smem:$0x3F99];
	s0 =	simm.s32 @p0 $0x1  }
0x13: {  	[smem:$0x3FB4] =	sst s0;
	s0 =	simm.s32 @!p1 $0x0  }
0x14: {  	s2 =	sld [smem:$0x3F98];
	s0 =	simm.s32 @p1 $0x1  }
0x15: {  	[smem:$0x3FB5] =	sst s0;
	s0 =	simm.s32 @!p2 $0x0  }
0x16: {  	s3 =	sld [smem:$0x3FDB];
	s0 =	simm.s32 @p2 $0x1  }
0x17: {  	s4 =	simm.s32 $0x1BF5;
	[smem:$0x3FB7] =	sst s0  }
0x18: {  	s0 =	sld [smem:$0x3F9A];
	_ =	swait.ge [sflag:s4], $0x0  }
0x19: {  	s7 =	sld [smem:$0x3F9B]  }
0x1a: {  	s8 =	sadd.s32 $0xFFFFE003, lr  }
0x1b: {  	s9 =	sadd.s32 $0xFFFFFEF7, lr;
	s5 =	simm.s32 $0xFFFFFFFF;
	p2 =	slt.u32 s8, $0xFFFFF086  }
0x1c: {  	p1 =	slt.u32 s9, $0xF7A;
	s5 =	simm.s32 @!p2 $0x0  }
0x1d: {  	s5 =	simm.s32 @p1 $0x1;
	p0 =	seq.s32 s7, s2  }
0x1e: {  	s7 =	smul.u32 @!p0 $0xF7A, s2;
	p2 =	seq.s32 @!p0 s5, $0x0  }
0x1f: {  	s9 =	smul.u32 $0xF7A, s1;
	s8 =	simm.s32 @!p0 $0x1BF5;
	p2 =	por !p2, p0  }
0x20: {  	[sflag:s8] =	ssyncset.s32 @!p0 $0xFFFFF086;
	s6 =	sadd.s32 @!p0 s3, s7;
	s7 =	simm.s32 @!p0 $0x108  }
0x21: {  	s3 =	sadd.s32 s3, s9;
	s6 =	sadd.s32 @!p0 $0x88, s6;
	s7 =	simm.s32 @p2 $0x1082  }
0x22: {  	[simem:s7], [sflag:s8] =	dma.local @!p0 [hbm:s6], $0xF7A  }
0x23: {  	s9 =	sor.u32 $0xD0000000, s2;
	s6 =	simm.s32 $0x108;
	_ =	swait.ge @!p0 [sflag:s8], $0x0  }
0x24: {  	s3 =	sadd.s32 $0x88, s3;
	s6 =	simm.s32 @!p1 $0x1082;
	[sflag:s4] =	ssyncset.s32 $0xFFFFF086  }
0x25: {  	[simem:s6], [sflag:s4] =	dma.local [hbm:s3], $0xF7A  }
0x26: {  	[smem:$0x3F9B] =	sst s1;
	(tag) =	ssettag s2;
	_ =	strace s9  }
0x27: {  	s1 =	sld [smem:$0x3FAB]  }
0x28: {  	s2 =	sld [smem:$0x3FAC]  }
0x29: {  	s4 =	sld [smem:$0x3FAE]  }
0x2a: {  	p0 =	seq.s32 s5, $0x0;
	s5 =	sld [smem:$0x3FAF]  }
0x2b: {  	s6 =	sld [smem:$0x3FB0]  }
0x2c: {  	s7 =	sld [smem:$0x3FB1]  }
0x2d: {  	s3 =	simm.s32 $0x108;
	s8 =	sld [smem:$0x3FB2]  }
0x2e: {  	s3 =	simm.s32 @!p0 $0x1082;
	s9 =	sld [smem:$0x3FB3]  }
0x2f: {  	lr =	sadd.s32 s0, s3;
	s0 =	sld [smem:$0x3FAA]  }
0x30: {  	s3 =	sld [smem:$0x3FAD]  }
0x31: {  	[smem:$0x3FB6] =	sst s10  }
0x32: {  	s10 =	sld [smem:$0x3FB4];
	_ =	sdelay $0x3  }
0x33: {  	p0 =	seq.s32 s10, $0x1;
	s10 =	sld [smem:$0x3FB6];
	_ =	sdelay $0x3  }
0x34: {  	[smem:$0x3FB6] =	sst s10  }
0x35: {  	s10 =	sld [smem:$0x3FB5];
	_ =	sdelay $0x3  }
0x36: {  	p1 =	seq.s32 s10, $0x1;
	s10 =	sld [smem:$0x3FB6];
	_ =	sdelay $0x3  }
0x37: {  	[smem:$0x3FB6] =	sst s10  }
0x38: {  	s10 =	sld [smem:$0x3FB7]  }
0x39: {  	_ = 	snop;
	(pc) =	sbr.ind lr, $3  }
0x3a: {  	_ = 	snop  }
0x3b: {  	_ = 	snop  }
0x3c: {  	p2 =	seq.s32 s10, $0x1;
	s10 =	sld [smem:$0x3FB6]  }
0x3d: {  	_ =	shalt  }
0x3e: {  	_ =	shalt  }
0x3f: {  	_ =	shalt  }
0x40: {  	_ =	shalt  }
0x41: {  	_ =	shalt  }
0x42: {  	_ =	shalt  }
0x43: {  	_ =	shalt  }
0x44: {  	_ =	shalt  }
0x45: {  	_ =	shalt  }
0x46: {  	_ =	shalt  }
0x47: {  	_ =	shalt  }
0x48: {  	_ =	shalt  }
0x49: {  	_ =	shalt  }
0x4a: {  	_ =	shalt  }
0x4b: {  	_ =	shalt  }
0x4c: {  	_ =	shalt  }
0x4d: {  	_ =	shalt  }
0x4e: {  	_ =	shalt  }
0x4f: {  	_ =	shalt  }
0x50: {  	_ =	shalt  }
0x51: {  	_ =	shalt  }
0x52: {  	_ =	shalt  }
0x53: {  	_ =	shalt  }
0x54: {  	_ =	shalt  }
0x55: {  	_ =	shalt  }
0x56: {  	_ =	shalt  }
0x57: {  	_ =	shalt  }
0x58: {  	_ =	shalt  }
0x59: {  	_ =	shalt  }
0x5a: {  	_ =	shalt  }
0x5b: {  	_ =	shalt  }
0x5c: {  	_ =	shalt  }
0x5d: {  	_ =	shalt  }
0x5e: {  	_ =	shalt  }
0x5f: {  	_ =	shalt  }
0x60: {  	_ =	shalt  }
0x61: {  	_ =	shalt  }
0x62: {  	_ =	shalt  }
0x63: {  	_ =	shalt  }
0x64: {  	_ =	shalt  }
0x65: {  	_ =	shalt  }
0x66: {  	_ =	shalt  }
0x67: {  	_ =	shalt  }
0x68: {  	_ =	shalt  }
0x69: {  	_ =	shalt  }
0x6a: {  	_ =	shalt  }
0x6b: {  	_ =	shalt  }
0x6c: {  	_ =	shalt  }
0x6d: {  	_ =	shalt  }
0x6e: {  	_ =	shalt  }
0x6f: {  	_ =	shalt  }
0x70: {  	_ =	shalt  }
0x71: {  	_ =	shalt  }
0x72: {  	_ =	shalt  }
0x73: {  	_ =	shalt  }
0x74: {  	_ =	shalt  }
0x75: {  	_ =	shalt  }
0x76: {  	_ =	shalt  }
0x77: {  	_ =	shalt  }
0x78: {  	_ =	shalt  }
0x79: {  	_ =	shalt  }
0x7a: {  	_ =	shalt  }
0x7b: {  	_ =	shalt  }
0x7c: {  	_ =	shalt  }
0x7d: {  	_ =	shalt  }
0x7e: {  	_ =	shalt  }
0x7f: {  	_ =	shalt  }
0x80: {  	_ =	shalt  }
0x81: {  	_ =	shalt  }
0x82: {  	_ =	shalt  }
0x83: {  	_ =	shalt  }
0x84: {  	_ =	shalt  }
0x85: {  	_ =	shalt  }
0x86: {  	_ =	shalt  }
0x87: {  	_ =	shalt  }
.Lfunc_end0:
.L_simem_size_0:
called_computation.1_lowered:
.L_overlay_start_0:
0x88: {  	s2 =	sld [smem:$0x3FD9]  }
0x89: {  	s3 =	sld [smem:$0x3FFE];
	_ =	sdelay $0x1  }
0x8a: {  	s1 =	srdreg.scid  }
0x8b: {  	s0 =	sand.u32 $0x1, s1  }
0x8c: {  	s17 =	sshll.u32 s0, $0xA;
	s2 =	sadd.s32 s3, s2  }
0x8d: {  	s2 =	sadd.s32 s2, s17  }
0x8e: {  	[smem:$0x3FC2] =	sst s2  }
0x8f: {  	_ = 	snop  }
0x90: {  	s2 =	sld [smem:$0x3FD0];
	(tm) =	ssettm $0x1  }
0x91: {  	s18 =	sld [smem:$0x3FFB];
	_ =	sdelay $0x3  }
0x92: {  	_ =	strace s18  }
0x93: {  	s3 =	sld [smem:$0x3FFC];
	_ =	sdelay $0x3  }
0x94: {  	_ =	strace s3  }
0x95: {  	s3 =	sld [smem:$0x3FFD];
	_ =	sdelay $0x3  }
0x96: {  	_ =	strace s3  }
0x97: {  	_ =	strace $0x8FFFFFFF  }
0x98: {  	s19 =	sld [smem:$0x3FDB];
	_ =	sdelay $0x1  }
0x99: {  	s4 =	simm.s32 $_scs_section_size  }
0x9a: {  	s5 =	simm.s32 $_size__tile_overlayer_lowered;
	s6 =	simm.s32 $_tile_overlayer_lowered  }
0x9b: {  	s22 =	simm.s32 $0x1BFF;
	s21 =	sshll.u32 s6, $0x1;
	s3 =	sadd.s32 s4, s19  }
0x9c: {  	s7 =	simm.s32 $0x0;
	s20 =	sshll.u32 s5, $0x1;
	s5 =	sadd.s32 s21, s3  }
0x9d: {  	[timem:s7], [sflag:s22] =	dma.local [hbm:s5], s20  }
0x9e: {  	_ =	swait.ge [sflag:s22], s20  }
0x9f: {  	s4 =	ssub.s32 $0x0, s20;
	[sflag:s22] =	ssyncset.done $0x0  }
0xa0: {  	[sflag:s22] =	ssyncadd.s32 s4;
	_ =	sdelay $0x1  }
0xa1: {  	s23 =	simm.s32 $0x1B8B  }
0xa2: {  	_ =	swait.ge [sflag:s23], $0x1  }
0xa3: {  	[sflag:s23] =	ssyncset.done $0x0  }
0xa4: {  	s25 =	simm.s32 $0x1B8E;
	s24 =	sld [smem:$0x3FFE];
	[sflag:s23] =	ssyncadd.s32 $0xFFFFFFFF  }
0xa5: {  	s26 =	simm.s32 $execute0_lowered;
	[smem:$0x3FD2] =	sst s25  }
0xa6: {  	s5 =	sshll.u32 s26, $0x1;
	_ =	strace $0x80000049;
	[dreg:$0x1] =	wrdreg $0xFFFFFFFF  }
0xa7: {  	s28 =	simm.s32 $_size_execute0_lowered;
	s3 =	sadd.s32 s3, s5;
	[dreg:$0x0] =	wrdreg $0x0  }
0xa8: {  	s5 =	sshll.u32 s28, $0x1;
	[dreg:$0x2] =	wrdreg s3  }
0xa9: {  	[dreg:$0x3] =	wrdreg s5  }
0xaa: {  	[dreg:$0x4] =	wrdreg $0xC0  }
0xab: {  	_ =	task [dreg:s7], $0x5FFFF  }
0xac: {  	[dreg:$0x1] =	wrdreg $0xFFFFFFFF  }
0xad: {  	[dreg:$0x0] =	wrdreg $0x60  }
0xae: {  	[dreg:$0x2] =	wrdreg s24  }
0xaf: {  	[dreg:$0x3] =	wrdreg s2  }
0xb0: {  	[dreg:$0x4] =	wrdreg $0x9  }
0xb1: {  	_ =	task.clear_ibuf [dreg:s7], $0x5FFFF;
	_ =	strace $0x90000049  }
0xb2: {  	s29 =	simm.s32 $0x9;
	_ =	strace $0x8000004B  }
0xb3: {  	_ =	swait.ge [sflag:s29], $0x1  }
0xb4: {  	[sflag:s29] =	ssyncadd.s32 $0xFFFFFFFF  }
0xb5: {  	_ =	strace $0x9000004B  }
0xb6: {  	_ =	sfence  }
0xb7: {  	s30 =	sld [smem:$0x0];
	_ =	sdelay $0x2  }
0xb8: {  	s31 =	sshll.u32 s1, $0xD;
	s1 =	sshrl.u32 s1, $0x2  }
0xb9: {  	s3 =	sand.u32 $0x4000, s31;
	s1 =	sadd.s32 s1, s30  }
0xba: {  	s0 =	sor.u32 s3, s0;
	s1 =	sshll.u32 s1, $0x11  }
0xbb: {  	s0 =	sor.u32 s1, s0  }
0xbc: {  	s0 =	sadd.s32 $0x8F2B, s0  }
0xbd: {  	[sflag:s0] =	ssyncadd.remote.s32 $0x1  }
0xbe: {  	_ =	sfence.sel $0xFFFF  }
0xbf: {  	[dreg:$0x0] =	wrdreg $0xFFFFFFFF;
	(pc) =	sbr.abs _section_cstart, $3  }
0xc0: {  	[dreg:$0x1] =	wrdreg $0xFFFFFFFF  }
0xc1: {  	_ =	task.clear_ibuf [dreg:s7], $0x2FFFF;
	_ =	strace $0x9FFFFFFF  }
0xc2: {  	(tm) =	ssettm $0x7FFFFFFF  }
0xc3: {  	_ =	shalt  }
tec
execute0_lowered:
.L_overlay_start_1:
0x0: {  	(tag) =	ssettag $0x1  }
0x1: {  	s0 =	rddreg [dreg:$0x0]  }
0x2: {  	s1 =	rddreg [dreg:$0x1];
	s2 =	simm.s32 $0x0;
	s3 =	srdreg.scid  }
0x3: {  	s5 =	stileid.u32;
	s15 =	simm.s32 $0x2;
	s14 =	simm.s32 $0x9800  }
0x4: {  	s16 =	simm.s32 $0xA000;
	s17 =	simm.s32 $0xA800;
	s18 =	simm.s32 $0xB000  }
0x5: {  	s19 =	simm.s32 $0xB800;
	s20 =	simm.s32 $0xC000;
	s21 =	simm.s32 $0xD000  }
0x6: {  	s22 =	simm.s32 $0xE000;
	s12 =	simm.s32 $0x1;
	[smem:$0x7FF] =	sst s2  }
0x7: {  	s4 =	sand.u32 $0x1, s3;
	s3 =	sadd.s32 $0xD0800, s0;
	s5 =	sshll.u32 s5, $0x7  }
0x8: {  	s9 =	sadd.s32 $0x10400, s0;
	s10 =	sadd.s32 $0x10600, s0;
	s8 =	sadd.s32 $0xD0B00, s0  }
0x9: {  	_ =	strace $0x8000004A;
	s6 =	sshll.u32 s4, $0x6;
	s4 =	ssub.s32 $0x2, s4  }
0xa: {  	s5 =	sor.u32 s6, s5;
	s23 =	sshrl.u32 s4, $0x1;
	s6 =	sadd.s32 $0xD0900, s0  }
0xb: {  	s7 =	sshrl.u32 s5, $0x3;
	s4 =	ssub.s32 s4, s23;
	s11 =	sor.u32 $0x20, s5  }
0xc: {  	s26 =	sshll.u32 s5, $0x7;
	s23 =	simm.s32 $0xE800;
	s24 =	sadd.s32 s9, s7  }
0xd: {  	s25 =	sadd.s32 s10, s7;
	s7 =	sadd.s32 $0xD0A00, s0;
	s28 =	sshrl.u32 s11, $0x3  }
0xe: {  	s0 =	sadd.s32 s1, s26;
	s30 =	sshll.u32 s11, $0x7;
	[dreg:$0x3] =	wrdreg s24  }
0xf: {  	s31 =	smax.u32 s4, $0x1;
	s4 =	simm.s32 $0x8800;
	[dreg:$0x4] =	wrdreg s25  }
0x10: {  	s11 =	simm.s32 $0xF000;
	[dreg:$0x5] =	wrdreg s0;
	s29 =	sadd.s32 s9, s28  }
0x11: {  	s5 =	sadd.s32 s10, s28;
	s0 =	sadd.s32 s1, s30;
	[dreg:$0x9] =	wrdreg s31  }
0x12: {  	v2 =	vlaneseq.u32;
	s1 =	simm.s32 $0x8000;
	s9 =	simm.s32 $0xC800;
	[dreg:$0x6] =	wrdreg s29  }
0x13: {  	vm0 =	vmmov $0xffff;
	v1 =	vshrl.u32 v2, $0x3;
	s10 =	simm.s32 $0xD800;
	s24 =	simm.s32 $0xF800;
	[dreg:$0x7] =	wrdreg s5  }
0x14: {  	v0 =	vand.u32 $0x7, v2;
	v2 =	vor.u32 $0x8, v2;
	v1 =	vmul.u32 $0x8, v1;
	s25 =	simm.s32 $0x0;
	[dreg:$0x8] =	wrdreg s0;
	s5 =	simm.s32 $0x9000  }
.LBB2_1:
0x15: {  	s0 =	rddreg [dreg:$0x3];
	s13 =	simm.s32 $0x10000  }
0x16: {  	[tilespmem:s13], [sflag:$0x2] =	stream.linear.gather [hbm4b:s0+s2], $0x20, $0x38;
	[tilespmem:$0x10100] =	vst v63  }
0x17: {  	_ =	swait.ge [sflag:s15], $0x20  }
0x18: {  	[sflag:s15] =	ssyncset.done $0x0  }
0x19: {  	s31 =	simm.s32 $0x10080;
	s30 =	rddreg [dreg:$0x4];
	[sflag:s15] =	ssyncadd.s32 $0xFFFFFFE0  }
0x1a: {  	[tilespmem:s31], [sflag:$0x2] =	stream.linear.gather [hbm4b:s30+s2], $0x20, $0x38;
	[tilespmem:$0x10100] =	vst v63  }
0x1b: {  	_ =	swait.ge [sflag:s15], $0x20  }
0x1c: {  	[sflag:s15] =	ssyncset.done $0x0  }
0x1d: {  	[sflag:s15] =	ssyncadd.s32 $0xFFFFFFE0  }
0x1e: {  	v3 =	vld [tilespmem:$0x10000];
	_ =	sdelay $0x4  }
0x1f: {  	v4 =	vshll.u32 v3, $0x3  }
0x20: {  	v3 =	vand.u32 $0x7, v3;
	v4 =	vand.u32 $0xFFFFFFC0, v4  }
0x21: {  	v3 =	vor.u32 v3, v4  }
0x22: {  	v4 =	vperm.xlane v3, v0;
	_ =	sdelay $0x1  }
0x23: {  	v4 =	vadd.s32 v1, v4;
	_ =	sdelay $0x4  }
0x24: {  	[tilespmem:s2], [sflag:$0x1] =	stream.indirect_vreg.gather [hbm4b:s3+s2], $0x80, v4, vm0, $0xb8;
	[tilespmem:$0x10100] =	vst v63  }
0x25: {  	s26 =	simm.s32 $0x800;
	v3 =	vperm.xlane v3, v2  }
0x26: {  	[tilespmem:s26], [sflag:$0x1] =	stream.indirect_vreg.gather [hbm4b:s6+s2], $0x80, v4, vm0, $0xb8;
	[tilespmem:$0x10100] =	vst v63  }
0x27: {  	s30 =	simm.s32 $0x1000;
	v3 =	vadd.s32 v1, v3  }
0x28: {  	[tilespmem:s30], [sflag:$0x1] =	stream.indirect_vreg.gather [hbm4b:s7+s2], $0x80, v4, vm0, $0xb8;
	[tilespmem:$0x10100] =	vst v63  }
0x29: {  	s31 =	simm.s32 $0x1800  }
0x2a: {  	[tilespmem:s31], [sflag:$0x1] =	stream.indirect_vreg.gather [hbm4b:s8+s2], $0x80, v4, vm0, $0xb8;
	[tilespmem:$0x10100] =	vst v63  }
0x2b: {  	s13 =	simm.s32 $0x2000  }
0x2c: {  	[tilespmem:s13], [sflag:$0x1] =	stream.indirect_vreg.gather [hbm4b:s3+s2], $0x80, v3, vm0, $0xb8;
	[tilespmem:$0x10100] =	vst v63  }
0x2d: {  	s26 =	simm.s32 $0x2800  }
0x2e: {  	[tilespmem:s26], [sflag:$0x1] =	stream.indirect_vreg.gather [hbm4b:s6+s2], $0x80, v3, vm0, $0xb8;
	[tilespmem:$0x10100] =	vst v63  }
0x2f: {  	s30 =	simm.s32 $0x3000  }
0x30: {  	[tilespmem:s30], [sflag:$0x1] =	stream.indirect_vreg.gather [hbm4b:s7+s2], $0x80, v3, vm0, $0xb8;
	[tilespmem:$0x10100] =	vst v63  }
0x31: {  	s31 =	simm.s32 $0x3800  }
0x32: {  	[tilespmem:s31], [sflag:$0x1] =	stream.indirect_vreg.gather [hbm4b:s8+s2], $0x80, v3, vm0, $0xb8;
	[tilespmem:$0x10100] =	vst v63  }
0x33: {  	v3 =	vld [tilespmem:$0x10010];
	_ =	sdelay $0x4  }
0x34: {  	v61 =	vshll.u32 v3, $0x3  }
0x35: {  	v3 =	vand.u32 $0x7, v3;
	v4 =	vand.u32 $0xFFFFFFC0, v61  }
0x36: {  	v3 =	vor.u32 v3, v4  }
0x37: {  	v4 =	vperm.xlane v3, v0;
	_ =	sdelay $0x1  }
0x38: {  	v4 =	vadd.s32 v1, v4;
	_ =	sdelay $0x3  }
0x39: {  	s13 =	simm.s32 $0x4000  }
0x3a: {  	[tilespmem:s13], [sflag:$0x1] =	stream.indirect_vreg.gather [hbm4b:s3+s2], $0x80, v4, vm0, $0xb8;
	[tilespmem:$0x10100] =	vst v63  }
0x3b: {  	s26 =	simm.s32 $0x4800;
	v3 =	vperm.xlane v3, v2  }
0x3c: {  	[tilespmem:s26], [sflag:$0x1] =	stream.indirect_vreg.gather [hbm4b:s6+s2], $0x80, v4, vm0, $0xb8;
	[tilespmem:$0x10100] =	vst v63  }
0x3d: {  	s30 =	simm.s32 $0x5000;
	v3 =	vadd.s32 v1, v3  }
0x3e: {  	[tilespmem:s30], [sflag:$0x1] =	stream.indirect_vreg.gather [hbm4b:s7+s2], $0x80, v4, vm0, $0xb8;
	[tilespmem:$0x10100] =	vst v63  }
0x3f: {  	s31 =	simm.s32 $0x5800  }
0x40: {  	[tilespmem:s31], [sflag:$0x1] =	stream.indirect_vreg.gather [hbm4b:s8+s2], $0x80, v4, vm0, $0xb8;
	[tilespmem:$0x10100] =	vst v63  }
0x41: {  	s13 =	simm.s32 $0x6000  }
0x42: {  	[tilespmem:s13], [sflag:$0x1] =	stream.indirect_vreg.gather [hbm4b:s3+s2], $0x80, v3, vm0, $0xb8;
	[tilespmem:$0x10100] =	vst v63  }
0x43: {  	s26 =	simm.s32 $0x6800  }
0x44: {  	[tilespmem:s26], [sflag:$0x1] =	stream.indirect_vreg.gather [hbm4b:s6+s2], $0x80, v3, vm0, $0xb8;
	[tilespmem:$0x10100] =	vst v63  }
0x45: {  	s30 =	simm.s32 $0x7000  }
0x46: {  	[tilespmem:s30], [sflag:$0x1] =	stream.indirect_vreg.gather [hbm4b:s7+s2], $0x80, v3, vm0, $0xb8;
	[tilespmem:$0x10100] =	vst v63  }
0x47: {  	s31 =	simm.s32 $0x7800  }
0x48: {  	[tilespmem:s31], [sflag:$0x1] =	stream.indirect_vreg.gather [hbm4b:s8+s2], $0x80, v3, vm0, $0xb8;
	[tilespmem:$0x10100] =	vst v63  }
0x49: {  	v3 =	vld [tilespmem:$0x10080];
	_ =	sdelay $0x4  }
0x4a: {  	v62 =	vshll.u32 v3, $0x3  }
0x4b: {  	v3 =	vand.u32 $0x7, v3;
	v4 =	vand.u32 $0xFFFFFFC0, v62  }
0x4c: {  	v3 =	vor.u32 v3, v4  }
0x4d: {  	v4 =	vperm.xlane v3, v0;
	_ =	sdelay $0x1  }
0x4e: {  	v4 =	vadd.s32 v1, v4;
	_ =	sdelay $0x4  }
0x4f: {  	[tilespmem:s1], [sflag:$0x1] =	stream.indirect_vreg.gather [hbm4b:s3+s2], $0x80, v4, vm0, $0xb8;
	[tilespmem:$0x10100] =	vst v63  }
0x50: {  	v3 =	vperm.xlane v3, v2  }
0x51: {  	[tilespmem:s4], [sflag:$0x1] =	stream.indirect_vreg.gather [hbm4b:s6+s2], $0x80, v4, vm0, $0xb8;
	[tilespmem:$0x10100] =	vst v63  }
0x52: {  	v3 =	vadd.s32 v1, v3  }
0x53: {  	[tilespmem:s5], [sflag:$0x1] =	stream.indirect_vreg.gather [hbm4b:s7+s2], $0x80, v4, vm0, $0xb8;
	[tilespmem:$0x10100] =	vst v63  }
0x54: {  	_ = 	snop  }
0x55: {  	[tilespmem:s14], [sflag:$0x1] =	stream.indirect_vreg.gather [hbm4b:s8+s2], $0x80, v4, vm0, $0xb8;
	[tilespmem:$0x10100] =	vst v63  }
0x56: {  	_ = 	snop  }
0x57: {  	[tilespmem:s16], [sflag:$0x1] =	stream.indirect_vreg.gather [hbm4b:s3+s2], $0x80, v3, vm0, $0xb8;
	[tilespmem:$0x10100] =	vst v63  }
0x58: {  	_ = 	snop  }
0x59: {  	[tilespmem:s17], [sflag:$0x1] =	stream.indirect_vreg.gather [hbm4b:s6+s2], $0x80, v3, vm0, $0xb8;
	[tilespmem:$0x10100] =	vst v63  }
0x5a: {  	_ = 	snop  }
0x5b: {  	[tilespmem:s18], [sflag:$0x1] =	stream.indirect_vreg.gather [hbm4b:s7+s2], $0x80, v3, vm0, $0xb8;
	[tilespmem:$0x10100] =	vst v63  }
0x5c: {  	_ = 	snop  }
0x5d: {  	[tilespmem:s19], [sflag:$0x1] =	stream.indirect_vreg.gather [hbm4b:s8+s2], $0x80, v3, vm0, $0xb8;
	[tilespmem:$0x10100] =	vst v63  }
0x5e: {  	v3 =	vld [tilespmem:$0x10090];
	_ =	sdelay $0x4  }
0x5f: {  	v63 =	vshll.u32 v3, $0x3  }
0x60: {  	v3 =	vand.u32 $0x7, v3;
	v4 =	vand.u32 $0xFFFFFFC0, v63  }
0x61: {  	v3 =	vor.u32 v3, v4  }
0x62: {  	v4 =	vperm.xlane v3, v0;
	_ =	sdelay $0x1  }
0x63: {  	v4 =	vadd.s32 v1, v4;
	_ =	sdelay $0x4  }
0x64: {  	[tilespmem:s20], [sflag:$0x1] =	stream.indirect_vreg.gather [hbm4b:s3+s2], $0x80, v4, vm0, $0xb8;
	[tilespmem:$0x10100] =	vst v63  }
0x65: {  	v3 =	vperm.xlane v3, v2  }
0x66: {  	[tilespmem:s9], [sflag:$0x1] =	stream.indirect_vreg.gather [hbm4b:s6+s2], $0x80, v4, vm0, $0xb8;
	[tilespmem:$0x10100] =	vst v63  }
0x67: {  	v3 =	vadd.s32 v1, v3  }
0x68: {  	[tilespmem:s21], [sflag:$0x1] =	stream.indirect_vreg.gather [hbm4b:s7+s2], $0x80, v4, vm0, $0xb8;
	[tilespmem:$0x10100] =	vst v63  }
0x69: {  	_ = 	snop  }
0x6a: {  	[tilespmem:s10], [sflag:$0x1] =	stream.indirect_vreg.gather [hbm4b:s8+s2], $0x80, v4, vm0, $0xb8;
	[tilespmem:$0x10100] =	vst v63  }
0x6b: {  	_ = 	snop  }
0x6c: {  	[tilespmem:s22], [sflag:$0x1] =	stream.indirect_vreg.gather [hbm4b:s3+s2], $0x80, v3, vm0, $0xb8;
	[tilespmem:$0x10100] =	vst v63  }
0x6d: {  	_ = 	snop  }
0x6e: {  	[tilespmem:s23], [sflag:$0x1] =	stream.indirect_vreg.gather [hbm4b:s6+s2], $0x80, v3, vm0, $0xb8;
	[tilespmem:$0x10100] =	vst v63  }
0x6f: {  	_ = 	snop  }
0x70: {  	[tilespmem:s11], [sflag:$0x1] =	stream.indirect_vreg.gather [hbm4b:s7+s2], $0x80, v3, vm0, $0xb8;
	[tilespmem:$0x10100] =	vst v63  }
0x71: {  	_ = 	snop  }
0x72: {  	[tilespmem:s24], [sflag:$0x1] =	stream.indirect_vreg.gather [hbm4b:s8+s2], $0x80, v3, vm0, $0xb8;
	[tilespmem:$0x10100] =	vst v63  }
0x73: {  	_ =	swait.ge [sflag:s12], $0x8000  }
0x74: {  	[sflag:s12] =	ssyncset.done $0x0  }
0x75: {  	[sflag:s12] =	ssyncadd.s32 $0xFFFF8000  }
0x76: {  	_ =	swait.ge [sflag:s12], $0x8000  }
0x77: {  	s28 =	simm.s32 $0x0;
	s29 =	simm.s32 $0x0;
	[sflag:s12] =	ssyncset.done $0x0  }
0x78: {  	s13 =	simm.s32 $0xFFFF8000;
	s26 =	simm.s32 $0x0;
	[sflag:s12] =	ssyncadd.s32 $0xFFFF8000  }
.LBB2_2:
0x79: {  	s30 =	sadd.s32 $0x8000, s13  }
0x7a: {  	s31 =	sand.u32 $0x380, s29;
	s30 =	sand.u32 $0x6000, s30  }
0x7b: {  	s30 =	sor.u32 s31, s30  }
0x7c: {  	v3 =	vld [tilespmem:s30+$0x0]  }
0x7d: {  	v4 =	vld [tilespmem:s30+$0x8000]  }
0x7e: {  	v5 =	vld [tilespmem:s30+$0x10]  }
0x7f: {  	v6 =	vld [tilespmem:s30+$0x8010]  }
0x80: {  	v7 =	vld [tilespmem:s30+$0x20]  }
0x81: {  	v8 =	vld [tilespmem:s30+$0x8020]  }
0x82: {  	v9 =	vld [tilespmem:s30+$0x30]  }
0x83: {  	v10 =	vld [tilespmem:s30+$0x8030]  }
0x84: {  	v11 =	vld [tilespmem:s30+$0x40]  }
0x85: {  	v12 =	vld [tilespmem:s30+$0x8040]  }
0x86: {  	v13 =	vld [tilespmem:s30+$0x50]  }
0x87: {  	v14 =	vld [tilespmem:s30+$0x8050]  }
0x88: {  	v15 =	vld [tilespmem:s30+$0x60]  }
0x89: {  	v16 =	vld [tilespmem:s30+$0x8060]  }
0x8a: {  	v17 =	vld [tilespmem:s30+$0x70]  }
0x8b: {  	v18 =	vld [tilespmem:s30+$0x8070]  }
0x8c: {  	v19 =	vld [tilespmem:s30+$0x400]  }
0x8d: {  	v20 =	vld [tilespmem:s30+$0x8400]  }
0x8e: {  	v21 =	vld [tilespmem:s30+$0x410]  }
0x8f: {  	v22 =	vld [tilespmem:s30+$0x8410]  }
0x90: {  	v23 =	vld [tilespmem:s30+$0x420]  }
0x91: {  	v24 =	vld [tilespmem:s30+$0x8420]  }
0x92: {  	v25 =	vld [tilespmem:s30+$0x430]  }
0x93: {  	v26 =	vld [tilespmem:s30+$0x8430]  }
0x94: {  	v27 =	vld [tilespmem:s30+$0x440]  }
0x95: {  	v28 =	vld [tilespmem:s30+$0x8440]  }
0x96: {  	v29 =	vld [tilespmem:s30+$0x450]  }
0x97: {  	v30 =	vld [tilespmem:s30+$0x8450]  }
0x98: {  	v31 =	vld [tilespmem:s30+$0x460]  }
0x99: {  	v32 =	vld [tilespmem:s30+$0x8460]  }
0x9a: {  	v33 =	vld [tilespmem:s30+$0x470]  }
0x9b: {  	v34 =	vld [tilespmem:s30+$0x8470]  }
0x9c: {  	v35 =	vld [tilespmem:s30+$0x800]  }
0x9d: {  	v36 =	vld [tilespmem:s30+$0x8800]  }
0x9e: {  	v37 =	vld [tilespmem:s30+$0x810]  }
0x9f: {  	v38 =	vld [tilespmem:s30+$0x8810]  }
0xa0: {  	v39 =	vld [tilespmem:s30+$0x820]  }
0xa1: {  	v40 =	vld [tilespmem:s30+$0x8820]  }
0xa2: {  	v41 =	vld [tilespmem:s30+$0x830]  }
0xa3: {  	v42 =	vld [tilespmem:s30+$0x8830]  }
0xa4: {  	v43 =	vld [tilespmem:s30+$0x840]  }
0xa5: {  	v44 =	vld [tilespmem:s30+$0x8840]  }
0xa6: {  	v45 =	vld [tilespmem:s30+$0x850]  }
0xa7: {  	v46 =	vld [tilespmem:s30+$0x8850]  }
0xa8: {  	v47 =	vld [tilespmem:s30+$0x860]  }
0xa9: {  	v48 =	vld [tilespmem:s30+$0x8860]  }
0xaa: {  	v49 =	vld [tilespmem:s30+$0x870]  }
0xab: {  	v50 =	vld [tilespmem:s30+$0x8870]  }
0xac: {  	v51 =	vld [tilespmem:s30+$0xC00]  }
0xad: {  	v52 =	vld [tilespmem:s30+$0x8C00]  }
0xae: {  	v53 =	vld [tilespmem:s30+$0xC10]  }
0xaf: {  	v54 =	vld [tilespmem:s30+$0x8C10]  }
0xb0: {  	v55 =	vld [tilespmem:s30+$0xC20]  }
0xb1: {  	v56 =	vld [tilespmem:s30+$0x8C20]  }
0xb2: {  	v57 =	vld [tilespmem:s30+$0xC30]  }
0xb3: {  	v58 =	vld [tilespmem:s30+$0x8C30]  }
0xb4: {  	v59 =	vld [tilespmem:s30+$0xC40]  }
0xb5: {  	v60 =	vld [tilespmem:s30+$0x8C40]  }
0xb6: {  	v61 =	vld [tilespmem:s30+$0xC50]  }
0xb7: {  	v62 =	vld [tilespmem:s30+$0x8C50]  }
0xb8: {  	v63 =	vld [tilespmem:s30+$0xC60]  }
0xb9: {  	v3 =	vadd.f32 v4, v3;
	v4 =	vld [tilespmem:s30+$0x8C60]  }
0xba: {  	v5 =	vadd.f32 v6, v5;
	v6 =	vld [tilespmem:s30+$0xC70]  }
0xbb: {  	v14 =	vadd.f32 v14, v13;
	v13 =	vld [tilespmem:s30+$0x9020];
	[tilespmem:s30+$0x0] =	vst v3;
	v3 =	vadd.f32 v8, v7  }
0xbc: {  	v18 =	vadd.f32 v18, v17;
	v17 =	vld [tilespmem:s30+$0x9040];
	[tilespmem:s30+$0x10] =	vst v5  }
0xbd: {  	v22 =	vadd.f32 v22, v21;
	v21 =	vld [tilespmem:s30+$0x9060];
	[tilespmem:s30+$0x20] =	vst v3;
	v3 =	vadd.f32 v12, v11  }
0xbe: {  	v7 =	vld [tilespmem:s30+$0x8C70];
	[tilespmem:s30+$0x50] =	vst v14  }
0xbf: {  	v8 =	vld [tilespmem:s30+$0x1000];
	[tilespmem:s30+$0x40] =	vst v3;
	v3 =	vadd.f32 v16, v15  }
0xc0: {  	v5 =	vadd.f32 v10, v9;
	v9 =	vld [tilespmem:s30+$0x9000];
	[tilespmem:s30+$0x70] =	vst v18  }
0xc1: {  	v10 =	vld [tilespmem:s30+$0x1010];
	[tilespmem:s30+$0x60] =	vst v3;
	v3 =	vadd.f32 v20, v19  }
0xc2: {  	v26 =	vadd.f32 v26, v25;
	v14 =	vld [tilespmem:s30+$0x1030];
	[tilespmem:s30+$0x410] =	vst v22  }
0xc3: {  	v18 =	vld [tilespmem:s30+$0x1050];
	[tilespmem:s30+$0x400] =	vst v3;
	v3 =	vadd.f32 v24, v23  }
0xc4: {  	v30 =	vadd.f32 v30, v29;
	[tilespmem:s30+$0x430] =	vst v26;
	v22 =	vld [tilespmem:s30+$0x1070]  }
0xc5: {  	v19 =	vld [tilespmem:s30+$0x9050];
	[tilespmem:s30+$0x420] =	vst v3;
	v3 =	vadd.f32 v28, v27  }
0xc6: {  	v34 =	vadd.f32 v34, v33;
	[tilespmem:s30+$0x450] =	vst v30;
	v11 =	vld [tilespmem:s30+$0x9010]  }
0xc7: {  	v12 =	vld [tilespmem:s30+$0x1020];
	[tilespmem:s30+$0x440] =	vst v3;
	v3 =	vadd.f32 v32, v31  }
0xc8: {  	[tilespmem:s30+$0x470] =	vst v34;
	v15 =	vld [tilespmem:s30+$0x9030]  }
0xc9: {  	v16 =	vld [tilespmem:s30+$0x1040];
	[tilespmem:s30+$0x460] =	vst v3;
	v3 =	vadd.f32 v36, v35  }
0xca: {  	[tilespmem:s30+$0x30] =	vst v5;
	v20 =	vld [tilespmem:s30+$0x1060];
	v19 =	vadd.f32 v19, v18  }
0xcb: {  	v24 =	vld [tilespmem:s30+$0x1400];
	[tilespmem:s30+$0x800] =	vst v3;
	v3 =	vadd.f32 v40, v39  }
0xcc: {  	[tilespmem:s30+$0x1050] =	vst v19;
	v36 =	vadd.f32 v38, v37;
	v37 =	vld [tilespmem:s30+$0x9070]  }
0xcd: {  	v38 =	vadd.f32 v42, v41;
	v41 =	vld [tilespmem:s30+$0x1410];
	[tilespmem:s30+$0x820] =	vst v3;
	v3 =	vadd.f32 v44, v43  }
0xce: {  	v42 =	vld [tilespmem:s30+$0x9410];
	[tilespmem:s30+$0x810] =	vst v36  }
0xcf: {  	v35 =	vld [tilespmem:s30+$0x1810];
	[tilespmem:s30+$0x840] =	vst v3;
	v3 =	vadd.f32 v48, v47  }
0xd0: {  	v39 =	vld [tilespmem:s30+$0x9400];
	[tilespmem:s30+$0x830] =	vst v38;
	v40 =	vadd.f32 v46, v45  }
0xd1: {  	v45 =	vld [tilespmem:s30+$0x9420];
	[tilespmem:s30+$0x860] =	vst v3;
	v3 =	vadd.f32 v52, v51  }
0xd2: {  	v46 =	vadd.f32 v54, v53;
	v53 =	vld [tilespmem:s30+$0x1450];
	[tilespmem:s30+$0x850] =	vst v40  }
0xd3: {  	v54 =	vld [tilespmem:s30+$0x9450];
	[tilespmem:s30+$0xC00] =	vst v3;
	v3 =	vadd.f32 v56, v55  }
0xd4: {  	v36 =	vld [tilespmem:s30+$0x9810];
	v43 =	vadd.f32 v50, v49;
	[tilespmem:s30+$0xC10] =	vst v46  }
0xd5: {  	v38 =	vld [tilespmem:s30+$0x1820];
	[tilespmem:s30+$0xC20] =	vst v3;
	v3 =	vadd.f32 v60, v59  }
0xd6: {  	v44 =	vld [tilespmem:s30+$0x1420];
	v49 =	vadd.f32 v58, v57;
	[tilespmem:s30+$0x870] =	vst v43  }
0xd7: {  	v50 =	vld [tilespmem:s30+$0x1440];
	[tilespmem:s30+$0xC40] =	vst v3;
	v3 =	vadd.f32 v4, v63  }
0xd8: {  	v57 =	vld [tilespmem:s30+$0x9460];
	v58 =	vadd.f32 v11, v10;
	[tilespmem:s30+$0xC30] =	vst v49  }
0xd9: {  	v46 =	vld [tilespmem:s30+$0x9850];
	[tilespmem:s30+$0xC60] =	vst v3;
	v3 =	vadd.f32 v9, v8  }
0xda: {  	v37 =	vadd.f32 v37, v22;
	v40 =	vadd.f32 v42, v41;
	v41 =	vld [tilespmem:s30+$0x1830];
	[tilespmem:s30+$0x1010] =	vst v58  }
0xdb: {  	v42 =	vld [tilespmem:s30+$0x9830];
	[tilespmem:s30+$0x1000] =	vst v3;
	v3 =	vadd.f32 v13, v12  }
0xdc: {  	v47 =	vld [tilespmem:s30+$0x1430];
	[tilespmem:s30+$0x1070] =	vst v37  }
0xdd: {  	v48 =	vld [tilespmem:s30+$0x9430];
	[tilespmem:s30+$0x1020] =	vst v3;
	v3 =	vadd.f32 v17, v16  }
0xde: {  	v49 =	vld [tilespmem:s30+$0x9860];
	[tilespmem:s30+$0x1410] =	vst v40;
	v52 =	vadd.f32 v62, v61  }
0xdf: {  	v51 =	vld [tilespmem:s30+$0x9440];
	[tilespmem:s30+$0x1040] =	vst v3;
	v3 =	vadd.f32 v21, v20  }
0xe0: {  	v61 =	vadd.f32 v15, v14;
	v62 =	vld [tilespmem:s30+$0x1800];
	[tilespmem:s30+$0xC50] =	vst v52  }
0xe1: {  	v56 =	vld [tilespmem:s30+$0x1460];
	[tilespmem:s30+$0x1060] =	vst v3;
	v3 =	vadd.f32 v39, v24  }
0xe2: {  	v55 =	vadd.f32 v7, v6;
	[tilespmem:s30+$0x1030] =	vst v61;
	v52 =	vld [tilespmem:s30+$0x9870]  }
0xe3: {  	v43 =	vadd.f32 v48, v47;
	v47 =	vld [tilespmem:s30+$0x1860];
	[tilespmem:s30+$0x1400] =	vst v3;
	v3 =	vadd.f32 v45, v44  }
0xe4: {  	[tilespmem:s30+$0xC70] =	vst v55;
	v63 =	vld [tilespmem:s30+$0x9800]  }
0xe5: {  	v59 =	vld [tilespmem:s30+$0x1470];
	[tilespmem:s30+$0x1420] =	vst v3;
	v3 =	vadd.f32 v51, v50  }
0xe6: {  	[tilespmem:s30+$0x1430] =	vst v43;
	v4 =	vadd.f32 v54, v53;
	v39 =	vld [tilespmem:s30+$0x9820]  }
0xe7: {  	v60 =	vld [tilespmem:s30+$0x9470];
	[tilespmem:s30+$0x1440] =	vst v3;
	v3 =	vadd.f32 v57, v56  }
0xe8: {  	v54 =	vadd.f32 v42, v41;
	[tilespmem:s30+$0x1450] =	vst v4;
	v45 =	vld [tilespmem:s30+$0x1850]  }
0xe9: {  	v53 =	vld [tilespmem:s30+$0x9840];
	[tilespmem:s30+$0x1460] =	vst v3;
	v3 =	vadd.f32 v63, v62  }
0xea: {  	[tilespmem:s30+$0x1830] =	vst v54;
	v55 =	vadd.f32 v49, v47;
	v50 =	vld [tilespmem:s30+$0x1870]  }
0xeb: {  	v44 =	vld [tilespmem:s30+$0x1840];
	[tilespmem:s30+$0x1800] =	vst v3;
	v3 =	vadd.f32 v39, v38  }
0xec: {  	v48 =	vadd.f32 v60, v59;
	[tilespmem:s30+$0x1860] =	vst v55  }
0xed: {  	[tilespmem:s30+$0x1820] =	vst v3;
	v3 =	vadd.f32 v46, v45  }
0xee: {  	s0 =	sand.u32 $0x7, s26;
	[tilespmem:s30+$0x1470] =	vst v48;
	v51 =	vadd.f32 v36, v35  }
0xef: {  	s31 =	sshll.u32 s0, $0x7;
	[tilespmem:s30+$0x1850] =	vst v3;
	v3 =	vadd.f32 v52, v50  }
0xf0: {  	s31 =	sadd.s32 s31, s28;
	[tilespmem:s30+$0x1810] =	vst v51;
	v56 =	vadd.f32 v53, v44  }
0xf1: {  	s0 =	sor.u32 $0x1C00, s31;
	[tilespmem:s30+$0x1870] =	vst v3  }
0xf2: {  	[tilespmem:s30+$0x1840] =	vst v56;
	v3 =	vld [tilespmem:s0+$0x0]  }
0xf3: {  	v4 =	vld [tilespmem:s0+$0x8000];
	_ =	sdelay $0x4  }
0xf4: {  	v3 =	vadd.f32 v4, v3;
	_ =	sdelay $0x1  }
0xf5: {  	s30 =	sor.u32 $0x1C10, s31;
	[tilespmem:s0+$0x0] =	vst v3  }
0xf6: {  	v3 =	vld [tilespmem:s30+$0x0]  }
0xf7: {  	v57 =	vld [tilespmem:s30+$0x8000];
	_ =	sdelay $0x4  }
0xf8: {  	v3 =	vadd.f32 v57, v3;
	_ =	sdelay $0x1  }
0xf9: {  	[tilespmem:s30+$0x0] =	vst v3;
	s30 =	sor.u32 $0x1C20, s31  }
0xfa: {  	v3 =	vld [tilespmem:s30+$0x0]  }
0xfb: {  	v58 =	vld [tilespmem:s30+$0x8000];
	_ =	sdelay $0x4  }
0xfc: {  	v3 =	vadd.f32 v58, v3;
	_ =	sdelay $0x1  }
0xfd: {  	[tilespmem:s30+$0x0] =	vst v3;
	s30 =	sor.u32 $0x1C30, s31  }
0xfe: {  	v3 =	vld [tilespmem:s30+$0x0]  }
0xff: {  	v59 =	vld [tilespmem:s30+$0x8000];
	_ =	sdelay $0x4  }
0x100: {  	v3 =	vadd.f32 v59, v3;
	_ =	sdelay $0x1  }
0x101: {  	[tilespmem:s30+$0x0] =	vst v3;
	s30 =	sor.u32 $0x1C40, s31  }
0x102: {  	v3 =	vld [tilespmem:s30+$0x0]  }
0x103: {  	v60 =	vld [tilespmem:s30+$0x8000];
	_ =	sdelay $0x4  }
0x104: {  	v3 =	vadd.f32 v60, v3;
	_ =	sdelay $0x1  }
0x105: {  	[tilespmem:s30+$0x0] =	vst v3;
	s30 =	sor.u32 $0x1C50, s31  }
0x106: {  	v3 =	vld [tilespmem:s30+$0x0]  }
0x107: {  	v61 =	vld [tilespmem:s30+$0x8000];
	_ =	sdelay $0x4  }
0x108: {  	v3 =	vadd.f32 v61, v3;
	_ =	sdelay $0x1  }
0x109: {  	[tilespmem:s30+$0x0] =	vst v3;
	s30 =	sor.u32 $0x1C60, s31  }
0x10a: {  	v3 =	vld [tilespmem:s30+$0x0]  }
0x10b: {  	v62 =	vld [tilespmem:s30+$0x8000];
	_ =	sdelay $0x4  }
0x10c: {  	v3 =	vadd.f32 v62, v3;
	_ =	sdelay $0x1  }
0x10d: {  	s31 =	sor.u32 $0x1C70, s31;
	[tilespmem:s30+$0x0] =	vst v3  }
0x10e: {  	v3 =	vld [tilespmem:s31+$0x0]  }
0x10f: {  	v63 =	vld [tilespmem:s31+$0x8000];
	_ =	sdelay $0x1  }
0x110: {  	p0 =	sne.s32 s29, $0xF80  }
.Ltmp0:
0x111: {  	_ = 	snop;
	(pc) =	sbr.rel @p0 .LBB2_2-.Ltmp0, $4  }
0x112: {  	_ = 	snop  }
0x113: {  	v3 =	vadd.f32 v63, v3  }
0x114: {  	s26 =	sadd.s32 $0x1, s26  }
0x115: {  	s13 =	sadd.s32 $0x400, s13;
	s29 =	sadd.s32 $0x80, s29;
	s28 =	sadd.s32 $0x400, s28;
	[tilespmem:s31+$0x0] =	vst v3  }
0x116: {  	s13 =	simm.s32 $0x0;
	s0 =	rddreg [dreg:$0x5]  }
0x117: {  	[hbm4b:s0+s13] =	stream.linear.scatter [tilespmem:s13], [sflag:$0x2], $0x8000, $0x38;
	[tilespmem:$0x10100] =	vst v63  }
0x118: {  	_ =	swait.ge [sflag:s15], $0x8000  }
0x119: {  	[sflag:s15] =	ssyncset.done $0x0  }
0x11a: {  	s26 =	simm.s32 $0x10000;
	s31 =	rddreg [dreg:$0x6];
	[sflag:s15] =	ssyncadd.s32 $0xFFFF8000  }
0x11b: {  	[tilespmem:s26], [sflag:$0x2] =	stream.linear.gather [hbm4b:s31+s13], $0x20, $0x38;
	[tilespmem:$0x10100] =	vst v63  }
0x11c: {  	_ =	swait.ge [sflag:s15], $0x20  }
0x11d: {  	[sflag:s15] =	ssyncset.done $0x0  }
0x11e: {  	s31 =	simm.s32 $0x10080;
	s30 =	rddreg [dreg:$0x7];
	[sflag:s15] =	ssyncadd.s32 $0xFFFFFFE0  }
0x11f: {  	[tilespmem:s31], [sflag:$0x2] =	stream.linear.gather [hbm4b:s30+s13], $0x20, $0x38;
	[tilespmem:$0x10100] =	vst v63  }
0x120: {  	_ =	swait.ge [sflag:s15], $0x20  }
0x121: {  	[sflag:s15] =	ssyncset.done $0x0  }
0x122: {  	[sflag:s15] =	ssyncadd.s32 $0xFFFFFFE0  }
0x123: {  	v3 =	vld [tilespmem:$0x10000];
	_ =	sdelay $0x4  }
0x124: {  	v4 =	vshll.u32 v3, $0x3  }
0x125: {  	v3 =	vand.u32 $0x7, v3;
	v4 =	vand.u32 $0xFFFFFFC0, v4  }
0x126: {  	v3 =	vor.u32 v3, v4  }
0x127: {  	v4 =	vperm.xlane v3, v0;
	_ =	sdelay $0x1  }
0x128: {  	v4 =	vadd.s32 v1, v4;
	_ =	sdelay $0x4  }
0x129: {  	[tilespmem:s13], [sflag:$0x1] =	stream.indirect_vreg.gather [hbm4b:s3+s13], $0x80, v4, vm0, $0xb8;
	[tilespmem:$0x10100] =	vst v63  }
0x12a: {  	s26 =	simm.s32 $0x800;
	v3 =	vperm.xlane v3, v2  }
0x12b: {  	[tilespmem:s26], [sflag:$0x1] =	stream.indirect_vreg.gather [hbm4b:s6+s13], $0x80, v4, vm0, $0xb8;
	[tilespmem:$0x10100] =	vst v63  }
0x12c: {  	s30 =	simm.s32 $0x1000;
	v3 =	vadd.s32 v1, v3  }
0x12d: {  	[tilespmem:s30], [sflag:$0x1] =	stream.indirect_vreg.gather [hbm4b:s7+s13], $0x80, v4, vm0, $0xb8;
	[tilespmem:$0x10100] =	vst v63  }
0x12e: {  	s31 =	simm.s32 $0x1800  }
0x12f: {  	[tilespmem:s31], [sflag:$0x1] =	stream.indirect_vreg.gather [hbm4b:s8+s13], $0x80, v4, vm0, $0xb8;
	[tilespmem:$0x10100] =	vst v63  }
0x130: {  	s26 =	simm.s32 $0x2000  }
0x131: {  	[tilespmem:s26], [sflag:$0x1] =	stream.indirect_vreg.gather [hbm4b:s3+s13], $0x80, v3, vm0, $0xb8;
	[tilespmem:$0x10100] =	vst v63  }
0x132: {  	s30 =	simm.s32 $0x2800  }
0x133: {  	[tilespmem:s30], [sflag:$0x1] =	stream.indirect_vreg.gather [hbm4b:s6+s13], $0x80, v3, vm0, $0xb8;
	[tilespmem:$0x10100] =	vst v63  }
0x134: {  	s31 =	simm.s32 $0x3000  }
0x135: {  	[tilespmem:s31], [sflag:$0x1] =	stream.indirect_vreg.gather [hbm4b:s7+s13], $0x80, v3, vm0, $0xb8;
	[tilespmem:$0x10100] =	vst v63  }
0x136: {  	s26 =	simm.s32 $0x3800  }
0x137: {  	[tilespmem:s26], [sflag:$0x1] =	stream.indirect_vreg.gather [hbm4b:s8+s13], $0x80, v3, vm0, $0xb8;
	[tilespmem:$0x10100] =	vst v63  }
0x138: {  	v3 =	vld [tilespmem:$0x10010];
	_ =	sdelay $0x4  }
0x139: {  	v61 =	vshll.u32 v3, $0x3  }
0x13a: {  	v3 =	vand.u32 $0x7, v3;
	v4 =	vand.u32 $0xFFFFFFC0, v61  }
0x13b: {  	v3 =	vor.u32 v3, v4  }
0x13c: {  	v4 =	vperm.xlane v3, v0;
	_ =	sdelay $0x1  }
0x13d: {  	v4 =	vadd.s32 v1, v4;
	_ =	sdelay $0x3  }
0x13e: {  	s30 =	simm.s32 $0x4000  }
0x13f: {  	[tilespmem:s30], [sflag:$0x1] =	stream.indirect_vreg.gather [hbm4b:s3+s13], $0x80, v4, vm0, $0xb8;
	[tilespmem:$0x10100] =	vst v63  }
0x140: {  	s31 =	simm.s32 $0x4800;
	v3 =	vperm.xlane v3, v2  }
0x141: {  	[tilespmem:s31], [sflag:$0x1] =	stream.indirect_vreg.gather [hbm4b:s6+s13], $0x80, v4, vm0, $0xb8;
	[tilespmem:$0x10100] =	vst v63  }
0x142: {  	s26 =	simm.s32 $0x5000;
	v3 =	vadd.s32 v1, v3  }
0x143: {  	[tilespmem:s26], [sflag:$0x1] =	stream.indirect_vreg.gather [hbm4b:s7+s13], $0x80, v4, vm0, $0xb8;
	[tilespmem:$0x10100] =	vst v63  }
0x144: {  	s30 =	simm.s32 $0x5800  }
0x145: {  	[tilespmem:s30], [sflag:$0x1] =	stream.indirect_vreg.gather [hbm4b:s8+s13], $0x80, v4, vm0, $0xb8;
	[tilespmem:$0x10100] =	vst v63  }
0x146: {  	s31 =	simm.s32 $0x6000  }
0x147: {  	[tilespmem:s31], [sflag:$0x1] =	stream.indirect_vreg.gather [hbm4b:s3+s13], $0x80, v3, vm0, $0xb8;
	[tilespmem:$0x10100] =	vst v63  }
0x148: {  	s26 =	simm.s32 $0x6800  }
0x149: {  	[tilespmem:s26], [sflag:$0x1] =	stream.indirect_vreg.gather [hbm4b:s6+s13], $0x80, v3, vm0, $0xb8;
	[tilespmem:$0x10100] =	vst v63  }
0x14a: {  	s30 =	simm.s32 $0x7000  }
0x14b: {  	[tilespmem:s30], [sflag:$0x1] =	stream.indirect_vreg.gather [hbm4b:s7+s13], $0x80, v3, vm0, $0xb8;
	[tilespmem:$0x10100] =	vst v63  }
0x14c: {  	s31 =	simm.s32 $0x7800  }
0x14d: {  	[tilespmem:s31], [sflag:$0x1] =	stream.indirect_vreg.gather [hbm4b:s8+s13], $0x80, v3, vm0, $0xb8;
	[tilespmem:$0x10100] =	vst v63  }
0x14e: {  	v3 =	vld [tilespmem:$0x10080];
	_ =	sdelay $0x4  }
0x14f: {  	v62 =	vshll.u32 v3, $0x3  }
0x150: {  	v3 =	vand.u32 $0x7, v3;
	v4 =	vand.u32 $0xFFFFFFC0, v62  }
0x151: {  	v3 =	vor.u32 v3, v4  }
0x152: {  	v4 =	vperm.xlane v3, v0;
	_ =	sdelay $0x1  }
0x153: {  	v4 =	vadd.s32 v1, v4;
	_ =	sdelay $0x4  }
0x154: {  	[tilespmem:s1], [sflag:$0x1] =	stream.indirect_vreg.gather [hbm4b:s3+s13], $0x80, v4, vm0, $0xb8;
	[tilespmem:$0x10100] =	vst v63  }
0x155: {  	v3 =	vperm.xlane v3, v2  }
0x156: {  	[tilespmem:s4], [sflag:$0x1] =	stream.indirect_vreg.gather [hbm4b:s6+s13], $0x80, v4, vm0, $0xb8;
	[tilespmem:$0x10100] =	vst v63  }
0x157: {  	v3 =	vadd.s32 v1, v3  }
0x158: {  	[tilespmem:s5], [sflag:$0x1] =	stream.indirect_vreg.gather [hbm4b:s7+s13], $0x80, v4, vm0, $0xb8;
	[tilespmem:$0x10100] =	vst v63  }
0x159: {  	_ = 	snop  }
0x15a: {  	[tilespmem:s14], [sflag:$0x1] =	stream.indirect_vreg.gather [hbm4b:s8+s13], $0x80, v4, vm0, $0xb8;
	[tilespmem:$0x10100] =	vst v63  }
0x15b: {  	_ = 	snop  }
0x15c: {  	[tilespmem:s16], [sflag:$0x1] =	stream.indirect_vreg.gather [hbm4b:s3+s13], $0x80, v3, vm0, $0xb8;
	[tilespmem:$0x10100] =	vst v63  }
0x15d: {  	_ = 	snop  }
0x15e: {  	[tilespmem:s17], [sflag:$0x1] =	stream.indirect_vreg.gather [hbm4b:s6+s13], $0x80, v3, vm0, $0xb8;
	[tilespmem:$0x10100] =	vst v63  }
0x15f: {  	_ = 	snop  }
0x160: {  	[tilespmem:s18], [sflag:$0x1] =	stream.indirect_vreg.gather [hbm4b:s7+s13], $0x80, v3, vm0, $0xb8;
	[tilespmem:$0x10100] =	vst v63  }
0x161: {  	_ = 	snop  }
0x162: {  	[tilespmem:s19], [sflag:$0x1] =	stream.indirect_vreg.gather [hbm4b:s8+s13], $0x80, v3, vm0, $0xb8;
	[tilespmem:$0x10100] =	vst v63  }
0x163: {  	v3 =	vld [tilespmem:$0x10090];
	_ =	sdelay $0x4  }
0x164: {  	v63 =	vshll.u32 v3, $0x3  }
0x165: {  	v3 =	vand.u32 $0x7, v3;
	v4 =	vand.u32 $0xFFFFFFC0, v63  }
0x166: {  	v3 =	vor.u32 v3, v4  }
0x167: {  	v4 =	vperm.xlane v3, v0;
	_ =	sdelay $0x1  }
0x168: {  	v4 =	vadd.s32 v1, v4;
	_ =	sdelay $0x4  }
0x169: {  	[tilespmem:s20], [sflag:$0x1] =	stream.indirect_vreg.gather [hbm4b:s3+s13], $0x80, v4, vm0, $0xb8;
	[tilespmem:$0x10100] =	vst v63  }
0x16a: {  	v3 =	vperm.xlane v3, v2  }
0x16b: {  	[tilespmem:s9], [sflag:$0x1] =	stream.indirect_vreg.gather [hbm4b:s6+s13], $0x80, v4, vm0, $0xb8;
	[tilespmem:$0x10100] =	vst v63  }
0x16c: {  	v3 =	vadd.s32 v1, v3  }
0x16d: {  	[tilespmem:s21], [sflag:$0x1] =	stream.indirect_vreg.gather [hbm4b:s7+s13], $0x80, v4, vm0, $0xb8;
	[tilespmem:$0x10100] =	vst v63  }
0x16e: {  	_ = 	snop  }
0x16f: {  	[tilespmem:s10], [sflag:$0x1] =	stream.indirect_vreg.gather [hbm4b:s8+s13], $0x80, v4, vm0, $0xb8;
	[tilespmem:$0x10100] =	vst v63  }
0x170: {  	_ = 	snop  }
0x171: {  	[tilespmem:s22], [sflag:$0x1] =	stream.indirect_vreg.gather [hbm4b:s3+s13], $0x80, v3, vm0, $0xb8;
	[tilespmem:$0x10100] =	vst v63  }
0x172: {  	_ = 	snop  }
0x173: {  	[tilespmem:s23], [sflag:$0x1] =	stream.indirect_vreg.gather [hbm4b:s6+s13], $0x80, v3, vm0, $0xb8;
	[tilespmem:$0x10100] =	vst v63  }
0x174: {  	_ = 	snop  }
0x175: {  	[tilespmem:s11], [sflag:$0x1] =	stream.indirect_vreg.gather [hbm4b:s7+s13], $0x80, v3, vm0, $0xb8;
	[tilespmem:$0x10100] =	vst v63  }
0x176: {  	_ = 	snop  }
0x177: {  	[tilespmem:s24], [sflag:$0x1] =	stream.indirect_vreg.gather [hbm4b:s8+s13], $0x80, v3, vm0, $0xb8;
	[tilespmem:$0x10100] =	vst v63  }
0x178: {  	_ =	swait.ge [sflag:s12], $0x8000  }
0x179: {  	[sflag:s12] =	ssyncset.done $0x0  }
0x17a: {  	[sflag:s12] =	ssyncadd.s32 $0xFFFF8000  }
0x17b: {  	_ =	swait.ge [sflag:s12], $0x8000  }
0x17c: {  	s28 =	simm.s32 $0x0;
	[sflag:s12] =	ssyncset.done $0x0  }
0x17d: {  	s29 =	simm.s32 $0x0;
	s26 =	simm.s32 $0xFFFF8000;
	[sflag:s12] =	ssyncadd.s32 $0xFFFF8000  }
.LBB2_4:
0x17e: {  	s0 =	sadd.s32 $0x8000, s26  }
0x17f: {  	s30 =	sand.u32 $0x380, s29;
	s0 =	sand.u32 $0x6000, s0  }
0x180: {  	s30 =	sor.u32 s30, s0  }
0x181: {  	v3 =	vld [tilespmem:s30+$0x0]  }
0x182: {  	v4 =	vld [tilespmem:s30+$0x8000]  }
0x183: {  	v5 =	vld [tilespmem:s30+$0x10]  }
0x184: {  	v6 =	vld [tilespmem:s30+$0x8010]  }
0x185: {  	v7 =	vld [tilespmem:s30+$0x20]  }
0x186: {  	v8 =	vld [tilespmem:s30+$0x8020]  }
0x187: {  	v9 =	vld [tilespmem:s30+$0x30]  }
0x188: {  	v10 =	vld [tilespmem:s30+$0x8030]  }
0x189: {  	v11 =	vld [tilespmem:s30+$0x40]  }
0x18a: {  	v12 =	vld [tilespmem:s30+$0x8040]  }
0x18b: {  	v13 =	vld [tilespmem:s30+$0x50]  }
0x18c: {  	v14 =	vld [tilespmem:s30+$0x8050]  }
0x18d: {  	v15 =	vld [tilespmem:s30+$0x60]  }
0x18e: {  	v16 =	vld [tilespmem:s30+$0x8060]  }
0x18f: {  	v17 =	vld [tilespmem:s30+$0x70]  }
0x190: {  	v18 =	vld [tilespmem:s30+$0x8070]  }
0x191: {  	v19 =	vld [tilespmem:s30+$0x400]  }
0x192: {  	v20 =	vld [tilespmem:s30+$0x8400]  }
0x193: {  	v21 =	vld [tilespmem:s30+$0x410]  }
0x194: {  	v22 =	vld [tilespmem:s30+$0x8410]  }
0x195: {  	v23 =	vld [tilespmem:s30+$0x420]  }
0x196: {  	v24 =	vld [tilespmem:s30+$0x8420]  }
0x197: {  	v25 =	vld [tilespmem:s30+$0x430]  }
0x198: {  	v26 =	vld [tilespmem:s30+$0x8430]  }
0x199: {  	v27 =	vld [tilespmem:s30+$0x440]  }
0x19a: {  	v28 =	vld [tilespmem:s30+$0x8440]  }
0x19b: {  	v29 =	vld [tilespmem:s30+$0x450]  }
0x19c: {  	v30 =	vld [tilespmem:s30+$0x8450]  }
0x19d: {  	v31 =	vld [tilespmem:s30+$0x460]  }
0x19e: {  	v32 =	vld [tilespmem:s30+$0x8460]  }
0x19f: {  	v33 =	vld [tilespmem:s30+$0x470]  }
0x1a0: {  	v34 =	vld [tilespmem:s30+$0x8470]  }
0x1a1: {  	v35 =	vld [tilespmem:s30+$0x800]  }
0x1a2: {  	v36 =	vld [tilespmem:s30+$0x8800]  }
0x1a3: {  	v37 =	vld [tilespmem:s30+$0x810]  }
0x1a4: {  	v38 =	vld [tilespmem:s30+$0x8810]  }
0x1a5: {  	v39 =	vld [tilespmem:s30+$0x820]  }
0x1a6: {  	v40 =	vld [tilespmem:s30+$0x8820]  }
0x1a7: {  	v41 =	vld [tilespmem:s30+$0x830]  }
0x1a8: {  	v42 =	vld [tilespmem:s30+$0x8830]  }
0x1a9: {  	v43 =	vld [tilespmem:s30+$0x840]  }
0x1aa: {  	v44 =	vld [tilespmem:s30+$0x8840]  }
0x1ab: {  	v45 =	vld [tilespmem:s30+$0x850]  }
0x1ac: {  	v46 =	vld [tilespmem:s30+$0x8850]  }
0x1ad: {  	v47 =	vld [tilespmem:s30+$0x860]  }
0x1ae: {  	v48 =	vld [tilespmem:s30+$0x8860]  }
0x1af: {  	v49 =	vld [tilespmem:s30+$0x870]  }
0x1b0: {  	v50 =	vld [tilespmem:s30+$0x8870]  }
0x1b1: {  	v51 =	vld [tilespmem:s30+$0xC00]  }
0x1b2: {  	v52 =	vld [tilespmem:s30+$0x8C00]  }
0x1b3: {  	v53 =	vld [tilespmem:s30+$0xC10]  }
0x1b4: {  	v54 =	vld [tilespmem:s30+$0x8C10]  }
0x1b5: {  	v55 =	vld [tilespmem:s30+$0xC20]  }
0x1b6: {  	v56 =	vld [tilespmem:s30+$0x8C20]  }
0x1b7: {  	v57 =	vld [tilespmem:s30+$0xC30]  }
0x1b8: {  	v58 =	vld [tilespmem:s30+$0x8C30]  }
0x1b9: {  	v59 =	vld [tilespmem:s30+$0xC40]  }
0x1ba: {  	v60 =	vld [tilespmem:s30+$0x8C40]  }
0x1bb: {  	v61 =	vld [tilespmem:s30+$0xC50]  }
0x1bc: {  	v62 =	vld [tilespmem:s30+$0x8C50]  }
0x1bd: {  	v63 =	vld [tilespmem:s30+$0xC60]  }
0x1be: {  	v3 =	vadd.f32 v4, v3;
	v4 =	vld [tilespmem:s30+$0x8C60]  }
0x1bf: {  	v5 =	vadd.f32 v6, v5;
	v6 =	vld [tilespmem:s30+$0xC70]  }
0x1c0: {  	v14 =	vadd.f32 v14, v13;
	v13 =	vld [tilespmem:s30+$0x9020];
	[tilespmem:s30+$0x0] =	vst v3;
	v3 =	vadd.f32 v8, v7  }
0x1c1: {  	v18 =	vadd.f32 v18, v17;
	v17 =	vld [tilespmem:s30+$0x9040];
	[tilespmem:s30+$0x10] =	vst v5  }
0x1c2: {  	v22 =	vadd.f32 v22, v21;
	v21 =	vld [tilespmem:s30+$0x9060];
	[tilespmem:s30+$0x20] =	vst v3;
	v3 =	vadd.f32 v12, v11  }
0x1c3: {  	v7 =	vld [tilespmem:s30+$0x8C70];
	[tilespmem:s30+$0x50] =	vst v14  }
0x1c4: {  	v8 =	vld [tilespmem:s30+$0x1000];
	[tilespmem:s30+$0x40] =	vst v3;
	v3 =	vadd.f32 v16, v15  }
0x1c5: {  	v5 =	vadd.f32 v10, v9;
	v9 =	vld [tilespmem:s30+$0x9000];
	[tilespmem:s30+$0x70] =	vst v18  }
0x1c6: {  	v10 =	vld [tilespmem:s30+$0x1010];
	[tilespmem:s30+$0x60] =	vst v3;
	v3 =	vadd.f32 v20, v19  }
0x1c7: {  	v26 =	vadd.f32 v26, v25;
	v14 =	vld [tilespmem:s30+$0x1030];
	[tilespmem:s30+$0x410] =	vst v22  }
0x1c8: {  	v18 =	vld [tilespmem:s30+$0x1050];
	[tilespmem:s30+$0x400] =	vst v3;
	v3 =	vadd.f32 v24, v23  }
0x1c9: {  	v30 =	vadd.f32 v30, v29;
	[tilespmem:s30+$0x430] =	vst v26;
	v22 =	vld [tilespmem:s30+$0x1070]  }
0x1ca: {  	v19 =	vld [tilespmem:s30+$0x9050];
	[tilespmem:s30+$0x420] =	vst v3;
	v3 =	vadd.f32 v28, v27  }
0x1cb: {  	v34 =	vadd.f32 v34, v33;
	[tilespmem:s30+$0x450] =	vst v30;
	v11 =	vld [tilespmem:s30+$0x9010]  }
0x1cc: {  	v12 =	vld [tilespmem:s30+$0x1020];
	[tilespmem:s30+$0x440] =	vst v3;
	v3 =	vadd.f32 v32, v31  }
0x1cd: {  	[tilespmem:s30+$0x470] =	vst v34;
	v15 =	vld [tilespmem:s30+$0x9030]  }
0x1ce: {  	v16 =	vld [tilespmem:s30+$0x1040];
	[tilespmem:s30+$0x460] =	vst v3;
	v3 =	vadd.f32 v36, v35  }
0x1cf: {  	[tilespmem:s30+$0x30] =	vst v5;
	v20 =	vld [tilespmem:s30+$0x1060];
	v19 =	vadd.f32 v19, v18  }
0x1d0: {  	v24 =	vld [tilespmem:s30+$0x1400];
	[tilespmem:s30+$0x800] =	vst v3;
	v3 =	vadd.f32 v40, v39  }
0x1d1: {  	[tilespmem:s30+$0x1050] =	vst v19;
	v36 =	vadd.f32 v38, v37;
	v37 =	vld [tilespmem:s30+$0x9070]  }
0x1d2: {  	v38 =	vadd.f32 v42, v41;
	v41 =	vld [tilespmem:s30+$0x1410];
	[tilespmem:s30+$0x820] =	vst v3;
	v3 =	vadd.f32 v44, v43  }
0x1d3: {  	v42 =	vld [tilespmem:s30+$0x9410];
	[tilespmem:s30+$0x810] =	vst v36  }
0x1d4: {  	v35 =	vld [tilespmem:s30+$0x1810];
	[tilespmem:s30+$0x840] =	vst v3;
	v3 =	vadd.f32 v48, v47  }
0x1d5: {  	v39 =	vld [tilespmem:s30+$0x9400];
	[tilespmem:s30+$0x830] =	vst v38;
	v40 =	vadd.f32 v46, v45  }
0x1d6: {  	v45 =	vld [tilespmem:s30+$0x9420];
	[tilespmem:s30+$0x860] =	vst v3;
	v3 =	vadd.f32 v52, v51  }
0x1d7: {  	v46 =	vadd.f32 v54, v53;
	v53 =	vld [tilespmem:s30+$0x1450];
	[tilespmem:s30+$0x850] =	vst v40  }
0x1d8: {  	v54 =	vld [tilespmem:s30+$0x9450];
	[tilespmem:s30+$0xC00] =	vst v3;
	v3 =	vadd.f32 v56, v55  }
0x1d9: {  	v36 =	vld [tilespmem:s30+$0x9810];
	v43 =	vadd.f32 v50, v49;
	[tilespmem:s30+$0xC10] =	vst v46  }
0x1da: {  	v38 =	vld [tilespmem:s30+$0x1820];
	[tilespmem:s30+$0xC20] =	vst v3;
	v3 =	vadd.f32 v60, v59  }
0x1db: {  	v44 =	vld [tilespmem:s30+$0x1420];
	v49 =	vadd.f32 v58, v57;
	[tilespmem:s30+$0x870] =	vst v43  }
0x1dc: {  	v50 =	vld [tilespmem:s30+$0x1440];
	[tilespmem:s30+$0xC40] =	vst v3;
	v3 =	vadd.f32 v4, v63  }
0x1dd: {  	v57 =	vld [tilespmem:s30+$0x9460];
	v58 =	vadd.f32 v11, v10;
	[tilespmem:s30+$0xC30] =	vst v49  }
0x1de: {  	v46 =	vld [tilespmem:s30+$0x9850];
	[tilespmem:s30+$0xC60] =	vst v3;
	v3 =	vadd.f32 v9, v8  }
0x1df: {  	v37 =	vadd.f32 v37, v22;
	v40 =	vadd.f32 v42, v41;
	v41 =	vld [tilespmem:s30+$0x1830];
	[tilespmem:s30+$0x1010] =	vst v58  }
0x1e0: {  	v42 =	vld [tilespmem:s30+$0x9830];
	[tilespmem:s30+$0x1000] =	vst v3;
	v3 =	vadd.f32 v13, v12  }
0x1e1: {  	v47 =	vld [tilespmem:s30+$0x1430];
	[tilespmem:s30+$0x1070] =	vst v37  }
0x1e2: {  	v48 =	vld [tilespmem:s30+$0x9430];
	[tilespmem:s30+$0x1020] =	vst v3;
	v3 =	vadd.f32 v17, v16  }
0x1e3: {  	v49 =	vld [tilespmem:s30+$0x9860];
	[tilespmem:s30+$0x1410] =	vst v40;
	v52 =	vadd.f32 v62, v61  }
0x1e4: {  	v51 =	vld [tilespmem:s30+$0x9440];
	[tilespmem:s30+$0x1040] =	vst v3;
	v3 =	vadd.f32 v21, v20  }
0x1e5: {  	v61 =	vadd.f32 v15, v14;
	v62 =	vld [tilespmem:s30+$0x1800];
	[tilespmem:s30+$0xC50] =	vst v52  }
0x1e6: {  	v56 =	vld [tilespmem:s30+$0x1460];
	[tilespmem:s30+$0x1060] =	vst v3;
	v3 =	vadd.f32 v39, v24  }
0x1e7: {  	v55 =	vadd.f32 v7, v6;
	[tilespmem:s30+$0x1030] =	vst v61;
	v52 =	vld [tilespmem:s30+$0x9870]  }
0x1e8: {  	v43 =	vadd.f32 v48, v47;
	v47 =	vld [tilespmem:s30+$0x1860];
	[tilespmem:s30+$0x1400] =	vst v3;
	v3 =	vadd.f32 v45, v44  }
0x1e9: {  	[tilespmem:s30+$0xC70] =	vst v55;
	v63 =	vld [tilespmem:s30+$0x9800]  }
0x1ea: {  	v59 =	vld [tilespmem:s30+$0x1470];
	[tilespmem:s30+$0x1420] =	vst v3;
	v3 =	vadd.f32 v51, v50  }
0x1eb: {  	[tilespmem:s30+$0x1430] =	vst v43;
	v4 =	vadd.f32 v54, v53;
	v39 =	vld [tilespmem:s30+$0x9820]  }
0x1ec: {  	v60 =	vld [tilespmem:s30+$0x9470];
	[tilespmem:s30+$0x1440] =	vst v3;
	v3 =	vadd.f32 v57, v56  }
0x1ed: {  	v54 =	vadd.f32 v42, v41;
	[tilespmem:s30+$0x1450] =	vst v4;
	v45 =	vld [tilespmem:s30+$0x1850]  }
0x1ee: {  	v53 =	vld [tilespmem:s30+$0x9840];
	[tilespmem:s30+$0x1460] =	vst v3;
	v3 =	vadd.f32 v63, v62  }
0x1ef: {  	[tilespmem:s30+$0x1830] =	vst v54;
	v55 =	vadd.f32 v49, v47;
	v50 =	vld [tilespmem:s30+$0x1870]  }
0x1f0: {  	v44 =	vld [tilespmem:s30+$0x1840];
	[tilespmem:s30+$0x1800] =	vst v3;
	v3 =	vadd.f32 v39, v38  }
0x1f1: {  	v48 =	vadd.f32 v60, v59;
	[tilespmem:s30+$0x1860] =	vst v55  }
0x1f2: {  	[tilespmem:s30+$0x1820] =	vst v3;
	v3 =	vadd.f32 v46, v45  }
0x1f3: {  	s31 =	sand.u32 $0x7, s13;
	[tilespmem:s30+$0x1470] =	vst v48;
	v51 =	vadd.f32 v36, v35  }
0x1f4: {  	s0 =	sshll.u32 s31, $0x7;
	[tilespmem:s30+$0x1850] =	vst v3;
	v3 =	vadd.f32 v52, v50  }
0x1f5: {  	s0 =	sadd.s32 s0, s28;
	[tilespmem:s30+$0x1810] =	vst v51;
	v56 =	vadd.f32 v53, v44  }
0x1f6: {  	s31 =	sor.u32 $0x1C00, s0;
	[tilespmem:s30+$0x1870] =	vst v3  }
0x1f7: {  	[tilespmem:s30+$0x1840] =	vst v56;
	v3 =	vld [tilespmem:s31+$0x0]  }
0x1f8: {  	v4 =	vld [tilespmem:s31+$0x8000];
	_ =	sdelay $0x4  }
0x1f9: {  	v3 =	vadd.f32 v4, v3;
	_ =	sdelay $0x1  }
0x1fa: {  	[tilespmem:s31+$0x0] =	vst v3;
	s31 =	sor.u32 $0x1C10, s0  }
0x1fb: {  	v3 =	vld [tilespmem:s31+$0x0]  }
0x1fc: {  	v57 =	vld [tilespmem:s31+$0x8000];
	_ =	sdelay $0x4  }
0x1fd: {  	v3 =	vadd.f32 v57, v3;
	_ =	sdelay $0x1  }
0x1fe: {  	[tilespmem:s31+$0x0] =	vst v3;
	s31 =	sor.u32 $0x1C20, s0  }
0x1ff: {  	v3 =	vld [tilespmem:s31+$0x0]  }
0x200: {  	v58 =	vld [tilespmem:s31+$0x8000];
	_ =	sdelay $0x4  }
0x201: {  	v3 =	vadd.f32 v58, v3;
	_ =	sdelay $0x1  }
0x202: {  	[tilespmem:s31+$0x0] =	vst v3;
	s31 =	sor.u32 $0x1C30, s0  }
0x203: {  	v3 =	vld [tilespmem:s31+$0x0]  }
0x204: {  	v59 =	vld [tilespmem:s31+$0x8000];
	_ =	sdelay $0x4  }
0x205: {  	v3 =	vadd.f32 v59, v3;
	_ =	sdelay $0x1  }
0x206: {  	[tilespmem:s31+$0x0] =	vst v3;
	s31 =	sor.u32 $0x1C40, s0  }
0x207: {  	v3 =	vld [tilespmem:s31+$0x0]  }
0x208: {  	v60 =	vld [tilespmem:s31+$0x8000];
	_ =	sdelay $0x4  }
0x209: {  	v3 =	vadd.f32 v60, v3;
	_ =	sdelay $0x1  }
0x20a: {  	[tilespmem:s31+$0x0] =	vst v3;
	s31 =	sor.u32 $0x1C50, s0  }
0x20b: {  	v3 =	vld [tilespmem:s31+$0x0]  }
0x20c: {  	v61 =	vld [tilespmem:s31+$0x8000];
	_ =	sdelay $0x4  }
0x20d: {  	v3 =	vadd.f32 v61, v3;
	_ =	sdelay $0x1  }
0x20e: {  	[tilespmem:s31+$0x0] =	vst v3;
	s31 =	sor.u32 $0x1C60, s0  }
0x20f: {  	v3 =	vld [tilespmem:s31+$0x0]  }
0x210: {  	v62 =	vld [tilespmem:s31+$0x8000];
	_ =	sdelay $0x4  }
0x211: {  	v3 =	vadd.f32 v62, v3;
	_ =	sdelay $0x1  }
0x212: {  	s0 =	sor.u32 $0x1C70, s0;
	[tilespmem:s31+$0x0] =	vst v3  }
0x213: {  	v3 =	vld [tilespmem:s0+$0x0]  }
0x214: {  	v63 =	vld [tilespmem:s0+$0x8000];
	_ =	sdelay $0x1  }
0x215: {  	p0 =	sne.s32 s29, $0xF80  }
.Ltmp1:
0x216: {  	_ = 	snop;
	(pc) =	sbr.rel @p0 .LBB2_4-.Ltmp1, $4  }
0x217: {  	_ = 	snop  }
0x218: {  	v3 =	vadd.f32 v63, v3  }
0x219: {  	s13 =	sadd.s32 $0x1, s13  }
0x21a: {  	s26 =	sadd.s32 $0x400, s26;
	s29 =	sadd.s32 $0x80, s29;
	s28 =	sadd.s32 $0x400, s28;
	[tilespmem:s0+$0x0] =	vst v3  }
0x21b: {  	s0 =	rddreg [dreg:$0x8]  }
0x21c: {  	[hbm4b:s0+s2] =	stream.linear.scatter [tilespmem:s2], [sflag:$0x2], $0x8000, $0x38;
	[tilespmem:$0x10100] =	vst v63  }
0x21d: {  	_ =	swait.ge [sflag:s15], $0x8000  }
0x21e: {  	s25 =	sadd.s32 $0x1, s25;
	s31 =	rddreg [dreg:$0x9]  }
0x21f: {  	p0 =	sne.s32 s25, s31  }
.Ltmp2:
0x220: {  	_ = 	snop;
	(pc) =	sbr.rel @p0 .LBB2_1-.Ltmp2, $3  }
0x221: {  	_ =	sdelay $0x1  }
0x222: {  	[sflag:s15] =	ssyncset.done $0x0  }
0x223: {  	[sflag:s15] =	ssyncadd.s32 $0xFFFF8000  }
0x224: {  	_ =	sfence.sel $0x180000  }
0x225: {  	[bflag:$0x0] =	sbarrier.arrive $0xFFFF  }
0x226: {  	_ =	strace $0x9000004A  }
0x227: {  	s0 =	stileid.u32;
	[bflag:$0x2] =	sbarrier.arrive $0xFFFF  }
0x228: {  	p0 =	sne.s32 s0, $0x0;
	s0 =	rddreg [dreg:$0x2]  }
0x229: {  	s0 =	sadd.s32 @!p0 $0x100000, s0  }
0x22a: {  	[sflag:s0] =	ssyncadd.tile.s32 @!p0 $0x1;
	_ =	shalt  }
.Lfunc_end2:
_tile_overlayer_lowered:
.L_overlay_start_2:
0x22b: {  	(tag) =	ssettag $0x2  }
0x22c: {  	s0 =	rddreg [dreg:$0x0];
	s2 =	stileid.u32  }
0x22d: {  	s1 =	rddreg [dreg:$0x1];
	p0 =	sne.s32 s2, $0x0  }
0x22e: {  	s3 =	rddreg [dreg:$0x2];
	[bflag:$0x3] =	sbarrier.arrive $0xFFFF;
	s2 =	simm.s32 @!p0 $0x1C02  }
0x22f: {  	[timem:s3], [sflag:s2] =	dma.local @!p0 [hbm:s0], s1  }
0x230: {  	s0 =	simm.s32 @!p0 $0x2  }
0x231: {  	_ =	swait.ge @!p0 [sflag:s0], s1  }
0x232: {  	s1 =	ssub.s32 @!p0 $0x0, s1;
	[sflag:s0] =	ssyncset.done @!p0 $0x0  }
0x233: {  	[sflag:s0] =	ssyncadd.s32 @!p0 s1  }
0x234: {  	[bflag:$0x3] =	sbarrier.arrive $0xFFFF  }
0x235: {  	_ =	shalt  }

</sc_bundles>
